<compile_context>
chip_gen: v7x
topology: tpu7x:2x2x1
jax: 0.10.2.dev20260603
libtpu: 0.0.44.dev20260713+nightly
codegen_flags: <defaults>
</compile_context>

<pallas_src>
import jax
import jax.numpy as jnp
from jax import lax
from jax.experimental import pallas as pl
from jax.experimental.pallas import tpu as pltpu
from jax.experimental.pallas import tpu_sc as plsc

N = 10000
E = 160000
D_IN = 128
D_EDGE = 16
D_OUT = 32
D_EH = 32
DSQ = D_EH * D_OUT

NC, NS = 2, 16
NW = NC * NS
GB = 125
SB_PER_W = 40
PER_W = SB_PER_W * GB
KB = 20
CH = KB * GB
NCH = SB_PER_W // KB
NPAD = N
RPT = NPAD // NS

BN = 2000
BE = 1600



def _proj_body(x_ref, wp_ref, bp_ref, wr_ref, bn_ref, nf_ref, root_ref):
    nf = jnp.maximum(
        jnp.dot(x_ref[...], wp_ref[...], preferred_element_type=jnp.float32)
        + bp_ref[...], 0.0)
    nf_ref[...] = nf
    root_ref[...] = (
        jnp.dot(nf, wr_ref[...], preferred_element_type=jnp.float32)
        + bn_ref[...])



def _gather_body(nf_hbm, src_hbm, xj_hbm, idx_v, rows_v, sem):
    wid = lax.axis_index("c") * NS + lax.axis_index("s")
    pltpu.sync_copy(src_hbm.at[pl.ds(wid * SB_PER_W, SB_PER_W)], idx_v)
    for ch in range(NCH):
        descs = [
            pltpu.async_copy(
                nf_hbm.at[idx_v.at[ch * KB + j]],
                rows_v.at[pl.ds(j * GB, GB)], sem)
            for j in range(KB)
        ]
        for d in descs:
            d.wait()
        pltpu.sync_copy(
            rows_v, xj_hbm.at[pl.ds(wid * PER_W + ch * CH, CH)])



def _msg_body(xj_ref, ea_ref, w1_ref, b1_ref, r_ref, tcat_ref, s_ref, bm_ref,
              msg_ref):
    B4 = BE // 4
    xjp = xj_ref[...]
    eap = ea_ref[...]
    xj = jnp.concatenate(
        [xjp[:, 32 * k:32 * (k + 1)] for k in range(4)], axis=0)
    ea = jnp.concatenate(
        [eap[:, 16 * k:16 * (k + 1)] for k in range(4)], axis=0)
    eh = jnp.maximum(
        jnp.dot(ea, w1_ref[...], preferred_element_type=jnp.float32)
        + b1_ref[...], 0.0)
    ehr = jnp.dot(eh, r_ref[...], preferred_element_type=jnp.float32)
    a = jnp.dot(xj, tcat_ref[...], preferred_element_type=jnp.float32)
    q = ehr * a
    msg = (jnp.dot(q, s_ref[...], preferred_element_type=jnp.float32)
           + jnp.dot(xj, bm_ref[...], preferred_element_type=jnp.float32))
    msg_ref[...] = jnp.concatenate(
        [msg[B4 * k:B4 * (k + 1)] for k in range(4)], axis=1)



def _scatter_body(msg_hbm, dst_hbm, init_hbm, out_hbm, idx_v, rows_v, acc_sh,
                  sem):
    cid = lax.axis_index("c")
    sid = lax.axis_index("s")
    wid = cid * NS + sid
    pltpu.sync_copy(
        init_hbm.at[pl.ds(cid * NPAD + sid * RPT, RPT)],
        acc_sh.at[pl.ds(sid * RPT, RPT)])
    plsc.subcore_barrier()
    pltpu.sync_copy(dst_hbm.at[pl.ds(wid * SB_PER_W, SB_PER_W)], idx_v)
    for ch in range(NCH):
        pltpu.sync_copy(
            msg_hbm.at[pl.ds(wid * PER_W + ch * CH, CH)], rows_v)
        for j in range(KB):
            pltpu.sync_copy(
                rows_v.at[pl.ds(j * GB, GB)],
                acc_sh.at[idx_v.at[ch * KB + j]], add=True)
    plsc.subcore_barrier()
    pltpu.sync_copy(
        acc_sh.at[pl.ds(sid * RPT, RPT)],
        out_hbm.at[pl.ds(cid * NPAD + sid * RPT, RPT)])



def _gru_body(p0_ref, p1_ref, nf_ref, wir, wiz, win, whr, whz, whn,
              br, bz, bin_, bhn, out_ref):
    conv = jnp.maximum(p0_ref[...] + p1_ref[...], 0.0)
    nf = nf_ref[...]

    def dot(a, b):
        return jnp.dot(a, b[...], preferred_element_type=jnp.float32)

    r = jax.nn.sigmoid(dot(conv, wir) + dot(nf, whr) + br[...])
    z = jax.nn.sigmoid(dot(conv, wiz) + dot(nf, whz) + bz[...])
    hn = dot(nf, whn) + bhn[...]
    n = jnp.tanh(dot(conv, win) + bin_[...] + r * hn)
    out_ref[...] = (1.0 - z) * n + z * nf


def _full(shape):
    return pl.BlockSpec(shape, lambda i: tuple(0 for _ in shape))


def kernel(x, edge_index, edge_attr, Wp, bp, We1, be1, We2, be2, Wroot, bnn,
           Wih, Whh, bih, bhh):
    f32 = jnp.float32
    Wp_t = Wp.T
    Wroot_t = Wroot.T
    Tcat = (We2.reshape(D_OUT, D_OUT, D_EH).transpose(0, 2, 1)
            .reshape(D_OUT, DSQ))
    W1 = We1.T
    b1 = be1.reshape(1, D_EH)
    S = jnp.tile(jnp.eye(D_OUT, dtype=f32), (D_EH, 1))
    R = jnp.repeat(jnp.eye(D_EH, dtype=f32), D_OUT, axis=1)
    Bm = be2.reshape(D_OUT, D_OUT)
    Wir, Wiz, Win = (Wih[:D_OUT].T, Wih[D_OUT:2 * D_OUT].T,
                     Wih[2 * D_OUT:].T)
    Whr, Whz, Whn = (Whh[:D_OUT].T, Whh[D_OUT:2 * D_OUT].T,
                     Whh[2 * D_OUT:].T)
    br = (bih[:D_OUT] + bhh[:D_OUT]).reshape(1, D_OUT)
    bz = (bih[D_OUT:2 * D_OUT] + bhh[D_OUT:2 * D_OUT]).reshape(1, D_OUT)
    bin_ = bih[2 * D_OUT:].reshape(1, D_OUT)
    bhn = bhh[2 * D_OUT:].reshape(1, D_OUT)

    src_p = edge_index[0].reshape(E // GB, GB)
    dst_p = edge_index[1].reshape(E // GB, GB)

    nf, root = pl.pallas_call(
        _proj_body,
        grid=(N // BN,),
        in_specs=[
            pl.BlockSpec((BN, D_IN), lambda i: (i, 0)),
            _full((D_IN, D_OUT)),
            _full((1, D_OUT)),
            _full((D_OUT, D_OUT)),
            _full((1, D_OUT)),
        ],
        out_specs=[pl.BlockSpec((BN, D_OUT), lambda i: (i, 0))] * 2,
        out_shape=[jax.ShapeDtypeStruct((N, D_OUT), f32)] * 2,
    )(x, Wp_t, bp.reshape(1, -1), Wroot_t, bnn.reshape(1, -1))

    mesh = plsc.VectorSubcoreMesh(
        core_axis_name="c", subcore_axis_name="s",
        num_cores=NC, num_subcores=NS)

    xj = pl.kernel(
        _gather_body,
        out_type=jax.ShapeDtypeStruct((E, D_OUT), f32),
        mesh=mesh,
        compiler_params=pltpu.CompilerParams(use_tc_tiling_on_sc=False),
        scratch_types=[
            pltpu.VMEM((SB_PER_W, GB), jnp.int32),
            pltpu.VMEM((CH, D_OUT), f32),
            pltpu.SemaphoreType.DMA,
        ],
    )(nf, src_p)

    msg = pl.pallas_call(
        _msg_body,
        grid=(E // BE,),
        in_specs=[
            pl.BlockSpec((BE // 4, 4 * D_OUT), lambda i: (i, 0)),
            pl.BlockSpec((BE // 4, 4 * D_EDGE), lambda i: (i, 0)),
            _full((D_EDGE, D_EH)),
            _full((1, D_EH)),
            _full((D_EH, DSQ)),
            _full((D_OUT, DSQ)),
            _full((DSQ, D_OUT)),
            _full((D_OUT, D_OUT)),
        ],
        out_specs=pl.BlockSpec((BE // 4, 4 * D_OUT), lambda i: (i, 0)),
        out_shape=jax.ShapeDtypeStruct((E // 4, 4 * D_OUT), f32),
    )(xj.reshape(E // 4, 4 * D_OUT), edge_attr.reshape(E // 4, 4 * D_EDGE),
      W1, b1, R, Tcat, S, Bm)
    msg = msg.reshape(E, D_OUT)

    init = jnp.pad(root, ((0, NPAD), (0, 0)))
    parts = pl.kernel(
        _scatter_body,
        out_type=jax.ShapeDtypeStruct((2 * NPAD, D_OUT), f32),
        mesh=mesh,
        compiler_params=pltpu.CompilerParams(use_tc_tiling_on_sc=False),
        scratch_types=[
            pltpu.VMEM((SB_PER_W, GB), jnp.int32),
            pltpu.VMEM((CH, D_OUT), f32),
            pltpu.VMEM_SHARED((NPAD, D_OUT), f32),
            pltpu.SemaphoreType.DMA,
        ],
    )(msg, dst_p, init)

    nblk = NPAD // BN
    out = pl.pallas_call(
        _gru_body,
        grid=(N // BN,),
        in_specs=[
            pl.BlockSpec((BN, D_OUT), lambda i: (i, 0)),
            pl.BlockSpec((BN, D_OUT), lambda i: (i + nblk, 0)),
            pl.BlockSpec((BN, D_OUT), lambda i: (i, 0)),
        ]
        + [_full((D_OUT, D_OUT))] * 6
        + [_full((1, D_OUT))] * 4,
        out_specs=pl.BlockSpec((BN, D_OUT), lambda i: (i, 0)),
        out_shape=jax.ShapeDtypeStruct((N, D_OUT), f32),
    )(parts, parts, nf, Wir, Wiz, Win, Whr, Whz, Whn, br, bz, bin_, bhn)
    return out

# --- scband reference (transcript-rebuilt; emitter-appended) ---
"""Pipeline reference for scband-mpnnconv-20203526160531 (READ-ONLY COPY).

The authoritative reference and input builder live on the scoring server;
editing this copy changes nothing except your own understanding.
"""

import jax, jax.numpy as jnp
import numpy as np

N = 10000
E = 160000
D_IN = 128
D_EDGE = 16
D_OUT = 32
D_EH = 32
NUM_STEPS = 1

def _init(key, shape, fan_in):
    return jax.random.uniform(key, shape, jnp.float32, -1.0, 1.0) / np.sqrt(fan_in)

def setup_inputs(seed: int = 0):
    key = jax.random.key(seed)
    ks = jax.random.split(key, 18)
    inp = {}
    inp["x"] = jax.random.normal(ks[0], (N, D_IN), jnp.float32)
    inp["edge_index"] = jax.random.randint(ks[1], (2, E), 0, N, dtype=jnp.int32)
    inp["edge_attr"] = jax.random.normal(ks[2], (E, D_EDGE), jnp.float32)
    # project_node_feats: Linear(node_in_feats, node_out_feats)
    inp["Wp"] = _init(ks[3], (D_OUT, D_IN), D_IN)
    inp["bp"] = _init(ks[4], (D_OUT,), D_IN)
    # edge network: Linear(edge_in, edge_hidden) -> ReLU -> Linear(edge_hidden, out*out)
    inp["We1"] = _init(ks[5], (D_EH, D_EDGE), D_EDGE)
    inp["be1"] = _init(ks[6], (D_EH,), D_EDGE)
    inp["We2"] = _init(ks[7], (D_OUT * D_OUT, D_EH), D_EH)
    inp["be2"] = _init(ks[8], (D_OUT * D_OUT,), D_EH)
    # NNConv root linear (no bias in lin, separate bias param)
    inp["Wroot"] = _init(ks[9], (D_OUT, D_OUT), D_OUT)
    inp["bnn"] = _init(ks[10], (D_OUT,), D_OUT)
    # GRU (single layer, gate order: reset, update, new)
    inp["Wih"] = _init(ks[11], (3 * D_OUT, D_OUT), D_OUT)
    inp["Whh"] = _init(ks[12], (3 * D_OUT, D_OUT), D_OUT)
    inp["bih"] = _init(ks[13], (3 * D_OUT,), D_OUT)
    inp["bhh"] = _init(ks[14], (3 * D_OUT,), D_OUT)
    return inp

def _forward(x, edge_attr, Wp, bp, We1, be1, We2, be2, Wroot, bnn, Wih, Whh, bih, bhh, edge_index):
    node_feats = jax.nn.relu(x @ Wp.T + bp)
    hidden = node_feats
    src = edge_index[0]
    dst = edge_index[1]
    for _ in range(NUM_STEPS):
        eh = jax.nn.relu(edge_attr @ We1.T + be1)
        ew = (eh @ We2.T + be2).reshape(E, D_OUT, D_OUT)
        # NNConv message: x_j (source) matmul per-edge weight, aggr='add' at dst
        xj = node_feats[src]
        msg = jnp.einsum('ei,eio->eo', xj, ew)
        agg = jax.ops.segment_sum(msg, dst, num_segments=N)
        conv_out = agg + node_feats @ Wroot.T + bnn
        nf = jax.nn.relu(conv_out)
        # GRU step (seq_len=1)
        gi = nf @ Wih.T + bih
        gh = hidden @ Whh.T + bhh
        i_r, i_z, i_n = gi[:, :D_OUT], gi[:, D_OUT:2 * D_OUT], gi[:, 2 * D_OUT:]
        h_r, h_z, h_n = gh[:, :D_OUT], gh[:, D_OUT:2 * D_OUT], gh[:, 2 * D_OUT:]
        r = jax.nn.sigmoid(i_r + h_r)
        z = jax.nn.sigmoid(i_z + h_z)
        n = jnp.tanh(i_n + r * h_n)
        hidden = (1.0 - z) * n + z * hidden
        node_feats = hidden
    return node_feats

def reference(x, edge_index, edge_attr, Wp, bp, We1, be1, We2, be2, Wroot, bnn, Wih, Whh, bih, bhh):
    return _forward(x, edge_attr, Wp, bp, We1, be1, We2, be2, Wroot, bnn, Wih, Whh, bih, bhh, edge_index)

if __name__ == "__main__":
    import jax
    _d = setup_inputs()
    print(jax.jit(kernel)(*tuple(_d.values())))

</pallas_src>

<mosaic_0001>
#map = affine_map<(d0, d1) -> (0, 0)>
module attributes {stable_mosaic.version = 14 : i64} {
  func.func @_scatter_body(%arg0: i32, %arg1: i32, %arg2: memref<160000x32xf32, #tpu.memory_space<hbm>>, %arg3: memref<1280x125xi32, #tpu.memory_space<hbm>>, %arg4: memref<20000x32xf32, #tpu.memory_space<hbm>>, %arg5: memref<20000x32xf32, #tpu.memory_space<hbm>>, %arg6: memref<40x125xi32, #tpu.memory_space<vmem>>, %arg7: memref<2500x32xf32, #tpu.memory_space<vmem>>, %arg8: memref<10000x32xf32, #tpu.memory_space<vmem_shared>>, %arg9: memref<!tpu.dma_semaphore, #tpu.memory_space<semaphore_mem>>) attributes {dimension_semantics = [#tpu.dimension_semantics<core_parallel>, #tpu.dimension_semantics<subcore_parallel>], iteration_bounds = array<i64: 2, 16>, scalar_prefetch = 0 : i64, scratch_operands = 4 : i64, tpu.core_type = #tpu.core_type<sc_vector_subcore>, window_params = [{transform_indices = #map}, {transform_indices = #map}, {transform_indices = #map}, {transform_indices = #map}]} {
    %mul3A = arith.constant 16 : i32
    %mul3A_0 = arith.muli %arg0, %mul3A : i32
    %add3A = arith.addi %mul3A_0, %arg1 : i32
    %mul3A_1 = arith.constant 10000 : i32
    %mul3A_2 = arith.muli %arg0, %mul3A_1 : i32
    %mul3A_3 = arith.constant 625 : i32
    %mul3A_4 = arith.muli %arg1, %mul3A_3 : i32
    %add3A_5 = arith.addi %mul3A_2, %mul3A_4 : i32
    %mul3A_6 = arith.constant 625 : i32
    %mul3A_7 = arith.muli %arg1, %mul3A_6 : i32
    "tpu.region"() ({
      %run_scoped3A_65 = tpu.sem_alloc : memref<!tpu.dma_semaphore, #tpu.memory_space<semaphore_mem>>
      %dma_start3A = arith.constant 0 : i32
      %dma_start3A_66 = tpu.memref_slice %arg8[%mul3A_7, %dma_start3A] : memref<10000x32xf32, #tpu.memory_space<vmem_shared>> -> memref<625x32xf32, #tpu.memory_space<vmem_shared>>
      %dma_start3A_67 = arith.constant 0 : i32
      %dma_start3A_68 = tpu.memref_slice %arg4[%add3A_5, %dma_start3A_67] : memref<20000x32xf32, #tpu.memory_space<hbm>> -> memref<625x32xf32, #tpu.memory_space<hbm>>
      tpu.enqueue_dma source(%dma_start3A_68 : memref<625x32xf32, #tpu.memory_space<hbm>>) target(%dma_start3A_66 : memref<625x32xf32, #tpu.memory_space<vmem_shared>>) target_semaphore(%run_scoped3A_65 : memref<!tpu.dma_semaphore, #tpu.memory_space<semaphore_mem>>)
      %dma_wait3A = arith.constant 0 : i32
      %dma_wait3A_69 = tpu.memref_slice %arg8[%mul3A_7, %dma_wait3A] : memref<10000x32xf32, #tpu.memory_space<vmem_shared>> -> memref<625x32xf32, #tpu.memory_space<vmem_shared>>
      %dma_wait3A_70 = arith.constant 0 : i32
      %dma_wait3A_71 = tpu.memref_slice %arg4[%add3A_5, %dma_wait3A_70] : memref<20000x32xf32, #tpu.memory_space<hbm>> -> memref<625x32xf32, #tpu.memory_space<hbm>>
      tpu.wait_dma2 semaphore(%run_scoped3A_65 : memref<!tpu.dma_semaphore, #tpu.memory_space<semaphore_mem>>) src(%dma_wait3A_71 : memref<625x32xf32, #tpu.memory_space<hbm>>) dst(%dma_wait3A_69 : memref<625x32xf32, #tpu.memory_space<vmem_shared>>)
      tpu.yield
    }) : () -> ()
    %barrier3A = arith.constant 0 : index
    tpu.barrier barrier_id(%barrier3A)
    %mul3A_8 = arith.constant 40 : i32
    %mul3A_9 = arith.muli %add3A, %mul3A_8 : i32
    "tpu.region"() ({
      %run_scoped3A_65 = tpu.sem_alloc : memref<!tpu.dma_semaphore, #tpu.memory_space<semaphore_mem>>
      %dma_start3A = arith.constant 0 : i32
      %dma_start3A_66 = tpu.memref_slice %arg3[%mul3A_9, %dma_start3A] : memref<1280x125xi32, #tpu.memory_space<hbm>> -> memref<40x125xi32, #tpu.memory_space<hbm>>
      %dma_start3A_67 = arith.constant 0 : i32
      %dma_start3A_68 = tpu.memref_slice %arg3[%mul3A_9, %dma_start3A_67] : memref<1280x125xi32, #tpu.memory_space<hbm>> -> memref<40x125xi32, #tpu.memory_space<hbm>>
      tpu.enqueue_dma source(%dma_start3A_68 : memref<40x125xi32, #tpu.memory_space<hbm>>) target(%arg6 : memref<40x125xi32, #tpu.memory_space<vmem>>) target_semaphore(%run_scoped3A_65 : memref<!tpu.dma_semaphore, #tpu.memory_space<semaphore_mem>>)
      %dma_wait3A = arith.constant 0 : i32
      %dma_wait3A_69 = tpu.memref_slice %arg3[%mul3A_9, %dma_wait3A] : memref<1280x125xi32, #tpu.memory_space<hbm>> -> memref<40x125xi32, #tpu.memory_space<hbm>>
      %dma_wait3A_70 = arith.constant 0 : i32
      %dma_wait3A_71 = tpu.memref_slice %arg3[%mul3A_9, %dma_wait3A_70] : memref<1280x125xi32, #tpu.memory_space<hbm>> -> memref<40x125xi32, #tpu.memory_space<hbm>>
      tpu.wait_dma2 semaphore(%run_scoped3A_65 : memref<!tpu.dma_semaphore, #tpu.memory_space<semaphore_mem>>) src(%dma_wait3A_71 : memref<40x125xi32, #tpu.memory_space<hbm>>) dst(%arg6 : memref<40x125xi32, #tpu.memory_space<vmem>>)
      tpu.yield
    }) : () -> ()
    %mul3A_10 = arith.constant 5000 : i32
    %mul3A_11 = arith.muli %add3A, %mul3A_10 : i32
    %add3A_12 = arith.constant 0 : i32
    %add3A_13 = arith.addi %mul3A_11, %add3A_12 : i32
    "tpu.region"() ({
      %run_scoped3A_65 = tpu.sem_alloc : memref<!tpu.dma_semaphore, #tpu.memory_space<semaphore_mem>>
      %dma_start3A = arith.constant 0 : i32
      %dma_start3A_66 = tpu.memref_slice %arg2[%add3A_13, %dma_start3A] : memref<160000x32xf32, #tpu.memory_space<hbm>> -> memref<2500x32xf32, #tpu.memory_space<hbm>>
      %dma_start3A_67 = arith.constant 0 : i32
      %dma_start3A_68 = tpu.memref_slice %arg2[%add3A_13, %dma_start3A_67] : memref<160000x32xf32, #tpu.memory_space<hbm>> -> memref<2500x32xf32, #tpu.memory_space<hbm>>
      tpu.enqueue_dma source(%dma_start3A_68 : memref<2500x32xf32, #tpu.memory_space<hbm>>) target(%arg7 : memref<2500x32xf32, #tpu.memory_space<vmem>>) target_semaphore(%run_scoped3A_65 : memref<!tpu.dma_semaphore, #tpu.memory_space<semaphore_mem>>)
      %dma_wait3A = arith.constant 0 : i32
      %dma_wait3A_69 = tpu.memref_slice %arg2[%add3A_13, %dma_wait3A] : memref<160000x32xf32, #tpu.memory_space<hbm>> -> memref<2500x32xf32, #tpu.memory_space<hbm>>
      %dma_wait3A_70 = arith.constant 0 : i32
      %dma_wait3A_71 = tpu.memref_slice %arg2[%add3A_13, %dma_wait3A_70] : memref<160000x32xf32, #tpu.memory_space<hbm>> -> memref<2500x32xf32, #tpu.memory_space<hbm>>
      tpu.wait_dma2 semaphore(%run_scoped3A_65 : memref<!tpu.dma_semaphore, #tpu.memory_space<semaphore_mem>>) src(%dma_wait3A_71 : memref<2500x32xf32, #tpu.memory_space<hbm>>) dst(%arg7 : memref<2500x32xf32, #tpu.memory_space<vmem>>)
      tpu.yield
    }) : () -> ()
    %run_scoped3A = arith.constant 0 : i32
    "tpu.region"() ({
      %run_scoped3A_65 = tpu.sem_alloc : memref<!tpu.dma_semaphore, #tpu.memory_space<semaphore_mem>>
      %dma_start3A = arith.constant 0 : i32
      %dma_start3A_66 = arith.constant 0 : i32
      %dma_start3A_67 = tpu.memref_slice %arg7[%dma_start3A, %dma_start3A_66] : memref<2500x32xf32, #tpu.memory_space<vmem>> -> memref<125x32xf32, #tpu.memory_space<vmem>>
      %dma_start3A_68 = arith.constant 0 : i32
      %dma_start3A_69 = tpu.memref_slice %arg6[%run_scoped3A, %dma_start3A_68] : memref<40x125xi32, #tpu.memory_space<vmem>> -> memref<1x125xi32, #tpu.memory_space<vmem>>
      %dma_start3A_70 = tpu.memref_squeeze %dma_start3A_69 : memref<1x125xi32, #tpu.memory_space<vmem>> -> memref<125xi32, #tpu.memory_space<vmem>>
      %dma_start3A_71 = arith.constant 0 : i32
      %dma_start3A_72 = arith.constant 0 : i32
      %dma_start3A_73 = tpu.memref_slice %arg8[%dma_start3A_71, %dma_start3A_72] : memref<10000x32xf32, #tpu.memory_space<vmem_shared>> -> memref<10000x32xf32, #tpu.memory_space<vmem_shared>>
      tpu.enqueue_indirect_dma source(%dma_start3A_67 : memref<125x32xf32, #tpu.memory_space<vmem>>) target(%dma_start3A_73 : memref<10000x32xf32, #tpu.memory_space<vmem_shared>>) offsets(%dma_start3A_70 : memref<125xi32, #tpu.memory_space<vmem>>) semaphore(%run_scoped3A_65 : memref<!tpu.dma_semaphore, #tpu.memory_space<semaphore_mem>>) {add = true}
      %dma_wait3A = arith.constant 0 : i32
      %dma_wait3A_74 = arith.constant 0 : i32
      %dma_wait3A_75 = tpu.memref_slice %arg7[%dma_wait3A, %dma_wait3A_74] : memref<2500x32xf32, #tpu.memory_space<vmem>> -> memref<125x32xf32, #tpu.memory_space<vmem>>
      %dma_wait3A_76 = arith.constant 0 : i32
      %dma_wait3A_77 = tpu.memref_slice %arg6[%run_scoped3A, %dma_wait3A_76] : memref<40x125xi32, #tpu.memory_space<vmem>> -> memref<1x125xi32, #tpu.memory_space<vmem>>
      %dma_wait3A_78 = tpu.memref_squeeze %dma_wait3A_77 : memref<1x125xi32, #tpu.memory_space<vmem>> -> memref<125xi32, #tpu.memory_space<vmem>>
      %dma_wait3A_79 = arith.constant 0 : i32
      %dma_wait3A_80 = arith.constant 0 : i32
      %dma_wait3A_81 = tpu.memref_slice %arg8[%dma_wait3A_79, %dma_wait3A_80] : memref<10000x32xf32, #tpu.memory_space<vmem_shared>> -> memref<10000x32xf32, #tpu.memory_space<vmem_shared>>
      tpu.wait_indirect_dma semaphore(%run_scoped3A_65 : memref<!tpu.dma_semaphore, #tpu.memory_space<semaphore_mem>>) src(%dma_wait3A_75 : memref<125x32xf32, #tpu.memory_space<vmem>>) dst(%dma_wait3A_81 : memref<10000x32xf32, #tpu.memory_space<vmem_shared>>)
      tpu.yield
    }) : () -> ()
    %run_scoped3A_14 = arith.constant 1 : i32
    "tpu.region"() ({
      %run_scoped3A_65 = tpu.sem_alloc : memref<!tpu.dma_semaphore, #tpu.memory_space<semaphore_mem>>
      %dma_start3A = arith.constant 125 : i32
      %dma_start3A_66 = arith.constant 0 : i32
      %dma_start3A_67 = tpu.memref_slice %arg7[%dma_start3A, %dma_start3A_66] : memref<2500x32xf32, #tpu.memory_space<vmem>> -> memref<125x32xf32, #tpu.memory_space<vmem>>
      %dma_start3A_68 = arith.constant 0 : i32
      %dma_start3A_69 = tpu.memref_slice %arg6[%run_scoped3A_14, %dma_start3A_68] : memref<40x125xi32, #tpu.memory_space<vmem>> -> memref<1x125xi32, #tpu.memory_space<vmem>>
      %dma_start3A_70 = tpu.memref_squeeze %dma_start3A_69 : memref<1x125xi32, #tpu.memory_space<vmem>> -> memref<125xi32, #tpu.memory_space<vmem>>
      %dma_start3A_71 = arith.constant 0 : i32
      %dma_start3A_72 = arith.constant 0 : i32
      %dma_start3A_73 = tpu.memref_slice %arg8[%dma_start3A_71, %dma_start3A_72] : memref<10000x32xf32, #tpu.memory_space<vmem_shared>> -> memref<10000x32xf32, #tpu.memory_space<vmem_shared>>
      tpu.enqueue_indirect_dma source(%dma_start3A_67 : memref<125x32xf32, #tpu.memory_space<vmem>>) target(%dma_start3A_73 : memref<10000x32xf32, #tpu.memory_space<vmem_shared>>) offsets(%dma_start3A_70 : memref<125xi32, #tpu.memory_space<vmem>>) semaphore(%run_scoped3A_65 : memref<!tpu.dma_semaphore, #tpu.memory_space<semaphore_mem>>) {add = true}
      %dma_wait3A = arith.constant 125 : i32
      %dma_wait3A_74 = arith.constant 0 : i32
      %dma_wait3A_75 = tpu.memref_slice %arg7[%dma_wait3A, %dma_wait3A_74] : memref<2500x32xf32, #tpu.memory_space<vmem>> -> memref<125x32xf32, #tpu.memory_space<vmem>>
      %dma_wait3A_76 = arith.constant 0 : i32
      %dma_wait3A_77 = tpu.memref_slice %arg6[%run_scoped3A_14, %dma_wait3A_76] : memref<40x125xi32, #tpu.memory_space<vmem>> -> memref<1x125xi32, #tpu.memory_space<vmem>>
      %dma_wait3A_78 = tpu.memref_squeeze %dma_wait3A_77 : memref<1x125xi32, #tpu.memory_space<vmem>> -> memref<125xi32, #tpu.memory_space<vmem>>
      %dma_wait3A_79 = arith.constant 0 : i32
      %dma_wait3A_80 = arith.constant 0 : i32
      %dma_wait3A_81 = tpu.memref_slice %arg8[%dma_wait3A_79, %dma_wait3A_80] : memref<10000x32xf32, #tpu.memory_space<vmem_shared>> -> memref<10000x32xf32, #tpu.memory_space<vmem_shared>>
      tpu.wait_indirect_dma semaphore(%run_scoped3A_65 : memref<!tpu.dma_semaphore, #tpu.memory_space<semaphore_mem>>) src(%dma_wait3A_75 : memref<125x32xf32, #tpu.memory_space<vmem>>) dst(%dma_wait3A_81 : memref<10000x32xf32, #tpu.memory_space<vmem_shared>>)
      tpu.yield
    }) : () -> ()
    %run_scoped3A_15 = arith.constant 2 : i32
    "tpu.region"() ({
      %run_scoped3A_65 = tpu.sem_alloc : memref<!tpu.dma_semaphore, #tpu.memory_space<semaphore_mem>>
      %dma_start3A = arith.constant 250 : i32
      %dma_start3A_66 = arith.constant 0 : i32
      %dma_start3A_67 = tpu.memref_slice %arg7[%dma_start3A, %dma_start3A_66] : memref<2500x32xf32, #tpu.memory_space<vmem>> -> memref<125x32xf32, #tpu.memory_space<vmem>>
      %dma_start3A_68 = arith.constant 0 : i32
      %dma_start3A_69 = tpu.memref_slice %arg6[%run_scoped3A_15, %dma_start3A_68] : memref<40x125xi32, #tpu.memory_space<vmem>> -> memref<1x125xi32, #tpu.memory_space<vmem>>
      %dma_start3A_70 = tpu.memref_squeeze %dma_start3A_69 : memref<1x125xi32, #tpu.memory_space<vmem>> -> memref<125xi32, #tpu.memory_space<vmem>>
      %dma_start3A_71 = arith.constant 0 : i32
      %dma_start3A_72 = arith.constant 0 : i32
      %dma_start3A_73 = tpu.memref_slice %arg8[%dma_start3A_71, %dma_start3A_72] : memref<10000x32xf32, #tpu.memory_space<vmem_shared>> -> memref<10000x32xf32, #tpu.memory_space<vmem_shared>>
      tpu.enqueue_indirect_dma source(%dma_start3A_67 : memref<125x32xf32, #tpu.memory_space<vmem>>) target(%dma_start3A_73 : memref<10000x32xf32, #tpu.memory_space<vmem_shared>>) offsets(%dma_start3A_70 : memref<125xi32, #tpu.memory_space<vmem>>) semaphore(%run_scoped3A_65 : memref<!tpu.dma_semaphore, #tpu.memory_space<semaphore_mem>>) {add = true}
      %dma_wait3A = arith.constant 250 : i32
      %dma_wait3A_74 = arith.constant 0 : i32
      %dma_wait3A_75 = tpu.memref_slice %arg7[%dma_wait3A, %dma_wait3A_74] : memref<2500x32xf32, #tpu.memory_space<vmem>> -> memref<125x32xf32, #tpu.memory_space<vmem>>
      %dma_wait3A_76 = arith.constant 0 : i32
      %dma_wait3A_77 = tpu.memref_slice %arg6[%run_scoped3A_15, %dma_wait3A_76] : memref<40x125xi32, #tpu.memory_space<vmem>> -> memref<1x125xi32, #tpu.memory_space<vmem>>
      %dma_wait3A_78 = tpu.memref_squeeze %dma_wait3A_77 : memref<1x125xi32, #tpu.memory_space<vmem>> -> memref<125xi32, #tpu.memory_space<vmem>>
      %dma_wait3A_79 = arith.constant 0 : i32
      %dma_wait3A_80 = arith.constant 0 : i32
      %dma_wait3A_81 = tpu.memref_slice %arg8[%dma_wait3A_79, %dma_wait3A_80] : memref<10000x32xf32, #tpu.memory_space<vmem_shared>> -> memref<10000x32xf32, #tpu.memory_space<vmem_shared>>
      tpu.wait_indirect_dma semaphore(%run_scoped3A_65 : memref<!tpu.dma_semaphore, #tpu.memory_space<semaphore_mem>>) src(%dma_wait3A_75 : memref<125x32xf32, #tpu.memory_space<vmem>>) dst(%dma_wait3A_81 : memref<10000x32xf32, #tpu.memory_space<vmem_shared>>)
      tpu.yield
    }) : () -> ()
    %run_scoped3A_16 = arith.constant 3 : i32
    "tpu.region"() ({
      %run_scoped3A_65 = tpu.sem_alloc : memref<!tpu.dma_semaphore, #tpu.memory_space<semaphore_mem>>
      %dma_start3A = arith.constant 375 : i32
      %dma_start3A_66 = arith.constant 0 : i32
      %dma_start3A_67 = tpu.memref_slice %arg7[%dma_start3A, %dma_start3A_66] : memref<2500x32xf32, #tpu.memory_space<vmem>> -> memref<125x32xf32, #tpu.memory_space<vmem>>
      %dma_start3A_68 = arith.constant 0 : i32
      %dma_start3A_69 = tpu.memref_slice %arg6[%run_scoped3A_16, %dma_start3A_68] : memref<40x125xi32, #tpu.memory_space<vmem>> -> memref<1x125xi32, #tpu.memory_space<vmem>>
      %dma_start3A_70 = tpu.memref_squeeze %dma_start3A_69 : memref<1x125xi32, #tpu.memory_space<vmem>> -> memref<125xi32, #tpu.memory_space<vmem>>
      %dma_start3A_71 = arith.constant 0 : i32
      %dma_start3A_72 = arith.constant 0 : i32
      %dma_start3A_73 = tpu.memref_slice %arg8[%dma_start3A_71, %dma_start3A_72] : memref<10000x32xf32, #tpu.memory_space<vmem_shared>> -> memref<10000x32xf32, #tpu.memory_space<vmem_shared>>
      tpu.enqueue_indirect_dma source(%dma_start3A_67 : memref<125x32xf32, #tpu.memory_space<vmem>>) target(%dma_start3A_73 : memref<10000x32xf32, #tpu.memory_space<vmem_shared>>) offsets(%dma_start3A_70 : memref<125xi32, #tpu.memory_space<vmem>>) semaphore(%run_scoped3A_65 : memref<!tpu.dma_semaphore, #tpu.memory_space<semaphore_mem>>) {add = true}
      %dma_wait3A = arith.constant 375 : i32
      %dma_wait3A_74 = arith.constant 0 : i32
      %dma_wait3A_75 = tpu.memref_slice %arg7[%dma_wait3A, %dma_wait3A_74] : memref<2500x32xf32, #tpu.memory_space<vmem>> -> memref<125x32xf32, #tpu.memory_space<vmem>>
      %dma_wait3A_76 = arith.constant 0 : i32
      %dma_wait3A_77 = tpu.memref_slice %arg6[%run_scoped3A_16, %dma_wait3A_76] : memref<40x125xi32, #tpu.memory_space<vmem>> -> memref<1x125xi32, #tpu.memory_space<vmem>>
      %dma_wait3A_78 = tpu.memref_squeeze %dma_wait3A_77 : memref<1x125xi32, #tpu.memory_space<vmem>> -> memref<125xi32, #tpu.memory_space<vmem>>
      %dma_wait3A_79 = arith.constant 0 : i32
      %dma_wait3A_80 = arith.constant 0 : i32
      %dma_wait3A_81 = tpu.memref_slice %arg8[%dma_wait3A_79, %dma_wait3A_80] : memref<10000x32xf32, #tpu.memory_space<vmem_shared>> -> memref<10000x32xf32, #tpu.memory_space<vmem_shared>>
      tpu.wait_indirect_dma semaphore(%run_scoped3A_65 : memref<!tpu.dma_semaphore, #tpu.memory_space<semaphore_mem>>) src(%dma_wait3A_75 : memref<125x32xf32, #tpu.memory_space<vmem>>) dst(%dma_wait3A_81 : memref<10000x32xf32, #tpu.memory_space<vmem_shared>>)
      tpu.yield
    }) : () -> ()
    %run_scoped3A_17 = arith.constant 4 : i32
    "tpu.region"() ({
      %run_scoped3A_65 = tpu.sem_alloc : memref<!tpu.dma_semaphore, #tpu.memory_space<semaphore_mem>>
      %dma_start3A = arith.constant 500 : i32
      %dma_start3A_66 = arith.constant 0 : i32
      %dma_start3A_67 = tpu.memref_slice %arg7[%dma_start3A, %dma_start3A_66] : memref<2500x32xf32, #tpu.memory_space<vmem>> -> memref<125x32xf32, #tpu.memory_space<vmem>>
      %dma_start3A_68 = arith.constant 0 : i32
      %dma_start3A_69 = tpu.memref_slice %arg6[%run_scoped3A_17, %dma_start3A_68] : memref<40x125xi32, #tpu.memory_space<vmem>> -> memref<1x125xi32, #tpu.memory_space<vmem>>
      %dma_start3A_70 = tpu.memref_squeeze %dma_start3A_69 : memref<1x125xi32, #tpu.memory_space<vmem>> -> memref<125xi32, #tpu.memory_space<vmem>>
      %dma_start3A_71 = arith.constant 0 : i32
      %dma_start3A_72 = arith.constant 0 : i32
      %dma_start3A_73 = tpu.memref_slice %arg8[%dma_start3A_71, %dma_start3A_72] : memref<10000x32xf32, #tpu.memory_space<vmem_shared>> -> memref<10000x32xf32, #tpu.memory_space<vmem_shared>>
      tpu.enqueue_indirect_dma source(%dma_start3A_67 : memref<125x32xf32, #tpu.memory_space<vmem>>) target(%dma_start3A_73 : memref<10000x32xf32, #tpu.memory_space<vmem_shared>>) offsets(%dma_start3A_70 : memref<125xi32, #tpu.memory_space<vmem>>) semaphore(%run_scoped3A_65 : memref<!tpu.dma_semaphore, #tpu.memory_space<semaphore_mem>>) {add = true}
      %dma_wait3A = arith.constant 500 : i32
      %dma_wait3A_74 = arith.constant 0 : i32
      %dma_wait3A_75 = tpu.memref_slice %arg7[%dma_wait3A, %dma_wait3A_74] : memref<2500x32xf32, #tpu.memory_space<vmem>> -> memref<125x32xf32, #tpu.memory_space<vmem>>
      %dma_wait3A_76 = arith.constant 0 : i32
      %dma_wait3A_77 = tpu.memref_slice %arg6[%run_scoped3A_17, %dma_wait3A_76] : memref<40x125xi32, #tpu.memory_space<vmem>> -> memref<1x125xi32, #tpu.memory_space<vmem>>
      %dma_wait3A_78 = tpu.memref_squeeze %dma_wait3A_77 : memref<1x125xi32, #tpu.memory_space<vmem>> -> memref<125xi32, #tpu.memory_space<vmem>>
      %dma_wait3A_79 = arith.constant 0 : i32
      %dma_wait3A_80 = arith.constant 0 : i32
      %dma_wait3A_81 = tpu.memref_slice %arg8[%dma_wait3A_79, %dma_wait3A_80] : memref<10000x32xf32, #tpu.memory_space<vmem_shared>> -> memref<10000x32xf32, #tpu.memory_space<vmem_shared>>
      tpu.wait_indirect_dma semaphore(%run_scoped3A_65 : memref<!tpu.dma_semaphore, #tpu.memory_space<semaphore_mem>>) src(%dma_wait3A_75 : memref<125x32xf32, #tpu.memory_space<vmem>>) dst(%dma_wait3A_81 : memref<10000x32xf32, #tpu.memory_space<vmem_shared>>)
      tpu.yield
    }) : () -> ()
    %run_scoped3A_18 = arith.constant 5 : i32
    "tpu.region"() ({
      %run_scoped3A_65 = tpu.sem_alloc : memref<!tpu.dma_semaphore, #tpu.memory_space<semaphore_mem>>
      %dma_start3A = arith.constant 625 : i32
      %dma_start3A_66 = arith.constant 0 : i32
      %dma_start3A_67 = tpu.memref_slice %arg7[%dma_start3A, %dma_start3A_66] : memref<2500x32xf32, #tpu.memory_space<vmem>> -> memref<125x32xf32, #tpu.memory_space<vmem>>
      %dma_start3A_68 = arith.constant 0 : i32
      %dma_start3A_69 = tpu.memref_slice %arg6[%run_scoped3A_18, %dma_start3A_68] : memref<40x125xi32, #tpu.memory_space<vmem>> -> memref<1x125xi32, #tpu.memory_space<vmem>>
      %dma_start3A_70 = tpu.memref_squeeze %dma_start3A_69 : memref<1x125xi32, #tpu.memory_space<vmem>> -> memref<125xi32, #tpu.memory_space<vmem>>
      %dma_start3A_71 = arith.constant 0 : i32
      %dma_start3A_72 = arith.constant 0 : i32
      %dma_start3A_73 = tpu.memref_slice %arg8[%dma_start3A_71, %dma_start3A_72] : memref<10000x32xf32, #tpu.memory_space<vmem_shared>> -> memref<10000x32xf32, #tpu.memory_space<vmem_shared>>
      tpu.enqueue_indirect_dma source(%dma_start3A_67 : memref<125x32xf32, #tpu.memory_space<vmem>>) target(%dma_start3A_73 : memref<10000x32xf32, #tpu.memory_space<vmem_shared>>) offsets(%dma_start3A_70 : memref<125xi32, #tpu.memory_space<vmem>>) semaphore(%run_scoped3A_65 : memref<!tpu.dma_semaphore, #tpu.memory_space<semaphore_mem>>) {add = true}
      %dma_wait3A = arith.constant 625 : i32
      %dma_wait3A_74 = arith.constant 0 : i32
      %dma_wait3A_75 = tpu.memref_slice %arg7[%dma_wait3A, %dma_wait3A_74] : memref<2500x32xf32, #tpu.memory_space<vmem>> -> memref<125x32xf32, #tpu.memory_space<vmem>>
      %dma_wait3A_76 = arith.constant 0 : i32
      %dma_wait3A_77 = tpu.memref_slice %arg6[%run_scoped3A_18, %dma_wait3A_76] : memref<40x125xi32, #tpu.memory_space<vmem>> -> memref<1x125xi32, #tpu.memory_space<vmem>>
      %dma_wait3A_78 = tpu.memref_squeeze %dma_wait3A_77 : memref<1x125xi32, #tpu.memory_space<vmem>> -> memref<125xi32, #tpu.memory_space<vmem>>
      %dma_wait3A_79 = arith.constant 0 : i32
      %dma_wait3A_80 = arith.constant 0 : i32
      %dma_wait3A_81 = tpu.memref_slice %arg8[%dma_wait3A_79, %dma_wait3A_80] : memref<10000x32xf32, #tpu.memory_space<vmem_shared>> -> memref<10000x32xf32, #tpu.memory_space<vmem_shared>>
      tpu.wait_indirect_dma semaphore(%run_scoped3A_65 : memref<!tpu.dma_semaphore, #tpu.memory_space<semaphore_mem>>) src(%dma_wait3A_75 : memref<125x32xf32, #tpu.memory_space<vmem>>) dst(%dma_wait3A_81 : memref<10000x32xf32, #tpu.memory_space<vmem_shared>>)
      tpu.yield
    }) : () -> ()
    %run_scoped3A_19 = arith.constant 6 : i32
    "tpu.region"() ({
      %run_scoped3A_65 = tpu.sem_alloc : memref<!tpu.dma_semaphore, #tpu.memory_space<semaphore_mem>>
      %dma_start3A = arith.constant 750 : i32
      %dma_start3A_66 = arith.constant 0 : i32
      %dma_start3A_67 = tpu.memref_slice %arg7[%dma_start3A, %dma_start3A_66] : memref<2500x32xf32, #tpu.memory_space<vmem>> -> memref<125x32xf32, #tpu.memory_space<vmem>>
      %dma_start3A_68 = arith.constant 0 : i32
      %dma_start3A_69 = tpu.memref_slice %arg6[%run_scoped3A_19, %dma_start3A_68] : memref<40x125xi32, #tpu.memory_space<vmem>> -> memref<1x125xi32, #tpu.memory_space<vmem>>
      %dma_start3A_70 = tpu.memref_squeeze %dma_start3A_69 : memref<1x125xi32, #tpu.memory_space<vmem>> -> memref<125xi32, #tpu.memory_space<vmem>>
      %dma_start3A_71 = arith.constant 0 : i32
      %dma_start3A_72 = arith.constant 0 : i32
      %dma_start3A_73 = tpu.memref_slice %arg8[%dma_start3A_71, %dma_start3A_72] : memref<10000x32xf32, #tpu.memory_space<vmem_shared>> -> memref<10000x32xf32, #tpu.memory_space<vmem_shared>>
      tpu.enqueue_indirect_dma source(%dma_start3A_67 : memref<125x32xf32, #tpu.memory_space<vmem>>) target(%dma_start3A_73 : memref<10000x32xf32, #tpu.memory_space<vmem_shared>>) offsets(%dma_start3A_70 : memref<125xi32, #tpu.memory_space<vmem>>) semaphore(%run_scoped3A_65 : memref<!tpu.dma_semaphore, #tpu.memory_space<semaphore_mem>>) {add = true}
      %dma_wait3A = arith.constant 750 : i32
      %dma_wait3A_74 = arith.constant 0 : i32
      %dma_wait3A_75 = tpu.memref_slice %arg7[%dma_wait3A, %dma_wait3A_74] : memref<2500x32xf32, #tpu.memory_space<vmem>> -> memref<125x32xf32, #tpu.memory_space<vmem>>
      %dma_wait3A_76 = arith.constant 0 : i32
      %dma_wait3A_77 = tpu.memref_slice %arg6[%run_scoped3A_19, %dma_wait3A_76] : memref<40x125xi32, #tpu.memory_space<vmem>> -> memref<1x125xi32, #tpu.memory_space<vmem>>
      %dma_wait3A_78 = tpu.memref_squeeze %dma_wait3A_77 : memref<1x125xi32, #tpu.memory_space<vmem>> -> memref<125xi32, #tpu.memory_space<vmem>>
      %dma_wait3A_79 = arith.constant 0 : i32
      %dma_wait3A_80 = arith.constant 0 : i32
      %dma_wait3A_81 = tpu.memref_slice %arg8[%dma_wait3A_79, %dma_wait3A_80] : memref<10000x32xf32, #tpu.memory_space<vmem_shared>> -> memref<10000x32xf32, #tpu.memory_space<vmem_shared>>
      tpu.wait_indirect_dma semaphore(%run_scoped3A_65 : memref<!tpu.dma_semaphore, #tpu.memory_space<semaphore_mem>>) src(%dma_wait3A_75 : memref<125x32xf32, #tpu.memory_space<vmem>>) dst(%dma_wait3A_81 : memref<10000x32xf32, #tpu.memory_space<vmem_shared>>)
      tpu.yield
    }) : () -> ()
    %run_scoped3A_20 = arith.constant 7 : i32
    "tpu.region"() ({
      %run_scoped3A_65 = tpu.sem_alloc : memref<!tpu.dma_semaphore, #tpu.memory_space<semaphore_mem>>
      %dma_start3A = arith.constant 875 : i32
      %dma_start3A_66 = arith.constant 0 : i32
      %dma_start3A_67 = tpu.memref_slice %arg7[%dma_start3A, %dma_start3A_66] : memref<2500x32xf32, #tpu.memory_space<vmem>> -> memref<125x32xf32, #tpu.memory_space<vmem>>
      %dma_start3A_68 = arith.constant 0 : i32
      %dma_start3A_69 = tpu.memref_slice %arg6[%run_scoped3A_20, %dma_start3A_68] : memref<40x125xi32, #tpu.memory_space<vmem>> -> memref<1x125xi32, #tpu.memory_space<vmem>>
      %dma_start3A_70 = tpu.memref_squeeze %dma_start3A_69 : memref<1x125xi32, #tpu.memory_space<vmem>> -> memref<125xi32, #tpu.memory_space<vmem>>
      %dma_start3A_71 = arith.constant 0 : i32
      %dma_start3A_72 = arith.constant 0 : i32
      %dma_start3A_73 = tpu.memref_slice %arg8[%dma_start3A_71, %dma_start3A_72] : memref<10000x32xf32, #tpu.memory_space<vmem_shared>> -> memref<10000x32xf32, #tpu.memory_space<vmem_shared>>
      tpu.enqueue_indirect_dma source(%dma_start3A_67 : memref<125x32xf32, #tpu.memory_space<vmem>>) target(%dma_start3A_73 : memref<10000x32xf32, #tpu.memory_space<vmem_shared>>) offsets(%dma_start3A_70 : memref<125xi32, #tpu.memory_space<vmem>>) semaphore(%run_scoped3A_65 : memref<!tpu.dma_semaphore, #tpu.memory_space<semaphore_mem>>) {add = true}
      %dma_wait3A = arith.constant 875 : i32
      %dma_wait3A_74 = arith.constant 0 : i32
      %dma_wait3A_75 = tpu.memref_slice %arg7[%dma_wait3A, %dma_wait3A_74] : memref<2500x32xf32, #tpu.memory_space<vmem>> -> memref<125x32xf32, #tpu.memory_space<vmem>>
      %dma_wait3A_76 = arith.constant 0 : i32
      %dma_wait3A_77 = tpu.memref_slice %arg6[%run_scoped3A_20, %dma_wait3A_76] : memref<40x125xi32, #tpu.memory_space<vmem>> -> memref<1x125xi32, #tpu.memory_space<vmem>>
      %dma_wait3A_78 = tpu.memref_squeeze %dma_wait3A_77 : memref<1x125xi32, #tpu.memory_space<vmem>> -> memref<125xi32, #tpu.memory_space<vmem>>
      %dma_wait3A_79 = arith.constant 0 : i32
      %dma_wait3A_80 = arith.constant 0 : i32
      %dma_wait3A_81 = tpu.memref_slice %arg8[%dma_wait3A_79, %dma_wait3A_80] : memref<10000x32xf32, #tpu.memory_space<vmem_shared>> -> memref<10000x32xf32, #tpu.memory_space<vmem_shared>>
      tpu.wait_indirect_dma semaphore(%run_scoped3A_65 : memref<!tpu.dma_semaphore, #tpu.memory_space<semaphore_mem>>) src(%dma_wait3A_75 : memref<125x32xf32, #tpu.memory_space<vmem>>) dst(%dma_wait3A_81 : memref<10000x32xf32, #tpu.memory_space<vmem_shared>>)
      tpu.yield
    }) : () -> ()
    %run_scoped3A_21 = arith.constant 8 : i32
    "tpu.region"() ({
      %run_scoped3A_65 = tpu.sem_alloc : memref<!tpu.dma_semaphore, #tpu.memory_space<semaphore_mem>>
      %dma_start3A = arith.constant 1000 : i32
      %dma_start3A_66 = arith.constant 0 : i32
      %dma_start3A_67 = tpu.memref_slice %arg7[%dma_start3A, %dma_start3A_66] : memref<2500x32xf32, #tpu.memory_space<vmem>> -> memref<125x32xf32, #tpu.memory_space<vmem>>
      %dma_start3A_68 = arith.constant 0 : i32
      %dma_start3A_69 = tpu.memref_slice %arg6[%run_scoped3A_21, %dma_start3A_68] : memref<40x125xi32, #tpu.memory_space<vmem>> -> memref<1x125xi32, #tpu.memory_space<vmem>>
      %dma_start3A_70 = tpu.memref_squeeze %dma_start3A_69 : memref<1x125xi32, #tpu.memory_space<vmem>> -> memref<125xi32, #tpu.memory_space<vmem>>
      %dma_start3A_71 = arith.constant 0 : i32
      %dma_start3A_72 = arith.constant 0 : i32
      %dma_start3A_73 = tpu.memref_slice %arg8[%dma_start3A_71, %dma_start3A_72] : memref<10000x32xf32, #tpu.memory_space<vmem_shared>> -> memref<10000x32xf32, #tpu.memory_space<vmem_shared>>
      tpu.enqueue_indirect_dma source(%dma_start3A_67 : memref<125x32xf32, #tpu.memory_space<vmem>>) target(%dma_start3A_73 : memref<10000x32xf32, #tpu.memory_space<vmem_shared>>) offsets(%dma_start3A_70 : memref<125xi32, #tpu.memory_space<vmem>>) semaphore(%run_scoped3A_65 : memref<!tpu.dma_semaphore, #tpu.memory_space<semaphore_mem>>) {add = true}
      %dma_wait3A = arith.constant 1000 : i32
      %dma_wait3A_74 = arith.constant 0 : i32
      %dma_wait3A_75 = tpu.memref_slice %arg7[%dma_wait3A, %dma_wait3A_74] : memref<2500x32xf32, #tpu.memory_space<vmem>> -> memref<125x32xf32, #tpu.memory_space<vmem>>
      %dma_wait3A_76 = arith.constant 0 : i32
      %dma_wait3A_77 = tpu.memref_slice %arg6[%run_scoped3A_21, %dma_wait3A_76] : memref<40x125xi32, #tpu.memory_space<vmem>> -> memref<1x125xi32, #tpu.memory_space<vmem>>
      %dma_wait3A_78 = tpu.memref_squeeze %dma_wait3A_77 : memref<1x125xi32, #tpu.memory_space<vmem>> -> memref<125xi32, #tpu.memory_space<vmem>>
      %dma_wait3A_79 = arith.constant 0 : i32
      %dma_wait3A_80 = arith.constant 0 : i32
      %dma_wait3A_81 = tpu.memref_slice %arg8[%dma_wait3A_79, %dma_wait3A_80] : memref<10000x32xf32, #tpu.memory_space<vmem_shared>> -> memref<10000x32xf32, #tpu.memory_space<vmem_shared>>
      tpu.wait_indirect_dma semaphore(%run_scoped3A_65 : memref<!tpu.dma_semaphore, #tpu.memory_space<semaphore_mem>>) src(%dma_wait3A_75 : memref<125x32xf32, #tpu.memory_space<vmem>>) dst(%dma_wait3A_81 : memref<10000x32xf32, #tpu.memory_space<vmem_shared>>)
      tpu.yield
    }) : () -> ()
    %run_scoped3A_22 = arith.constant 9 : i32
    "tpu.region"() ({
      %run_scoped3A_65 = tpu.sem_alloc : memref<!tpu.dma_semaphore, #tpu.memory_space<semaphore_mem>>
      %dma_start3A = arith.constant 1125 : i32
      %dma_start3A_66 = arith.constant 0 : i32
      %dma_start3A_67 = tpu.memref_slice %arg7[%dma_start3A, %dma_start3A_66] : memref<2500x32xf32, #tpu.memory_space<vmem>> -> memref<125x32xf32, #tpu.memory_space<vmem>>
      %dma_start3A_68 = arith.constant 0 : i32
      %dma_start3A_69 = tpu.memref_slice %arg6[%run_scoped3A_22, %dma_start3A_68] : memref<40x125xi32, #tpu.memory_space<vmem>> -> memref<1x125xi32, #tpu.memory_space<vmem>>
      %dma_start3A_70 = tpu.memref_squeeze %dma_start3A_69 : memref<1x125xi32, #tpu.memory_space<vmem>> -> memref<125xi32, #tpu.memory_space<vmem>>
      %dma_start3A_71 = arith.constant 0 : i32
      %dma_start3A_72 = arith.constant 0 : i32
      %dma_start3A_73 = tpu.memref_slice %arg8[%dma_start3A_71, %dma_start3A_72] : memref<10000x32xf32, #tpu.memory_space<vmem_shared>> -> memref<10000x32xf32, #tpu.memory_space<vmem_shared>>
      tpu.enqueue_indirect_dma source(%dma_start3A_67 : memref<125x32xf32, #tpu.memory_space<vmem>>) target(%dma_start3A_73 : memref<10000x32xf32, #tpu.memory_space<vmem_shared>>) offsets(%dma_start3A_70 : memref<125xi32, #tpu.memory_space<vmem>>) semaphore(%run_scoped3A_65 : memref<!tpu.dma_semaphore, #tpu.memory_space<semaphore_mem>>) {add = true}
      %dma_wait3A = arith.constant 1125 : i32
      %dma_wait3A_74 = arith.constant 0 : i32
      %dma_wait3A_75 = tpu.memref_slice %arg7[%dma_wait3A, %dma_wait3A_74] : memref<2500x32xf32, #tpu.memory_space<vmem>> -> memref<125x32xf32, #tpu.memory_space<vmem>>
      %dma_wait3A_76 = arith.constant 0 : i32
      %dma_wait3A_77 = tpu.memref_slice %arg6[%run_scoped3A_22, %dma_wait3A_76] : memref<40x125xi32, #tpu.memory_space<vmem>> -> memref<1x125xi32, #tpu.memory_space<vmem>>
      %dma_wait3A_78 = tpu.memref_squeeze %dma_wait3A_77 : memref<1x125xi32, #tpu.memory_space<vmem>> -> memref<125xi32, #tpu.memory_space<vmem>>
      %dma_wait3A_79 = arith.constant 0 : i32
      %dma_wait3A_80 = arith.constant 0 : i32
      %dma_wait3A_81 = tpu.memref_slice %arg8[%dma_wait3A_79, %dma_wait3A_80] : memref<10000x32xf32, #tpu.memory_space<vmem_shared>> -> memref<10000x32xf32, #tpu.memory_space<vmem_shared>>
      tpu.wait_indirect_dma semaphore(%run_scoped3A_65 : memref<!tpu.dma_semaphore, #tpu.memory_space<semaphore_mem>>) src(%dma_wait3A_75 : memref<125x32xf32, #tpu.memory_space<vmem>>) dst(%dma_wait3A_81 : memref<10000x32xf32, #tpu.memory_space<vmem_shared>>)
      tpu.yield
    }) : () -> ()
    %run_scoped3A_23 = arith.constant 10 : i32
    "tpu.region"() ({
      %run_scoped3A_65 = tpu.sem_alloc : memref<!tpu.dma_semaphore, #tpu.memory_space<semaphore_mem>>
      %dma_start3A = arith.constant 1250 : i32
      %dma_start3A_66 = arith.constant 0 : i32
      %dma_start3A_67 = tpu.memref_slice %arg7[%dma_start3A, %dma_start3A_66] : memref<2500x32xf32, #tpu.memory_space<vmem>> -> memref<125x32xf32, #tpu.memory_space<vmem>>
      %dma_start3A_68 = arith.constant 0 : i32
      %dma_start3A_69 = tpu.memref_slice %arg6[%run_scoped3A_23, %dma_start3A_68] : memref<40x125xi32, #tpu.memory_space<vmem>> -> memref<1x125xi32, #tpu.memory_space<vmem>>
      %dma_start3A_70 = tpu.memref_squeeze %dma_start3A_69 : memref<1x125xi32, #tpu.memory_space<vmem>> -> memref<125xi32, #tpu.memory_space<vmem>>
      %dma_start3A_71 = arith.constant 0 : i32
      %dma_start3A_72 = arith.constant 0 : i32
      %dma_start3A_73 = tpu.memref_slice %arg8[%dma_start3A_71, %dma_start3A_72] : memref<10000x32xf32, #tpu.memory_space<vmem_shared>> -> memref<10000x32xf32, #tpu.memory_space<vmem_shared>>
      tpu.enqueue_indirect_dma source(%dma_start3A_67 : memref<125x32xf32, #tpu.memory_space<vmem>>) target(%dma_start3A_73 : memref<10000x32xf32, #tpu.memory_space<vmem_shared>>) offsets(%dma_start3A_70 : memref<125xi32, #tpu.memory_space<vmem>>) semaphore(%run_scoped3A_65 : memref<!tpu.dma_semaphore, #tpu.memory_space<semaphore_mem>>) {add = true}
      %dma_wait3A = arith.constant 1250 : i32
      %dma_wait3A_74 = arith.constant 0 : i32
      %dma_wait3A_75 = tpu.memref_slice %arg7[%dma_wait3A, %dma_wait3A_74] : memref<2500x32xf32, #tpu.memory_space<vmem>> -> memref<125x32xf32, #tpu.memory_space<vmem>>
      %dma_wait3A_76 = arith.constant 0 : i32
      %dma_wait3A_77 = tpu.memref_slice %arg6[%run_scoped3A_23, %dma_wait3A_76] : memref<40x125xi32, #tpu.memory_space<vmem>> -> memref<1x125xi32, #tpu.memory_space<vmem>>
      %dma_wait3A_78 = tpu.memref_squeeze %dma_wait3A_77 : memref<1x125xi32, #tpu.memory_space<vmem>> -> memref<125xi32, #tpu.memory_space<vmem>>
      %dma_wait3A_79 = arith.constant 0 : i32
      %dma_wait3A_80 = arith.constant 0 : i32
      %dma_wait3A_81 = tpu.memref_slice %arg8[%dma_wait3A_79, %dma_wait3A_80] : memref<10000x32xf32, #tpu.memory_space<vmem_shared>> -> memref<10000x32xf32, #tpu.memory_space<vmem_shared>>
      tpu.wait_indirect_dma semaphore(%run_scoped3A_65 : memref<!tpu.dma_semaphore, #tpu.memory_space<semaphore_mem>>) src(%dma_wait3A_75 : memref<125x32xf32, #tpu.memory_space<vmem>>) dst(%dma_wait3A_81 : memref<10000x32xf32, #tpu.memory_space<vmem_shared>>)
      tpu.yield
    }) : () -> ()
    %run_scoped3A_24 = arith.constant 11 : i32
    "tpu.region"() ({
      %run_scoped3A_65 = tpu.sem_alloc : memref<!tpu.dma_semaphore, #tpu.memory_space<semaphore_mem>>
      %dma_start3A = arith.constant 1375 : i32
      %dma_start3A_66 = arith.constant 0 : i32
      %dma_start3A_67 = tpu.memref_slice %arg7[%dma_start3A, %dma_start3A_66] : memref<2500x32xf32, #tpu.memory_space<vmem>> -> memref<125x32xf32, #tpu.memory_space<vmem>>
      %dma_start3A_68 = arith.constant 0 : i32
      %dma_start3A_69 = tpu.memref_slice %arg6[%run_scoped3A_24, %dma_start3A_68] : memref<40x125xi32, #tpu.memory_space<vmem>> -> memref<1x125xi32, #tpu.memory_space<vmem>>
      %dma_start3A_70 = tpu.memref_squeeze %dma_start3A_69 : memref<1x125xi32, #tpu.memory_space<vmem>> -> memref<125xi32, #tpu.memory_space<vmem>>
      %dma_start3A_71 = arith.constant 0 : i32
      %dma_start3A_72 = arith.constant 0 : i32
      %dma_start3A_73 = tpu.memref_slice %arg8[%dma_start3A_71, %dma_start3A_72] : memref<10000x32xf32, #tpu.memory_space<vmem_shared>> -> memref<10000x32xf32, #tpu.memory_space<vmem_shared>>
      tpu.enqueue_indirect_dma source(%dma_start3A_67 : memref<125x32xf32, #tpu.memory_space<vmem>>) target(%dma_start3A_73 : memref<10000x32xf32, #tpu.memory_space<vmem_shared>>) offsets(%dma_start3A_70 : memref<125xi32, #tpu.memory_space<vmem>>) semaphore(%run_scoped3A_65 : memref<!tpu.dma_semaphore, #tpu.memory_space<semaphore_mem>>) {add = true}
      %dma_wait3A = arith.constant 1375 : i32
      %dma_wait3A_74 = arith.constant 0 : i32
      %dma_wait3A_75 = tpu.memref_slice %arg7[%dma_wait3A, %dma_wait3A_74] : memref<2500x32xf32, #tpu.memory_space<vmem>> -> memref<125x32xf32, #tpu.memory_space<vmem>>
      %dma_wait3A_76 = arith.constant 0 : i32
      %dma_wait3A_77 = tpu.memref_slice %arg6[%run_scoped3A_24, %dma_wait3A_76] : memref<40x125xi32, #tpu.memory_space<vmem>> -> memref<1x125xi32, #tpu.memory_space<vmem>>
      %dma_wait3A_78 = tpu.memref_squeeze %dma_wait3A_77 : memref<1x125xi32, #tpu.memory_space<vmem>> -> memref<125xi32, #tpu.memory_space<vmem>>
      %dma_wait3A_79 = arith.constant 0 : i32
      %dma_wait3A_80 = arith.constant 0 : i32
      %dma_wait3A_81 = tpu.memref_slice %arg8[%dma_wait3A_79, %dma_wait3A_80] : memref<10000x32xf32, #tpu.memory_space<vmem_shared>> -> memref<10000x32xf32, #tpu.memory_space<vmem_shared>>
      tpu.wait_indirect_dma semaphore(%run_scoped3A_65 : memref<!tpu.dma_semaphore, #tpu.memory_space<semaphore_mem>>) src(%dma_wait3A_75 : memref<125x32xf32, #tpu.memory_space<vmem>>) dst(%dma_wait3A_81 : memref<10000x32xf32, #tpu.memory_space<vmem_shared>>)
      tpu.yield
    }) : () -> ()
    %run_scoped3A_25 = arith.constant 12 : i32
    "tpu.region"() ({
      %run_scoped3A_65 = tpu.sem_alloc : memref<!tpu.dma_semaphore, #tpu.memory_space<semaphore_mem>>
      %dma_start3A = arith.constant 1500 : i32
      %dma_start3A_66 = arith.constant 0 : i32
      %dma_start3A_67 = tpu.memref_slice %arg7[%dma_start3A, %dma_start3A_66] : memref<2500x32xf32, #tpu.memory_space<vmem>> -> memref<125x32xf32, #tpu.memory_space<vmem>>
      %dma_start3A_68 = arith.constant 0 : i32
      %dma_start3A_69 = tpu.memref_slice %arg6[%run_scoped3A_25, %dma_start3A_68] : memref<40x125xi32, #tpu.memory_space<vmem>> -> memref<1x125xi32, #tpu.memory_space<vmem>>
      %dma_start3A_70 = tpu.memref_squeeze %dma_start3A_69 : memref<1x125xi32, #tpu.memory_space<vmem>> -> memref<125xi32, #tpu.memory_space<vmem>>
      %dma_start3A_71 = arith.constant 0 : i32
      %dma_start3A_72 = arith.constant 0 : i32
      %dma_start3A_73 = tpu.memref_slice %arg8[%dma_start3A_71, %dma_start3A_72] : memref<10000x32xf32, #tpu.memory_space<vmem_shared>> -> memref<10000x32xf32, #tpu.memory_space<vmem_shared>>
      tpu.enqueue_indirect_dma source(%dma_start3A_67 : memref<125x32xf32, #tpu.memory_space<vmem>>) target(%dma_start3A_73 : memref<10000x32xf32, #tpu.memory_space<vmem_shared>>) offsets(%dma_start3A_70 : memref<125xi32, #tpu.memory_space<vmem>>) semaphore(%run_scoped3A_65 : memref<!tpu.dma_semaphore, #tpu.memory_space<semaphore_mem>>) {add = true}
      %dma_wait3A = arith.constant 1500 : i32
      %dma_wait3A_74 = arith.constant 0 : i32
      %dma_wait3A_75 = tpu.memref_slice %arg7[%dma_wait3A, %dma_wait3A_74] : memref<2500x32xf32, #tpu.memory_space<vmem>> -> memref<125x32xf32, #tpu.memory_space<vmem>>
      %dma_wait3A_76 = arith.constant 0 : i32
      %dma_wait3A_77 = tpu.memref_slice %arg6[%run_scoped3A_25, %dma_wait3A_76] : memref<40x125xi32, #tpu.memory_space<vmem>> -> memref<1x125xi32, #tpu.memory_space<vmem>>
      %dma_wait3A_78 = tpu.memref_squeeze %dma_wait3A_77 : memref<1x125xi32, #tpu.memory_space<vmem>> -> memref<125xi32, #tpu.memory_space<vmem>>
      %dma_wait3A_79 = arith.constant 0 : i32
      %dma_wait3A_80 = arith.constant 0 : i32
      %dma_wait3A_81 = tpu.memref_slice %arg8[%dma_wait3A_79, %dma_wait3A_80] : memref<10000x32xf32, #tpu.memory_space<vmem_shared>> -> memref<10000x32xf32, #tpu.memory_space<vmem_shared>>
      tpu.wait_indirect_dma semaphore(%run_scoped3A_65 : memref<!tpu.dma_semaphore, #tpu.memory_space<semaphore_mem>>) src(%dma_wait3A_75 : memref<125x32xf32, #tpu.memory_space<vmem>>) dst(%dma_wait3A_81 : memref<10000x32xf32, #tpu.memory_space<vmem_shared>>)
      tpu.yield
    }) : () -> ()
    %run_scoped3A_26 = arith.constant 13 : i32
    "tpu.region"() ({
      %run_scoped3A_65 = tpu.sem_alloc : memref<!tpu.dma_semaphore, #tpu.memory_space<semaphore_mem>>
      %dma_start3A = arith.constant 1625 : i32
      %dma_start3A_66 = arith.constant 0 : i32
      %dma_start3A_67 = tpu.memref_slice %arg7[%dma_start3A, %dma_start3A_66] : memref<2500x32xf32, #tpu.memory_space<vmem>> -> memref<125x32xf32, #tpu.memory_space<vmem>>
      %dma_start3A_68 = arith.constant 0 : i32
      %dma_start3A_69 = tpu.memref_slice %arg6[%run_scoped3A_26, %dma_start3A_68] : memref<40x125xi32, #tpu.memory_space<vmem>> -> memref<1x125xi32, #tpu.memory_space<vmem>>
      %dma_start3A_70 = tpu.memref_squeeze %dma_start3A_69 : memref<1x125xi32, #tpu.memory_space<vmem>> -> memref<125xi32, #tpu.memory_space<vmem>>
      %dma_start3A_71 = arith.constant 0 : i32
      %dma_start3A_72 = arith.constant 0 : i32
      %dma_start3A_73 = tpu.memref_slice %arg8[%dma_start3A_71, %dma_start3A_72] : memref<10000x32xf32, #tpu.memory_space<vmem_shared>> -> memref<10000x32xf32, #tpu.memory_space<vmem_shared>>
      tpu.enqueue_indirect_dma source(%dma_start3A_67 : memref<125x32xf32, #tpu.memory_space<vmem>>) target(%dma_start3A_73 : memref<10000x32xf32, #tpu.memory_space<vmem_shared>>) offsets(%dma_start3A_70 : memref<125xi32, #tpu.memory_space<vmem>>) semaphore(%run_scoped3A_65 : memref<!tpu.dma_semaphore, #tpu.memory_space<semaphore_mem>>) {add = true}
      %dma_wait3A = arith.constant 1625 : i32
      %dma_wait3A_74 = arith.constant 0 : i32
      %dma_wait3A_75 = tpu.memref_slice %arg7[%dma_wait3A, %dma_wait3A_74] : memref<2500x32xf32, #tpu.memory_space<vmem>> -> memref<125x32xf32, #tpu.memory_space<vmem>>
      %dma_wait3A_76 = arith.constant 0 : i32
      %dma_wait3A_77 = tpu.memref_slice %arg6[%run_scoped3A_26, %dma_wait3A_76] : memref<40x125xi32, #tpu.memory_space<vmem>> -> memref<1x125xi32, #tpu.memory_space<vmem>>
      %dma_wait3A_78 = tpu.memref_squeeze %dma_wait3A_77 : memref<1x125xi32, #tpu.memory_space<vmem>> -> memref<125xi32, #tpu.memory_space<vmem>>
      %dma_wait3A_79 = arith.constant 0 : i32
      %dma_wait3A_80 = arith.constant 0 : i32
      %dma_wait3A_81 = tpu.memref_slice %arg8[%dma_wait3A_79, %dma_wait3A_80] : memref<10000x32xf32, #tpu.memory_space<vmem_shared>> -> memref<10000x32xf32, #tpu.memory_space<vmem_shared>>
      tpu.wait_indirect_dma semaphore(%run_scoped3A_65 : memref<!tpu.dma_semaphore, #tpu.memory_space<semaphore_mem>>) src(%dma_wait3A_75 : memref<125x32xf32, #tpu.memory_space<vmem>>) dst(%dma_wait3A_81 : memref<10000x32xf32, #tpu.memory_space<vmem_shared>>)
      tpu.yield
    }) : () -> ()
    %run_scoped3A_27 = arith.constant 14 : i32
    "tpu.region"() ({
      %run_scoped3A_65 = tpu.sem_alloc : memref<!tpu.dma_semaphore, #tpu.memory_space<semaphore_mem>>
      %dma_start3A = arith.constant 1750 : i32
      %dma_start3A_66 = arith.constant 0 : i32
      %dma_start3A_67 = tpu.memref_slice %arg7[%dma_start3A, %dma_start3A_66] : memref<2500x32xf32, #tpu.memory_space<vmem>> -> memref<125x32xf32, #tpu.memory_space<vmem>>
      %dma_start3A_68 = arith.constant 0 : i32
      %dma_start3A_69 = tpu.memref_slice %arg6[%run_scoped3A_27, %dma_start3A_68] : memref<40x125xi32, #tpu.memory_space<vmem>> -> memref<1x125xi32, #tpu.memory_space<vmem>>
      %dma_start3A_70 = tpu.memref_squeeze %dma_start3A_69 : memref<1x125xi32, #tpu.memory_space<vmem>> -> memref<125xi32, #tpu.memory_space<vmem>>
      %dma_start3A_71 = arith.constant 0 : i32
      %dma_start3A_72 = arith.constant 0 : i32
      %dma_start3A_73 = tpu.memref_slice %arg8[%dma_start3A_71, %dma_start3A_72] : memref<10000x32xf32, #tpu.memory_space<vmem_shared>> -> memref<10000x32xf32, #tpu.memory_space<vmem_shared>>
      tpu.enqueue_indirect_dma source(%dma_start3A_67 : memref<125x32xf32, #tpu.memory_space<vmem>>) target(%dma_start3A_73 : memref<10000x32xf32, #tpu.memory_space<vmem_shared>>) offsets(%dma_start3A_70 : memref<125xi32, #tpu.memory_space<vmem>>) semaphore(%run_scoped3A_65 : memref<!tpu.dma_semaphore, #tpu.memory_space<semaphore_mem>>) {add = true}
      %dma_wait3A = arith.constant 1750 : i32
      %dma_wait3A_74 = arith.constant 0 : i32
      %dma_wait3A_75 = tpu.memref_slice %arg7[%dma_wait3A, %dma_wait3A_74] : memref<2500x32xf32, #tpu.memory_space<vmem>> -> memref<125x32xf32, #tpu.memory_space<vmem>>
      %dma_wait3A_76 = arith.constant 0 : i32
      %dma_wait3A_77 = tpu.memref_slice %arg6[%run_scoped3A_27, %dma_wait3A_76] : memref<40x125xi32, #tpu.memory_space<vmem>> -> memref<1x125xi32, #tpu.memory_space<vmem>>
      %dma_wait3A_78 = tpu.memref_squeeze %dma_wait3A_77 : memref<1x125xi32, #tpu.memory_space<vmem>> -> memref<125xi32, #tpu.memory_space<vmem>>
      %dma_wait3A_79 = arith.constant 0 : i32
      %dma_wait3A_80 = arith.constant 0 : i32
      %dma_wait3A_81 = tpu.memref_slice %arg8[%dma_wait3A_79, %dma_wait3A_80] : memref<10000x32xf32, #tpu.memory_space<vmem_shared>> -> memref<10000x32xf32, #tpu.memory_space<vmem_shared>>
      tpu.wait_indirect_dma semaphore(%run_scoped3A_65 : memref<!tpu.dma_semaphore, #tpu.memory_space<semaphore_mem>>) src(%dma_wait3A_75 : memref<125x32xf32, #tpu.memory_space<vmem>>) dst(%dma_wait3A_81 : memref<10000x32xf32, #tpu.memory_space<vmem_shared>>)
      tpu.yield
    }) : () -> ()
    %run_scoped3A_28 = arith.constant 15 : i32
    "tpu.region"() ({
      %run_scoped3A_65 = tpu.sem_alloc : memref<!tpu.dma_semaphore, #tpu.memory_space<semaphore_mem>>
      %dma_start3A = arith.constant 1875 : i32
      %dma_start3A_66 = arith.constant 0 : i32
      %dma_start3A_67 = tpu.memref_slice %arg7[%dma_start3A, %dma_start3A_66] : memref<2500x32xf32, #tpu.memory_space<vmem>> -> memref<125x32xf32, #tpu.memory_space<vmem>>
      %dma_start3A_68 = arith.constant 0 : i32
      %dma_start3A_69 = tpu.memref_slice %arg6[%run_scoped3A_28, %dma_start3A_68] : memref<40x125xi32, #tpu.memory_space<vmem>> -> memref<1x125xi32, #tpu.memory_space<vmem>>
      %dma_start3A_70 = tpu.memref_squeeze %dma_start3A_69 : memref<1x125xi32, #tpu.memory_space<vmem>> -> memref<125xi32, #tpu.memory_space<vmem>>
      %dma_start3A_71 = arith.constant 0 : i32
      %dma_start3A_72 = arith.constant 0 : i32
      %dma_start3A_73 = tpu.memref_slice %arg8[%dma_start3A_71, %dma_start3A_72] : memref<10000x32xf32, #tpu.memory_space<vmem_shared>> -> memref<10000x32xf32, #tpu.memory_space<vmem_shared>>
      tpu.enqueue_indirect_dma source(%dma_start3A_67 : memref<125x32xf32, #tpu.memory_space<vmem>>) target(%dma_start3A_73 : memref<10000x32xf32, #tpu.memory_space<vmem_shared>>) offsets(%dma_start3A_70 : memref<125xi32, #tpu.memory_space<vmem>>) semaphore(%run_scoped3A_65 : memref<!tpu.dma_semaphore, #tpu.memory_space<semaphore_mem>>) {add = true}
      %dma_wait3A = arith.constant 1875 : i32
      %dma_wait3A_74 = arith.constant 0 : i32
      %dma_wait3A_75 = tpu.memref_slice %arg7[%dma_wait3A, %dma_wait3A_74] : memref<2500x32xf32, #tpu.memory_space<vmem>> -> memref<125x32xf32, #tpu.memory_space<vmem>>
      %dma_wait3A_76 = arith.constant 0 : i32
      %dma_wait3A_77 = tpu.memref_slice %arg6[%run_scoped3A_28, %dma_wait3A_76] : memref<40x125xi32, #tpu.memory_space<vmem>> -> memref<1x125xi32, #tpu.memory_space<vmem>>
      %dma_wait3A_78 = tpu.memref_squeeze %dma_wait3A_77 : memref<1x125xi32, #tpu.memory_space<vmem>> -> memref<125xi32, #tpu.memory_space<vmem>>
      %dma_wait3A_79 = arith.constant 0 : i32
      %dma_wait3A_80 = arith.constant 0 : i32
      %dma_wait3A_81 = tpu.memref_slice %arg8[%dma_wait3A_79, %dma_wait3A_80] : memref<10000x32xf32, #tpu.memory_space<vmem_shared>> -> memref<10000x32xf32, #tpu.memory_space<vmem_shared>>
      tpu.wait_indirect_dma semaphore(%run_scoped3A_65 : memref<!tpu.dma_semaphore, #tpu.memory_space<semaphore_mem>>) src(%dma_wait3A_75 : memref<125x32xf32, #tpu.memory_space<vmem>>) dst(%dma_wait3A_81 : memref<10000x32xf32, #tpu.memory_space<vmem_shared>>)
      tpu.yield
    }) : () -> ()
    %run_scoped3A_29 = arith.constant 16 : i32
    "tpu.region"() ({
      %run_scoped3A_65 = tpu.sem_alloc : memref<!tpu.dma_semaphore, #tpu.memory_space<semaphore_mem>>
      %dma_start3A = arith.constant 2000 : i32
      %dma_start3A_66 = arith.constant 0 : i32
      %dma_start3A_67 = tpu.memref_slice %arg7[%dma_start3A, %dma_start3A_66] : memref<2500x32xf32, #tpu.memory_space<vmem>> -> memref<125x32xf32, #tpu.memory_space<vmem>>
      %dma_start3A_68 = arith.constant 0 : i32
      %dma_start3A_69 = tpu.memref_slice %arg6[%run_scoped3A_29, %dma_start3A_68] : memref<40x125xi32, #tpu.memory_space<vmem>> -> memref<1x125xi32, #tpu.memory_space<vmem>>
      %dma_start3A_70 = tpu.memref_squeeze %dma_start3A_69 : memref<1x125xi32, #tpu.memory_space<vmem>> -> memref<125xi32, #tpu.memory_space<vmem>>
      %dma_start3A_71 = arith.constant 0 : i32
      %dma_start3A_72 = arith.constant 0 : i32
      %dma_start3A_73 = tpu.memref_slice %arg8[%dma_start3A_71, %dma_start3A_72] : memref<10000x32xf32, #tpu.memory_space<vmem_shared>> -> memref<10000x32xf32, #tpu.memory_space<vmem_shared>>
      tpu.enqueue_indirect_dma source(%dma_start3A_67 : memref<125x32xf32, #tpu.memory_space<vmem>>) target(%dma_start3A_73 : memref<10000x32xf32, #tpu.memory_space<vmem_shared>>) offsets(%dma_start3A_70 : memref<125xi32, #tpu.memory_space<vmem>>) semaphore(%run_scoped3A_65 : memref<!tpu.dma_semaphore, #tpu.memory_space<semaphore_mem>>) {add = true}
      %dma_wait3A = arith.constant 2000 : i32
      %dma_wait3A_74 = arith.constant 0 : i32
      %dma_wait3A_75 = tpu.memref_slice %arg7[%dma_wait3A, %dma_wait3A_74] : memref<2500x32xf32, #tpu.memory_space<vmem>> -> memref<125x32xf32, #tpu.memory_space<vmem>>
      %dma_wait3A_76 = arith.constant 0 : i32
      %dma_wait3A_77 = tpu.memref_slice %arg6[%run_scoped3A_29, %dma_wait3A_76] : memref<40x125xi32, #tpu.memory_space<vmem>> -> memref<1x125xi32, #tpu.memory_space<vmem>>
      %dma_wait3A_78 = tpu.memref_squeeze %dma_wait3A_77 : memref<1x125xi32, #tpu.memory_space<vmem>> -> memref<125xi32, #tpu.memory_space<vmem>>
      %dma_wait3A_79 = arith.constant 0 : i32
      %dma_wait3A_80 = arith.constant 0 : i32
      %dma_wait3A_81 = tpu.memref_slice %arg8[%dma_wait3A_79, %dma_wait3A_80] : memref<10000x32xf32, #tpu.memory_space<vmem_shared>> -> memref<10000x32xf32, #tpu.memory_space<vmem_shared>>
      tpu.wait_indirect_dma semaphore(%run_scoped3A_65 : memref<!tpu.dma_semaphore, #tpu.memory_space<semaphore_mem>>) src(%dma_wait3A_75 : memref<125x32xf32, #tpu.memory_space<vmem>>) dst(%dma_wait3A_81 : memref<10000x32xf32, #tpu.memory_space<vmem_shared>>)
      tpu.yield
    }) : () -> ()
    %run_scoped3A_30 = arith.constant 17 : i32
    "tpu.region"() ({
      %run_scoped3A_65 = tpu.sem_alloc : memref<!tpu.dma_semaphore, #tpu.memory_space<semaphore_mem>>
      %dma_start3A = arith.constant 2125 : i32
      %dma_start3A_66 = arith.constant 0 : i32
      %dma_start3A_67 = tpu.memref_slice %arg7[%dma_start3A, %dma_start3A_66] : memref<2500x32xf32, #tpu.memory_space<vmem>> -> memref<125x32xf32, #tpu.memory_space<vmem>>
      %dma_start3A_68 = arith.constant 0 : i32
      %dma_start3A_69 = tpu.memref_slice %arg6[%run_scoped3A_30, %dma_start3A_68] : memref<40x125xi32, #tpu.memory_space<vmem>> -> memref<1x125xi32, #tpu.memory_space<vmem>>
      %dma_start3A_70 = tpu.memref_squeeze %dma_start3A_69 : memref<1x125xi32, #tpu.memory_space<vmem>> -> memref<125xi32, #tpu.memory_space<vmem>>
      %dma_start3A_71 = arith.constant 0 : i32
      %dma_start3A_72 = arith.constant 0 : i32
      %dma_start3A_73 = tpu.memref_slice %arg8[%dma_start3A_71, %dma_start3A_72] : memref<10000x32xf32, #tpu.memory_space<vmem_shared>> -> memref<10000x32xf32, #tpu.memory_space<vmem_shared>>
      tpu.enqueue_indirect_dma source(%dma_start3A_67 : memref<125x32xf32, #tpu.memory_space<vmem>>) target(%dma_start3A_73 : memref<10000x32xf32, #tpu.memory_space<vmem_shared>>) offsets(%dma_start3A_70 : memref<125xi32, #tpu.memory_space<vmem>>) semaphore(%run_scoped3A_65 : memref<!tpu.dma_semaphore, #tpu.memory_space<semaphore_mem>>) {add = true}
      %dma_wait3A = arith.constant 2125 : i32
      %dma_wait3A_74 = arith.constant 0 : i32
      %dma_wait3A_75 = tpu.memref_slice %arg7[%dma_wait3A, %dma_wait3A_74] : memref<2500x32xf32, #tpu.memory_space<vmem>> -> memref<125x32xf32, #tpu.memory_space<vmem>>
      %dma_wait3A_76 = arith.constant 0 : i32
      %dma_wait3A_77 = tpu.memref_slice %arg6[%run_scoped3A_30, %dma_wait3A_76] : memref<40x125xi32, #tpu.memory_space<vmem>> -> memref<1x125xi32, #tpu.memory_space<vmem>>
      %dma_wait3A_78 = tpu.memref_squeeze %dma_wait3A_77 : memref<1x125xi32, #tpu.memory_space<vmem>> -> memref<125xi32, #tpu.memory_space<vmem>>
      %dma_wait3A_79 = arith.constant 0 : i32
      %dma_wait3A_80 = arith.constant 0 : i32
      %dma_wait3A_81 = tpu.memref_slice %arg8[%dma_wait3A_79, %dma_wait3A_80] : memref<10000x32xf32, #tpu.memory_space<vmem_shared>> -> memref<10000x32xf32, #tpu.memory_space<vmem_shared>>
      tpu.wait_indirect_dma semaphore(%run_scoped3A_65 : memref<!tpu.dma_semaphore, #tpu.memory_space<semaphore_mem>>) src(%dma_wait3A_75 : memref<125x32xf32, #tpu.memory_space<vmem>>) dst(%dma_wait3A_81 : memref<10000x32xf32, #tpu.memory_space<vmem_shared>>)
      tpu.yield
    }) : () -> ()
    %run_scoped3A_31 = arith.constant 18 : i32
    "tpu.region"() ({
      %run_scoped3A_65 = tpu.sem_alloc : memref<!tpu.dma_semaphore, #tpu.memory_space<semaphore_mem>>
      %dma_start3A = arith.constant 2250 : i32
      %dma_start3A_66 = arith.constant 0 : i32
      %dma_start3A_67 = tpu.memref_slice %arg7[%dma_start3A, %dma_start3A_66] : memref<2500x32xf32, #tpu.memory_space<vmem>> -> memref<125x32xf32, #tpu.memory_space<vmem>>
      %dma_start3A_68 = arith.constant 0 : i32
      %dma_start3A_69 = tpu.memref_slice %arg6[%run_scoped3A_31, %dma_start3A_68] : memref<40x125xi32, #tpu.memory_space<vmem>> -> memref<1x125xi32, #tpu.memory_space<vmem>>
      %dma_start3A_70 = tpu.memref_squeeze %dma_start3A_69 : memref<1x125xi32, #tpu.memory_space<vmem>> -> memref<125xi32, #tpu.memory_space<vmem>>
      %dma_start3A_71 = arith.constant 0 : i32
      %dma_start3A_72 = arith.constant 0 : i32
      %dma_start3A_73 = tpu.memref_slice %arg8[%dma_start3A_71, %dma_start3A_72] : memref<10000x32xf32, #tpu.memory_space<vmem_shared>> -> memref<10000x32xf32, #tpu.memory_space<vmem_shared>>
      tpu.enqueue_indirect_dma source(%dma_start3A_67 : memref<125x32xf32, #tpu.memory_space<vmem>>) target(%dma_start3A_73 : memref<10000x32xf32, #tpu.memory_space<vmem_shared>>) offsets(%dma_start3A_70 : memref<125xi32, #tpu.memory_space<vmem>>) semaphore(%run_scoped3A_65 : memref<!tpu.dma_semaphore, #tpu.memory_space<semaphore_mem>>) {add = true}
      %dma_wait3A = arith.constant 2250 : i32
      %dma_wait3A_74 = arith.constant 0 : i32
      %dma_wait3A_75 = tpu.memref_slice %arg7[%dma_wait3A, %dma_wait3A_74] : memref<2500x32xf32, #tpu.memory_space<vmem>> -> memref<125x32xf32, #tpu.memory_space<vmem>>
      %dma_wait3A_76 = arith.constant 0 : i32
      %dma_wait3A_77 = tpu.memref_slice %arg6[%run_scoped3A_31, %dma_wait3A_76] : memref<40x125xi32, #tpu.memory_space<vmem>> -> memref<1x125xi32, #tpu.memory_space<vmem>>
      %dma_wait3A_78 = tpu.memref_squeeze %dma_wait3A_77 : memref<1x125xi32, #tpu.memory_space<vmem>> -> memref<125xi32, #tpu.memory_space<vmem>>
      %dma_wait3A_79 = arith.constant 0 : i32
      %dma_wait3A_80 = arith.constant 0 : i32
      %dma_wait3A_81 = tpu.memref_slice %arg8[%dma_wait3A_79, %dma_wait3A_80] : memref<10000x32xf32, #tpu.memory_space<vmem_shared>> -> memref<10000x32xf32, #tpu.memory_space<vmem_shared>>
      tpu.wait_indirect_dma semaphore(%run_scoped3A_65 : memref<!tpu.dma_semaphore, #tpu.memory_space<semaphore_mem>>) src(%dma_wait3A_75 : memref<125x32xf32, #tpu.memory_space<vmem>>) dst(%dma_wait3A_81 : memref<10000x32xf32, #tpu.memory_space<vmem_shared>>)
      tpu.yield
    }) : () -> ()
    %run_scoped3A_32 = arith.constant 19 : i32
    "tpu.region"() ({
      %run_scoped3A_65 = tpu.sem_alloc : memref<!tpu.dma_semaphore, #tpu.memory_space<semaphore_mem>>
      %dma_start3A = arith.constant 2375 : i32
      %dma_start3A_66 = arith.constant 0 : i32
      %dma_start3A_67 = tpu.memref_slice %arg7[%dma_start3A, %dma_start3A_66] : memref<2500x32xf32, #tpu.memory_space<vmem>> -> memref<125x32xf32, #tpu.memory_space<vmem>>
      %dma_start3A_68 = arith.constant 0 : i32
      %dma_start3A_69 = tpu.memref_slice %arg6[%run_scoped3A_32, %dma_start3A_68] : memref<40x125xi32, #tpu.memory_space<vmem>> -> memref<1x125xi32, #tpu.memory_space<vmem>>
      %dma_start3A_70 = tpu.memref_squeeze %dma_start3A_69 : memref<1x125xi32, #tpu.memory_space<vmem>> -> memref<125xi32, #tpu.memory_space<vmem>>
      %dma_start3A_71 = arith.constant 0 : i32
      %dma_start3A_72 = arith.constant 0 : i32
      %dma_start3A_73 = tpu.memref_slice %arg8[%dma_start3A_71, %dma_start3A_72] : memref<10000x32xf32, #tpu.memory_space<vmem_shared>> -> memref<10000x32xf32, #tpu.memory_space<vmem_shared>>
      tpu.enqueue_indirect_dma source(%dma_start3A_67 : memref<125x32xf32, #tpu.memory_space<vmem>>) target(%dma_start3A_73 : memref<10000x32xf32, #tpu.memory_space<vmem_shared>>) offsets(%dma_start3A_70 : memref<125xi32, #tpu.memory_space<vmem>>) semaphore(%run_scoped3A_65 : memref<!tpu.dma_semaphore, #tpu.memory_space<semaphore_mem>>) {add = true}
      %dma_wait3A = arith.constant 2375 : i32
      %dma_wait3A_74 = arith.constant 0 : i32
      %dma_wait3A_75 = tpu.memref_slice %arg7[%dma_wait3A, %dma_wait3A_74] : memref<2500x32xf32, #tpu.memory_space<vmem>> -> memref<125x32xf32, #tpu.memory_space<vmem>>
      %dma_wait3A_76 = arith.constant 0 : i32
      %dma_wait3A_77 = tpu.memref_slice %arg6[%run_scoped3A_32, %dma_wait3A_76] : memref<40x125xi32, #tpu.memory_space<vmem>> -> memref<1x125xi32, #tpu.memory_space<vmem>>
      %dma_wait3A_78 = tpu.memref_squeeze %dma_wait3A_77 : memref<1x125xi32, #tpu.memory_space<vmem>> -> memref<125xi32, #tpu.memory_space<vmem>>
      %dma_wait3A_79 = arith.constant 0 : i32
      %dma_wait3A_80 = arith.constant 0 : i32
      %dma_wait3A_81 = tpu.memref_slice %arg8[%dma_wait3A_79, %dma_wait3A_80] : memref<10000x32xf32, #tpu.memory_space<vmem_shared>> -> memref<10000x32xf32, #tpu.memory_space<vmem_shared>>
      tpu.wait_indirect_dma semaphore(%run_scoped3A_65 : memref<!tpu.dma_semaphore, #tpu.memory_space<semaphore_mem>>) src(%dma_wait3A_75 : memref<125x32xf32, #tpu.memory_space<vmem>>) dst(%dma_wait3A_81 : memref<10000x32xf32, #tpu.memory_space<vmem_shared>>)
      tpu.yield
    }) : () -> ()
    %mul3A_33 = arith.constant 5000 : i32
    %mul3A_34 = arith.muli %add3A, %mul3A_33 : i32
    %add3A_35 = arith.constant 2500 : i32
    %add3A_36 = arith.addi %mul3A_34, %add3A_35 : i32
    "tpu.region"() ({
      %run_scoped3A_65 = tpu.sem_alloc : memref<!tpu.dma_semaphore, #tpu.memory_space<semaphore_mem>>
      %dma_start3A = arith.constant 0 : i32
      %dma_start3A_66 = tpu.memref_slice %arg2[%add3A_36, %dma_start3A] : memref<160000x32xf32, #tpu.memory_space<hbm>> -> memref<2500x32xf32, #tpu.memory_space<hbm>>
      %dma_start3A_67 = arith.constant 0 : i32
      %dma_start3A_68 = tpu.memref_slice %arg2[%add3A_36, %dma_start3A_67] : memref<160000x32xf32, #tpu.memory_space<hbm>> -> memref<2500x32xf32, #tpu.memory_space<hbm>>
      tpu.enqueue_dma source(%dma_start3A_68 : memref<2500x32xf32, #tpu.memory_space<hbm>>) target(%arg7 : memref<2500x32xf32, #tpu.memory_space<vmem>>) target_semaphore(%run_scoped3A_65 : memref<!tpu.dma_semaphore, #tpu.memory_space<semaphore_mem>>)
      %dma_wait3A = arith.constant 0 : i32
      %dma_wait3A_69 = tpu.memref_slice %arg2[%add3A_36, %dma_wait3A] : memref<160000x32xf32, #tpu.memory_space<hbm>> -> memref<2500x32xf32, #tpu.memory_space<hbm>>
      %dma_wait3A_70 = arith.constant 0 : i32
      %dma_wait3A_71 = tpu.memref_slice %arg2[%add3A_36, %dma_wait3A_70] : memref<160000x32xf32, #tpu.memory_space<hbm>> -> memref<2500x32xf32, #tpu.memory_space<hbm>>
      tpu.wait_dma2 semaphore(%run_scoped3A_65 : memref<!tpu.dma_semaphore, #tpu.memory_space<semaphore_mem>>) src(%dma_wait3A_71 : memref<2500x32xf32, #tpu.memory_space<hbm>>) dst(%arg7 : memref<2500x32xf32, #tpu.memory_space<vmem>>)
      tpu.yield
    }) : () -> ()
    %run_scoped3A_37 = arith.constant 20 : i32
    "tpu.region"() ({
      %run_scoped3A_65 = tpu.sem_alloc : memref<!tpu.dma_semaphore, #tpu.memory_space<semaphore_mem>>
      %dma_start3A = arith.constant 0 : i32
      %dma_start3A_66 = arith.constant 0 : i32
      %dma_start3A_67 = tpu.memref_slice %arg7[%dma_start3A, %dma_start3A_66] : memref<2500x32xf32, #tpu.memory_space<vmem>> -> memref<125x32xf32, #tpu.memory_space<vmem>>
      %dma_start3A_68 = arith.constant 0 : i32
      %dma_start3A_69 = tpu.memref_slice %arg6[%run_scoped3A_37, %dma_start3A_68] : memref<40x125xi32, #tpu.memory_space<vmem>> -> memref<1x125xi32, #tpu.memory_space<vmem>>
      %dma_start3A_70 = tpu.memref_squeeze %dma_start3A_69 : memref<1x125xi32, #tpu.memory_space<vmem>> -> memref<125xi32, #tpu.memory_space<vmem>>
      %dma_start3A_71 = arith.constant 0 : i32
      %dma_start3A_72 = arith.constant 0 : i32
      %dma_start3A_73 = tpu.memref_slice %arg8[%dma_start3A_71, %dma_start3A_72] : memref<10000x32xf32, #tpu.memory_space<vmem_shared>> -> memref<10000x32xf32, #tpu.memory_space<vmem_shared>>
      tpu.enqueue_indirect_dma source(%dma_start3A_67 : memref<125x32xf32, #tpu.memory_space<vmem>>) target(%dma_start3A_73 : memref<10000x32xf32, #tpu.memory_space<vmem_shared>>) offsets(%dma_start3A_70 : memref<125xi32, #tpu.memory_space<vmem>>) semaphore(%run_scoped3A_65 : memref<!tpu.dma_semaphore, #tpu.memory_space<semaphore_mem>>) {add = true}
      %dma_wait3A = arith.constant 0 : i32
      %dma_wait3A_74 = arith.constant 0 : i32
      %dma_wait3A_75 = tpu.memref_slice %arg7[%dma_wait3A, %dma_wait3A_74] : memref<2500x32xf32, #tpu.memory_space<vmem>> -> memref<125x32xf32, #tpu.memory_space<vmem>>
      %dma_wait3A_76 = arith.constant 0 : i32
      %dma_wait3A_77 = tpu.memref_slice %arg6[%run_scoped3A_37, %dma_wait3A_76] : memref<40x125xi32, #tpu.memory_space<vmem>> -> memref<1x125xi32, #tpu.memory_space<vmem>>
      %dma_wait3A_78 = tpu.memref_squeeze %dma_wait3A_77 : memref<1x125xi32, #tpu.memory_space<vmem>> -> memref<125xi32, #tpu.memory_space<vmem>>
      %dma_wait3A_79 = arith.constant 0 : i32
      %dma_wait3A_80 = arith.constant 0 : i32
      %dma_wait3A_81 = tpu.memref_slice %arg8[%dma_wait3A_79, %dma_wait3A_80] : memref<10000x32xf32, #tpu.memory_space<vmem_shared>> -> memref<10000x32xf32, #tpu.memory_space<vmem_shared>>
      tpu.wait_indirect_dma semaphore(%run_scoped3A_65 : memref<!tpu.dma_semaphore, #tpu.memory_space<semaphore_mem>>) src(%dma_wait3A_75 : memref<125x32xf32, #tpu.memory_space<vmem>>) dst(%dma_wait3A_81 : memref<10000x32xf32, #tpu.memory_space<vmem_shared>>)
      tpu.yield
    }) : () -> ()
    %run_scoped3A_38 = arith.constant 21 : i32
    "tpu.region"() ({
      %run_scoped3A_65 = tpu.sem_alloc : memref<!tpu.dma_semaphore, #tpu.memory_space<semaphore_mem>>
      %dma_start3A = arith.constant 125 : i32
      %dma_start3A_66 = arith.constant 0 : i32
      %dma_start3A_67 = tpu.memref_slice %arg7[%dma_start3A, %dma_start3A_66] : memref<2500x32xf32, #tpu.memory_space<vmem>> -> memref<125x32xf32, #tpu.memory_space<vmem>>
      %dma_start3A_68 = arith.constant 0 : i32
      %dma_start3A_69 = tpu.memref_slice %arg6[%run_scoped3A_38, %dma_start3A_68] : memref<40x125xi32, #tpu.memory_space<vmem>> -> memref<1x125xi32, #tpu.memory_space<vmem>>
      %dma_start3A_70 = tpu.memref_squeeze %dma_start3A_69 : memref<1x125xi32, #tpu.memory_space<vmem>> -> memref<125xi32, #tpu.memory_space<vmem>>
      %dma_start3A_71 = arith.constant 0 : i32
      %dma_start3A_72 = arith.constant 0 : i32
      %dma_start3A_73 = tpu.memref_slice %arg8[%dma_start3A_71, %dma_start3A_72] : memref<10000x32xf32, #tpu.memory_space<vmem_shared>> -> memref<10000x32xf32, #tpu.memory_space<vmem_shared>>
      tpu.enqueue_indirect_dma source(%dma_start3A_67 : memref<125x32xf32, #tpu.memory_space<vmem>>) target(%dma_start3A_73 : memref<10000x32xf32, #tpu.memory_space<vmem_shared>>) offsets(%dma_start3A_70 : memref<125xi32, #tpu.memory_space<vmem>>) semaphore(%run_scoped3A_65 : memref<!tpu.dma_semaphore, #tpu.memory_space<semaphore_mem>>) {add = true}
      %dma_wait3A = arith.constant 125 : i32
      %dma_wait3A_74 = arith.constant 0 : i32
      %dma_wait3A_75 = tpu.memref_slice %arg7[%dma_wait3A, %dma_wait3A_74] : memref<2500x32xf32, #tpu.memory_space<vmem>> -> memref<125x32xf32, #tpu.memory_space<vmem>>
      %dma_wait3A_76 = arith.constant 0 : i32
      %dma_wait3A_77 = tpu.memref_slice %arg6[%run_scoped3A_38, %dma_wait3A_76] : memref<40x125xi32, #tpu.memory_space<vmem>> -> memref<1x125xi32, #tpu.memory_space<vmem>>
      %dma_wait3A_78 = tpu.memref_squeeze %dma_wait3A_77 : memref<1x125xi32, #tpu.memory_space<vmem>> -> memref<125xi32, #tpu.memory_space<vmem>>
      %dma_wait3A_79 = arith.constant 0 : i32
      %dma_wait3A_80 = arith.constant 0 : i32
      %dma_wait3A_81 = tpu.memref_slice %arg8[%dma_wait3A_79, %dma_wait3A_80] : memref<10000x32xf32, #tpu.memory_space<vmem_shared>> -> memref<10000x32xf32, #tpu.memory_space<vmem_shared>>
      tpu.wait_indirect_dma semaphore(%run_scoped3A_65 : memref<!tpu.dma_semaphore, #tpu.memory_space<semaphore_mem>>) src(%dma_wait3A_75 : memref<125x32xf32, #tpu.memory_space<vmem>>) dst(%dma_wait3A_81 : memref<10000x32xf32, #tpu.memory_space<vmem_shared>>)
      tpu.yield
    }) : () -> ()
    %run_scoped3A_39 = arith.constant 22 : i32
    "tpu.region"() ({
      %run_scoped3A_65 = tpu.sem_alloc : memref<!tpu.dma_semaphore, #tpu.memory_space<semaphore_mem>>
      %dma_start3A = arith.constant 250 : i32
      %dma_start3A_66 = arith.constant 0 : i32
      %dma_start3A_67 = tpu.memref_slice %arg7[%dma_start3A, %dma_start3A_66] : memref<2500x32xf32, #tpu.memory_space<vmem>> -> memref<125x32xf32, #tpu.memory_space<vmem>>
      %dma_start3A_68 = arith.constant 0 : i32
      %dma_start3A_69 = tpu.memref_slice %arg6[%run_scoped3A_39, %dma_start3A_68] : memref<40x125xi32, #tpu.memory_space<vmem>> -> memref<1x125xi32, #tpu.memory_space<vmem>>
      %dma_start3A_70 = tpu.memref_squeeze %dma_start3A_69 : memref<1x125xi32, #tpu.memory_space<vmem>> -> memref<125xi32, #tpu.memory_space<vmem>>
      %dma_start3A_71 = arith.constant 0 : i32
      %dma_start3A_72 = arith.constant 0 : i32
      %dma_start3A_73 = tpu.memref_slice %arg8[%dma_start3A_71, %dma_start3A_72] : memref<10000x32xf32, #tpu.memory_space<vmem_shared>> -> memref<10000x32xf32, #tpu.memory_space<vmem_shared>>
      tpu.enqueue_indirect_dma source(%dma_start3A_67 : memref<125x32xf32, #tpu.memory_space<vmem>>) target(%dma_start3A_73 : memref<10000x32xf32, #tpu.memory_space<vmem_shared>>) offsets(%dma_start3A_70 : memref<125xi32, #tpu.memory_space<vmem>>) semaphore(%run_scoped3A_65 : memref<!tpu.dma_semaphore, #tpu.memory_space<semaphore_mem>>) {add = true}
      %dma_wait3A = arith.constant 250 : i32
      %dma_wait3A_74 = arith.constant 0 : i32
      %dma_wait3A_75 = tpu.memref_slice %arg7[%dma_wait3A, %dma_wait3A_74] : memref<2500x32xf32, #tpu.memory_space<vmem>> -> memref<125x32xf32, #tpu.memory_space<vmem>>
      %dma_wait3A_76 = arith.constant 0 : i32
      %dma_wait3A_77 = tpu.memref_slice %arg6[%run_scoped3A_39, %dma_wait3A_76] : memref<40x125xi32, #tpu.memory_space<vmem>> -> memref<1x125xi32, #tpu.memory_space<vmem>>
      %dma_wait3A_78 = tpu.memref_squeeze %dma_wait3A_77 : memref<1x125xi32, #tpu.memory_space<vmem>> -> memref<125xi32, #tpu.memory_space<vmem>>
      %dma_wait3A_79 = arith.constant 0 : i32
      %dma_wait3A_80 = arith.constant 0 : i32
      %dma_wait3A_81 = tpu.memref_slice %arg8[%dma_wait3A_79, %dma_wait3A_80] : memref<10000x32xf32, #tpu.memory_space<vmem_shared>> -> memref<10000x32xf32, #tpu.memory_space<vmem_shared>>
      tpu.wait_indirect_dma semaphore(%run_scoped3A_65 : memref<!tpu.dma_semaphore, #tpu.memory_space<semaphore_mem>>) src(%dma_wait3A_75 : memref<125x32xf32, #tpu.memory_space<vmem>>) dst(%dma_wait3A_81 : memref<10000x32xf32, #tpu.memory_space<vmem_shared>>)
      tpu.yield
    }) : () -> ()
    %run_scoped3A_40 = arith.constant 23 : i32
    "tpu.region"() ({
      %run_scoped3A_65 = tpu.sem_alloc : memref<!tpu.dma_semaphore, #tpu.memory_space<semaphore_mem>>
      %dma_start3A = arith.constant 375 : i32
      %dma_start3A_66 = arith.constant 0 : i32
      %dma_start3A_67 = tpu.memref_slice %arg7[%dma_start3A, %dma_start3A_66] : memref<2500x32xf32, #tpu.memory_space<vmem>> -> memref<125x32xf32, #tpu.memory_space<vmem>>
      %dma_start3A_68 = arith.constant 0 : i32
      %dma_start3A_69 = tpu.memref_slice %arg6[%run_scoped3A_40, %dma_start3A_68] : memref<40x125xi32, #tpu.memory_space<vmem>> -> memref<1x125xi32, #tpu.memory_space<vmem>>
      %dma_start3A_70 = tpu.memref_squeeze %dma_start3A_69 : memref<1x125xi32, #tpu.memory_space<vmem>> -> memref<125xi32, #tpu.memory_space<vmem>>
      %dma_start3A_71 = arith.constant 0 : i32
      %dma_start3A_72 = arith.constant 0 : i32
      %dma_start3A_73 = tpu.memref_slice %arg8[%dma_start3A_71, %dma_start3A_72] : memref<10000x32xf32, #tpu.memory_space<vmem_shared>> -> memref<10000x32xf32, #tpu.memory_space<vmem_shared>>
      tpu.enqueue_indirect_dma source(%dma_start3A_67 : memref<125x32xf32, #tpu.memory_space<vmem>>) target(%dma_start3A_73 : memref<10000x32xf32, #tpu.memory_space<vmem_shared>>) offsets(%dma_start3A_70 : memref<125xi32, #tpu.memory_space<vmem>>) semaphore(%run_scoped3A_65 : memref<!tpu.dma_semaphore, #tpu.memory_space<semaphore_mem>>) {add = true}
      %dma_wait3A = arith.constant 375 : i32
      %dma_wait3A_74 = arith.constant 0 : i32
      %dma_wait3A_75 = tpu.memref_slice %arg7[%dma_wait3A, %dma_wait3A_74] : memref<2500x32xf32, #tpu.memory_space<vmem>> -> memref<125x32xf32, #tpu.memory_space<vmem>>
      %dma_wait3A_76 = arith.constant 0 : i32
      %dma_wait3A_77 = tpu.memref_slice %arg6[%run_scoped3A_40, %dma_wait3A_76] : memref<40x125xi32, #tpu.memory_space<vmem>> -> memref<1x125xi32, #tpu.memory_space<vmem>>
      %dma_wait3A_78 = tpu.memref_squeeze %dma_wait3A_77 : memref<1x125xi32, #tpu.memory_space<vmem>> -> memref<125xi32, #tpu.memory_space<vmem>>
      %dma_wait3A_79 = arith.constant 0 : i32
      %dma_wait3A_80 = arith.constant 0 : i32
      %dma_wait3A_81 = tpu.memref_slice %arg8[%dma_wait3A_79, %dma_wait3A_80] : memref<10000x32xf32, #tpu.memory_space<vmem_shared>> -> memref<10000x32xf32, #tpu.memory_space<vmem_shared>>
      tpu.wait_indirect_dma semaphore(%run_scoped3A_65 : memref<!tpu.dma_semaphore, #tpu.memory_space<semaphore_mem>>) src(%dma_wait3A_75 : memref<125x32xf32, #tpu.memory_space<vmem>>) dst(%dma_wait3A_81 : memref<10000x32xf32, #tpu.memory_space<vmem_shared>>)
      tpu.yield
    }) : () -> ()
    %run_scoped3A_41 = arith.constant 24 : i32
    "tpu.region"() ({
      %run_scoped3A_65 = tpu.sem_alloc : memref<!tpu.dma_semaphore, #tpu.memory_space<semaphore_mem>>
      %dma_start3A = arith.constant 500 : i32
      %dma_start3A_66 = arith.constant 0 : i32
      %dma_start3A_67 = tpu.memref_slice %arg7[%dma_start3A, %dma_start3A_66] : memref<2500x32xf32, #tpu.memory_space<vmem>> -> memref<125x32xf32, #tpu.memory_space<vmem>>
      %dma_start3A_68 = arith.constant 0 : i32
      %dma_start3A_69 = tpu.memref_slice %arg6[%run_scoped3A_41, %dma_start3A_68] : memref<40x125xi32, #tpu.memory_space<vmem>> -> memref<1x125xi32, #tpu.memory_space<vmem>>
      %dma_start3A_70 = tpu.memref_squeeze %dma_start3A_69 : memref<1x125xi32, #tpu.memory_space<vmem>> -> memref<125xi32, #tpu.memory_space<vmem>>
      %dma_start3A_71 = arith.constant 0 : i32
      %dma_start3A_72 = arith.constant 0 : i32
      %dma_start3A_73 = tpu.memref_slice %arg8[%dma_start3A_71, %dma_start3A_72] : memref<10000x32xf32, #tpu.memory_space<vmem_shared>> -> memref<10000x32xf32, #tpu.memory_space<vmem_shared>>
      tpu.enqueue_indirect_dma source(%dma_start3A_67 : memref<125x32xf32, #tpu.memory_space<vmem>>) target(%dma_start3A_73 : memref<10000x32xf32, #tpu.memory_space<vmem_shared>>) offsets(%dma_start3A_70 : memref<125xi32, #tpu.memory_space<vmem>>) semaphore(%run_scoped3A_65 : memref<!tpu.dma_semaphore, #tpu.memory_space<semaphore_mem>>) {add = true}
      %dma_wait3A = arith.constant 500 : i32
      %dma_wait3A_74 = arith.constant 0 : i32
      %dma_wait3A_75 = tpu.memref_slice %arg7[%dma_wait3A, %dma_wait3A_74] : memref<2500x32xf32, #tpu.memory_space<vmem>> -> memref<125x32xf32, #tpu.memory_space<vmem>>
      %dma_wait3A_76 = arith.constant 0 : i32
      %dma_wait3A_77 = tpu.memref_slice %arg6[%run_scoped3A_41, %dma_wait3A_76] : memref<40x125xi32, #tpu.memory_space<vmem>> -> memref<1x125xi32, #tpu.memory_space<vmem>>
      %dma_wait3A_78 = tpu.memref_squeeze %dma_wait3A_77 : memref<1x125xi32, #tpu.memory_space<vmem>> -> memref<125xi32, #tpu.memory_space<vmem>>
      %dma_wait3A_79 = arith.constant 0 : i32
      %dma_wait3A_80 = arith.constant 0 : i32
      %dma_wait3A_81 = tpu.memref_slice %arg8[%dma_wait3A_79, %dma_wait3A_80] : memref<10000x32xf32, #tpu.memory_space<vmem_shared>> -> memref<10000x32xf32, #tpu.memory_space<vmem_shared>>
      tpu.wait_indirect_dma semaphore(%run_scoped3A_65 : memref<!tpu.dma_semaphore, #tpu.memory_space<semaphore_mem>>) src(%dma_wait3A_75 : memref<125x32xf32, #tpu.memory_space<vmem>>) dst(%dma_wait3A_81 : memref<10000x32xf32, #tpu.memory_space<vmem_shared>>)
      tpu.yield
    }) : () -> ()
    %run_scoped3A_42 = arith.constant 25 : i32
    "tpu.region"() ({
      %run_scoped3A_65 = tpu.sem_alloc : memref<!tpu.dma_semaphore, #tpu.memory_space<semaphore_mem>>
      %dma_start3A = arith.constant 625 : i32
      %dma_start3A_66 = arith.constant 0 : i32
      %dma_start3A_67 = tpu.memref_slice %arg7[%dma_start3A, %dma_start3A_66] : memref<2500x32xf32, #tpu.memory_space<vmem>> -> memref<125x32xf32, #tpu.memory_space<vmem>>
      %dma_start3A_68 = arith.constant 0 : i32
      %dma_start3A_69 = tpu.memref_slice %arg6[%run_scoped3A_42, %dma_start3A_68] : memref<40x125xi32, #tpu.memory_space<vmem>> -> memref<1x125xi32, #tpu.memory_space<vmem>>
      %dma_start3A_70 = tpu.memref_squeeze %dma_start3A_69 : memref<1x125xi32, #tpu.memory_space<vmem>> -> memref<125xi32, #tpu.memory_space<vmem>>
      %dma_start3A_71 = arith.constant 0 : i32
      %dma_start3A_72 = arith.constant 0 : i32
      %dma_start3A_73 = tpu.memref_slice %arg8[%dma_start3A_71, %dma_start3A_72] : memref<10000x32xf32, #tpu.memory_space<vmem_shared>> -> memref<10000x32xf32, #tpu.memory_space<vmem_shared>>
      tpu.enqueue_indirect_dma source(%dma_start3A_67 : memref<125x32xf32, #tpu.memory_space<vmem>>) target(%dma_start3A_73 : memref<10000x32xf32, #tpu.memory_space<vmem_shared>>) offsets(%dma_start3A_70 : memref<125xi32, #tpu.memory_space<vmem>>) semaphore(%run_scoped3A_65 : memref<!tpu.dma_semaphore, #tpu.memory_space<semaphore_mem>>) {add = true}
      %dma_wait3A = arith.constant 625 : i32
      %dma_wait3A_74 = arith.constant 0 : i32
      %dma_wait3A_75 = tpu.memref_slice %arg7[%dma_wait3A, %dma_wait3A_74] : memref<2500x32xf32, #tpu.memory_space<vmem>> -> memref<125x32xf32, #tpu.memory_space<vmem>>
      %dma_wait3A_76 = arith.constant 0 : i32
      %dma_wait3A_77 = tpu.memref_slice %arg6[%run_scoped3A_42, %dma_wait3A_76] : memref<40x125xi32, #tpu.memory_space<vmem>> -> memref<1x125xi32, #tpu.memory_space<vmem>>
      %dma_wait3A_78 = tpu.memref_squeeze %dma_wait3A_77 : memref<1x125xi32, #tpu.memory_space<vmem>> -> memref<125xi32, #tpu.memory_space<vmem>>
      %dma_wait3A_79 = arith.constant 0 : i32
      %dma_wait3A_80 = arith.constant 0 : i32
      %dma_wait3A_81 = tpu.memref_slice %arg8[%dma_wait3A_79, %dma_wait3A_80] : memref<10000x32xf32, #tpu.memory_space<vmem_shared>> -> memref<10000x32xf32, #tpu.memory_space<vmem_shared>>
      tpu.wait_indirect_dma semaphore(%run_scoped3A_65 : memref<!tpu.dma_semaphore, #tpu.memory_space<semaphore_mem>>) src(%dma_wait3A_75 : memref<125x32xf32, #tpu.memory_space<vmem>>) dst(%dma_wait3A_81 : memref<10000x32xf32, #tpu.memory_space<vmem_shared>>)
      tpu.yield
    }) : () -> ()
    %run_scoped3A_43 = arith.constant 26 : i32
    "tpu.region"() ({
      %run_scoped3A_65 = tpu.sem_alloc : memref<!tpu.dma_semaphore, #tpu.memory_space<semaphore_mem>>
      %dma_start3A = arith.constant 750 : i32
      %dma_start3A_66 = arith.constant 0 : i32
      %dma_start3A_67 = tpu.memref_slice %arg7[%dma_start3A, %dma_start3A_66] : memref<2500x32xf32, #tpu.memory_space<vmem>> -> memref<125x32xf32, #tpu.memory_space<vmem>>
      %dma_start3A_68 = arith.constant 0 : i32
      %dma_start3A_69 = tpu.memref_slice %arg6[%run_scoped3A_43, %dma_start3A_68] : memref<40x125xi32, #tpu.memory_space<vmem>> -> memref<1x125xi32, #tpu.memory_space<vmem>>
      %dma_start3A_70 = tpu.memref_squeeze %dma_start3A_69 : memref<1x125xi32, #tpu.memory_space<vmem>> -> memref<125xi32, #tpu.memory_space<vmem>>
      %dma_start3A_71 = arith.constant 0 : i32
      %dma_start3A_72 = arith.constant 0 : i32
      %dma_start3A_73 = tpu.memref_slice %arg8[%dma_start3A_71, %dma_start3A_72] : memref<10000x32xf32, #tpu.memory_space<vmem_shared>> -> memref<10000x32xf32, #tpu.memory_space<vmem_shared>>
      tpu.enqueue_indirect_dma source(%dma_start3A_67 : memref<125x32xf32, #tpu.memory_space<vmem>>) target(%dma_start3A_73 : memref<10000x32xf32, #tpu.memory_space<vmem_shared>>) offsets(%dma_start3A_70 : memref<125xi32, #tpu.memory_space<vmem>>) semaphore(%run_scoped3A_65 : memref<!tpu.dma_semaphore, #tpu.memory_space<semaphore_mem>>) {add = true}
      %dma_wait3A = arith.constant 750 : i32
      %dma_wait3A_74 = arith.constant 0 : i32
      %dma_wait3A_75 = tpu.memref_slice %arg7[%dma_wait3A, %dma_wait3A_74] : memref<2500x32xf32, #tpu.memory_space<vmem>> -> memref<125x32xf32, #tpu.memory_space<vmem>>
      %dma_wait3A_76 = arith.constant 0 : i32
      %dma_wait3A_77 = tpu.memref_slice %arg6[%run_scoped3A_43, %dma_wait3A_76] : memref<40x125xi32, #tpu.memory_space<vmem>> -> memref<1x125xi32, #tpu.memory_space<vmem>>
      %dma_wait3A_78 = tpu.memref_squeeze %dma_wait3A_77 : memref<1x125xi32, #tpu.memory_space<vmem>> -> memref<125xi32, #tpu.memory_space<vmem>>
      %dma_wait3A_79 = arith.constant 0 : i32
      %dma_wait3A_80 = arith.constant 0 : i32
      %dma_wait3A_81 = tpu.memref_slice %arg8[%dma_wait3A_79, %dma_wait3A_80] : memref<10000x32xf32, #tpu.memory_space<vmem_shared>> -> memref<10000x32xf32, #tpu.memory_space<vmem_shared>>
      tpu.wait_indirect_dma semaphore(%run_scoped3A_65 : memref<!tpu.dma_semaphore, #tpu.memory_space<semaphore_mem>>) src(%dma_wait3A_75 : memref<125x32xf32, #tpu.memory_space<vmem>>) dst(%dma_wait3A_81 : memref<10000x32xf32, #tpu.memory_space<vmem_shared>>)
      tpu.yield
    }) : () -> ()
    %run_scoped3A_44 = arith.constant 27 : i32
    "tpu.region"() ({
      %run_scoped3A_65 = tpu.sem_alloc : memref<!tpu.dma_semaphore, #tpu.memory_space<semaphore_mem>>
      %dma_start3A = arith.constant 875 : i32
      %dma_start3A_66 = arith.constant 0 : i32
      %dma_start3A_67 = tpu.memref_slice %arg7[%dma_start3A, %dma_start3A_66] : memref<2500x32xf32, #tpu.memory_space<vmem>> -> memref<125x32xf32, #tpu.memory_space<vmem>>
      %dma_start3A_68 = arith.constant 0 : i32
      %dma_start3A_69 = tpu.memref_slice %arg6[%run_scoped3A_44, %dma_start3A_68] : memref<40x125xi32, #tpu.memory_space<vmem>> -> memref<1x125xi32, #tpu.memory_space<vmem>>
      %dma_start3A_70 = tpu.memref_squeeze %dma_start3A_69 : memref<1x125xi32, #tpu.memory_space<vmem>> -> memref<125xi32, #tpu.memory_space<vmem>>
      %dma_start3A_71 = arith.constant 0 : i32
      %dma_start3A_72 = arith.constant 0 : i32
      %dma_start3A_73 = tpu.memref_slice %arg8[%dma_start3A_71, %dma_start3A_72] : memref<10000x32xf32, #tpu.memory_space<vmem_shared>> -> memref<10000x32xf32, #tpu.memory_space<vmem_shared>>
      tpu.enqueue_indirect_dma source(%dma_start3A_67 : memref<125x32xf32, #tpu.memory_space<vmem>>) target(%dma_start3A_73 : memref<10000x32xf32, #tpu.memory_space<vmem_shared>>) offsets(%dma_start3A_70 : memref<125xi32, #tpu.memory_space<vmem>>) semaphore(%run_scoped3A_65 : memref<!tpu.dma_semaphore, #tpu.memory_space<semaphore_mem>>) {add = true}
      %dma_wait3A = arith.constant 875 : i32
      %dma_wait3A_74 = arith.constant 0 : i32
      %dma_wait3A_75 = tpu.memref_slice %arg7[%dma_wait3A, %dma_wait3A_74] : memref<2500x32xf32, #tpu.memory_space<vmem>> -> memref<125x32xf32, #tpu.memory_space<vmem>>
      %dma_wait3A_76 = arith.constant 0 : i32
      %dma_wait3A_77 = tpu.memref_slice %arg6[%run_scoped3A_44, %dma_wait3A_76] : memref<40x125xi32, #tpu.memory_space<vmem>> -> memref<1x125xi32, #tpu.memory_space<vmem>>
      %dma_wait3A_78 = tpu.memref_squeeze %dma_wait3A_77 : memref<1x125xi32, #tpu.memory_space<vmem>> -> memref<125xi32, #tpu.memory_space<vmem>>
      %dma_wait3A_79 = arith.constant 0 : i32
      %dma_wait3A_80 = arith.constant 0 : i32
      %dma_wait3A_81 = tpu.memref_slice %arg8[%dma_wait3A_79, %dma_wait3A_80] : memref<10000x32xf32, #tpu.memory_space<vmem_shared>> -> memref<10000x32xf32, #tpu.memory_space<vmem_shared>>
      tpu.wait_indirect_dma semaphore(%run_scoped3A_65 : memref<!tpu.dma_semaphore, #tpu.memory_space<semaphore_mem>>) src(%dma_wait3A_75 : memref<125x32xf32, #tpu.memory_space<vmem>>) dst(%dma_wait3A_81 : memref<10000x32xf32, #tpu.memory_space<vmem_shared>>)
      tpu.yield
    }) : () -> ()
    %run_scoped3A_45 = arith.constant 28 : i32
    "tpu.region"() ({
      %run_scoped3A_65 = tpu.sem_alloc : memref<!tpu.dma_semaphore, #tpu.memory_space<semaphore_mem>>
      %dma_start3A = arith.constant 1000 : i32
      %dma_start3A_66 = arith.constant 0 : i32
      %dma_start3A_67 = tpu.memref_slice %arg7[%dma_start3A, %dma_start3A_66] : memref<2500x32xf32, #tpu.memory_space<vmem>> -> memref<125x32xf32, #tpu.memory_space<vmem>>
      %dma_start3A_68 = arith.constant 0 : i32
      %dma_start3A_69 = tpu.memref_slice %arg6[%run_scoped3A_45, %dma_start3A_68] : memref<40x125xi32, #tpu.memory_space<vmem>> -> memref<1x125xi32, #tpu.memory_space<vmem>>
      %dma_start3A_70 = tpu.memref_squeeze %dma_start3A_69 : memref<1x125xi32, #tpu.memory_space<vmem>> -> memref<125xi32, #tpu.memory_space<vmem>>
      %dma_start3A_71 = arith.constant 0 : i32
      %dma_start3A_72 = arith.constant 0 : i32
      %dma_start3A_73 = tpu.memref_slice %arg8[%dma_start3A_71, %dma_start3A_72] : memref<10000x32xf32, #tpu.memory_space<vmem_shared>> -> memref<10000x32xf32, #tpu.memory_space<vmem_shared>>
      tpu.enqueue_indirect_dma source(%dma_start3A_67 : memref<125x32xf32, #tpu.memory_space<vmem>>) target(%dma_start3A_73 : memref<10000x32xf32, #tpu.memory_space<vmem_shared>>) offsets(%dma_start3A_70 : memref<125xi32, #tpu.memory_space<vmem>>) semaphore(%run_scoped3A_65 : memref<!tpu.dma_semaphore, #tpu.memory_space<semaphore_mem>>) {add = true}
      %dma_wait3A = arith.constant 1000 : i32
      %dma_wait3A_74 = arith.constant 0 : i32
      %dma_wait3A_75 = tpu.memref_slice %arg7[%dma_wait3A, %dma_wait3A_74] : memref<2500x32xf32, #tpu.memory_space<vmem>> -> memref<125x32xf32, #tpu.memory_space<vmem>>
      %dma_wait3A_76 = arith.constant 0 : i32
      %dma_wait3A_77 = tpu.memref_slice %arg6[%run_scoped3A_45, %dma_wait3A_76] : memref<40x125xi32, #tpu.memory_space<vmem>> -> memref<1x125xi32, #tpu.memory_space<vmem>>
      %dma_wait3A_78 = tpu.memref_squeeze %dma_wait3A_77 : memref<1x125xi32, #tpu.memory_space<vmem>> -> memref<125xi32, #tpu.memory_space<vmem>>
      %dma_wait3A_79 = arith.constant 0 : i32
      %dma_wait3A_80 = arith.constant 0 : i32
      %dma_wait3A_81 = tpu.memref_slice %arg8[%dma_wait3A_79, %dma_wait3A_80] : memref<10000x32xf32, #tpu.memory_space<vmem_shared>> -> memref<10000x32xf32, #tpu.memory_space<vmem_shared>>
      tpu.wait_indirect_dma semaphore(%run_scoped3A_65 : memref<!tpu.dma_semaphore, #tpu.memory_space<semaphore_mem>>) src(%dma_wait3A_75 : memref<125x32xf32, #tpu.memory_space<vmem>>) dst(%dma_wait3A_81 : memref<10000x32xf32, #tpu.memory_space<vmem_shared>>)
      tpu.yield
    }) : () -> ()
    %run_scoped3A_46 = arith.constant 29 : i32
    "tpu.region"() ({
      %run_scoped3A_65 = tpu.sem_alloc : memref<!tpu.dma_semaphore, #tpu.memory_space<semaphore_mem>>
      %dma_start3A = arith.constant 1125 : i32
      %dma_start3A_66 = arith.constant 0 : i32
      %dma_start3A_67 = tpu.memref_slice %arg7[%dma_start3A, %dma_start3A_66] : memref<2500x32xf32, #tpu.memory_space<vmem>> -> memref<125x32xf32, #tpu.memory_space<vmem>>
      %dma_start3A_68 = arith.constant 0 : i32
      %dma_start3A_69 = tpu.memref_slice %arg6[%run_scoped3A_46, %dma_start3A_68] : memref<40x125xi32, #tpu.memory_space<vmem>> -> memref<1x125xi32, #tpu.memory_space<vmem>>
      %dma_start3A_70 = tpu.memref_squeeze %dma_start3A_69 : memref<1x125xi32, #tpu.memory_space<vmem>> -> memref<125xi32, #tpu.memory_space<vmem>>
      %dma_start3A_71 = arith.constant 0 : i32
      %dma_start3A_72 = arith.constant 0 : i32
      %dma_start3A_73 = tpu.memref_slice %arg8[%dma_start3A_71, %dma_start3A_72] : memref<10000x32xf32, #tpu.memory_space<vmem_shared>> -> memref<10000x32xf32, #tpu.memory_space<vmem_shared>>
      tpu.enqueue_indirect_dma source(%dma_start3A_67 : memref<125x32xf32, #tpu.memory_space<vmem>>) target(%dma_start3A_73 : memref<10000x32xf32, #tpu.memory_space<vmem_shared>>) offsets(%dma_start3A_70 : memref<125xi32, #tpu.memory_space<vmem>>) semaphore(%run_scoped3A_65 : memref<!tpu.dma_semaphore, #tpu.memory_space<semaphore_mem>>) {add = true}
      %dma_wait3A = arith.constant 1125 : i32
      %dma_wait3A_74 = arith.constant 0 : i32
      %dma_wait3A_75 = tpu.memref_slice %arg7[%dma_wait3A, %dma_wait3A_74] : memref<2500x32xf32, #tpu.memory_space<vmem>> -> memref<125x32xf32, #tpu.memory_space<vmem>>
      %dma_wait3A_76 = arith.constant 0 : i32
      %dma_wait3A_77 = tpu.memref_slice %arg6[%run_scoped3A_46, %dma_wait3A_76] : memref<40x125xi32, #tpu.memory_space<vmem>> -> memref<1x125xi32, #tpu.memory_space<vmem>>
      %dma_wait3A_78 = tpu.memref_squeeze %dma_wait3A_77 : memref<1x125xi32, #tpu.memory_space<vmem>> -> memref<125xi32, #tpu.memory_space<vmem>>
      %dma_wait3A_79 = arith.constant 0 : i32
      %dma_wait3A_80 = arith.constant 0 : i32
      %dma_wait3A_81 = tpu.memref_slice %arg8[%dma_wait3A_79, %dma_wait3A_80] : memref<10000x32xf32, #tpu.memory_space<vmem_shared>> -> memref<10000x32xf32, #tpu.memory_space<vmem_shared>>
      tpu.wait_indirect_dma semaphore(%run_scoped3A_65 : memref<!tpu.dma_semaphore, #tpu.memory_space<semaphore_mem>>) src(%dma_wait3A_75 : memref<125x32xf32, #tpu.memory_space<vmem>>) dst(%dma_wait3A_81 : memref<10000x32xf32, #tpu.memory_space<vmem_shared>>)
      tpu.yield
    }) : () -> ()
    %run_scoped3A_47 = arith.constant 30 : i32
    "tpu.region"() ({
      %run_scoped3A_65 = tpu.sem_alloc : memref<!tpu.dma_semaphore, #tpu.memory_space<semaphore_mem>>
      %dma_start3A = arith.constant 1250 : i32
      %dma_start3A_66 = arith.constant 0 : i32
      %dma_start3A_67 = tpu.memref_slice %arg7[%dma_start3A, %dma_start3A_66] : memref<2500x32xf32, #tpu.memory_space<vmem>> -> memref<125x32xf32, #tpu.memory_space<vmem>>
      %dma_start3A_68 = arith.constant 0 : i32
      %dma_start3A_69 = tpu.memref_slice %arg6[%run_scoped3A_47, %dma_start3A_68] : memref<40x125xi32, #tpu.memory_space<vmem>> -> memref<1x125xi32, #tpu.memory_space<vmem>>
      %dma_start3A_70 = tpu.memref_squeeze %dma_start3A_69 : memref<1x125xi32, #tpu.memory_space<vmem>> -> memref<125xi32, #tpu.memory_space<vmem>>
      %dma_start3A_71 = arith.constant 0 : i32
      %dma_start3A_72 = arith.constant 0 : i32
      %dma_start3A_73 = tpu.memref_slice %arg8[%dma_start3A_71, %dma_start3A_72] : memref<10000x32xf32, #tpu.memory_space<vmem_shared>> -> memref<10000x32xf32, #tpu.memory_space<vmem_shared>>
      tpu.enqueue_indirect_dma source(%dma_start3A_67 : memref<125x32xf32, #tpu.memory_space<vmem>>) target(%dma_start3A_73 : memref<10000x32xf32, #tpu.memory_space<vmem_shared>>) offsets(%dma_start3A_70 : memref<125xi32, #tpu.memory_space<vmem>>) semaphore(%run_scoped3A_65 : memref<!tpu.dma_semaphore, #tpu.memory_space<semaphore_mem>>) {add = true}
      %dma_wait3A = arith.constant 1250 : i32
      %dma_wait3A_74 = arith.constant 0 : i32
      %dma_wait3A_75 = tpu.memref_slice %arg7[%dma_wait3A, %dma_wait3A_74] : memref<2500x32xf32, #tpu.memory_space<vmem>> -> memref<125x32xf32, #tpu.memory_space<vmem>>
      %dma_wait3A_76 = arith.constant 0 : i32
      %dma_wait3A_77 = tpu.memref_slice %arg6[%run_scoped3A_47, %dma_wait3A_76] : memref<40x125xi32, #tpu.memory_space<vmem>> -> memref<1x125xi32, #tpu.memory_space<vmem>>
      %dma_wait3A_78 = tpu.memref_squeeze %dma_wait3A_77 : memref<1x125xi32, #tpu.memory_space<vmem>> -> memref<125xi32, #tpu.memory_space<vmem>>
      %dma_wait3A_79 = arith.constant 0 : i32
      %dma_wait3A_80 = arith.constant 0 : i32
      %dma_wait3A_81 = tpu.memref_slice %arg8[%dma_wait3A_79, %dma_wait3A_80] : memref<10000x32xf32, #tpu.memory_space<vmem_shared>> -> memref<10000x32xf32, #tpu.memory_space<vmem_shared>>
      tpu.wait_indirect_dma semaphore(%run_scoped3A_65 : memref<!tpu.dma_semaphore, #tpu.memory_space<semaphore_mem>>) src(%dma_wait3A_75 : memref<125x32xf32, #tpu.memory_space<vmem>>) dst(%dma_wait3A_81 : memref<10000x32xf32, #tpu.memory_space<vmem_shared>>)
      tpu.yield
    }) : () -> ()
    %run_scoped3A_48 = arith.constant 31 : i32
    "tpu.region"() ({
      %run_scoped3A_65 = tpu.sem_alloc : memref<!tpu.dma_semaphore, #tpu.memory_space<semaphore_mem>>
      %dma_start3A = arith.constant 1375 : i32
      %dma_start3A_66 = arith.constant 0 : i32
      %dma_start3A_67 = tpu.memref_slice %arg7[%dma_start3A, %dma_start3A_66] : memref<2500x32xf32, #tpu.memory_space<vmem>> -> memref<125x32xf32, #tpu.memory_space<vmem>>
      %dma_start3A_68 = arith.constant 0 : i32
      %dma_start3A_69 = tpu.memref_slice %arg6[%run_scoped3A_48, %dma_start3A_68] : memref<40x125xi32, #tpu.memory_space<vmem>> -> memref<1x125xi32, #tpu.memory_space<vmem>>
      %dma_start3A_70 = tpu.memref_squeeze %dma_start3A_69 : memref<1x125xi32, #tpu.memory_space<vmem>> -> memref<125xi32, #tpu.memory_space<vmem>>
      %dma_start3A_71 = arith.constant 0 : i32
      %dma_start3A_72 = arith.constant 0 : i32
      %dma_start3A_73 = tpu.memref_slice %arg8[%dma_start3A_71, %dma_start3A_72] : memref<10000x32xf32, #tpu.memory_space<vmem_shared>> -> memref<10000x32xf32, #tpu.memory_space<vmem_shared>>
      tpu.enqueue_indirect_dma source(%dma_start3A_67 : memref<125x32xf32, #tpu.memory_space<vmem>>) target(%dma_start3A_73 : memref<10000x32xf32, #tpu.memory_space<vmem_shared>>) offsets(%dma_start3A_70 : memref<125xi32, #tpu.memory_space<vmem>>) semaphore(%run_scoped3A_65 : memref<!tpu.dma_semaphore, #tpu.memory_space<semaphore_mem>>) {add = true}
      %dma_wait3A = arith.constant 1375 : i32
      %dma_wait3A_74 = arith.constant 0 : i32
      %dma_wait3A_75 = tpu.memref_slice %arg7[%dma_wait3A, %dma_wait3A_74] : memref<2500x32xf32, #tpu.memory_space<vmem>> -> memref<125x32xf32, #tpu.memory_space<vmem>>
      %dma_wait3A_76 = arith.constant 0 : i32
      %dma_wait3A_77 = tpu.memref_slice %arg6[%run_scoped3A_48, %dma_wait3A_76] : memref<40x125xi32, #tpu.memory_space<vmem>> -> memref<1x125xi32, #tpu.memory_space<vmem>>
      %dma_wait3A_78 = tpu.memref_squeeze %dma_wait3A_77 : memref<1x125xi32, #tpu.memory_space<vmem>> -> memref<125xi32, #tpu.memory_space<vmem>>
      %dma_wait3A_79 = arith.constant 0 : i32
      %dma_wait3A_80 = arith.constant 0 : i32
      %dma_wait3A_81 = tpu.memref_slice %arg8[%dma_wait3A_79, %dma_wait3A_80] : memref<10000x32xf32, #tpu.memory_space<vmem_shared>> -> memref<10000x32xf32, #tpu.memory_space<vmem_shared>>
      tpu.wait_indirect_dma semaphore(%run_scoped3A_65 : memref<!tpu.dma_semaphore, #tpu.memory_space<semaphore_mem>>) src(%dma_wait3A_75 : memref<125x32xf32, #tpu.memory_space<vmem>>) dst(%dma_wait3A_81 : memref<10000x32xf32, #tpu.memory_space<vmem_shared>>)
      tpu.yield
    }) : () -> ()
    %run_scoped3A_49 = arith.constant 32 : i32
    "tpu.region"() ({
      %run_scoped3A_65 = tpu.sem_alloc : memref<!tpu.dma_semaphore, #tpu.memory_space<semaphore_mem>>
      %dma_start3A = arith.constant 1500 : i32
      %dma_start3A_66 = arith.constant 0 : i32
      %dma_start3A_67 = tpu.memref_slice %arg7[%dma_start3A, %dma_start3A_66] : memref<2500x32xf32, #tpu.memory_space<vmem>> -> memref<125x32xf32, #tpu.memory_space<vmem>>
      %dma_start3A_68 = arith.constant 0 : i32
      %dma_start3A_69 = tpu.memref_slice %arg6[%run_scoped3A_49, %dma_start3A_68] : memref<40x125xi32, #tpu.memory_space<vmem>> -> memref<1x125xi32, #tpu.memory_space<vmem>>
      %dma_start3A_70 = tpu.memref_squeeze %dma_start3A_69 : memref<1x125xi32, #tpu.memory_space<vmem>> -> memref<125xi32, #tpu.memory_space<vmem>>
      %dma_start3A_71 = arith.constant 0 : i32
      %dma_start3A_72 = arith.constant 0 : i32
      %dma_start3A_73 = tpu.memref_slice %arg8[%dma_start3A_71, %dma_start3A_72] : memref<10000x32xf32, #tpu.memory_space<vmem_shared>> -> memref<10000x32xf32, #tpu.memory_space<vmem_shared>>
      tpu.enqueue_indirect_dma source(%dma_start3A_67 : memref<125x32xf32, #tpu.memory_space<vmem>>) target(%dma_start3A_73 : memref<10000x32xf32, #tpu.memory_space<vmem_shared>>) offsets(%dma_start3A_70 : memref<125xi32, #tpu.memory_space<vmem>>) semaphore(%run_scoped3A_65 : memref<!tpu.dma_semaphore, #tpu.memory_space<semaphore_mem>>) {add = true}
      %dma_wait3A = arith.constant 1500 : i32
      %dma_wait3A_74 = arith.constant 0 : i32
      %dma_wait3A_75 = tpu.memref_slice %arg7[%dma_wait3A, %dma_wait3A_74] : memref<2500x32xf32, #tpu.memory_space<vmem>> -> memref<125x32xf32, #tpu.memory_space<vmem>>
      %dma_wait3A_76 = arith.constant 0 : i32
      %dma_wait3A_77 = tpu.memref_slice %arg6[%run_scoped3A_49, %dma_wait3A_76] : memref<40x125xi32, #tpu.memory_space<vmem>> -> memref<1x125xi32, #tpu.memory_space<vmem>>
      %dma_wait3A_78 = tpu.memref_squeeze %dma_wait3A_77 : memref<1x125xi32, #tpu.memory_space<vmem>> -> memref<125xi32, #tpu.memory_space<vmem>>
      %dma_wait3A_79 = arith.constant 0 : i32
      %dma_wait3A_80 = arith.constant 0 : i32
      %dma_wait3A_81 = tpu.memref_slice %arg8[%dma_wait3A_79, %dma_wait3A_80] : memref<10000x32xf32, #tpu.memory_space<vmem_shared>> -> memref<10000x32xf32, #tpu.memory_space<vmem_shared>>
      tpu.wait_indirect_dma semaphore(%run_scoped3A_65 : memref<!tpu.dma_semaphore, #tpu.memory_space<semaphore_mem>>) src(%dma_wait3A_75 : memref<125x32xf32, #tpu.memory_space<vmem>>) dst(%dma_wait3A_81 : memref<10000x32xf32, #tpu.memory_space<vmem_shared>>)
      tpu.yield
    }) : () -> ()
    %run_scoped3A_50 = arith.constant 33 : i32
    "tpu.region"() ({
      %run_scoped3A_65 = tpu.sem_alloc : memref<!tpu.dma_semaphore, #tpu.memory_space<semaphore_mem>>
      %dma_start3A = arith.constant 1625 : i32
      %dma_start3A_66 = arith.constant 0 : i32
      %dma_start3A_67 = tpu.memref_slice %arg7[%dma_start3A, %dma_start3A_66] : memref<2500x32xf32, #tpu.memory_space<vmem>> -> memref<125x32xf32, #tpu.memory_space<vmem>>
      %dma_start3A_68 = arith.constant 0 : i32
      %dma_start3A_69 = tpu.memref_slice %arg6[%run_scoped3A_50, %dma_start3A_68] : memref<40x125xi32, #tpu.memory_space<vmem>> -> memref<1x125xi32, #tpu.memory_space<vmem>>
      %dma_start3A_70 = tpu.memref_squeeze %dma_start3A_69 : memref<1x125xi32, #tpu.memory_space<vmem>> -> memref<125xi32, #tpu.memory_space<vmem>>
      %dma_start3A_71 = arith.constant 0 : i32
      %dma_start3A_72 = arith.constant 0 : i32
      %dma_start3A_73 = tpu.memref_slice %arg8[%dma_start3A_71, %dma_start3A_72] : memref<10000x32xf32, #tpu.memory_space<vmem_shared>> -> memref<10000x32xf32, #tpu.memory_space<vmem_shared>>
      tpu.enqueue_indirect_dma source(%dma_start3A_67 : memref<125x32xf32, #tpu.memory_space<vmem>>) target(%dma_start3A_73 : memref<10000x32xf32, #tpu.memory_space<vmem_shared>>) offsets(%dma_start3A_70 : memref<125xi32, #tpu.memory_space<vmem>>) semaphore(%run_scoped3A_65 : memref<!tpu.dma_semaphore, #tpu.memory_space<semaphore_mem>>) {add = true}
      %dma_wait3A = arith.constant 1625 : i32
      %dma_wait3A_74 = arith.constant 0 : i32
      %dma_wait3A_75 = tpu.memref_slice %arg7[%dma_wait3A, %dma_wait3A_74] : memref<2500x32xf32, #tpu.memory_space<vmem>> -> memref<125x32xf32, #tpu.memory_space<vmem>>
      %dma_wait3A_76 = arith.constant 0 : i32
      %dma_wait3A_77 = tpu.memref_slice %arg6[%run_scoped3A_50, %dma_wait3A_76] : memref<40x125xi32, #tpu.memory_space<vmem>> -> memref<1x125xi32, #tpu.memory_space<vmem>>
      %dma_wait3A_78 = tpu.memref_squeeze %dma_wait3A_77 : memref<1x125xi32, #tpu.memory_space<vmem>> -> memref<125xi32, #tpu.memory_space<vmem>>
      %dma_wait3A_79 = arith.constant 0 : i32
      %dma_wait3A_80 = arith.constant 0 : i32
      %dma_wait3A_81 = tpu.memref_slice %arg8[%dma_wait3A_79, %dma_wait3A_80] : memref<10000x32xf32, #tpu.memory_space<vmem_shared>> -> memref<10000x32xf32, #tpu.memory_space<vmem_shared>>
      tpu.wait_indirect_dma semaphore(%run_scoped3A_65 : memref<!tpu.dma_semaphore, #tpu.memory_space<semaphore_mem>>) src(%dma_wait3A_75 : memref<125x32xf32, #tpu.memory_space<vmem>>) dst(%dma_wait3A_81 : memref<10000x32xf32, #tpu.memory_space<vmem_shared>>)
      tpu.yield
    }) : () -> ()
    %run_scoped3A_51 = arith.constant 34 : i32
    "tpu.region"() ({
      %run_scoped3A_65 = tpu.sem_alloc : memref<!tpu.dma_semaphore, #tpu.memory_space<semaphore_mem>>
      %dma_start3A = arith.constant 1750 : i32
      %dma_start3A_66 = arith.constant 0 : i32
      %dma_start3A_67 = tpu.memref_slice %arg7[%dma_start3A, %dma_start3A_66] : memref<2500x32xf32, #tpu.memory_space<vmem>> -> memref<125x32xf32, #tpu.memory_space<vmem>>
      %dma_start3A_68 = arith.constant 0 : i32
      %dma_start3A_69 = tpu.memref_slice %arg6[%run_scoped3A_51, %dma_start3A_68] : memref<40x125xi32, #tpu.memory_space<vmem>> -> memref<1x125xi32, #tpu.memory_space<vmem>>
      %dma_start3A_70 = tpu.memref_squeeze %dma_start3A_69 : memref<1x125xi32, #tpu.memory_space<vmem>> -> memref<125xi32, #tpu.memory_space<vmem>>
      %dma_start3A_71 = arith.constant 0 : i32
      %dma_start3A_72 = arith.constant 0 : i32
      %dma_start3A_73 = tpu.memref_slice %arg8[%dma_start3A_71, %dma_start3A_72] : memref<10000x32xf32, #tpu.memory_space<vmem_shared>> -> memref<10000x32xf32, #tpu.memory_space<vmem_shared>>
      tpu.enqueue_indirect_dma source(%dma_start3A_67 : memref<125x32xf32, #tpu.memory_space<vmem>>) target(%dma_start3A_73 : memref<10000x32xf32, #tpu.memory_space<vmem_shared>>) offsets(%dma_start3A_70 : memref<125xi32, #tpu.memory_space<vmem>>) semaphore(%run_scoped3A_65 : memref<!tpu.dma_semaphore, #tpu.memory_space<semaphore_mem>>) {add = true}
      %dma_wait3A = arith.constant 1750 : i32
      %dma_wait3A_74 = arith.constant 0 : i32
      %dma_wait3A_75 = tpu.memref_slice %arg7[%dma_wait3A, %dma_wait3A_74] : memref<2500x32xf32, #tpu.memory_space<vmem>> -> memref<125x32xf32, #tpu.memory_space<vmem>>
      %dma_wait3A_76 = arith.constant 0 : i32
      %dma_wait3A_77 = tpu.memref_slice %arg6[%run_scoped3A_51, %dma_wait3A_76] : memref<40x125xi32, #tpu.memory_space<vmem>> -> memref<1x125xi32, #tpu.memory_space<vmem>>
      %dma_wait3A_78 = tpu.memref_squeeze %dma_wait3A_77 : memref<1x125xi32, #tpu.memory_space<vmem>> -> memref<125xi32, #tpu.memory_space<vmem>>
      %dma_wait3A_79 = arith.constant 0 : i32
      %dma_wait3A_80 = arith.constant 0 : i32
      %dma_wait3A_81 = tpu.memref_slice %arg8[%dma_wait3A_79, %dma_wait3A_80] : memref<10000x32xf32, #tpu.memory_space<vmem_shared>> -> memref<10000x32xf32, #tpu.memory_space<vmem_shared>>
      tpu.wait_indirect_dma semaphore(%run_scoped3A_65 : memref<!tpu.dma_semaphore, #tpu.memory_space<semaphore_mem>>) src(%dma_wait3A_75 : memref<125x32xf32, #tpu.memory_space<vmem>>) dst(%dma_wait3A_81 : memref<10000x32xf32, #tpu.memory_space<vmem_shared>>)
      tpu.yield
    }) : () -> ()
    %run_scoped3A_52 = arith.constant 35 : i32
    "tpu.region"() ({
      %run_scoped3A_65 = tpu.sem_alloc : memref<!tpu.dma_semaphore, #tpu.memory_space<semaphore_mem>>
      %dma_start3A = arith.constant 1875 : i32
      %dma_start3A_66 = arith.constant 0 : i32
      %dma_start3A_67 = tpu.memref_slice %arg7[%dma_start3A, %dma_start3A_66] : memref<2500x32xf32, #tpu.memory_space<vmem>> -> memref<125x32xf32, #tpu.memory_space<vmem>>
      %dma_start3A_68 = arith.constant 0 : i32
      %dma_start3A_69 = tpu.memref_slice %arg6[%run_scoped3A_52, %dma_start3A_68] : memref<40x125xi32, #tpu.memory_space<vmem>> -> memref<1x125xi32, #tpu.memory_space<vmem>>
      %dma_start3A_70 = tpu.memref_squeeze %dma_start3A_69 : memref<1x125xi32, #tpu.memory_space<vmem>> -> memref<125xi32, #tpu.memory_space<vmem>>
      %dma_start3A_71 = arith.constant 0 : i32
      %dma_start3A_72 = arith.constant 0 : i32
      %dma_start3A_73 = tpu.memref_slice %arg8[%dma_start3A_71, %dma_start3A_72] : memref<10000x32xf32, #tpu.memory_space<vmem_shared>> -> memref<10000x32xf32, #tpu.memory_space<vmem_shared>>
      tpu.enqueue_indirect_dma source(%dma_start3A_67 : memref<125x32xf32, #tpu.memory_space<vmem>>) target(%dma_start3A_73 : memref<10000x32xf32, #tpu.memory_space<vmem_shared>>) offsets(%dma_start3A_70 : memref<125xi32, #tpu.memory_space<vmem>>) semaphore(%run_scoped3A_65 : memref<!tpu.dma_semaphore, #tpu.memory_space<semaphore_mem>>) {add = true}
      %dma_wait3A = arith.constant 1875 : i32
      %dma_wait3A_74 = arith.constant 0 : i32
      %dma_wait3A_75 = tpu.memref_slice %arg7[%dma_wait3A, %dma_wait3A_74] : memref<2500x32xf32, #tpu.memory_space<vmem>> -> memref<125x32xf32, #tpu.memory_space<vmem>>
      %dma_wait3A_76 = arith.constant 0 : i32
      %dma_wait3A_77 = tpu.memref_slice %arg6[%run_scoped3A_52, %dma_wait3A_76] : memref<40x125xi32, #tpu.memory_space<vmem>> -> memref<1x125xi32, #tpu.memory_space<vmem>>
      %dma_wait3A_78 = tpu.memref_squeeze %dma_wait3A_77 : memref<1x125xi32, #tpu.memory_space<vmem>> -> memref<125xi32, #tpu.memory_space<vmem>>
      %dma_wait3A_79 = arith.constant 0 : i32
      %dma_wait3A_80 = arith.constant 0 : i32
      %dma_wait3A_81 = tpu.memref_slice %arg8[%dma_wait3A_79, %dma_wait3A_80] : memref<10000x32xf32, #tpu.memory_space<vmem_shared>> -> memref<10000x32xf32, #tpu.memory_space<vmem_shared>>
      tpu.wait_indirect_dma semaphore(%run_scoped3A_65 : memref<!tpu.dma_semaphore, #tpu.memory_space<semaphore_mem>>) src(%dma_wait3A_75 : memref<125x32xf32, #tpu.memory_space<vmem>>) dst(%dma_wait3A_81 : memref<10000x32xf32, #tpu.memory_space<vmem_shared>>)
      tpu.yield
    }) : () -> ()
    %run_scoped3A_53 = arith.constant 36 : i32
    "tpu.region"() ({
      %run_scoped3A_65 = tpu.sem_alloc : memref<!tpu.dma_semaphore, #tpu.memory_space<semaphore_mem>>
      %dma_start3A = arith.constant 2000 : i32
      %dma_start3A_66 = arith.constant 0 : i32
      %dma_start3A_67 = tpu.memref_slice %arg7[%dma_start3A, %dma_start3A_66] : memref<2500x32xf32, #tpu.memory_space<vmem>> -> memref<125x32xf32, #tpu.memory_space<vmem>>
      %dma_start3A_68 = arith.constant 0 : i32
      %dma_start3A_69 = tpu.memref_slice %arg6[%run_scoped3A_53, %dma_start3A_68] : memref<40x125xi32, #tpu.memory_space<vmem>> -> memref<1x125xi32, #tpu.memory_space<vmem>>
      %dma_start3A_70 = tpu.memref_squeeze %dma_start3A_69 : memref<1x125xi32, #tpu.memory_space<vmem>> -> memref<125xi32, #tpu.memory_space<vmem>>
      %dma_start3A_71 = arith.constant 0 : i32
      %dma_start3A_72 = arith.constant 0 : i32
      %dma_start3A_73 = tpu.memref_slice %arg8[%dma_start3A_71, %dma_start3A_72] : memref<10000x32xf32, #tpu.memory_space<vmem_shared>> -> memref<10000x32xf32, #tpu.memory_space<vmem_shared>>
      tpu.enqueue_indirect_dma source(%dma_start3A_67 : memref<125x32xf32, #tpu.memory_space<vmem>>) target(%dma_start3A_73 : memref<10000x32xf32, #tpu.memory_space<vmem_shared>>) offsets(%dma_start3A_70 : memref<125xi32, #tpu.memory_space<vmem>>) semaphore(%run_scoped3A_65 : memref<!tpu.dma_semaphore, #tpu.memory_space<semaphore_mem>>) {add = true}
      %dma_wait3A = arith.constant 2000 : i32
      %dma_wait3A_74 = arith.constant 0 : i32
      %dma_wait3A_75 = tpu.memref_slice %arg7[%dma_wait3A, %dma_wait3A_74] : memref<2500x32xf32, #tpu.memory_space<vmem>> -> memref<125x32xf32, #tpu.memory_space<vmem>>
      %dma_wait3A_76 = arith.constant 0 : i32
      %dma_wait3A_77 = tpu.memref_slice %arg6[%run_scoped3A_53, %dma_wait3A_76] : memref<40x125xi32, #tpu.memory_space<vmem>> -> memref<1x125xi32, #tpu.memory_space<vmem>>
      %dma_wait3A_78 = tpu.memref_squeeze %dma_wait3A_77 : memref<1x125xi32, #tpu.memory_space<vmem>> -> memref<125xi32, #tpu.memory_space<vmem>>
      %dma_wait3A_79 = arith.constant 0 : i32
      %dma_wait3A_80 = arith.constant 0 : i32
      %dma_wait3A_81 = tpu.memref_slice %arg8[%dma_wait3A_79, %dma_wait3A_80] : memref<10000x32xf32, #tpu.memory_space<vmem_shared>> -> memref<10000x32xf32, #tpu.memory_space<vmem_shared>>
      tpu.wait_indirect_dma semaphore(%run_scoped3A_65 : memref<!tpu.dma_semaphore, #tpu.memory_space<semaphore_mem>>) src(%dma_wait3A_75 : memref<125x32xf32, #tpu.memory_space<vmem>>) dst(%dma_wait3A_81 : memref<10000x32xf32, #tpu.memory_space<vmem_shared>>)
      tpu.yield
    }) : () -> ()
    %run_scoped3A_54 = arith.constant 37 : i32
    "tpu.region"() ({
      %run_scoped3A_65 = tpu.sem_alloc : memref<!tpu.dma_semaphore, #tpu.memory_space<semaphore_mem>>
      %dma_start3A = arith.constant 2125 : i32
      %dma_start3A_66 = arith.constant 0 : i32
      %dma_start3A_67 = tpu.memref_slice %arg7[%dma_start3A, %dma_start3A_66] : memref<2500x32xf32, #tpu.memory_space<vmem>> -> memref<125x32xf32, #tpu.memory_space<vmem>>
      %dma_start3A_68 = arith.constant 0 : i32
      %dma_start3A_69 = tpu.memref_slice %arg6[%run_scoped3A_54, %dma_start3A_68] : memref<40x125xi32, #tpu.memory_space<vmem>> -> memref<1x125xi32, #tpu.memory_space<vmem>>
      %dma_start3A_70 = tpu.memref_squeeze %dma_start3A_69 : memref<1x125xi32, #tpu.memory_space<vmem>> -> memref<125xi32, #tpu.memory_space<vmem>>
      %dma_start3A_71 = arith.constant 0 : i32
      %dma_start3A_72 = arith.constant 0 : i32
      %dma_start3A_73 = tpu.memref_slice %arg8[%dma_start3A_71, %dma_start3A_72] : memref<10000x32xf32, #tpu.memory_space<vmem_shared>> -> memref<10000x32xf32, #tpu.memory_space<vmem_shared>>
      tpu.enqueue_indirect_dma source(%dma_start3A_67 : memref<125x32xf32, #tpu.memory_space<vmem>>) target(%dma_start3A_73 : memref<10000x32xf32, #tpu.memory_space<vmem_shared>>) offsets(%dma_start3A_70 : memref<125xi32, #tpu.memory_space<vmem>>) semaphore(%run_scoped3A_65 : memref<!tpu.dma_semaphore, #tpu.memory_space<semaphore_mem>>) {add = true}
      %dma_wait3A = arith.constant 2125 : i32
      %dma_wait3A_74 = arith.constant 0 : i32
      %dma_wait3A_75 = tpu.memref_slice %arg7[%dma_wait3A, %dma_wait3A_74] : memref<2500x32xf32, #tpu.memory_space<vmem>> -> memref<125x32xf32, #tpu.memory_space<vmem>>
      %dma_wait3A_76 = arith.constant 0 : i32
      %dma_wait3A_77 = tpu.memref_slice %arg6[%run_scoped3A_54, %dma_wait3A_76] : memref<40x125xi32, #tpu.memory_space<vmem>> -> memref<1x125xi32, #tpu.memory_space<vmem>>
      %dma_wait3A_78 = tpu.memref_squeeze %dma_wait3A_77 : memref<1x125xi32, #tpu.memory_space<vmem>> -> memref<125xi32, #tpu.memory_space<vmem>>
      %dma_wait3A_79 = arith.constant 0 : i32
      %dma_wait3A_80 = arith.constant 0 : i32
      %dma_wait3A_81 = tpu.memref_slice %arg8[%dma_wait3A_79, %dma_wait3A_80] : memref<10000x32xf32, #tpu.memory_space<vmem_shared>> -> memref<10000x32xf32, #tpu.memory_space<vmem_shared>>
      tpu.wait_indirect_dma semaphore(%run_scoped3A_65 : memref<!tpu.dma_semaphore, #tpu.memory_space<semaphore_mem>>) src(%dma_wait3A_75 : memref<125x32xf32, #tpu.memory_space<vmem>>) dst(%dma_wait3A_81 : memref<10000x32xf32, #tpu.memory_space<vmem_shared>>)
      tpu.yield
    }) : () -> ()
    %run_scoped3A_55 = arith.constant 38 : i32
    "tpu.region"() ({
      %run_scoped3A_65 = tpu.sem_alloc : memref<!tpu.dma_semaphore, #tpu.memory_space<semaphore_mem>>
      %dma_start3A = arith.constant 2250 : i32
      %dma_start3A_66 = arith.constant 0 : i32
      %dma_start3A_67 = tpu.memref_slice %arg7[%dma_start3A, %dma_start3A_66] : memref<2500x32xf32, #tpu.memory_space<vmem>> -> memref<125x32xf32, #tpu.memory_space<vmem>>
      %dma_start3A_68 = arith.constant 0 : i32
      %dma_start3A_69 = tpu.memref_slice %arg6[%run_scoped3A_55, %dma_start3A_68] : memref<40x125xi32, #tpu.memory_space<vmem>> -> memref<1x125xi32, #tpu.memory_space<vmem>>
      %dma_start3A_70 = tpu.memref_squeeze %dma_start3A_69 : memref<1x125xi32, #tpu.memory_space<vmem>> -> memref<125xi32, #tpu.memory_space<vmem>>
      %dma_start3A_71 = arith.constant 0 : i32
      %dma_start3A_72 = arith.constant 0 : i32
      %dma_start3A_73 = tpu.memref_slice %arg8[%dma_start3A_71, %dma_start3A_72] : memref<10000x32xf32, #tpu.memory_space<vmem_shared>> -> memref<10000x32xf32, #tpu.memory_space<vmem_shared>>
      tpu.enqueue_indirect_dma source(%dma_start3A_67 : memref<125x32xf32, #tpu.memory_space<vmem>>) target(%dma_start3A_73 : memref<10000x32xf32, #tpu.memory_space<vmem_shared>>) offsets(%dma_start3A_70 : memref<125xi32, #tpu.memory_space<vmem>>) semaphore(%run_scoped3A_65 : memref<!tpu.dma_semaphore, #tpu.memory_space<semaphore_mem>>) {add = true}
      %dma_wait3A = arith.constant 2250 : i32
      %dma_wait3A_74 = arith.constant 0 : i32
      %dma_wait3A_75 = tpu.memref_slice %arg7[%dma_wait3A, %dma_wait3A_74] : memref<2500x32xf32, #tpu.memory_space<vmem>> -> memref<125x32xf32, #tpu.memory_space<vmem>>
      %dma_wait3A_76 = arith.constant 0 : i32
      %dma_wait3A_77 = tpu.memref_slice %arg6[%run_scoped3A_55, %dma_wait3A_76] : memref<40x125xi32, #tpu.memory_space<vmem>> -> memref<1x125xi32, #tpu.memory_space<vmem>>
      %dma_wait3A_78 = tpu.memref_squeeze %dma_wait3A_77 : memref<1x125xi32, #tpu.memory_space<vmem>> -> memref<125xi32, #tpu.memory_space<vmem>>
      %dma_wait3A_79 = arith.constant 0 : i32
      %dma_wait3A_80 = arith.constant 0 : i32
      %dma_wait3A_81 = tpu.memref_slice %arg8[%dma_wait3A_79, %dma_wait3A_80] : memref<10000x32xf32, #tpu.memory_space<vmem_shared>> -> memref<10000x32xf32, #tpu.memory_space<vmem_shared>>
      tpu.wait_indirect_dma semaphore(%run_scoped3A_65 : memref<!tpu.dma_semaphore, #tpu.memory_space<semaphore_mem>>) src(%dma_wait3A_75 : memref<125x32xf32, #tpu.memory_space<vmem>>) dst(%dma_wait3A_81 : memref<10000x32xf32, #tpu.memory_space<vmem_shared>>)
      tpu.yield
    }) : () -> ()
    %run_scoped3A_56 = arith.constant 39 : i32
    "tpu.region"() ({
      %run_scoped3A_65 = tpu.sem_alloc : memref<!tpu.dma_semaphore, #tpu.memory_space<semaphore_mem>>
      %dma_start3A = arith.constant 2375 : i32
      %dma_start3A_66 = arith.constant 0 : i32
      %dma_start3A_67 = tpu.memref_slice %arg7[%dma_start3A, %dma_start3A_66] : memref<2500x32xf32, #tpu.memory_space<vmem>> -> memref<125x32xf32, #tpu.memory_space<vmem>>
      %dma_start3A_68 = arith.constant 0 : i32
      %dma_start3A_69 = tpu.memref_slice %arg6[%run_scoped3A_56, %dma_start3A_68] : memref<40x125xi32, #tpu.memory_space<vmem>> -> memref<1x125xi32, #tpu.memory_space<vmem>>
      %dma_start3A_70 = tpu.memref_squeeze %dma_start3A_69 : memref<1x125xi32, #tpu.memory_space<vmem>> -> memref<125xi32, #tpu.memory_space<vmem>>
      %dma_start3A_71 = arith.constant 0 : i32
      %dma_start3A_72 = arith.constant 0 : i32
      %dma_start3A_73 = tpu.memref_slice %arg8[%dma_start3A_71, %dma_start3A_72] : memref<10000x32xf32, #tpu.memory_space<vmem_shared>> -> memref<10000x32xf32, #tpu.memory_space<vmem_shared>>
      tpu.enqueue_indirect_dma source(%dma_start3A_67 : memref<125x32xf32, #tpu.memory_space<vmem>>) target(%dma_start3A_73 : memref<10000x32xf32, #tpu.memory_space<vmem_shared>>) offsets(%dma_start3A_70 : memref<125xi32, #tpu.memory_space<vmem>>) semaphore(%run_scoped3A_65 : memref<!tpu.dma_semaphore, #tpu.memory_space<semaphore_mem>>) {add = true}
      %dma_wait3A = arith.constant 2375 : i32
      %dma_wait3A_74 = arith.constant 0 : i32
      %dma_wait3A_75 = tpu.memref_slice %arg7[%dma_wait3A, %dma_wait3A_74] : memref<2500x32xf32, #tpu.memory_space<vmem>> -> memref<125x32xf32, #tpu.memory_space<vmem>>
      %dma_wait3A_76 = arith.constant 0 : i32
      %dma_wait3A_77 = tpu.memref_slice %arg6[%run_scoped3A_56, %dma_wait3A_76] : memref<40x125xi32, #tpu.memory_space<vmem>> -> memref<1x125xi32, #tpu.memory_space<vmem>>
      %dma_wait3A_78 = tpu.memref_squeeze %dma_wait3A_77 : memref<1x125xi32, #tpu.memory_space<vmem>> -> memref<125xi32, #tpu.memory_space<vmem>>
      %dma_wait3A_79 = arith.constant 0 : i32
      %dma_wait3A_80 = arith.constant 0 : i32
      %dma_wait3A_81 = tpu.memref_slice %arg8[%dma_wait3A_79, %dma_wait3A_80] : memref<10000x32xf32, #tpu.memory_space<vmem_shared>> -> memref<10000x32xf32, #tpu.memory_space<vmem_shared>>
      tpu.wait_indirect_dma semaphore(%run_scoped3A_65 : memref<!tpu.dma_semaphore, #tpu.memory_space<semaphore_mem>>) src(%dma_wait3A_75 : memref<125x32xf32, #tpu.memory_space<vmem>>) dst(%dma_wait3A_81 : memref<10000x32xf32, #tpu.memory_space<vmem_shared>>)
      tpu.yield
    }) : () -> ()
    %barrier3A_57 = arith.constant 0 : index
    tpu.barrier barrier_id(%barrier3A_57)
    %mul3A_58 = arith.constant 625 : i32
    %mul3A_59 = arith.muli %arg1, %mul3A_58 : i32
    %mul3A_60 = arith.constant 10000 : i32
    %mul3A_61 = arith.muli %arg0, %mul3A_60 : i32
    %mul3A_62 = arith.constant 625 : i32
    %mul3A_63 = arith.muli %arg1, %mul3A_62 : i32
    %add3A_64 = arith.addi %mul3A_61, %mul3A_63 : i32
    "tpu.region"() ({
      %run_scoped3A_65 = tpu.sem_alloc : memref<!tpu.dma_semaphore, #tpu.memory_space<semaphore_mem>>
      %dma_start3A = arith.constant 0 : i32
      %dma_start3A_66 = tpu.memref_slice %arg5[%add3A_64, %dma_start3A] : memref<20000x32xf32, #tpu.memory_space<hbm>> -> memref<625x32xf32, #tpu.memory_space<hbm>>
      %dma_start3A_67 = arith.constant 0 : i32
      %dma_start3A_68 = tpu.memref_slice %arg8[%mul3A_59, %dma_start3A_67] : memref<10000x32xf32, #tpu.memory_space<vmem_shared>> -> memref<625x32xf32, #tpu.memory_space<vmem_shared>>
      tpu.enqueue_dma source(%dma_start3A_68 : memref<625x32xf32, #tpu.memory_space<vmem_shared>>) target(%dma_start3A_66 : memref<625x32xf32, #tpu.memory_space<hbm>>) target_semaphore(%run_scoped3A_65 : memref<!tpu.dma_semaphore, #tpu.memory_space<semaphore_mem>>)
      %dma_wait3A = arith.constant 0 : i32
      %dma_wait3A_69 = tpu.memref_slice %arg5[%add3A_64, %dma_wait3A] : memref<20000x32xf32, #tpu.memory_space<hbm>> -> memref<625x32xf32, #tpu.memory_space<hbm>>
      %dma_wait3A_70 = arith.constant 0 : i32
      %dma_wait3A_71 = tpu.memref_slice %arg8[%mul3A_59, %dma_wait3A_70] : memref<10000x32xf32, #tpu.memory_space<vmem_shared>> -> memref<625x32xf32, #tpu.memory_space<vmem_shared>>
      tpu.wait_dma2 semaphore(%run_scoped3A_65 : memref<!tpu.dma_semaphore, #tpu.memory_space<semaphore_mem>>) src(%dma_wait3A_71 : memref<625x32xf32, #tpu.memory_space<vmem_shared>>) dst(%dma_wait3A_69 : memref<625x32xf32, #tpu.memory_space<hbm>>)
      tpu.yield
    }) : () -> ()
    return
  }
}

#map = affine_map<(d0, d1) -> (0, 0)>
module attributes {stable_mosaic.version = 14 : i64} {
  func.func @_gather_body(%arg0: i32, %arg1: i32, %arg2: memref<10000x32xf32, #tpu.memory_space<hbm>>, %arg3: memref<1280x125xi32, #tpu.memory_space<hbm>>, %arg4: memref<160000x32xf32, #tpu.memory_space<hbm>>, %arg5: memref<40x125xi32, #tpu.memory_space<vmem>>, %arg6: memref<2500x32xf32, #tpu.memory_space<vmem>>, %arg7: memref<!tpu.dma_semaphore, #tpu.memory_space<semaphore_mem>>) attributes {dimension_semantics = [#tpu.dimension_semantics<core_parallel>, #tpu.dimension_semantics<subcore_parallel>], iteration_bounds = array<i64: 2, 16>, scalar_prefetch = 0 : i64, scratch_operands = 3 : i64, tpu.core_type = #tpu.core_type<sc_vector_subcore>, window_params = [{transform_indices = #map}, {transform_indices = #map}, {transform_indices = #map}]} {
    %mul3A = arith.constant 16 : i32
    %mul3A_0 = arith.muli %arg0, %mul3A : i32
    %add3A = arith.addi %mul3A_0, %arg1 : i32
    %mul3A_1 = arith.constant 40 : i32
    %mul3A_2 = arith.muli %add3A, %mul3A_1 : i32
    "tpu.region"() ({
      %run_scoped3A = tpu.sem_alloc : memref<!tpu.dma_semaphore, #tpu.memory_space<semaphore_mem>>
      %dma_start3A_809 = arith.constant 0 : i32
      %dma_start3A_810 = tpu.memref_slice %arg3[%mul3A_2, %dma_start3A_809] : memref<1280x125xi32, #tpu.memory_space<hbm>> -> memref<40x125xi32, #tpu.memory_space<hbm>>
      %dma_start3A_811 = arith.constant 0 : i32
      %dma_start3A_812 = tpu.memref_slice %arg3[%mul3A_2, %dma_start3A_811] : memref<1280x125xi32, #tpu.memory_space<hbm>> -> memref<40x125xi32, #tpu.memory_space<hbm>>
      tpu.enqueue_dma source(%dma_start3A_812 : memref<40x125xi32, #tpu.memory_space<hbm>>) target(%arg5 : memref<40x125xi32, #tpu.memory_space<vmem>>) target_semaphore(%run_scoped3A : memref<!tpu.dma_semaphore, #tpu.memory_space<semaphore_mem>>)
      %dma_wait3A_813 = arith.constant 0 : i32
      %dma_wait3A_814 = tpu.memref_slice %arg3[%mul3A_2, %dma_wait3A_813] : memref<1280x125xi32, #tpu.memory_space<hbm>> -> memref<40x125xi32, #tpu.memory_space<hbm>>
      %dma_wait3A_815 = arith.constant 0 : i32
      %dma_wait3A_816 = tpu.memref_slice %arg3[%mul3A_2, %dma_wait3A_815] : memref<1280x125xi32, #tpu.memory_space<hbm>> -> memref<40x125xi32, #tpu.memory_space<hbm>>
      tpu.wait_dma2 semaphore(%run_scoped3A : memref<!tpu.dma_semaphore, #tpu.memory_space<semaphore_mem>>) src(%dma_wait3A_816 : memref<40x125xi32, #tpu.memory_space<hbm>>) dst(%arg5 : memref<40x125xi32, #tpu.memory_space<vmem>>)
      tpu.yield
    }) : () -> ()
    %dma_start3A = arith.constant 0 : i32
    %dma_start3A_3 = arith.constant 0 : i32
    %dma_start3A_4 = arith.constant 0 : i32
    %dma_start3A_5 = tpu.memref_slice %arg6[%dma_start3A_3, %dma_start3A_4] : memref<2500x32xf32, #tpu.memory_space<vmem>> -> memref<125x32xf32, #tpu.memory_space<vmem>>
    %dma_start3A_6 = arith.constant 0 : i32
    %dma_start3A_7 = tpu.memref_slice %arg5[%dma_start3A, %dma_start3A_6] : memref<40x125xi32, #tpu.memory_space<vmem>> -> memref<1x125xi32, #tpu.memory_space<vmem>>
    %dma_start3A_8 = tpu.memref_squeeze %dma_start3A_7 : memref<1x125xi32, #tpu.memory_space<vmem>> -> memref<125xi32, #tpu.memory_space<vmem>>
    %dma_start3A_9 = arith.constant 0 : i32
    %dma_start3A_10 = arith.constant 0 : i32
    %dma_start3A_11 = tpu.memref_slice %arg2[%dma_start3A_9, %dma_start3A_10] : memref<10000x32xf32, #tpu.memory_space<hbm>> -> memref<10000x32xf32, #tpu.memory_space<hbm>>
    tpu.enqueue_indirect_dma source(%dma_start3A_11 : memref<10000x32xf32, #tpu.memory_space<hbm>>) target(%dma_start3A_5 : memref<125x32xf32, #tpu.memory_space<vmem>>) offsets(%dma_start3A_8 : memref<125xi32, #tpu.memory_space<vmem>>) semaphore(%arg7 : memref<!tpu.dma_semaphore, #tpu.memory_space<semaphore_mem>>)
    %dma_start3A_12 = arith.constant 1 : i32
    %dma_start3A_13 = arith.constant 125 : i32
    %dma_start3A_14 = arith.constant 0 : i32
    %dma_start3A_15 = tpu.memref_slice %arg6[%dma_start3A_13, %dma_start3A_14] : memref<2500x32xf32, #tpu.memory_space<vmem>> -> memref<125x32xf32, #tpu.memory_space<vmem>>
    %dma_start3A_16 = arith.constant 0 : i32
    %dma_start3A_17 = tpu.memref_slice %arg5[%dma_start3A_12, %dma_start3A_16] : memref<40x125xi32, #tpu.memory_space<vmem>> -> memref<1x125xi32, #tpu.memory_space<vmem>>
    %dma_start3A_18 = tpu.memref_squeeze %dma_start3A_17 : memref<1x125xi32, #tpu.memory_space<vmem>> -> memref<125xi32, #tpu.memory_space<vmem>>
    %dma_start3A_19 = arith.constant 0 : i32
    %dma_start3A_20 = arith.constant 0 : i32
    %dma_start3A_21 = tpu.memref_slice %arg2[%dma_start3A_19, %dma_start3A_20] : memref<10000x32xf32, #tpu.memory_space<hbm>> -> memref<10000x32xf32, #tpu.memory_space<hbm>>
    tpu.enqueue_indirect_dma source(%dma_start3A_21 : memref<10000x32xf32, #tpu.memory_space<hbm>>) target(%dma_start3A_15 : memref<125x32xf32, #tpu.memory_space<vmem>>) offsets(%dma_start3A_18 : memref<125xi32, #tpu.memory_space<vmem>>) semaphore(%arg7 : memref<!tpu.dma_semaphore, #tpu.memory_space<semaphore_mem>>)
    %dma_start3A_22 = arith.constant 2 : i32
    %dma_start3A_23 = arith.constant 250 : i32
    %dma_start3A_24 = arith.constant 0 : i32
    %dma_start3A_25 = tpu.memref_slice %arg6[%dma_start3A_23, %dma_start3A_24] : memref<2500x32xf32, #tpu.memory_space<vmem>> -> memref<125x32xf32, #tpu.memory_space<vmem>>
    %dma_start3A_26 = arith.constant 0 : i32
    %dma_start3A_27 = tpu.memref_slice %arg5[%dma_start3A_22, %dma_start3A_26] : memref<40x125xi32, #tpu.memory_space<vmem>> -> memref<1x125xi32, #tpu.memory_space<vmem>>
    %dma_start3A_28 = tpu.memref_squeeze %dma_start3A_27 : memref<1x125xi32, #tpu.memory_space<vmem>> -> memref<125xi32, #tpu.memory_space<vmem>>
    %dma_start3A_29 = arith.constant 0 : i32
    %dma_start3A_30 = arith.constant 0 : i32
    %dma_start3A_31 = tpu.memref_slice %arg2[%dma_start3A_29, %dma_start3A_30] : memref<10000x32xf32, #tpu.memory_space<hbm>> -> memref<10000x32xf32, #tpu.memory_space<hbm>>
    tpu.enqueue_indirect_dma source(%dma_start3A_31 : memref<10000x32xf32, #tpu.memory_space<hbm>>) target(%dma_start3A_25 : memref<125x32xf32, #tpu.memory_space<vmem>>) offsets(%dma_start3A_28 : memref<125xi32, #tpu.memory_space<vmem>>) semaphore(%arg7 : memref<!tpu.dma_semaphore, #tpu.memory_space<semaphore_mem>>)
    %dma_start3A_32 = arith.constant 3 : i32
    %dma_start3A_33 = arith.constant 375 : i32
    %dma_start3A_34 = arith.constant 0 : i32
    %dma_start3A_35 = tpu.memref_slice %arg6[%dma_start3A_33, %dma_start3A_34] : memref<2500x32xf32, #tpu.memory_space<vmem>> -> memref<125x32xf32, #tpu.memory_space<vmem>>
    %dma_start3A_36 = arith.constant 0 : i32
    %dma_start3A_37 = tpu.memref_slice %arg5[%dma_start3A_32, %dma_start3A_36] : memref<40x125xi32, #tpu.memory_space<vmem>> -> memref<1x125xi32, #tpu.memory_space<vmem>>
    %dma_start3A_38 = tpu.memref_squeeze %dma_start3A_37 : memref<1x125xi32, #tpu.memory_space<vmem>> -> memref<125xi32, #tpu.memory_space<vmem>>
    %dma_start3A_39 = arith.constant 0 : i32
    %dma_start3A_40 = arith.constant 0 : i32
    %dma_start3A_41 = tpu.memref_slice %arg2[%dma_start3A_39, %dma_start3A_40] : memref<10000x32xf32, #tpu.memory_space<hbm>> -> memref<10000x32xf32, #tpu.memory_space<hbm>>
    tpu.enqueue_indirect_dma source(%dma_start3A_41 : memref<10000x32xf32, #tpu.memory_space<hbm>>) target(%dma_start3A_35 : memref<125x32xf32, #tpu.memory_space<vmem>>) offsets(%dma_start3A_38 : memref<125xi32, #tpu.memory_space<vmem>>) semaphore(%arg7 : memref<!tpu.dma_semaphore, #tpu.memory_space<semaphore_mem>>)
    %dma_start3A_42 = arith.constant 4 : i32
    %dma_start3A_43 = arith.constant 500 : i32
    %dma_start3A_44 = arith.constant 0 : i32
    %dma_start3A_45 = tpu.memref_slice %arg6[%dma_start3A_43, %dma_start3A_44] : memref<2500x32xf32, #tpu.memory_space<vmem>> -> memref<125x32xf32, #tpu.memory_space<vmem>>
    %dma_start3A_46 = arith.constant 0 : i32
    %dma_start3A_47 = tpu.memref_slice %arg5[%dma_start3A_42, %dma_start3A_46] : memref<40x125xi32, #tpu.memory_space<vmem>> -> memref<1x125xi32, #tpu.memory_space<vmem>>
    %dma_start3A_48 = tpu.memref_squeeze %dma_start3A_47 : memref<1x125xi32, #tpu.memory_space<vmem>> -> memref<125xi32, #tpu.memory_space<vmem>>
    %dma_start3A_49 = arith.constant 0 : i32
    %dma_start3A_50 = arith.constant 0 : i32
    %dma_start3A_51 = tpu.memref_slice %arg2[%dma_start3A_49, %dma_start3A_50] : memref<10000x32xf32, #tpu.memory_space<hbm>> -> memref<10000x32xf32, #tpu.memory_space<hbm>>
    tpu.enqueue_indirect_dma source(%dma_start3A_51 : memref<10000x32xf32, #tpu.memory_space<hbm>>) target(%dma_start3A_45 : memref<125x32xf32, #tpu.memory_space<vmem>>) offsets(%dma_start3A_48 : memref<125xi32, #tpu.memory_space<vmem>>) semaphore(%arg7 : memref<!tpu.dma_semaphore, #tpu.memory_space<semaphore_mem>>)
    %dma_start3A_52 = arith.constant 5 : i32
    %dma_start3A_53 = arith.constant 625 : i32
    %dma_start3A_54 = arith.constant 0 : i32
    %dma_start3A_55 = tpu.memref_slice %arg6[%dma_start3A_53, %dma_start3A_54] : memref<2500x32xf32, #tpu.memory_space<vmem>> -> memref<125x32xf32, #tpu.memory_space<vmem>>
    %dma_start3A_56 = arith.constant 0 : i32
    %dma_start3A_57 = tpu.memref_slice %arg5[%dma_start3A_52, %dma_start3A_56] : memref<40x125xi32, #tpu.memory_space<vmem>> -> memref<1x125xi32, #tpu.memory_space<vmem>>
    %dma_start3A_58 = tpu.memref_squeeze %dma_start3A_57 : memref<1x125xi32, #tpu.memory_space<vmem>> -> memref<125xi32, #tpu.memory_space<vmem>>
    %dma_start3A_59 = arith.constant 0 : i32
    %dma_start3A_60 = arith.constant 0 : i32
    %dma_start3A_61 = tpu.memref_slice %arg2[%dma_start3A_59, %dma_start3A_60] : memref<10000x32xf32, #tpu.memory_space<hbm>> -> memref<10000x32xf32, #tpu.memory_space<hbm>>
    tpu.enqueue_indirect_dma source(%dma_start3A_61 : memref<10000x32xf32, #tpu.memory_space<hbm>>) target(%dma_start3A_55 : memref<125x32xf32, #tpu.memory_space<vmem>>) offsets(%dma_start3A_58 : memref<125xi32, #tpu.memory_space<vmem>>) semaphore(%arg7 : memref<!tpu.dma_semaphore, #tpu.memory_space<semaphore_mem>>)
    %dma_start3A_62 = arith.constant 6 : i32
    %dma_start3A_63 = arith.constant 750 : i32
    %dma_start3A_64 = arith.constant 0 : i32
    %dma_start3A_65 = tpu.memref_slice %arg6[%dma_start3A_63, %dma_start3A_64] : memref<2500x32xf32, #tpu.memory_space<vmem>> -> memref<125x32xf32, #tpu.memory_space<vmem>>
    %dma_start3A_66 = arith.constant 0 : i32
    %dma_start3A_67 = tpu.memref_slice %arg5[%dma_start3A_62, %dma_start3A_66] : memref<40x125xi32, #tpu.memory_space<vmem>> -> memref<1x125xi32, #tpu.memory_space<vmem>>
    %dma_start3A_68 = tpu.memref_squeeze %dma_start3A_67 : memref<1x125xi32, #tpu.memory_space<vmem>> -> memref<125xi32, #tpu.memory_space<vmem>>
    %dma_start3A_69 = arith.constant 0 : i32
    %dma_start3A_70 = arith.constant 0 : i32
    %dma_start3A_71 = tpu.memref_slice %arg2[%dma_start3A_69, %dma_start3A_70] : memref<10000x32xf32, #tpu.memory_space<hbm>> -> memref<10000x32xf32, #tpu.memory_space<hbm>>
    tpu.enqueue_indirect_dma source(%dma_start3A_71 : memref<10000x32xf32, #tpu.memory_space<hbm>>) target(%dma_start3A_65 : memref<125x32xf32, #tpu.memory_space<vmem>>) offsets(%dma_start3A_68 : memref<125xi32, #tpu.memory_space<vmem>>) semaphore(%arg7 : memref<!tpu.dma_semaphore, #tpu.memory_space<semaphore_mem>>)
    %dma_start3A_72 = arith.constant 7 : i32
    %dma_start3A_73 = arith.constant 875 : i32
    %dma_start3A_74 = arith.constant 0 : i32
    %dma_start3A_75 = tpu.memref_slice %arg6[%dma_start3A_73, %dma_start3A_74] : memref<2500x32xf32, #tpu.memory_space<vmem>> -> memref<125x32xf32, #tpu.memory_space<vmem>>
    %dma_start3A_76 = arith.constant 0 : i32
    %dma_start3A_77 = tpu.memref_slice %arg5[%dma_start3A_72, %dma_start3A_76] : memref<40x125xi32, #tpu.memory_space<vmem>> -> memref<1x125xi32, #tpu.memory_space<vmem>>
    %dma_start3A_78 = tpu.memref_squeeze %dma_start3A_77 : memref<1x125xi32, #tpu.memory_space<vmem>> -> memref<125xi32, #tpu.memory_space<vmem>>
    %dma_start3A_79 = arith.constant 0 : i32
    %dma_start3A_80 = arith.constant 0 : i32
    %dma_start3A_81 = tpu.memref_slice %arg2[%dma_start3A_79, %dma_start3A_80] : memref<10000x32xf32, #tpu.memory_space<hbm>> -> memref<10000x32xf32, #tpu.memory_space<hbm>>
    tpu.enqueue_indirect_dma source(%dma_start3A_81 : memref<10000x32xf32, #tpu.memory_space<hbm>>) target(%dma_start3A_75 : memref<125x32xf32, #tpu.memory_space<vmem>>) offsets(%dma_start3A_78 : memref<125xi32, #tpu.memory_space<vmem>>) semaphore(%arg7 : memref<!tpu.dma_semaphore, #tpu.memory_space<semaphore_mem>>)
    %dma_start3A_82 = arith.constant 8 : i32
    %dma_start3A_83 = arith.constant 1000 : i32
    %dma_start3A_84 = arith.constant 0 : i32
    %dma_start3A_85 = tpu.memref_slice %arg6[%dma_start3A_83, %dma_start3A_84] : memref<2500x32xf32, #tpu.memory_space<vmem>> -> memref<125x32xf32, #tpu.memory_space<vmem>>
    %dma_start3A_86 = arith.constant 0 : i32
    %dma_start3A_87 = tpu.memref_slice %arg5[%dma_start3A_82, %dma_start3A_86] : memref<40x125xi32, #tpu.memory_space<vmem>> -> memref<1x125xi32, #tpu.memory_space<vmem>>
    %dma_start3A_88 = tpu.memref_squeeze %dma_start3A_87 : memref<1x125xi32, #tpu.memory_space<vmem>> -> memref<125xi32, #tpu.memory_space<vmem>>
    %dma_start3A_89 = arith.constant 0 : i32
    %dma_start3A_90 = arith.constant 0 : i32
    %dma_start3A_91 = tpu.memref_slice %arg2[%dma_start3A_89, %dma_start3A_90] : memref<10000x32xf32, #tpu.memory_space<hbm>> -> memref<10000x32xf32, #tpu.memory_space<hbm>>
    tpu.enqueue_indirect_dma source(%dma_start3A_91 : memref<10000x32xf32, #tpu.memory_space<hbm>>) target(%dma_start3A_85 : memref<125x32xf32, #tpu.memory_space<vmem>>) offsets(%dma_start3A_88 : memref<125xi32, #tpu.memory_space<vmem>>) semaphore(%arg7 : memref<!tpu.dma_semaphore, #tpu.memory_space<semaphore_mem>>)
    %dma_start3A_92 = arith.constant 9 : i32
    %dma_start3A_93 = arith.constant 1125 : i32
    %dma_start3A_94 = arith.constant 0 : i32
    %dma_start3A_95 = tpu.memref_slice %arg6[%dma_start3A_93, %dma_start3A_94] : memref<2500x32xf32, #tpu.memory_space<vmem>> -> memref<125x32xf32, #tpu.memory_space<vmem>>
    %dma_start3A_96 = arith.constant 0 : i32
    %dma_start3A_97 = tpu.memref_slice %arg5[%dma_start3A_92, %dma_start3A_96] : memref<40x125xi32, #tpu.memory_space<vmem>> -> memref<1x125xi32, #tpu.memory_space<vmem>>
    %dma_start3A_98 = tpu.memref_squeeze %dma_start3A_97 : memref<1x125xi32, #tpu.memory_space<vmem>> -> memref<125xi32, #tpu.memory_space<vmem>>
    %dma_start3A_99 = arith.constant 0 : i32
    %dma_start3A_100 = arith.constant 0 : i32
    %dma_start3A_101 = tpu.memref_slice %arg2[%dma_start3A_99, %dma_start3A_100] : memref<10000x32xf32, #tpu.memory_space<hbm>> -> memref<10000x32xf32, #tpu.memory_space<hbm>>
    tpu.enqueue_indirect_dma source(%dma_start3A_101 : memref<10000x32xf32, #tpu.memory_space<hbm>>) target(%dma_start3A_95 : memref<125x32xf32, #tpu.memory_space<vmem>>) offsets(%dma_start3A_98 : memref<125xi32, #tpu.memory_space<vmem>>) semaphore(%arg7 : memref<!tpu.dma_semaphore, #tpu.memory_space<semaphore_mem>>)
    %dma_start3A_102 = arith.constant 10 : i32
    %dma_start3A_103 = arith.constant 1250 : i32
    %dma_start3A_104 = arith.constant 0 : i32
    %dma_start3A_105 = tpu.memref_slice %arg6[%dma_start3A_103, %dma_start3A_104] : memref<2500x32xf32, #tpu.memory_space<vmem>> -> memref<125x32xf32, #tpu.memory_space<vmem>>
    %dma_start3A_106 = arith.constant 0 : i32
    %dma_start3A_107 = tpu.memref_slice %arg5[%dma_start3A_102, %dma_start3A_106] : memref<40x125xi32, #tpu.memory_space<vmem>> -> memref<1x125xi32, #tpu.memory_space<vmem>>
    %dma_start3A_108 = tpu.memref_squeeze %dma_start3A_107 : memref<1x125xi32, #tpu.memory_space<vmem>> -> memref<125xi32, #tpu.memory_space<vmem>>
    %dma_start3A_109 = arith.constant 0 : i32
    %dma_start3A_110 = arith.constant 0 : i32
    %dma_start3A_111 = tpu.memref_slice %arg2[%dma_start3A_109, %dma_start3A_110] : memref<10000x32xf32, #tpu.memory_space<hbm>> -> memref<10000x32xf32, #tpu.memory_space<hbm>>
    tpu.enqueue_indirect_dma source(%dma_start3A_111 : memref<10000x32xf32, #tpu.memory_space<hbm>>) target(%dma_start3A_105 : memref<125x32xf32, #tpu.memory_space<vmem>>) offsets(%dma_start3A_108 : memref<125xi32, #tpu.memory_space<vmem>>) semaphore(%arg7 : memref<!tpu.dma_semaphore, #tpu.memory_space<semaphore_mem>>)
    %dma_start3A_112 = arith.constant 11 : i32
    %dma_start3A_113 = arith.constant 1375 : i32
    %dma_start3A_114 = arith.constant 0 : i32
    %dma_start3A_115 = tpu.memref_slice %arg6[%dma_start3A_113, %dma_start3A_114] : memref<2500x32xf32, #tpu.memory_space<vmem>> -> memref<125x32xf32, #tpu.memory_space<vmem>>
    %dma_start3A_116 = arith.constant 0 : i32
    %dma_start3A_117 = tpu.memref_slice %arg5[%dma_start3A_112, %dma_start3A_116] : memref<40x125xi32, #tpu.memory_space<vmem>> -> memref<1x125xi32, #tpu.memory_space<vmem>>
    %dma_start3A_118 = tpu.memref_squeeze %dma_start3A_117 : memref<1x125xi32, #tpu.memory_space<vmem>> -> memref<125xi32, #tpu.memory_space<vmem>>
    %dma_start3A_119 = arith.constant 0 : i32
    %dma_start3A_120 = arith.constant 0 : i32
    %dma_start3A_121 = tpu.memref_slice %arg2[%dma_start3A_119, %dma_start3A_120] : memref<10000x32xf32, #tpu.memory_space<hbm>> -> memref<10000x32xf32, #tpu.memory_space<hbm>>
    tpu.enqueue_indirect_dma source(%dma_start3A_121 : memref<10000x32xf32, #tpu.memory_space<hbm>>) target(%dma_start3A_115 : memref<125x32xf32, #tpu.memory_space<vmem>>) offsets(%dma_start3A_118 : memref<125xi32, #tpu.memory_space<vmem>>) semaphore(%arg7 : memref<!tpu.dma_semaphore, #tpu.memory_space<semaphore_mem>>)
    %dma_start3A_122 = arith.constant 12 : i32
    %dma_start3A_123 = arith.constant 1500 : i32
    %dma_start3A_124 = arith.constant 0 : i32
    %dma_start3A_125 = tpu.memref_slice %arg6[%dma_start3A_123, %dma_start3A_124] : memref<2500x32xf32, #tpu.memory_space<vmem>> -> memref<125x32xf32, #tpu.memory_space<vmem>>
    %dma_start3A_126 = arith.constant 0 : i32
    %dma_start3A_127 = tpu.memref_slice %arg5[%dma_start3A_122, %dma_start3A_126] : memref<40x125xi32, #tpu.memory_space<vmem>> -> memref<1x125xi32, #tpu.memory_space<vmem>>
    %dma_start3A_128 = tpu.memref_squeeze %dma_start3A_127 : memref<1x125xi32, #tpu.memory_space<vmem>> -> memref<125xi32, #tpu.memory_space<vmem>>
    %dma_start3A_129 = arith.constant 0 : i32
    %dma_start3A_130 = arith.constant 0 : i32
    %dma_start3A_131 = tpu.memref_slice %arg2[%dma_start3A_129, %dma_start3A_130] : memref<10000x32xf32, #tpu.memory_space<hbm>> -> memref<10000x32xf32, #tpu.memory_space<hbm>>
    tpu.enqueue_indirect_dma source(%dma_start3A_131 : memref<10000x32xf32, #tpu.memory_space<hbm>>) target(%dma_start3A_125 : memref<125x32xf32, #tpu.memory_space<vmem>>) offsets(%dma_start3A_128 : memref<125xi32, #tpu.memory_space<vmem>>) semaphore(%arg7 : memref<!tpu.dma_semaphore, #tpu.memory_space<semaphore_mem>>)
    %dma_start3A_132 = arith.constant 13 : i32
    %dma_start3A_133 = arith.constant 1625 : i32
    %dma_start3A_134 = arith.constant 0 : i32
    %dma_start3A_135 = tpu.memref_slice %arg6[%dma_start3A_133, %dma_start3A_134] : memref<2500x32xf32, #tpu.memory_space<vmem>> -> memref<125x32xf32, #tpu.memory_space<vmem>>
    %dma_start3A_136 = arith.constant 0 : i32
    %dma_start3A_137 = tpu.memref_slice %arg5[%dma_start3A_132, %dma_start3A_136] : memref<40x125xi32, #tpu.memory_space<vmem>> -> memref<1x125xi32, #tpu.memory_space<vmem>>
    %dma_start3A_138 = tpu.memref_squeeze %dma_start3A_137 : memref<1x125xi32, #tpu.memory_space<vmem>> -> memref<125xi32, #tpu.memory_space<vmem>>
    %dma_start3A_139 = arith.constant 0 : i32
    %dma_start3A_140 = arith.constant 0 : i32
    %dma_start3A_141 = tpu.memref_slice %arg2[%dma_start3A_139, %dma_start3A_140] : memref<10000x32xf32, #tpu.memory_space<hbm>> -> memref<10000x32xf32, #tpu.memory_space<hbm>>
    tpu.enqueue_indirect_dma source(%dma_start3A_141 : memref<10000x32xf32, #tpu.memory_space<hbm>>) target(%dma_start3A_135 : memref<125x32xf32, #tpu.memory_space<vmem>>) offsets(%dma_start3A_138 : memref<125xi32, #tpu.memory_space<vmem>>) semaphore(%arg7 : memref<!tpu.dma_semaphore, #tpu.memory_space<semaphore_mem>>)
    %dma_start3A_142 = arith.constant 14 : i32
    %dma_start3A_143 = arith.constant 1750 : i32
    %dma_start3A_144 = arith.constant 0 : i32
    %dma_start3A_145 = tpu.memref_slice %arg6[%dma_start3A_143, %dma_start3A_144] : memref<2500x32xf32, #tpu.memory_space<vmem>> -> memref<125x32xf32, #tpu.memory_space<vmem>>
    %dma_start3A_146 = arith.constant 0 : i32
    %dma_start3A_147 = tpu.memref_slice %arg5[%dma_start3A_142, %dma_start3A_146] : memref<40x125xi32, #tpu.memory_space<vmem>> -> memref<1x125xi32, #tpu.memory_space<vmem>>
    %dma_start3A_148 = tpu.memref_squeeze %dma_start3A_147 : memref<1x125xi32, #tpu.memory_space<vmem>> -> memref<125xi32, #tpu.memory_space<vmem>>
    %dma_start3A_149 = arith.constant 0 : i32
    %dma_start3A_150 = arith.constant 0 : i32
    %dma_start3A_151 = tpu.memref_slice %arg2[%dma_start3A_149, %dma_start3A_150] : memref<10000x32xf32, #tpu.memory_space<hbm>> -> memref<10000x32xf32, #tpu.memory_space<hbm>>
    tpu.enqueue_indirect_dma source(%dma_start3A_151 : memref<10000x32xf32, #tpu.memory_space<hbm>>) target(%dma_start3A_145 : memref<125x32xf32, #tpu.memory_space<vmem>>) offsets(%dma_start3A_148 : memref<125xi32, #tpu.memory_space<vmem>>) semaphore(%arg7 : memref<!tpu.dma_semaphore, #tpu.memory_space<semaphore_mem>>)
    %dma_start3A_152 = arith.constant 15 : i32
    %dma_start3A_153 = arith.constant 1875 : i32
    %dma_start3A_154 = arith.constant 0 : i32
    %dma_start3A_155 = tpu.memref_slice %arg6[%dma_start3A_153, %dma_start3A_154] : memref<2500x32xf32, #tpu.memory_space<vmem>> -> memref<125x32xf32, #tpu.memory_space<vmem>>
    %dma_start3A_156 = arith.constant 0 : i32
    %dma_start3A_157 = tpu.memref_slice %arg5[%dma_start3A_152, %dma_start3A_156] : memref<40x125xi32, #tpu.memory_space<vmem>> -> memref<1x125xi32, #tpu.memory_space<vmem>>
    %dma_start3A_158 = tpu.memref_squeeze %dma_start3A_157 : memref<1x125xi32, #tpu.memory_space<vmem>> -> memref<125xi32, #tpu.memory_space<vmem>>
    %dma_start3A_159 = arith.constant 0 : i32
    %dma_start3A_160 = arith.constant 0 : i32
    %dma_start3A_161 = tpu.memref_slice %arg2[%dma_start3A_159, %dma_start3A_160] : memref<10000x32xf32, #tpu.memory_space<hbm>> -> memref<10000x32xf32, #tpu.memory_space<hbm>>
    tpu.enqueue_indirect_dma source(%dma_start3A_161 : memref<10000x32xf32, #tpu.memory_space<hbm>>) target(%dma_start3A_155 : memref<125x32xf32, #tpu.memory_space<vmem>>) offsets(%dma_start3A_158 : memref<125xi32, #tpu.memory_space<vmem>>) semaphore(%arg7 : memref<!tpu.dma_semaphore, #tpu.memory_space<semaphore_mem>>)
    %dma_start3A_162 = arith.constant 16 : i32
    %dma_start3A_163 = arith.constant 2000 : i32
    %dma_start3A_164 = arith.constant 0 : i32
    %dma_start3A_165 = tpu.memref_slice %arg6[%dma_start3A_163, %dma_start3A_164] : memref<2500x32xf32, #tpu.memory_space<vmem>> -> memref<125x32xf32, #tpu.memory_space<vmem>>
    %dma_start3A_166 = arith.constant 0 : i32
    %dma_start3A_167 = tpu.memref_slice %arg5[%dma_start3A_162, %dma_start3A_166] : memref<40x125xi32, #tpu.memory_space<vmem>> -> memref<1x125xi32, #tpu.memory_space<vmem>>
    %dma_start3A_168 = tpu.memref_squeeze %dma_start3A_167 : memref<1x125xi32, #tpu.memory_space<vmem>> -> memref<125xi32, #tpu.memory_space<vmem>>
    %dma_start3A_169 = arith.constant 0 : i32
    %dma_start3A_170 = arith.constant 0 : i32
    %dma_start3A_171 = tpu.memref_slice %arg2[%dma_start3A_169, %dma_start3A_170] : memref<10000x32xf32, #tpu.memory_space<hbm>> -> memref<10000x32xf32, #tpu.memory_space<hbm>>
    tpu.enqueue_indirect_dma source(%dma_start3A_171 : memref<10000x32xf32, #tpu.memory_space<hbm>>) target(%dma_start3A_165 : memref<125x32xf32, #tpu.memory_space<vmem>>) offsets(%dma_start3A_168 : memref<125xi32, #tpu.memory_space<vmem>>) semaphore(%arg7 : memref<!tpu.dma_semaphore, #tpu.memory_space<semaphore_mem>>)
    %dma_start3A_172 = arith.constant 17 : i32
    %dma_start3A_173 = arith.constant 2125 : i32
    %dma_start3A_174 = arith.constant 0 : i32
    %dma_start3A_175 = tpu.memref_slice %arg6[%dma_start3A_173, %dma_start3A_174] : memref<2500x32xf32, #tpu.memory_space<vmem>> -> memref<125x32xf32, #tpu.memory_space<vmem>>
    %dma_start3A_176 = arith.constant 0 : i32
    %dma_start3A_177 = tpu.memref_slice %arg5[%dma_start3A_172, %dma_start3A_176] : memref<40x125xi32, #tpu.memory_space<vmem>> -> memref<1x125xi32, #tpu.memory_space<vmem>>
    %dma_start3A_178 = tpu.memref_squeeze %dma_start3A_177 : memref<1x125xi32, #tpu.memory_space<vmem>> -> memref<125xi32, #tpu.memory_space<vmem>>
    %dma_start3A_179 = arith.constant 0 : i32
    %dma_start3A_180 = arith.constant 0 : i32
    %dma_start3A_181 = tpu.memref_slice %arg2[%dma_start3A_179, %dma_start3A_180] : memref<10000x32xf32, #tpu.memory_space<hbm>> -> memref<10000x32xf32, #tpu.memory_space<hbm>>
    tpu.enqueue_indirect_dma source(%dma_start3A_181 : memref<10000x32xf32, #tpu.memory_space<hbm>>) target(%dma_start3A_175 : memref<125x32xf32, #tpu.memory_space<vmem>>) offsets(%dma_start3A_178 : memref<125xi32, #tpu.memory_space<vmem>>) semaphore(%arg7 : memref<!tpu.dma_semaphore, #tpu.memory_space<semaphore_mem>>)
    %dma_start3A_182 = arith.constant 18 : i32
    %dma_start3A_183 = arith.constant 2250 : i32
    %dma_start3A_184 = arith.constant 0 : i32
    %dma_start3A_185 = tpu.memref_slice %arg6[%dma_start3A_183, %dma_start3A_184] : memref<2500x32xf32, #tpu.memory_space<vmem>> -> memref<125x32xf32, #tpu.memory_space<vmem>>
    %dma_start3A_186 = arith.constant 0 : i32
    %dma_start3A_187 = tpu.memref_slice %arg5[%dma_start3A_182, %dma_start3A_186] : memref<40x125xi32, #tpu.memory_space<vmem>> -> memref<1x125xi32, #tpu.memory_space<vmem>>
    %dma_start3A_188 = tpu.memref_squeeze %dma_start3A_187 : memref<1x125xi32, #tpu.memory_space<vmem>> -> memref<125xi32, #tpu.memory_space<vmem>>
    %dma_start3A_189 = arith.constant 0 : i32
    %dma_start3A_190 = arith.constant 0 : i32
    %dma_start3A_191 = tpu.memref_slice %arg2[%dma_start3A_189, %dma_start3A_190] : memref<10000x32xf32, #tpu.memory_space<hbm>> -> memref<10000x32xf32, #tpu.memory_space<hbm>>
    tpu.enqueue_indirect_dma source(%dma_start3A_191 : memref<10000x32xf32, #tpu.memory_space<hbm>>) target(%dma_start3A_185 : memref<125x32xf32, #tpu.memory_space<vmem>>) offsets(%dma_start3A_188 : memref<125xi32, #tpu.memory_space<vmem>>) semaphore(%arg7 : memref<!tpu.dma_semaphore, #tpu.memory_space<semaphore_mem>>)
    %dma_start3A_192 = arith.constant 19 : i32
    %dma_start3A_193 = arith.constant 2375 : i32
    %dma_start3A_194 = arith.constant 0 : i32
    %dma_start3A_195 = tpu.memref_slice %arg6[%dma_start3A_193, %dma_start3A_194] : memref<2500x32xf32, #tpu.memory_space<vmem>> -> memref<125x32xf32, #tpu.memory_space<vmem>>
    %dma_start3A_196 = arith.constant 0 : i32
    %dma_start3A_197 = tpu.memref_slice %arg5[%dma_start3A_192, %dma_start3A_196] : memref<40x125xi32, #tpu.memory_space<vmem>> -> memref<1x125xi32, #tpu.memory_space<vmem>>
    %dma_start3A_198 = tpu.memref_squeeze %dma_start3A_197 : memref<1x125xi32, #tpu.memory_space<vmem>> -> memref<125xi32, #tpu.memory_space<vmem>>
    %dma_start3A_199 = arith.constant 0 : i32
    %dma_start3A_200 = arith.constant 0 : i32
    %dma_start3A_201 = tpu.memref_slice %arg2[%dma_start3A_199, %dma_start3A_200] : memref<10000x32xf32, #tpu.memory_space<hbm>> -> memref<10000x32xf32, #tpu.memory_space<hbm>>
    tpu.enqueue_indirect_dma source(%dma_start3A_201 : memref<10000x32xf32, #tpu.memory_space<hbm>>) target(%dma_start3A_195 : memref<125x32xf32, #tpu.memory_space<vmem>>) offsets(%dma_start3A_198 : memref<125xi32, #tpu.memory_space<vmem>>) semaphore(%arg7 : memref<!tpu.dma_semaphore, #tpu.memory_space<semaphore_mem>>)
    %dma_wait3A = arith.constant 0 : i32
    %dma_wait3A_202 = arith.constant 0 : i32
    %dma_wait3A_203 = arith.constant 0 : i32
    %dma_wait3A_204 = tpu.memref_slice %arg6[%dma_wait3A_202, %dma_wait3A_203] : memref<2500x32xf32, #tpu.memory_space<vmem>> -> memref<125x32xf32, #tpu.memory_space<vmem>>
    %dma_wait3A_205 = arith.constant 0 : i32
    %dma_wait3A_206 = tpu.memref_slice %arg5[%dma_wait3A, %dma_wait3A_205] : memref<40x125xi32, #tpu.memory_space<vmem>> -> memref<1x125xi32, #tpu.memory_space<vmem>>
    %dma_wait3A_207 = tpu.memref_squeeze %dma_wait3A_206 : memref<1x125xi32, #tpu.memory_space<vmem>> -> memref<125xi32, #tpu.memory_space<vmem>>
    %dma_wait3A_208 = arith.constant 0 : i32
    %dma_wait3A_209 = arith.constant 0 : i32
    %dma_wait3A_210 = tpu.memref_slice %arg2[%dma_wait3A_208, %dma_wait3A_209] : memref<10000x32xf32, #tpu.memory_space<hbm>> -> memref<10000x32xf32, #tpu.memory_space<hbm>>
    tpu.wait_indirect_dma semaphore(%arg7 : memref<!tpu.dma_semaphore, #tpu.memory_space<semaphore_mem>>) src(%dma_wait3A_210 : memref<10000x32xf32, #tpu.memory_space<hbm>>) dst(%dma_wait3A_204 : memref<125x32xf32, #tpu.memory_space<vmem>>)
    %dma_wait3A_211 = arith.constant 1 : i32
    %dma_wait3A_212 = arith.constant 125 : i32
    %dma_wait3A_213 = arith.constant 0 : i32
    %dma_wait3A_214 = tpu.memref_slice %arg6[%dma_wait3A_212, %dma_wait3A_213] : memref<2500x32xf32, #tpu.memory_space<vmem>> -> memref<125x32xf32, #tpu.memory_space<vmem>>
    %dma_wait3A_215 = arith.constant 0 : i32
    %dma_wait3A_216 = tpu.memref_slice %arg5[%dma_wait3A_211, %dma_wait3A_215] : memref<40x125xi32, #tpu.memory_space<vmem>> -> memref<1x125xi32, #tpu.memory_space<vmem>>
    %dma_wait3A_217 = tpu.memref_squeeze %dma_wait3A_216 : memref<1x125xi32, #tpu.memory_space<vmem>> -> memref<125xi32, #tpu.memory_space<vmem>>
    %dma_wait3A_218 = arith.constant 0 : i32
    %dma_wait3A_219 = arith.constant 0 : i32
    %dma_wait3A_220 = tpu.memref_slice %arg2[%dma_wait3A_218, %dma_wait3A_219] : memref<10000x32xf32, #tpu.memory_space<hbm>> -> memref<10000x32xf32, #tpu.memory_space<hbm>>
    tpu.wait_indirect_dma semaphore(%arg7 : memref<!tpu.dma_semaphore, #tpu.memory_space<semaphore_mem>>) src(%dma_wait3A_220 : memref<10000x32xf32, #tpu.memory_space<hbm>>) dst(%dma_wait3A_214 : memref<125x32xf32, #tpu.memory_space<vmem>>)
    %dma_wait3A_221 = arith.constant 2 : i32
    %dma_wait3A_222 = arith.constant 250 : i32
    %dma_wait3A_223 = arith.constant 0 : i32
    %dma_wait3A_224 = tpu.memref_slice %arg6[%dma_wait3A_222, %dma_wait3A_223] : memref<2500x32xf32, #tpu.memory_space<vmem>> -> memref<125x32xf32, #tpu.memory_space<vmem>>
    %dma_wait3A_225 = arith.constant 0 : i32
    %dma_wait3A_226 = tpu.memref_slice %arg5[%dma_wait3A_221, %dma_wait3A_225] : memref<40x125xi32, #tpu.memory_space<vmem>> -> memref<1x125xi32, #tpu.memory_space<vmem>>
    %dma_wait3A_227 = tpu.memref_squeeze %dma_wait3A_226 : memref<1x125xi32, #tpu.memory_space<vmem>> -> memref<125xi32, #tpu.memory_space<vmem>>
    %dma_wait3A_228 = arith.constant 0 : i32
    %dma_wait3A_229 = arith.constant 0 : i32
    %dma_wait3A_230 = tpu.memref_slice %arg2[%dma_wait3A_228, %dma_wait3A_229] : memref<10000x32xf32, #tpu.memory_space<hbm>> -> memref<10000x32xf32, #tpu.memory_space<hbm>>
    tpu.wait_indirect_dma semaphore(%arg7 : memref<!tpu.dma_semaphore, #tpu.memory_space<semaphore_mem>>) src(%dma_wait3A_230 : memref<10000x32xf32, #tpu.memory_space<hbm>>) dst(%dma_wait3A_224 : memref<125x32xf32, #tpu.memory_space<vmem>>)
    %dma_wait3A_231 = arith.constant 3 : i32
    %dma_wait3A_232 = arith.constant 375 : i32
    %dma_wait3A_233 = arith.constant 0 : i32
    %dma_wait3A_234 = tpu.memref_slice %arg6[%dma_wait3A_232, %dma_wait3A_233] : memref<2500x32xf32, #tpu.memory_space<vmem>> -> memref<125x32xf32, #tpu.memory_space<vmem>>
    %dma_wait3A_235 = arith.constant 0 : i32
    %dma_wait3A_236 = tpu.memref_slice %arg5[%dma_wait3A_231, %dma_wait3A_235] : memref<40x125xi32, #tpu.memory_space<vmem>> -> memref<1x125xi32, #tpu.memory_space<vmem>>
    %dma_wait3A_237 = tpu.memref_squeeze %dma_wait3A_236 : memref<1x125xi32, #tpu.memory_space<vmem>> -> memref<125xi32, #tpu.memory_space<vmem>>
    %dma_wait3A_238 = arith.constant 0 : i32
    %dma_wait3A_239 = arith.constant 0 : i32
    %dma_wait3A_240 = tpu.memref_slice %arg2[%dma_wait3A_238, %dma_wait3A_239] : memref<10000x32xf32, #tpu.memory_space<hbm>> -> memref<10000x32xf32, #tpu.memory_space<hbm>>
    tpu.wait_indirect_dma semaphore(%arg7 : memref<!tpu.dma_semaphore, #tpu.memory_space<semaphore_mem>>) src(%dma_wait3A_240 : memref<10000x32xf32, #tpu.memory_space<hbm>>) dst(%dma_wait3A_234 : memref<125x32xf32, #tpu.memory_space<vmem>>)
    %dma_wait3A_241 = arith.constant 4 : i32
    %dma_wait3A_242 = arith.constant 500 : i32
    %dma_wait3A_243 = arith.constant 0 : i32
    %dma_wait3A_244 = tpu.memref_slice %arg6[%dma_wait3A_242, %dma_wait3A_243] : memref<2500x32xf32, #tpu.memory_space<vmem>> -> memref<125x32xf32, #tpu.memory_space<vmem>>
    %dma_wait3A_245 = arith.constant 0 : i32
    %dma_wait3A_246 = tpu.memref_slice %arg5[%dma_wait3A_241, %dma_wait3A_245] : memref<40x125xi32, #tpu.memory_space<vmem>> -> memref<1x125xi32, #tpu.memory_space<vmem>>
    %dma_wait3A_247 = tpu.memref_squeeze %dma_wait3A_246 : memref<1x125xi32, #tpu.memory_space<vmem>> -> memref<125xi32, #tpu.memory_space<vmem>>
    %dma_wait3A_248 = arith.constant 0 : i32
    %dma_wait3A_249 = arith.constant 0 : i32
    %dma_wait3A_250 = tpu.memref_slice %arg2[%dma_wait3A_248, %dma_wait3A_249] : memref<10000x32xf32, #tpu.memory_space<hbm>> -> memref<10000x32xf32, #tpu.memory_space<hbm>>
    tpu.wait_indirect_dma semaphore(%arg7 : memref<!tpu.dma_semaphore, #tpu.memory_space<semaphore_mem>>) src(%dma_wait3A_250 : memref<10000x32xf32, #tpu.memory_space<hbm>>) dst(%dma_wait3A_244 : memref<125x32xf32, #tpu.memory_space<vmem>>)
    %dma_wait3A_251 = arith.constant 5 : i32
    %dma_wait3A_252 = arith.constant 625 : i32
    %dma_wait3A_253 = arith.constant 0 : i32
    %dma_wait3A_254 = tpu.memref_slice %arg6[%dma_wait3A_252, %dma_wait3A_253] : memref<2500x32xf32, #tpu.memory_space<vmem>> -> memref<125x32xf32, #tpu.memory_space<vmem>>
    %dma_wait3A_255 = arith.constant 0 : i32
    %dma_wait3A_256 = tpu.memref_slice %arg5[%dma_wait3A_251, %dma_wait3A_255] : memref<40x125xi32, #tpu.memory_space<vmem>> -> memref<1x125xi32, #tpu.memory_space<vmem>>
    %dma_wait3A_257 = tpu.memref_squeeze %dma_wait3A_256 : memref<1x125xi32, #tpu.memory_space<vmem>> -> memref<125xi32, #tpu.memory_space<vmem>>
    %dma_wait3A_258 = arith.constant 0 : i32
    %dma_wait3A_259 = arith.constant 0 : i32
    %dma_wait3A_260 = tpu.memref_slice %arg2[%dma_wait3A_258, %dma_wait3A_259] : memref<10000x32xf32, #tpu.memory_space<hbm>> -> memref<10000x32xf32, #tpu.memory_space<hbm>>
    tpu.wait_indirect_dma semaphore(%arg7 : memref<!tpu.dma_semaphore, #tpu.memory_space<semaphore_mem>>) src(%dma_wait3A_260 : memref<10000x32xf32, #tpu.memory_space<hbm>>) dst(%dma_wait3A_254 : memref<125x32xf32, #tpu.memory_space<vmem>>)
    %dma_wait3A_261 = arith.constant 6 : i32
    %dma_wait3A_262 = arith.constant 750 : i32
    %dma_wait3A_263 = arith.constant 0 : i32
    %dma_wait3A_264 = tpu.memref_slice %arg6[%dma_wait3A_262, %dma_wait3A_263] : memref<2500x32xf32, #tpu.memory_space<vmem>> -> memref<125x32xf32, #tpu.memory_space<vmem>>
    %dma_wait3A_265 = arith.constant 0 : i32
    %dma_wait3A_266 = tpu.memref_slice %arg5[%dma_wait3A_261, %dma_wait3A_265] : memref<40x125xi32, #tpu.memory_space<vmem>> -> memref<1x125xi32, #tpu.memory_space<vmem>>
    %dma_wait3A_267 = tpu.memref_squeeze %dma_wait3A_266 : memref<1x125xi32, #tpu.memory_space<vmem>> -> memref<125xi32, #tpu.memory_space<vmem>>
    %dma_wait3A_268 = arith.constant 0 : i32
    %dma_wait3A_269 = arith.constant 0 : i32
    %dma_wait3A_270 = tpu.memref_slice %arg2[%dma_wait3A_268, %dma_wait3A_269] : memref<10000x32xf32, #tpu.memory_space<hbm>> -> memref<10000x32xf32, #tpu.memory_space<hbm>>
    tpu.wait_indirect_dma semaphore(%arg7 : memref<!tpu.dma_semaphore, #tpu.memory_space<semaphore_mem>>) src(%dma_wait3A_270 : memref<10000x32xf32, #tpu.memory_space<hbm>>) dst(%dma_wait3A_264 : memref<125x32xf32, #tpu.memory_space<vmem>>)
    %dma_wait3A_271 = arith.constant 7 : i32
    %dma_wait3A_272 = arith.constant 875 : i32
    %dma_wait3A_273 = arith.constant 0 : i32
    %dma_wait3A_274 = tpu.memref_slice %arg6[%dma_wait3A_272, %dma_wait3A_273] : memref<2500x32xf32, #tpu.memory_space<vmem>> -> memref<125x32xf32, #tpu.memory_space<vmem>>
    %dma_wait3A_275 = arith.constant 0 : i32
    %dma_wait3A_276 = tpu.memref_slice %arg5[%dma_wait3A_271, %dma_wait3A_275] : memref<40x125xi32, #tpu.memory_space<vmem>> -> memref<1x125xi32, #tpu.memory_space<vmem>>
    %dma_wait3A_277 = tpu.memref_squeeze %dma_wait3A_276 : memref<1x125xi32, #tpu.memory_space<vmem>> -> memref<125xi32, #tpu.memory_space<vmem>>
    %dma_wait3A_278 = arith.constant 0 : i32
    %dma_wait3A_279 = arith.constant 0 : i32
    %dma_wait3A_280 = tpu.memref_slice %arg2[%dma_wait3A_278, %dma_wait3A_279] : memref<10000x32xf32, #tpu.memory_space<hbm>> -> memref<10000x32xf32, #tpu.memory_space<hbm>>
    tpu.wait_indirect_dma semaphore(%arg7 : memref<!tpu.dma_semaphore, #tpu.memory_space<semaphore_mem>>) src(%dma_wait3A_280 : memref<10000x32xf32, #tpu.memory_space<hbm>>) dst(%dma_wait3A_274 : memref<125x32xf32, #tpu.memory_space<vmem>>)
    %dma_wait3A_281 = arith.constant 8 : i32
    %dma_wait3A_282 = arith.constant 1000 : i32
    %dma_wait3A_283 = arith.constant 0 : i32
    %dma_wait3A_284 = tpu.memref_slice %arg6[%dma_wait3A_282, %dma_wait3A_283] : memref<2500x32xf32, #tpu.memory_space<vmem>> -> memref<125x32xf32, #tpu.memory_space<vmem>>
    %dma_wait3A_285 = arith.constant 0 : i32
    %dma_wait3A_286 = tpu.memref_slice %arg5[%dma_wait3A_281, %dma_wait3A_285] : memref<40x125xi32, #tpu.memory_space<vmem>> -> memref<1x125xi32, #tpu.memory_space<vmem>>
    %dma_wait3A_287 = tpu.memref_squeeze %dma_wait3A_286 : memref<1x125xi32, #tpu.memory_space<vmem>> -> memref<125xi32, #tpu.memory_space<vmem>>
    %dma_wait3A_288 = arith.constant 0 : i32
    %dma_wait3A_289 = arith.constant 0 : i32
    %dma_wait3A_290 = tpu.memref_slice %arg2[%dma_wait3A_288, %dma_wait3A_289] : memref<10000x32xf32, #tpu.memory_space<hbm>> -> memref<10000x32xf32, #tpu.memory_space<hbm>>
    tpu.wait_indirect_dma semaphore(%arg7 : memref<!tpu.dma_semaphore, #tpu.memory_space<semaphore_mem>>) src(%dma_wait3A_290 : memref<10000x32xf32, #tpu.memory_space<hbm>>) dst(%dma_wait3A_284 : memref<125x32xf32, #tpu.memory_space<vmem>>)
    %dma_wait3A_291 = arith.constant 9 : i32
    %dma_wait3A_292 = arith.constant 1125 : i32
    %dma_wait3A_293 = arith.constant 0 : i32
    %dma_wait3A_294 = tpu.memref_slice %arg6[%dma_wait3A_292, %dma_wait3A_293] : memref<2500x32xf32, #tpu.memory_space<vmem>> -> memref<125x32xf32, #tpu.memory_space<vmem>>
    %dma_wait3A_295 = arith.constant 0 : i32
    %dma_wait3A_296 = tpu.memref_slice %arg5[%dma_wait3A_291, %dma_wait3A_295] : memref<40x125xi32, #tpu.memory_space<vmem>> -> memref<1x125xi32, #tpu.memory_space<vmem>>
    %dma_wait3A_297 = tpu.memref_squeeze %dma_wait3A_296 : memref<1x125xi32, #tpu.memory_space<vmem>> -> memref<125xi32, #tpu.memory_space<vmem>>
    %dma_wait3A_298 = arith.constant 0 : i32
    %dma_wait3A_299 = arith.constant 0 : i32
    %dma_wait3A_300 = tpu.memref_slice %arg2[%dma_wait3A_298, %dma_wait3A_299] : memref<10000x32xf32, #tpu.memory_space<hbm>> -> memref<10000x32xf32, #tpu.memory_space<hbm>>
    tpu.wait_indirect_dma semaphore(%arg7 : memref<!tpu.dma_semaphore, #tpu.memory_space<semaphore_mem>>) src(%dma_wait3A_300 : memref<10000x32xf32, #tpu.memory_space<hbm>>) dst(%dma_wait3A_294 : memref<125x32xf32, #tpu.memory_space<vmem>>)
    %dma_wait3A_301 = arith.constant 10 : i32
    %dma_wait3A_302 = arith.constant 1250 : i32
    %dma_wait3A_303 = arith.constant 0 : i32
    %dma_wait3A_304 = tpu.memref_slice %arg6[%dma_wait3A_302, %dma_wait3A_303] : memref<2500x32xf32, #tpu.memory_space<vmem>> -> memref<125x32xf32, #tpu.memory_space<vmem>>
    %dma_wait3A_305 = arith.constant 0 : i32
    %dma_wait3A_306 = tpu.memref_slice %arg5[%dma_wait3A_301, %dma_wait3A_305] : memref<40x125xi32, #tpu.memory_space<vmem>> -> memref<1x125xi32, #tpu.memory_space<vmem>>
    %dma_wait3A_307 = tpu.memref_squeeze %dma_wait3A_306 : memref<1x125xi32, #tpu.memory_space<vmem>> -> memref<125xi32, #tpu.memory_space<vmem>>
    %dma_wait3A_308 = arith.constant 0 : i32
    %dma_wait3A_309 = arith.constant 0 : i32
    %dma_wait3A_310 = tpu.memref_slice %arg2[%dma_wait3A_308, %dma_wait3A_309] : memref<10000x32xf32, #tpu.memory_space<hbm>> -> memref<10000x32xf32, #tpu.memory_space<hbm>>
    tpu.wait_indirect_dma semaphore(%arg7 : memref<!tpu.dma_semaphore, #tpu.memory_space<semaphore_mem>>) src(%dma_wait3A_310 : memref<10000x32xf32, #tpu.memory_space<hbm>>) dst(%dma_wait3A_304 : memref<125x32xf32, #tpu.memory_space<vmem>>)
    %dma_wait3A_311 = arith.constant 11 : i32
    %dma_wait3A_312 = arith.constant 1375 : i32
    %dma_wait3A_313 = arith.constant 0 : i32
    %dma_wait3A_314 = tpu.memref_slice %arg6[%dma_wait3A_312, %dma_wait3A_313] : memref<2500x32xf32, #tpu.memory_space<vmem>> -> memref<125x32xf32, #tpu.memory_space<vmem>>
    %dma_wait3A_315 = arith.constant 0 : i32
    %dma_wait3A_316 = tpu.memref_slice %arg5[%dma_wait3A_311, %dma_wait3A_315] : memref<40x125xi32, #tpu.memory_space<vmem>> -> memref<1x125xi32, #tpu.memory_space<vmem>>
    %dma_wait3A_317 = tpu.memref_squeeze %dma_wait3A_316 : memref<1x125xi32, #tpu.memory_space<vmem>> -> memref<125xi32, #tpu.memory_space<vmem>>
    %dma_wait3A_318 = arith.constant 0 : i32
    %dma_wait3A_319 = arith.constant 0 : i32
    %dma_wait3A_320 = tpu.memref_slice %arg2[%dma_wait3A_318, %dma_wait3A_319] : memref<10000x32xf32, #tpu.memory_space<hbm>> -> memref<10000x32xf32, #tpu.memory_space<hbm>>
    tpu.wait_indirect_dma semaphore(%arg7 : memref<!tpu.dma_semaphore, #tpu.memory_space<semaphore_mem>>) src(%dma_wait3A_320 : memref<10000x32xf32, #tpu.memory_space<hbm>>) dst(%dma_wait3A_314 : memref<125x32xf32, #tpu.memory_space<vmem>>)
    %dma_wait3A_321 = arith.constant 12 : i32
    %dma_wait3A_322 = arith.constant 1500 : i32
    %dma_wait3A_323 = arith.constant 0 : i32
    %dma_wait3A_324 = tpu.memref_slice %arg6[%dma_wait3A_322, %dma_wait3A_323] : memref<2500x32xf32, #tpu.memory_space<vmem>> -> memref<125x32xf32, #tpu.memory_space<vmem>>
    %dma_wait3A_325 = arith.constant 0 : i32
    %dma_wait3A_326 = tpu.memref_slice %arg5[%dma_wait3A_321, %dma_wait3A_325] : memref<40x125xi32, #tpu.memory_space<vmem>> -> memref<1x125xi32, #tpu.memory_space<vmem>>
    %dma_wait3A_327 = tpu.memref_squeeze %dma_wait3A_326 : memref<1x125xi32, #tpu.memory_space<vmem>> -> memref<125xi32, #tpu.memory_space<vmem>>
    %dma_wait3A_328 = arith.constant 0 : i32
    %dma_wait3A_329 = arith.constant 0 : i32
    %dma_wait3A_330 = tpu.memref_slice %arg2[%dma_wait3A_328, %dma_wait3A_329] : memref<10000x32xf32, #tpu.memory_space<hbm>> -> memref<10000x32xf32, #tpu.memory_space<hbm>>
    tpu.wait_indirect_dma semaphore(%arg7 : memref<!tpu.dma_semaphore, #tpu.memory_space<semaphore_mem>>) src(%dma_wait3A_330 : memref<10000x32xf32, #tpu.memory_space<hbm>>) dst(%dma_wait3A_324 : memref<125x32xf32, #tpu.memory_space<vmem>>)
    %dma_wait3A_331 = arith.constant 13 : i32
    %dma_wait3A_332 = arith.constant 1625 : i32
    %dma_wait3A_333 = arith.constant 0 : i32
    %dma_wait3A_334 = tpu.memref_slice %arg6[%dma_wait3A_332, %dma_wait3A_333] : memref<2500x32xf32, #tpu.memory_space<vmem>> -> memref<125x32xf32, #tpu.memory_space<vmem>>
    %dma_wait3A_335 = arith.constant 0 : i32
    %dma_wait3A_336 = tpu.memref_slice %arg5[%dma_wait3A_331, %dma_wait3A_335] : memref<40x125xi32, #tpu.memory_space<vmem>> -> memref<1x125xi32, #tpu.memory_space<vmem>>
    %dma_wait3A_337 = tpu.memref_squeeze %dma_wait3A_336 : memref<1x125xi32, #tpu.memory_space<vmem>> -> memref<125xi32, #tpu.memory_space<vmem>>
    %dma_wait3A_338 = arith.constant 0 : i32
    %dma_wait3A_339 = arith.constant 0 : i32
    %dma_wait3A_340 = tpu.memref_slice %arg2[%dma_wait3A_338, %dma_wait3A_339] : memref<10000x32xf32, #tpu.memory_space<hbm>> -> memref<10000x32xf32, #tpu.memory_space<hbm>>
    tpu.wait_indirect_dma semaphore(%arg7 : memref<!tpu.dma_semaphore, #tpu.memory_space<semaphore_mem>>) src(%dma_wait3A_340 : memref<10000x32xf32, #tpu.memory_space<hbm>>) dst(%dma_wait3A_334 : memref<125x32xf32, #tpu.memory_space<vmem>>)
    %dma_wait3A_341 = arith.constant 14 : i32
    %dma_wait3A_342 = arith.constant 1750 : i32
    %dma_wait3A_343 = arith.constant 0 : i32
    %dma_wait3A_344 = tpu.memref_slice %arg6[%dma_wait3A_342, %dma_wait3A_343] : memref<2500x32xf32, #tpu.memory_space<vmem>> -> memref<125x32xf32, #tpu.memory_space<vmem>>
    %dma_wait3A_345 = arith.constant 0 : i32
    %dma_wait3A_346 = tpu.memref_slice %arg5[%dma_wait3A_341, %dma_wait3A_345] : memref<40x125xi32, #tpu.memory_space<vmem>> -> memref<1x125xi32, #tpu.memory_space<vmem>>
    %dma_wait3A_347 = tpu.memref_squeeze %dma_wait3A_346 : memref<1x125xi32, #tpu.memory_space<vmem>> -> memref<125xi32, #tpu.memory_space<vmem>>
    %dma_wait3A_348 = arith.constant 0 : i32
    %dma_wait3A_349 = arith.constant 0 : i32
    %dma_wait3A_350 = tpu.memref_slice %arg2[%dma_wait3A_348, %dma_wait3A_349] : memref<10000x32xf32, #tpu.memory_space<hbm>> -> memref<10000x32xf32, #tpu.memory_space<hbm>>
    tpu.wait_indirect_dma semaphore(%arg7 : memref<!tpu.dma_semaphore, #tpu.memory_space<semaphore_mem>>) src(%dma_wait3A_350 : memref<10000x32xf32, #tpu.memory_space<hbm>>) dst(%dma_wait3A_344 : memref<125x32xf32, #tpu.memory_space<vmem>>)
    %dma_wait3A_351 = arith.constant 15 : i32
    %dma_wait3A_352 = arith.constant 1875 : i32
    %dma_wait3A_353 = arith.constant 0 : i32
    %dma_wait3A_354 = tpu.memref_slice %arg6[%dma_wait3A_352, %dma_wait3A_353] : memref<2500x32xf32, #tpu.memory_space<vmem>> -> memref<125x32xf32, #tpu.memory_space<vmem>>
    %dma_wait3A_355 = arith.constant 0 : i32
    %dma_wait3A_356 = tpu.memref_slice %arg5[%dma_wait3A_351, %dma_wait3A_355] : memref<40x125xi32, #tpu.memory_space<vmem>> -> memref<1x125xi32, #tpu.memory_space<vmem>>
    %dma_wait3A_357 = tpu.memref_squeeze %dma_wait3A_356 : memref<1x125xi32, #tpu.memory_space<vmem>> -> memref<125xi32, #tpu.memory_space<vmem>>
    %dma_wait3A_358 = arith.constant 0 : i32
    %dma_wait3A_359 = arith.constant 0 : i32
    %dma_wait3A_360 = tpu.memref_slice %arg2[%dma_wait3A_358, %dma_wait3A_359] : memref<10000x32xf32, #tpu.memory_space<hbm>> -> memref<10000x32xf32, #tpu.memory_space<hbm>>
    tpu.wait_indirect_dma semaphore(%arg7 : memref<!tpu.dma_semaphore, #tpu.memory_space<semaphore_mem>>) src(%dma_wait3A_360 : memref<10000x32xf32, #tpu.memory_space<hbm>>) dst(%dma_wait3A_354 : memref<125x32xf32, #tpu.memory_space<vmem>>)
    %dma_wait3A_361 = arith.constant 16 : i32
    %dma_wait3A_362 = arith.constant 2000 : i32
    %dma_wait3A_363 = arith.constant 0 : i32
    %dma_wait3A_364 = tpu.memref_slice %arg6[%dma_wait3A_362, %dma_wait3A_363] : memref<2500x32xf32, #tpu.memory_space<vmem>> -> memref<125x32xf32, #tpu.memory_space<vmem>>
    %dma_wait3A_365 = arith.constant 0 : i32
    %dma_wait3A_366 = tpu.memref_slice %arg5[%dma_wait3A_361, %dma_wait3A_365] : memref<40x125xi32, #tpu.memory_space<vmem>> -> memref<1x125xi32, #tpu.memory_space<vmem>>
    %dma_wait3A_367 = tpu.memref_squeeze %dma_wait3A_366 : memref<1x125xi32, #tpu.memory_space<vmem>> -> memref<125xi32, #tpu.memory_space<vmem>>
    %dma_wait3A_368 = arith.constant 0 : i32
    %dma_wait3A_369 = arith.constant 0 : i32
    %dma_wait3A_370 = tpu.memref_slice %arg2[%dma_wait3A_368, %dma_wait3A_369] : memref<10000x32xf32, #tpu.memory_space<hbm>> -> memref<10000x32xf32, #tpu.memory_space<hbm>>
    tpu.wait_indirect_dma semaphore(%arg7 : memref<!tpu.dma_semaphore, #tpu.memory_space<semaphore_mem>>) src(%dma_wait3A_370 : memref<10000x32xf32, #tpu.memory_space<hbm>>) dst(%dma_wait3A_364 : memref<125x32xf32, #tpu.memory_space<vmem>>)
    %dma_wait3A_371 = arith.constant 17 : i32
    %dma_wait3A_372 = arith.constant 2125 : i32
    %dma_wait3A_373 = arith.constant 0 : i32
    %dma_wait3A_374 = tpu.memref_slice %arg6[%dma_wait3A_372, %dma_wait3A_373] : memref<2500x32xf32, #tpu.memory_space<vmem>> -> memref<125x32xf32, #tpu.memory_space<vmem>>
    %dma_wait3A_375 = arith.constant 0 : i32
    %dma_wait3A_376 = tpu.memref_slice %arg5[%dma_wait3A_371, %dma_wait3A_375] : memref<40x125xi32, #tpu.memory_space<vmem>> -> memref<1x125xi32, #tpu.memory_space<vmem>>
    %dma_wait3A_377 = tpu.memref_squeeze %dma_wait3A_376 : memref<1x125xi32, #tpu.memory_space<vmem>> -> memref<125xi32, #tpu.memory_space<vmem>>
    %dma_wait3A_378 = arith.constant 0 : i32
    %dma_wait3A_379 = arith.constant 0 : i32
    %dma_wait3A_380 = tpu.memref_slice %arg2[%dma_wait3A_378, %dma_wait3A_379] : memref<10000x32xf32, #tpu.memory_space<hbm>> -> memref<10000x32xf32, #tpu.memory_space<hbm>>
    tpu.wait_indirect_dma semaphore(%arg7 : memref<!tpu.dma_semaphore, #tpu.memory_space<semaphore_mem>>) src(%dma_wait3A_380 : memref<10000x32xf32, #tpu.memory_space<hbm>>) dst(%dma_wait3A_374 : memref<125x32xf32, #tpu.memory_space<vmem>>)
    %dma_wait3A_381 = arith.constant 18 : i32
    %dma_wait3A_382 = arith.constant 2250 : i32
    %dma_wait3A_383 = arith.constant 0 : i32
    %dma_wait3A_384 = tpu.memref_slice %arg6[%dma_wait3A_382, %dma_wait3A_383] : memref<2500x32xf32, #tpu.memory_space<vmem>> -> memref<125x32xf32, #tpu.memory_space<vmem>>
    %dma_wait3A_385 = arith.constant 0 : i32
    %dma_wait3A_386 = tpu.memref_slice %arg5[%dma_wait3A_381, %dma_wait3A_385] : memref<40x125xi32, #tpu.memory_space<vmem>> -> memref<1x125xi32, #tpu.memory_space<vmem>>
    %dma_wait3A_387 = tpu.memref_squeeze %dma_wait3A_386 : memref<1x125xi32, #tpu.memory_space<vmem>> -> memref<125xi32, #tpu.memory_space<vmem>>
    %dma_wait3A_388 = arith.constant 0 : i32
    %dma_wait3A_389 = arith.constant 0 : i32
    %dma_wait3A_390 = tpu.memref_slice %arg2[%dma_wait3A_388, %dma_wait3A_389] : memref<10000x32xf32, #tpu.memory_space<hbm>> -> memref<10000x32xf32, #tpu.memory_space<hbm>>
    tpu.wait_indirect_dma semaphore(%arg7 : memref<!tpu.dma_semaphore, #tpu.memory_space<semaphore_mem>>) src(%dma_wait3A_390 : memref<10000x32xf32, #tpu.memory_space<hbm>>) dst(%dma_wait3A_384 : memref<125x32xf32, #tpu.memory_space<vmem>>)
    %dma_wait3A_391 = arith.constant 19 : i32
    %dma_wait3A_392 = arith.constant 2375 : i32
    %dma_wait3A_393 = arith.constant 0 : i32
    %dma_wait3A_394 = tpu.memref_slice %arg6[%dma_wait3A_392, %dma_wait3A_393] : memref<2500x32xf32, #tpu.memory_space<vmem>> -> memref<125x32xf32, #tpu.memory_space<vmem>>
    %dma_wait3A_395 = arith.constant 0 : i32
    %dma_wait3A_396 = tpu.memref_slice %arg5[%dma_wait3A_391, %dma_wait3A_395] : memref<40x125xi32, #tpu.memory_space<vmem>> -> memref<1x125xi32, #tpu.memory_space<vmem>>
    %dma_wait3A_397 = tpu.memref_squeeze %dma_wait3A_396 : memref<1x125xi32, #tpu.memory_space<vmem>> -> memref<125xi32, #tpu.memory_space<vmem>>
    %dma_wait3A_398 = arith.constant 0 : i32
    %dma_wait3A_399 = arith.constant 0 : i32
    %dma_wait3A_400 = tpu.memref_slice %arg2[%dma_wait3A_398, %dma_wait3A_399] : memref<10000x32xf32, #tpu.memory_space<hbm>> -> memref<10000x32xf32, #tpu.memory_space<hbm>>
    tpu.wait_indirect_dma semaphore(%arg7 : memref<!tpu.dma_semaphore, #tpu.memory_space<semaphore_mem>>) src(%dma_wait3A_400 : memref<10000x32xf32, #tpu.memory_space<hbm>>) dst(%dma_wait3A_394 : memref<125x32xf32, #tpu.memory_space<vmem>>)
    %mul3A_401 = arith.constant 5000 : i32
    %mul3A_402 = arith.muli %add3A, %mul3A_401 : i32
    %add3A_403 = arith.constant 0 : i32
    %add3A_404 = arith.addi %mul3A_402, %add3A_403 : i32
    "tpu.region"() ({
      %run_scoped3A = tpu.sem_alloc : memref<!tpu.dma_semaphore, #tpu.memory_space<semaphore_mem>>
      %dma_start3A_809 = arith.constant 0 : i32
      %dma_start3A_810 = tpu.memref_slice %arg4[%add3A_404, %dma_start3A_809] : memref<160000x32xf32, #tpu.memory_space<hbm>> -> memref<2500x32xf32, #tpu.memory_space<hbm>>
      %dma_start3A_811 = arith.constant 0 : i32
      %dma_start3A_812 = tpu.memref_slice %arg4[%add3A_404, %dma_start3A_811] : memref<160000x32xf32, #tpu.memory_space<hbm>> -> memref<2500x32xf32, #tpu.memory_space<hbm>>
      tpu.enqueue_dma source(%arg6 : memref<2500x32xf32, #tpu.memory_space<vmem>>) target(%dma_start3A_812 : memref<2500x32xf32, #tpu.memory_space<hbm>>) target_semaphore(%run_scoped3A : memref<!tpu.dma_semaphore, #tpu.memory_space<semaphore_mem>>)
      %dma_wait3A_813 = arith.constant 0 : i32
      %dma_wait3A_814 = tpu.memref_slice %arg4[%add3A_404, %dma_wait3A_813] : memref<160000x32xf32, #tpu.memory_space<hbm>> -> memref<2500x32xf32, #tpu.memory_space<hbm>>
      %dma_wait3A_815 = arith.constant 0 : i32
      %dma_wait3A_816 = tpu.memref_slice %arg4[%add3A_404, %dma_wait3A_815] : memref<160000x32xf32, #tpu.memory_space<hbm>> -> memref<2500x32xf32, #tpu.memory_space<hbm>>
      tpu.wait_dma2 semaphore(%run_scoped3A : memref<!tpu.dma_semaphore, #tpu.memory_space<semaphore_mem>>) src(%arg6 : memref<2500x32xf32, #tpu.memory_space<vmem>>) dst(%dma_wait3A_816 : memref<2500x32xf32, #tpu.memory_space<hbm>>)
      tpu.yield
    }) : () -> ()
    %dma_start3A_405 = arith.constant 20 : i32
    %dma_start3A_406 = arith.constant 0 : i32
    %dma_start3A_407 = arith.constant 0 : i32
    %dma_start3A_408 = tpu.memref_slice %arg6[%dma_start3A_406, %dma_start3A_407] : memref<2500x32xf32, #tpu.memory_space<vmem>> -> memref<125x32xf32, #tpu.memory_space<vmem>>
    %dma_start3A_409 = arith.constant 0 : i32
    %dma_start3A_410 = tpu.memref_slice %arg5[%dma_start3A_405, %dma_start3A_409] : memref<40x125xi32, #tpu.memory_space<vmem>> -> memref<1x125xi32, #tpu.memory_space<vmem>>
    %dma_start3A_411 = tpu.memref_squeeze %dma_start3A_410 : memref<1x125xi32, #tpu.memory_space<vmem>> -> memref<125xi32, #tpu.memory_space<vmem>>
    %dma_start3A_412 = arith.constant 0 : i32
    %dma_start3A_413 = arith.constant 0 : i32
    %dma_start3A_414 = tpu.memref_slice %arg2[%dma_start3A_412, %dma_start3A_413] : memref<10000x32xf32, #tpu.memory_space<hbm>> -> memref<10000x32xf32, #tpu.memory_space<hbm>>
    tpu.enqueue_indirect_dma source(%dma_start3A_414 : memref<10000x32xf32, #tpu.memory_space<hbm>>) target(%dma_start3A_408 : memref<125x32xf32, #tpu.memory_space<vmem>>) offsets(%dma_start3A_411 : memref<125xi32, #tpu.memory_space<vmem>>) semaphore(%arg7 : memref<!tpu.dma_semaphore, #tpu.memory_space<semaphore_mem>>)
    %dma_start3A_415 = arith.constant 21 : i32
    %dma_start3A_416 = arith.constant 125 : i32
    %dma_start3A_417 = arith.constant 0 : i32
    %dma_start3A_418 = tpu.memref_slice %arg6[%dma_start3A_416, %dma_start3A_417] : memref<2500x32xf32, #tpu.memory_space<vmem>> -> memref<125x32xf32, #tpu.memory_space<vmem>>
    %dma_start3A_419 = arith.constant 0 : i32
    %dma_start3A_420 = tpu.memref_slice %arg5[%dma_start3A_415, %dma_start3A_419] : memref<40x125xi32, #tpu.memory_space<vmem>> -> memref<1x125xi32, #tpu.memory_space<vmem>>
    %dma_start3A_421 = tpu.memref_squeeze %dma_start3A_420 : memref<1x125xi32, #tpu.memory_space<vmem>> -> memref<125xi32, #tpu.memory_space<vmem>>
    %dma_start3A_422 = arith.constant 0 : i32
    %dma_start3A_423 = arith.constant 0 : i32
    %dma_start3A_424 = tpu.memref_slice %arg2[%dma_start3A_422, %dma_start3A_423] : memref<10000x32xf32, #tpu.memory_space<hbm>> -> memref<10000x32xf32, #tpu.memory_space<hbm>>
    tpu.enqueue_indirect_dma source(%dma_start3A_424 : memref<10000x32xf32, #tpu.memory_space<hbm>>) target(%dma_start3A_418 : memref<125x32xf32, #tpu.memory_space<vmem>>) offsets(%dma_start3A_421 : memref<125xi32, #tpu.memory_space<vmem>>) semaphore(%arg7 : memref<!tpu.dma_semaphore, #tpu.memory_space<semaphore_mem>>)
    %dma_start3A_425 = arith.constant 22 : i32
    %dma_start3A_426 = arith.constant 250 : i32
    %dma_start3A_427 = arith.constant 0 : i32
    %dma_start3A_428 = tpu.memref_slice %arg6[%dma_start3A_426, %dma_start3A_427] : memref<2500x32xf32, #tpu.memory_space<vmem>> -> memref<125x32xf32, #tpu.memory_space<vmem>>
    %dma_start3A_429 = arith.constant 0 : i32
    %dma_start3A_430 = tpu.memref_slice %arg5[%dma_start3A_425, %dma_start3A_429] : memref<40x125xi32, #tpu.memory_space<vmem>> -> memref<1x125xi32, #tpu.memory_space<vmem>>
    %dma_start3A_431 = tpu.memref_squeeze %dma_start3A_430 : memref<1x125xi32, #tpu.memory_space<vmem>> -> memref<125xi32, #tpu.memory_space<vmem>>
    %dma_start3A_432 = arith.constant 0 : i32
    %dma_start3A_433 = arith.constant 0 : i32
    %dma_start3A_434 = tpu.memref_slice %arg2[%dma_start3A_432, %dma_start3A_433] : memref<10000x32xf32, #tpu.memory_space<hbm>> -> memref<10000x32xf32, #tpu.memory_space<hbm>>
    tpu.enqueue_indirect_dma source(%dma_start3A_434 : memref<10000x32xf32, #tpu.memory_space<hbm>>) target(%dma_start3A_428 : memref<125x32xf32, #tpu.memory_space<vmem>>) offsets(%dma_start3A_431 : memref<125xi32, #tpu.memory_space<vmem>>) semaphore(%arg7 : memref<!tpu.dma_semaphore, #tpu.memory_space<semaphore_mem>>)
    %dma_start3A_435 = arith.constant 23 : i32
    %dma_start3A_436 = arith.constant 375 : i32
    %dma_start3A_437 = arith.constant 0 : i32
    %dma_start3A_438 = tpu.memref_slice %arg6[%dma_start3A_436, %dma_start3A_437] : memref<2500x32xf32, #tpu.memory_space<vmem>> -> memref<125x32xf32, #tpu.memory_space<vmem>>
    %dma_start3A_439 = arith.constant 0 : i32
    %dma_start3A_440 = tpu.memref_slice %arg5[%dma_start3A_435, %dma_start3A_439] : memref<40x125xi32, #tpu.memory_space<vmem>> -> memref<1x125xi32, #tpu.memory_space<vmem>>
    %dma_start3A_441 = tpu.memref_squeeze %dma_start3A_440 : memref<1x125xi32, #tpu.memory_space<vmem>> -> memref<125xi32, #tpu.memory_space<vmem>>
    %dma_start3A_442 = arith.constant 0 : i32
    %dma_start3A_443 = arith.constant 0 : i32
    %dma_start3A_444 = tpu.memref_slice %arg2[%dma_start3A_442, %dma_start3A_443] : memref<10000x32xf32, #tpu.memory_space<hbm>> -> memref<10000x32xf32, #tpu.memory_space<hbm>>
    tpu.enqueue_indirect_dma source(%dma_start3A_444 : memref<10000x32xf32, #tpu.memory_space<hbm>>) target(%dma_start3A_438 : memref<125x32xf32, #tpu.memory_space<vmem>>) offsets(%dma_start3A_441 : memref<125xi32, #tpu.memory_space<vmem>>) semaphore(%arg7 : memref<!tpu.dma_semaphore, #tpu.memory_space<semaphore_mem>>)
    %dma_start3A_445 = arith.constant 24 : i32
    %dma_start3A_446 = arith.constant 500 : i32
    %dma_start3A_447 = arith.constant 0 : i32
    %dma_start3A_448 = tpu.memref_slice %arg6[%dma_start3A_446, %dma_start3A_447] : memref<2500x32xf32, #tpu.memory_space<vmem>> -> memref<125x32xf32, #tpu.memory_space<vmem>>
    %dma_start3A_449 = arith.constant 0 : i32
    %dma_start3A_450 = tpu.memref_slice %arg5[%dma_start3A_445, %dma_start3A_449] : memref<40x125xi32, #tpu.memory_space<vmem>> -> memref<1x125xi32, #tpu.memory_space<vmem>>
    %dma_start3A_451 = tpu.memref_squeeze %dma_start3A_450 : memref<1x125xi32, #tpu.memory_space<vmem>> -> memref<125xi32, #tpu.memory_space<vmem>>
    %dma_start3A_452 = arith.constant 0 : i32
    %dma_start3A_453 = arith.constant 0 : i32
    %dma_start3A_454 = tpu.memref_slice %arg2[%dma_start3A_452, %dma_start3A_453] : memref<10000x32xf32, #tpu.memory_space<hbm>> -> memref<10000x32xf32, #tpu.memory_space<hbm>>
    tpu.enqueue_indirect_dma source(%dma_start3A_454 : memref<10000x32xf32, #tpu.memory_space<hbm>>) target(%dma_start3A_448 : memref<125x32xf32, #tpu.memory_space<vmem>>) offsets(%dma_start3A_451 : memref<125xi32, #tpu.memory_space<vmem>>) semaphore(%arg7 : memref<!tpu.dma_semaphore, #tpu.memory_space<semaphore_mem>>)
    %dma_start3A_455 = arith.constant 25 : i32
    %dma_start3A_456 = arith.constant 625 : i32
    %dma_start3A_457 = arith.constant 0 : i32
    %dma_start3A_458 = tpu.memref_slice %arg6[%dma_start3A_456, %dma_start3A_457] : memref<2500x32xf32, #tpu.memory_space<vmem>> -> memref<125x32xf32, #tpu.memory_space<vmem>>
    %dma_start3A_459 = arith.constant 0 : i32
    %dma_start3A_460 = tpu.memref_slice %arg5[%dma_start3A_455, %dma_start3A_459] : memref<40x125xi32, #tpu.memory_space<vmem>> -> memref<1x125xi32, #tpu.memory_space<vmem>>
    %dma_start3A_461 = tpu.memref_squeeze %dma_start3A_460 : memref<1x125xi32, #tpu.memory_space<vmem>> -> memref<125xi32, #tpu.memory_space<vmem>>
    %dma_start3A_462 = arith.constant 0 : i32
    %dma_start3A_463 = arith.constant 0 : i32
    %dma_start3A_464 = tpu.memref_slice %arg2[%dma_start3A_462, %dma_start3A_463] : memref<10000x32xf32, #tpu.memory_space<hbm>> -> memref<10000x32xf32, #tpu.memory_space<hbm>>
    tpu.enqueue_indirect_dma source(%dma_start3A_464 : memref<10000x32xf32, #tpu.memory_space<hbm>>) target(%dma_start3A_458 : memref<125x32xf32, #tpu.memory_space<vmem>>) offsets(%dma_start3A_461 : memref<125xi32, #tpu.memory_space<vmem>>) semaphore(%arg7 : memref<!tpu.dma_semaphore, #tpu.memory_space<semaphore_mem>>)
    %dma_start3A_465 = arith.constant 26 : i32
    %dma_start3A_466 = arith.constant 750 : i32
    %dma_start3A_467 = arith.constant 0 : i32
    %dma_start3A_468 = tpu.memref_slice %arg6[%dma_start3A_466, %dma_start3A_467] : memref<2500x32xf32, #tpu.memory_space<vmem>> -> memref<125x32xf32, #tpu.memory_space<vmem>>
    %dma_start3A_469 = arith.constant 0 : i32
    %dma_start3A_470 = tpu.memref_slice %arg5[%dma_start3A_465, %dma_start3A_469] : memref<40x125xi32, #tpu.memory_space<vmem>> -> memref<1x125xi32, #tpu.memory_space<vmem>>
    %dma_start3A_471 = tpu.memref_squeeze %dma_start3A_470 : memref<1x125xi32, #tpu.memory_space<vmem>> -> memref<125xi32, #tpu.memory_space<vmem>>
    %dma_start3A_472 = arith.constant 0 : i32
    %dma_start3A_473 = arith.constant 0 : i32
    %dma_start3A_474 = tpu.memref_slice %arg2[%dma_start3A_472, %dma_start3A_473] : memref<10000x32xf32, #tpu.memory_space<hbm>> -> memref<10000x32xf32, #tpu.memory_space<hbm>>
    tpu.enqueue_indirect_dma source(%dma_start3A_474 : memref<10000x32xf32, #tpu.memory_space<hbm>>) target(%dma_start3A_468 : memref<125x32xf32, #tpu.memory_space<vmem>>) offsets(%dma_start3A_471 : memref<125xi32, #tpu.memory_space<vmem>>) semaphore(%arg7 : memref<!tpu.dma_semaphore, #tpu.memory_space<semaphore_mem>>)
    %dma_start3A_475 = arith.constant 27 : i32
    %dma_start3A_476 = arith.constant 875 : i32
    %dma_start3A_477 = arith.constant 0 : i32
    %dma_start3A_478 = tpu.memref_slice %arg6[%dma_start3A_476, %dma_start3A_477] : memref<2500x32xf32, #tpu.memory_space<vmem>> -> memref<125x32xf32, #tpu.memory_space<vmem>>
    %dma_start3A_479 = arith.constant 0 : i32
    %dma_start3A_480 = tpu.memref_slice %arg5[%dma_start3A_475, %dma_start3A_479] : memref<40x125xi32, #tpu.memory_space<vmem>> -> memref<1x125xi32, #tpu.memory_space<vmem>>
    %dma_start3A_481 = tpu.memref_squeeze %dma_start3A_480 : memref<1x125xi32, #tpu.memory_space<vmem>> -> memref<125xi32, #tpu.memory_space<vmem>>
    %dma_start3A_482 = arith.constant 0 : i32
    %dma_start3A_483 = arith.constant 0 : i32
    %dma_start3A_484 = tpu.memref_slice %arg2[%dma_start3A_482, %dma_start3A_483] : memref<10000x32xf32, #tpu.memory_space<hbm>> -> memref<10000x32xf32, #tpu.memory_space<hbm>>
    tpu.enqueue_indirect_dma source(%dma_start3A_484 : memref<10000x32xf32, #tpu.memory_space<hbm>>) target(%dma_start3A_478 : memref<125x32xf32, #tpu.memory_space<vmem>>) offsets(%dma_start3A_481 : memref<125xi32, #tpu.memory_space<vmem>>) semaphore(%arg7 : memref<!tpu.dma_semaphore, #tpu.memory_space<semaphore_mem>>)
    %dma_start3A_485 = arith.constant 28 : i32
    %dma_start3A_486 = arith.constant 1000 : i32
    %dma_start3A_487 = arith.constant 0 : i32
    %dma_start3A_488 = tpu.memref_slice %arg6[%dma_start3A_486, %dma_start3A_487] : memref<2500x32xf32, #tpu.memory_space<vmem>> -> memref<125x32xf32, #tpu.memory_space<vmem>>
    %dma_start3A_489 = arith.constant 0 : i32
    %dma_start3A_490 = tpu.memref_slice %arg5[%dma_start3A_485, %dma_start3A_489] : memref<40x125xi32, #tpu.memory_space<vmem>> -> memref<1x125xi32, #tpu.memory_space<vmem>>
    %dma_start3A_491 = tpu.memref_squeeze %dma_start3A_490 : memref<1x125xi32, #tpu.memory_space<vmem>> -> memref<125xi32, #tpu.memory_space<vmem>>
    %dma_start3A_492 = arith.constant 0 : i32
    %dma_start3A_493 = arith.constant 0 : i32
    %dma_start3A_494 = tpu.memref_slice %arg2[%dma_start3A_492, %dma_start3A_493] : memref<10000x32xf32, #tpu.memory_space<hbm>> -> memref<10000x32xf32, #tpu.memory_space<hbm>>
    tpu.enqueue_indirect_dma source(%dma_start3A_494 : memref<10000x32xf32, #tpu.memory_space<hbm>>) target(%dma_start3A_488 : memref<125x32xf32, #tpu.memory_space<vmem>>) offsets(%dma_start3A_491 : memref<125xi32, #tpu.memory_space<vmem>>) semaphore(%arg7 : memref<!tpu.dma_semaphore, #tpu.memory_space<semaphore_mem>>)
    %dma_start3A_495 = arith.constant 29 : i32
    %dma_start3A_496 = arith.constant 1125 : i32
    %dma_start3A_497 = arith.constant 0 : i32
    %dma_start3A_498 = tpu.memref_slice %arg6[%dma_start3A_496, %dma_start3A_497] : memref<2500x32xf32, #tpu.memory_space<vmem>> -> memref<125x32xf32, #tpu.memory_space<vmem>>
    %dma_start3A_499 = arith.constant 0 : i32
    %dma_start3A_500 = tpu.memref_slice %arg5[%dma_start3A_495, %dma_start3A_499] : memref<40x125xi32, #tpu.memory_space<vmem>> -> memref<1x125xi32, #tpu.memory_space<vmem>>
    %dma_start3A_501 = tpu.memref_squeeze %dma_start3A_500 : memref<1x125xi32, #tpu.memory_space<vmem>> -> memref<125xi32, #tpu.memory_space<vmem>>
    %dma_start3A_502 = arith.constant 0 : i32
    %dma_start3A_503 = arith.constant 0 : i32
    %dma_start3A_504 = tpu.memref_slice %arg2[%dma_start3A_502, %dma_start3A_503] : memref<10000x32xf32, #tpu.memory_space<hbm>> -> memref<10000x32xf32, #tpu.memory_space<hbm>>
    tpu.enqueue_indirect_dma source(%dma_start3A_504 : memref<10000x32xf32, #tpu.memory_space<hbm>>) target(%dma_start3A_498 : memref<125x32xf32, #tpu.memory_space<vmem>>) offsets(%dma_start3A_501 : memref<125xi32, #tpu.memory_space<vmem>>) semaphore(%arg7 : memref<!tpu.dma_semaphore, #tpu.memory_space<semaphore_mem>>)
    %dma_start3A_505 = arith.constant 30 : i32
    %dma_start3A_506 = arith.constant 1250 : i32
    %dma_start3A_507 = arith.constant 0 : i32
    %dma_start3A_508 = tpu.memref_slice %arg6[%dma_start3A_506, %dma_start3A_507] : memref<2500x32xf32, #tpu.memory_space<vmem>> -> memref<125x32xf32, #tpu.memory_space<vmem>>
    %dma_start3A_509 = arith.constant 0 : i32
    %dma_start3A_510 = tpu.memref_slice %arg5[%dma_start3A_505, %dma_start3A_509] : memref<40x125xi32, #tpu.memory_space<vmem>> -> memref<1x125xi32, #tpu.memory_space<vmem>>
    %dma_start3A_511 = tpu.memref_squeeze %dma_start3A_510 : memref<1x125xi32, #tpu.memory_space<vmem>> -> memref<125xi32, #tpu.memory_space<vmem>>
    %dma_start3A_512 = arith.constant 0 : i32
    %dma_start3A_513 = arith.constant 0 : i32
    %dma_start3A_514 = tpu.memref_slice %arg2[%dma_start3A_512, %dma_start3A_513] : memref<10000x32xf32, #tpu.memory_space<hbm>> -> memref<10000x32xf32, #tpu.memory_space<hbm>>
    tpu.enqueue_indirect_dma source(%dma_start3A_514 : memref<10000x32xf32, #tpu.memory_space<hbm>>) target(%dma_start3A_508 : memref<125x32xf32, #tpu.memory_space<vmem>>) offsets(%dma_start3A_511 : memref<125xi32, #tpu.memory_space<vmem>>) semaphore(%arg7 : memref<!tpu.dma_semaphore, #tpu.memory_space<semaphore_mem>>)
    %dma_start3A_515 = arith.constant 31 : i32
    %dma_start3A_516 = arith.constant 1375 : i32
    %dma_start3A_517 = arith.constant 0 : i32
    %dma_start3A_518 = tpu.memref_slice %arg6[%dma_start3A_516, %dma_start3A_517] : memref<2500x32xf32, #tpu.memory_space<vmem>> -> memref<125x32xf32, #tpu.memory_space<vmem>>
    %dma_start3A_519 = arith.constant 0 : i32
    %dma_start3A_520 = tpu.memref_slice %arg5[%dma_start3A_515, %dma_start3A_519] : memref<40x125xi32, #tpu.memory_space<vmem>> -> memref<1x125xi32, #tpu.memory_space<vmem>>
    %dma_start3A_521 = tpu.memref_squeeze %dma_start3A_520 : memref<1x125xi32, #tpu.memory_space<vmem>> -> memref<125xi32, #tpu.memory_space<vmem>>
    %dma_start3A_522 = arith.constant 0 : i32
    %dma_start3A_523 = arith.constant 0 : i32
    %dma_start3A_524 = tpu.memref_slice %arg2[%dma_start3A_522, %dma_start3A_523] : memref<10000x32xf32, #tpu.memory_space<hbm>> -> memref<10000x32xf32, #tpu.memory_space<hbm>>
    tpu.enqueue_indirect_dma source(%dma_start3A_524 : memref<10000x32xf32, #tpu.memory_space<hbm>>) target(%dma_start3A_518 : memref<125x32xf32, #tpu.memory_space<vmem>>) offsets(%dma_start3A_521 : memref<125xi32, #tpu.memory_space<vmem>>) semaphore(%arg7 : memref<!tpu.dma_semaphore, #tpu.memory_space<semaphore_mem>>)
    %dma_start3A_525 = arith.constant 32 : i32
    %dma_start3A_526 = arith.constant 1500 : i32
    %dma_start3A_527 = arith.constant 0 : i32
    %dma_start3A_528 = tpu.memref_slice %arg6[%dma_start3A_526, %dma_start3A_527] : memref<2500x32xf32, #tpu.memory_space<vmem>> -> memref<125x32xf32, #tpu.memory_space<vmem>>
    %dma_start3A_529 = arith.constant 0 : i32
    %dma_start3A_530 = tpu.memref_slice %arg5[%dma_start3A_525, %dma_start3A_529] : memref<40x125xi32, #tpu.memory_space<vmem>> -> memref<1x125xi32, #tpu.memory_space<vmem>>
    %dma_start3A_531 = tpu.memref_squeeze %dma_start3A_530 : memref<1x125xi32, #tpu.memory_space<vmem>> -> memref<125xi32, #tpu.memory_space<vmem>>
    %dma_start3A_532 = arith.constant 0 : i32
    %dma_start3A_533 = arith.constant 0 : i32
    %dma_start3A_534 = tpu.memref_slice %arg2[%dma_start3A_532, %dma_start3A_533] : memref<10000x32xf32, #tpu.memory_space<hbm>> -> memref<10000x32xf32, #tpu.memory_space<hbm>>
    tpu.enqueue_indirect_dma source(%dma_start3A_534 : memref<10000x32xf32, #tpu.memory_space<hbm>>) target(%dma_start3A_528 : memref<125x32xf32, #tpu.memory_space<vmem>>) offsets(%dma_start3A_531 : memref<125xi32, #tpu.memory_space<vmem>>) semaphore(%arg7 : memref<!tpu.dma_semaphore, #tpu.memory_space<semaphore_mem>>)
    %dma_start3A_535 = arith.constant 33 : i32
    %dma_start3A_536 = arith.constant 1625 : i32
    %dma_start3A_537 = arith.constant 0 : i32
    %dma_start3A_538 = tpu.memref_slice %arg6[%dma_start3A_536, %dma_start3A_537] : memref<2500x32xf32, #tpu.memory_space<vmem>> -> memref<125x32xf32, #tpu.memory_space<vmem>>
    %dma_start3A_539 = arith.constant 0 : i32
    %dma_start3A_540 = tpu.memref_slice %arg5[%dma_start3A_535, %dma_start3A_539] : memref<40x125xi32, #tpu.memory_space<vmem>> -> memref<1x125xi32, #tpu.memory_space<vmem>>
    %dma_start3A_541 = tpu.memref_squeeze %dma_start3A_540 : memref<1x125xi32, #tpu.memory_space<vmem>> -> memref<125xi32, #tpu.memory_space<vmem>>
    %dma_start3A_542 = arith.constant 0 : i32
    %dma_start3A_543 = arith.constant 0 : i32
    %dma_start3A_544 = tpu.memref_slice %arg2[%dma_start3A_542, %dma_start3A_543] : memref<10000x32xf32, #tpu.memory_space<hbm>> -> memref<10000x32xf32, #tpu.memory_space<hbm>>
    tpu.enqueue_indirect_dma source(%dma_start3A_544 : memref<10000x32xf32, #tpu.memory_space<hbm>>) target(%dma_start3A_538 : memref<125x32xf32, #tpu.memory_space<vmem>>) offsets(%dma_start3A_541 : memref<125xi32, #tpu.memory_space<vmem>>) semaphore(%arg7 : memref<!tpu.dma_semaphore, #tpu.memory_space<semaphore_mem>>)
    %dma_start3A_545 = arith.constant 34 : i32
    %dma_start3A_546 = arith.constant 1750 : i32
    %dma_start3A_547 = arith.constant 0 : i32
    %dma_start3A_548 = tpu.memref_slice %arg6[%dma_start3A_546, %dma_start3A_547] : memref<2500x32xf32, #tpu.memory_space<vmem>> -> memref<125x32xf32, #tpu.memory_space<vmem>>
    %dma_start3A_549 = arith.constant 0 : i32
    %dma_start3A_550 = tpu.memref_slice %arg5[%dma_start3A_545, %dma_start3A_549] : memref<40x125xi32, #tpu.memory_space<vmem>> -> memref<1x125xi32, #tpu.memory_space<vmem>>
    %dma_start3A_551 = tpu.memref_squeeze %dma_start3A_550 : memref<1x125xi32, #tpu.memory_space<vmem>> -> memref<125xi32, #tpu.memory_space<vmem>>
    %dma_start3A_552 = arith.constant 0 : i32
    %dma_start3A_553 = arith.constant 0 : i32
    %dma_start3A_554 = tpu.memref_slice %arg2[%dma_start3A_552, %dma_start3A_553] : memref<10000x32xf32, #tpu.memory_space<hbm>> -> memref<10000x32xf32, #tpu.memory_space<hbm>>
    tpu.enqueue_indirect_dma source(%dma_start3A_554 : memref<10000x32xf32, #tpu.memory_space<hbm>>) target(%dma_start3A_548 : memref<125x32xf32, #tpu.memory_space<vmem>>) offsets(%dma_start3A_551 : memref<125xi32, #tpu.memory_space<vmem>>) semaphore(%arg7 : memref<!tpu.dma_semaphore, #tpu.memory_space<semaphore_mem>>)
    %dma_start3A_555 = arith.constant 35 : i32
    %dma_start3A_556 = arith.constant 1875 : i32
    %dma_start3A_557 = arith.constant 0 : i32
    %dma_start3A_558 = tpu.memref_slice %arg6[%dma_start3A_556, %dma_start3A_557] : memref<2500x32xf32, #tpu.memory_space<vmem>> -> memref<125x32xf32, #tpu.memory_space<vmem>>
    %dma_start3A_559 = arith.constant 0 : i32
    %dma_start3A_560 = tpu.memref_slice %arg5[%dma_start3A_555, %dma_start3A_559] : memref<40x125xi32, #tpu.memory_space<vmem>> -> memref<1x125xi32, #tpu.memory_space<vmem>>
    %dma_start3A_561 = tpu.memref_squeeze %dma_start3A_560 : memref<1x125xi32, #tpu.memory_space<vmem>> -> memref<125xi32, #tpu.memory_space<vmem>>
    %dma_start3A_562 = arith.constant 0 : i32
    %dma_start3A_563 = arith.constant 0 : i32
    %dma_start3A_564 = tpu.memref_slice %arg2[%dma_start3A_562, %dma_start3A_563] : memref<10000x32xf32, #tpu.memory_space<hbm>> -> memref<10000x32xf32, #tpu.memory_space<hbm>>
    tpu.enqueue_indirect_dma source(%dma_start3A_564 : memref<10000x32xf32, #tpu.memory_space<hbm>>) target(%dma_start3A_558 : memref<125x32xf32, #tpu.memory_space<vmem>>) offsets(%dma_start3A_561 : memref<125xi32, #tpu.memory_space<vmem>>) semaphore(%arg7 : memref<!tpu.dma_semaphore, #tpu.memory_space<semaphore_mem>>)
    %dma_start3A_565 = arith.constant 36 : i32
    %dma_start3A_566 = arith.constant 2000 : i32
    %dma_start3A_567 = arith.constant 0 : i32
    %dma_start3A_568 = tpu.memref_slice %arg6[%dma_start3A_566, %dma_start3A_567] : memref<2500x32xf32, #tpu.memory_space<vmem>> -> memref<125x32xf32, #tpu.memory_space<vmem>>
    %dma_start3A_569 = arith.constant 0 : i32
    %dma_start3A_570 = tpu.memref_slice %arg5[%dma_start3A_565, %dma_start3A_569] : memref<40x125xi32, #tpu.memory_space<vmem>> -> memref<1x125xi32, #tpu.memory_space<vmem>>
    %dma_start3A_571 = tpu.memref_squeeze %dma_start3A_570 : memref<1x125xi32, #tpu.memory_space<vmem>> -> memref<125xi32, #tpu.memory_space<vmem>>
    %dma_start3A_572 = arith.constant 0 : i32
    %dma_start3A_573 = arith.constant 0 : i32
    %dma_start3A_574 = tpu.memref_slice %arg2[%dma_start3A_572, %dma_start3A_573] : memref<10000x32xf32, #tpu.memory_space<hbm>> -> memref<10000x32xf32, #tpu.memory_space<hbm>>
    tpu.enqueue_indirect_dma source(%dma_start3A_574 : memref<10000x32xf32, #tpu.memory_space<hbm>>) target(%dma_start3A_568 : memref<125x32xf32, #tpu.memory_space<vmem>>) offsets(%dma_start3A_571 : memref<125xi32, #tpu.memory_space<vmem>>) semaphore(%arg7 : memref<!tpu.dma_semaphore, #tpu.memory_space<semaphore_mem>>)
    %dma_start3A_575 = arith.constant 37 : i32
    %dma_start3A_576 = arith.constant 2125 : i32
    %dma_start3A_577 = arith.constant 0 : i32
    %dma_start3A_578 = tpu.memref_slice %arg6[%dma_start3A_576, %dma_start3A_577] : memref<2500x32xf32, #tpu.memory_space<vmem>> -> memref<125x32xf32, #tpu.memory_space<vmem>>
    %dma_start3A_579 = arith.constant 0 : i32
    %dma_start3A_580 = tpu.memref_slice %arg5[%dma_start3A_575, %dma_start3A_579] : memref<40x125xi32, #tpu.memory_space<vmem>> -> memref<1x125xi32, #tpu.memory_space<vmem>>
    %dma_start3A_581 = tpu.memref_squeeze %dma_start3A_580 : memref<1x125xi32, #tpu.memory_space<vmem>> -> memref<125xi32, #tpu.memory_space<vmem>>
    %dma_start3A_582 = arith.constant 0 : i32
    %dma_start3A_583 = arith.constant 0 : i32
    %dma_start3A_584 = tpu.memref_slice %arg2[%dma_start3A_582, %dma_start3A_583] : memref<10000x32xf32, #tpu.memory_space<hbm>> -> memref<10000x32xf32, #tpu.memory_space<hbm>>
    tpu.enqueue_indirect_dma source(%dma_start3A_584 : memref<10000x32xf32, #tpu.memory_space<hbm>>) target(%dma_start3A_578 : memref<125x32xf32, #tpu.memory_space<vmem>>) offsets(%dma_start3A_581 : memref<125xi32, #tpu.memory_space<vmem>>) semaphore(%arg7 : memref<!tpu.dma_semaphore, #tpu.memory_space<semaphore_mem>>)
    %dma_start3A_585 = arith.constant 38 : i32
    %dma_start3A_586 = arith.constant 2250 : i32
    %dma_start3A_587 = arith.constant 0 : i32
    %dma_start3A_588 = tpu.memref_slice %arg6[%dma_start3A_586, %dma_start3A_587] : memref<2500x32xf32, #tpu.memory_space<vmem>> -> memref<125x32xf32, #tpu.memory_space<vmem>>
    %dma_start3A_589 = arith.constant 0 : i32
    %dma_start3A_590 = tpu.memref_slice %arg5[%dma_start3A_585, %dma_start3A_589] : memref<40x125xi32, #tpu.memory_space<vmem>> -> memref<1x125xi32, #tpu.memory_space<vmem>>
    %dma_start3A_591 = tpu.memref_squeeze %dma_start3A_590 : memref<1x125xi32, #tpu.memory_space<vmem>> -> memref<125xi32, #tpu.memory_space<vmem>>
    %dma_start3A_592 = arith.constant 0 : i32
    %dma_start3A_593 = arith.constant 0 : i32
    %dma_start3A_594 = tpu.memref_slice %arg2[%dma_start3A_592, %dma_start3A_593] : memref<10000x32xf32, #tpu.memory_space<hbm>> -> memref<10000x32xf32, #tpu.memory_space<hbm>>
    tpu.enqueue_indirect_dma source(%dma_start3A_594 : memref<10000x32xf32, #tpu.memory_space<hbm>>) target(%dma_start3A_588 : memref<125x32xf32, #tpu.memory_space<vmem>>) offsets(%dma_start3A_591 : memref<125xi32, #tpu.memory_space<vmem>>) semaphore(%arg7 : memref<!tpu.dma_semaphore, #tpu.memory_space<semaphore_mem>>)
    %dma_start3A_595 = arith.constant 39 : i32
    %dma_start3A_596 = arith.constant 2375 : i32
    %dma_start3A_597 = arith.constant 0 : i32
    %dma_start3A_598 = tpu.memref_slice %arg6[%dma_start3A_596, %dma_start3A_597] : memref<2500x32xf32, #tpu.memory_space<vmem>> -> memref<125x32xf32, #tpu.memory_space<vmem>>
    %dma_start3A_599 = arith.constant 0 : i32
    %dma_start3A_600 = tpu.memref_slice %arg5[%dma_start3A_595, %dma_start3A_599] : memref<40x125xi32, #tpu.memory_space<vmem>> -> memref<1x125xi32, #tpu.memory_space<vmem>>
    %dma_start3A_601 = tpu.memref_squeeze %dma_start3A_600 : memref<1x125xi32, #tpu.memory_space<vmem>> -> memref<125xi32, #tpu.memory_space<vmem>>
    %dma_start3A_602 = arith.constant 0 : i32
    %dma_start3A_603 = arith.constant 0 : i32
    %dma_start3A_604 = tpu.memref_slice %arg2[%dma_start3A_602, %dma_start3A_603] : memref<10000x32xf32, #tpu.memory_space<hbm>> -> memref<10000x32xf32, #tpu.memory_space<hbm>>
    tpu.enqueue_indirect_dma source(%dma_start3A_604 : memref<10000x32xf32, #tpu.memory_space<hbm>>) target(%dma_start3A_598 : memref<125x32xf32, #tpu.memory_space<vmem>>) offsets(%dma_start3A_601 : memref<125xi32, #tpu.memory_space<vmem>>) semaphore(%arg7 : memref<!tpu.dma_semaphore, #tpu.memory_space<semaphore_mem>>)
    %dma_wait3A_605 = arith.constant 20 : i32
    %dma_wait3A_606 = arith.constant 0 : i32
    %dma_wait3A_607 = arith.constant 0 : i32
    %dma_wait3A_608 = tpu.memref_slice %arg6[%dma_wait3A_606, %dma_wait3A_607] : memref<2500x32xf32, #tpu.memory_space<vmem>> -> memref<125x32xf32, #tpu.memory_space<vmem>>
    %dma_wait3A_609 = arith.constant 0 : i32
    %dma_wait3A_610 = tpu.memref_slice %arg5[%dma_wait3A_605, %dma_wait3A_609] : memref<40x125xi32, #tpu.memory_space<vmem>> -> memref<1x125xi32, #tpu.memory_space<vmem>>
    %dma_wait3A_611 = tpu.memref_squeeze %dma_wait3A_610 : memref<1x125xi32, #tpu.memory_space<vmem>> -> memref<125xi32, #tpu.memory_space<vmem>>
    %dma_wait3A_612 = arith.constant 0 : i32
    %dma_wait3A_613 = arith.constant 0 : i32
    %dma_wait3A_614 = tpu.memref_slice %arg2[%dma_wait3A_612, %dma_wait3A_613] : memref<10000x32xf32, #tpu.memory_space<hbm>> -> memref<10000x32xf32, #tpu.memory_space<hbm>>
    tpu.wait_indirect_dma semaphore(%arg7 : memref<!tpu.dma_semaphore, #tpu.memory_space<semaphore_mem>>) src(%dma_wait3A_614 : memref<10000x32xf32, #tpu.memory_space<hbm>>) dst(%dma_wait3A_608 : memref<125x32xf32, #tpu.memory_space<vmem>>)
    %dma_wait3A_615 = arith.constant 21 : i32
    %dma_wait3A_616 = arith.constant 125 : i32
    %dma_wait3A_617 = arith.constant 0 : i32
    %dma_wait3A_618 = tpu.memref_slice %arg6[%dma_wait3A_616, %dma_wait3A_617] : memref<2500x32xf32, #tpu.memory_space<vmem>> -> memref<125x32xf32, #tpu.memory_space<vmem>>
    %dma_wait3A_619 = arith.constant 0 : i32
    %dma_wait3A_620 = tpu.memref_slice %arg5[%dma_wait3A_615, %dma_wait3A_619] : memref<40x125xi32, #tpu.memory_space<vmem>> -> memref<1x125xi32, #tpu.memory_space<vmem>>
    %dma_wait3A_621 = tpu.memref_squeeze %dma_wait3A_620 : memref<1x125xi32, #tpu.memory_space<vmem>> -> memref<125xi32, #tpu.memory_space<vmem>>
    %dma_wait3A_622 = arith.constant 0 : i32
    %dma_wait3A_623 = arith.constant 0 : i32
    %dma_wait3A_624 = tpu.memref_slice %arg2[%dma_wait3A_622, %dma_wait3A_623] : memref<10000x32xf32, #tpu.memory_space<hbm>> -> memref<10000x32xf32, #tpu.memory_space<hbm>>
    tpu.wait_indirect_dma semaphore(%arg7 : memref<!tpu.dma_semaphore, #tpu.memory_space<semaphore_mem>>) src(%dma_wait3A_624 : memref<10000x32xf32, #tpu.memory_space<hbm>>) dst(%dma_wait3A_618 : memref<125x32xf32, #tpu.memory_space<vmem>>)
    %dma_wait3A_625 = arith.constant 22 : i32
    %dma_wait3A_626 = arith.constant 250 : i32
    %dma_wait3A_627 = arith.constant 0 : i32
    %dma_wait3A_628 = tpu.memref_slice %arg6[%dma_wait3A_626, %dma_wait3A_627] : memref<2500x32xf32, #tpu.memory_space<vmem>> -> memref<125x32xf32, #tpu.memory_space<vmem>>
    %dma_wait3A_629 = arith.constant 0 : i32
    %dma_wait3A_630 = tpu.memref_slice %arg5[%dma_wait3A_625, %dma_wait3A_629] : memref<40x125xi32, #tpu.memory_space<vmem>> -> memref<1x125xi32, #tpu.memory_space<vmem>>
    %dma_wait3A_631 = tpu.memref_squeeze %dma_wait3A_630 : memref<1x125xi32, #tpu.memory_space<vmem>> -> memref<125xi32, #tpu.memory_space<vmem>>
    %dma_wait3A_632 = arith.constant 0 : i32
    %dma_wait3A_633 = arith.constant 0 : i32
    %dma_wait3A_634 = tpu.memref_slice %arg2[%dma_wait3A_632, %dma_wait3A_633] : memref<10000x32xf32, #tpu.memory_space<hbm>> -> memref<10000x32xf32, #tpu.memory_space<hbm>>
    tpu.wait_indirect_dma semaphore(%arg7 : memref<!tpu.dma_semaphore, #tpu.memory_space<semaphore_mem>>) src(%dma_wait3A_634 : memref<10000x32xf32, #tpu.memory_space<hbm>>) dst(%dma_wait3A_628 : memref<125x32xf32, #tpu.memory_space<vmem>>)
    %dma_wait3A_635 = arith.constant 23 : i32
    %dma_wait3A_636 = arith.constant 375 : i32
    %dma_wait3A_637 = arith.constant 0 : i32
    %dma_wait3A_638 = tpu.memref_slice %arg6[%dma_wait3A_636, %dma_wait3A_637] : memref<2500x32xf32, #tpu.memory_space<vmem>> -> memref<125x32xf32, #tpu.memory_space<vmem>>
    %dma_wait3A_639 = arith.constant 0 : i32
    %dma_wait3A_640 = tpu.memref_slice %arg5[%dma_wait3A_635, %dma_wait3A_639] : memref<40x125xi32, #tpu.memory_space<vmem>> -> memref<1x125xi32, #tpu.memory_space<vmem>>
    %dma_wait3A_641 = tpu.memref_squeeze %dma_wait3A_640 : memref<1x125xi32, #tpu.memory_space<vmem>> -> memref<125xi32, #tpu.memory_space<vmem>>
    %dma_wait3A_642 = arith.constant 0 : i32
    %dma_wait3A_643 = arith.constant 0 : i32
    %dma_wait3A_644 = tpu.memref_slice %arg2[%dma_wait3A_642, %dma_wait3A_643] : memref<10000x32xf32, #tpu.memory_space<hbm>> -> memref<10000x32xf32, #tpu.memory_space<hbm>>
    tpu.wait_indirect_dma semaphore(%arg7 : memref<!tpu.dma_semaphore, #tpu.memory_space<semaphore_mem>>) src(%dma_wait3A_644 : memref<10000x32xf32, #tpu.memory_space<hbm>>) dst(%dma_wait3A_638 : memref<125x32xf32, #tpu.memory_space<vmem>>)
    %dma_wait3A_645 = arith.constant 24 : i32
    %dma_wait3A_646 = arith.constant 500 : i32
    %dma_wait3A_647 = arith.constant 0 : i32
    %dma_wait3A_648 = tpu.memref_slice %arg6[%dma_wait3A_646, %dma_wait3A_647] : memref<2500x32xf32, #tpu.memory_space<vmem>> -> memref<125x32xf32, #tpu.memory_space<vmem>>
    %dma_wait3A_649 = arith.constant 0 : i32
    %dma_wait3A_650 = tpu.memref_slice %arg5[%dma_wait3A_645, %dma_wait3A_649] : memref<40x125xi32, #tpu.memory_space<vmem>> -> memref<1x125xi32, #tpu.memory_space<vmem>>
    %dma_wait3A_651 = tpu.memref_squeeze %dma_wait3A_650 : memref<1x125xi32, #tpu.memory_space<vmem>> -> memref<125xi32, #tpu.memory_space<vmem>>
    %dma_wait3A_652 = arith.constant 0 : i32
    %dma_wait3A_653 = arith.constant 0 : i32
    %dma_wait3A_654 = tpu.memref_slice %arg2[%dma_wait3A_652, %dma_wait3A_653] : memref<10000x32xf32, #tpu.memory_space<hbm>> -> memref<10000x32xf32, #tpu.memory_space<hbm>>
    tpu.wait_indirect_dma semaphore(%arg7 : memref<!tpu.dma_semaphore, #tpu.memory_space<semaphore_mem>>) src(%dma_wait3A_654 : memref<10000x32xf32, #tpu.memory_space<hbm>>) dst(%dma_wait3A_648 : memref<125x32xf32, #tpu.memory_space<vmem>>)
    %dma_wait3A_655 = arith.constant 25 : i32
    %dma_wait3A_656 = arith.constant 625 : i32
    %dma_wait3A_657 = arith.constant 0 : i32
    %dma_wait3A_658 = tpu.memref_slice %arg6[%dma_wait3A_656, %dma_wait3A_657] : memref<2500x32xf32, #tpu.memory_space<vmem>> -> memref<125x32xf32, #tpu.memory_space<vmem>>
    %dma_wait3A_659 = arith.constant 0 : i32
    %dma_wait3A_660 = tpu.memref_slice %arg5[%dma_wait3A_655, %dma_wait3A_659] : memref<40x125xi32, #tpu.memory_space<vmem>> -> memref<1x125xi32, #tpu.memory_space<vmem>>
    %dma_wait3A_661 = tpu.memref_squeeze %dma_wait3A_660 : memref<1x125xi32, #tpu.memory_space<vmem>> -> memref<125xi32, #tpu.memory_space<vmem>>
    %dma_wait3A_662 = arith.constant 0 : i32
    %dma_wait3A_663 = arith.constant 0 : i32
    %dma_wait3A_664 = tpu.memref_slice %arg2[%dma_wait3A_662, %dma_wait3A_663] : memref<10000x32xf32, #tpu.memory_space<hbm>> -> memref<10000x32xf32, #tpu.memory_space<hbm>>
    tpu.wait_indirect_dma semaphore(%arg7 : memref<!tpu.dma_semaphore, #tpu.memory_space<semaphore_mem>>) src(%dma_wait3A_664 : memref<10000x32xf32, #tpu.memory_space<hbm>>) dst(%dma_wait3A_658 : memref<125x32xf32, #tpu.memory_space<vmem>>)
    %dma_wait3A_665 = arith.constant 26 : i32
    %dma_wait3A_666 = arith.constant 750 : i32
    %dma_wait3A_667 = arith.constant 0 : i32
    %dma_wait3A_668 = tpu.memref_slice %arg6[%dma_wait3A_666, %dma_wait3A_667] : memref<2500x32xf32, #tpu.memory_space<vmem>> -> memref<125x32xf32, #tpu.memory_space<vmem>>
    %dma_wait3A_669 = arith.constant 0 : i32
    %dma_wait3A_670 = tpu.memref_slice %arg5[%dma_wait3A_665, %dma_wait3A_669] : memref<40x125xi32, #tpu.memory_space<vmem>> -> memref<1x125xi32, #tpu.memory_space<vmem>>
    %dma_wait3A_671 = tpu.memref_squeeze %dma_wait3A_670 : memref<1x125xi32, #tpu.memory_space<vmem>> -> memref<125xi32, #tpu.memory_space<vmem>>
    %dma_wait3A_672 = arith.constant 0 : i32
    %dma_wait3A_673 = arith.constant 0 : i32
    %dma_wait3A_674 = tpu.memref_slice %arg2[%dma_wait3A_672, %dma_wait3A_673] : memref<10000x32xf32, #tpu.memory_space<hbm>> -> memref<10000x32xf32, #tpu.memory_space<hbm>>
    tpu.wait_indirect_dma semaphore(%arg7 : memref<!tpu.dma_semaphore, #tpu.memory_space<semaphore_mem>>) src(%dma_wait3A_674 : memref<10000x32xf32, #tpu.memory_space<hbm>>) dst(%dma_wait3A_668 : memref<125x32xf32, #tpu.memory_space<vmem>>)
    %dma_wait3A_675 = arith.constant 27 : i32
    %dma_wait3A_676 = arith.constant 875 : i32
    %dma_wait3A_677 = arith.constant 0 : i32
    %dma_wait3A_678 = tpu.memref_slice %arg6[%dma_wait3A_676, %dma_wait3A_677] : memref<2500x32xf32, #tpu.memory_space<vmem>> -> memref<125x32xf32, #tpu.memory_space<vmem>>
    %dma_wait3A_679 = arith.constant 0 : i32
    %dma_wait3A_680 = tpu.memref_slice %arg5[%dma_wait3A_675, %dma_wait3A_679] : memref<40x125xi32, #tpu.memory_space<vmem>> -> memref<1x125xi32, #tpu.memory_space<vmem>>
    %dma_wait3A_681 = tpu.memref_squeeze %dma_wait3A_680 : memref<1x125xi32, #tpu.memory_space<vmem>> -> memref<125xi32, #tpu.memory_space<vmem>>
    %dma_wait3A_682 = arith.constant 0 : i32
    %dma_wait3A_683 = arith.constant 0 : i32
    %dma_wait3A_684 = tpu.memref_slice %arg2[%dma_wait3A_682, %dma_wait3A_683] : memref<10000x32xf32, #tpu.memory_space<hbm>> -> memref<10000x32xf32, #tpu.memory_space<hbm>>
    tpu.wait_indirect_dma semaphore(%arg7 : memref<!tpu.dma_semaphore, #tpu.memory_space<semaphore_mem>>) src(%dma_wait3A_684 : memref<10000x32xf32, #tpu.memory_space<hbm>>) dst(%dma_wait3A_678 : memref<125x32xf32, #tpu.memory_space<vmem>>)
    %dma_wait3A_685 = arith.constant 28 : i32
    %dma_wait3A_686 = arith.constant 1000 : i32
    %dma_wait3A_687 = arith.constant 0 : i32
    %dma_wait3A_688 = tpu.memref_slice %arg6[%dma_wait3A_686, %dma_wait3A_687] : memref<2500x32xf32, #tpu.memory_space<vmem>> -> memref<125x32xf32, #tpu.memory_space<vmem>>
    %dma_wait3A_689 = arith.constant 0 : i32
    %dma_wait3A_690 = tpu.memref_slice %arg5[%dma_wait3A_685, %dma_wait3A_689] : memref<40x125xi32, #tpu.memory_space<vmem>> -> memref<1x125xi32, #tpu.memory_space<vmem>>
    %dma_wait3A_691 = tpu.memref_squeeze %dma_wait3A_690 : memref<1x125xi32, #tpu.memory_space<vmem>> -> memref<125xi32, #tpu.memory_space<vmem>>
    %dma_wait3A_692 = arith.constant 0 : i32
    %dma_wait3A_693 = arith.constant 0 : i32
    %dma_wait3A_694 = tpu.memref_slice %arg2[%dma_wait3A_692, %dma_wait3A_693] : memref<10000x32xf32, #tpu.memory_space<hbm>> -> memref<10000x32xf32, #tpu.memory_space<hbm>>
    tpu.wait_indirect_dma semaphore(%arg7 : memref<!tpu.dma_semaphore, #tpu.memory_space<semaphore_mem>>) src(%dma_wait3A_694 : memref<10000x32xf32, #tpu.memory_space<hbm>>) dst(%dma_wait3A_688 : memref<125x32xf32, #tpu.memory_space<vmem>>)
    %dma_wait3A_695 = arith.constant 29 : i32
    %dma_wait3A_696 = arith.constant 1125 : i32
    %dma_wait3A_697 = arith.constant 0 : i32
    %dma_wait3A_698 = tpu.memref_slice %arg6[%dma_wait3A_696, %dma_wait3A_697] : memref<2500x32xf32, #tpu.memory_space<vmem>> -> memref<125x32xf32, #tpu.memory_space<vmem>>
    %dma_wait3A_699 = arith.constant 0 : i32
    %dma_wait3A_700 = tpu.memref_slice %arg5[%dma_wait3A_695, %dma_wait3A_699] : memref<40x125xi32, #tpu.memory_space<vmem>> -> memref<1x125xi32, #tpu.memory_space<vmem>>
    %dma_wait3A_701 = tpu.memref_squeeze %dma_wait3A_700 : memref<1x125xi32, #tpu.memory_space<vmem>> -> memref<125xi32, #tpu.memory_space<vmem>>
    %dma_wait3A_702 = arith.constant 0 : i32
    %dma_wait3A_703 = arith.constant 0 : i32
    %dma_wait3A_704 = tpu.memref_slice %arg2[%dma_wait3A_702, %dma_wait3A_703] : memref<10000x32xf32, #tpu.memory_space<hbm>> -> memref<10000x32xf32, #tpu.memory_space<hbm>>
    tpu.wait_indirect_dma semaphore(%arg7 : memref<!tpu.dma_semaphore, #tpu.memory_space<semaphore_mem>>) src(%dma_wait3A_704 : memref<10000x32xf32, #tpu.memory_space<hbm>>) dst(%dma_wait3A_698 : memref<125x32xf32, #tpu.memory_space<vmem>>)
    %dma_wait3A_705 = arith.constant 30 : i32
    %dma_wait3A_706 = arith.constant 1250 : i32
    %dma_wait3A_707 = arith.constant 0 : i32
    %dma_wait3A_708 = tpu.memref_slice %arg6[%dma_wait3A_706, %dma_wait3A_707] : memref<2500x32xf32, #tpu.memory_space<vmem>> -> memref<125x32xf32, #tpu.memory_space<vmem>>
    %dma_wait3A_709 = arith.constant 0 : i32
    %dma_wait3A_710 = tpu.memref_slice %arg5[%dma_wait3A_705, %dma_wait3A_709] : memref<40x125xi32, #tpu.memory_space<vmem>> -> memref<1x125xi32, #tpu.memory_space<vmem>>
    %dma_wait3A_711 = tpu.memref_squeeze %dma_wait3A_710 : memref<1x125xi32, #tpu.memory_space<vmem>> -> memref<125xi32, #tpu.memory_space<vmem>>
    %dma_wait3A_712 = arith.constant 0 : i32
    %dma_wait3A_713 = arith.constant 0 : i32
    %dma_wait3A_714 = tpu.memref_slice %arg2[%dma_wait3A_712, %dma_wait3A_713] : memref<10000x32xf32, #tpu.memory_space<hbm>> -> memref<10000x32xf32, #tpu.memory_space<hbm>>
    tpu.wait_indirect_dma semaphore(%arg7 : memref<!tpu.dma_semaphore, #tpu.memory_space<semaphore_mem>>) src(%dma_wait3A_714 : memref<10000x32xf32, #tpu.memory_space<hbm>>) dst(%dma_wait3A_708 : memref<125x32xf32, #tpu.memory_space<vmem>>)
    %dma_wait3A_715 = arith.constant 31 : i32
    %dma_wait3A_716 = arith.constant 1375 : i32
    %dma_wait3A_717 = arith.constant 0 : i32
    %dma_wait3A_718 = tpu.memref_slice %arg6[%dma_wait3A_716, %dma_wait3A_717] : memref<2500x32xf32, #tpu.memory_space<vmem>> -> memref<125x32xf32, #tpu.memory_space<vmem>>
    %dma_wait3A_719 = arith.constant 0 : i32
    %dma_wait3A_720 = tpu.memref_slice %arg5[%dma_wait3A_715, %dma_wait3A_719] : memref<40x125xi32, #tpu.memory_space<vmem>> -> memref<1x125xi32, #tpu.memory_space<vmem>>
    %dma_wait3A_721 = tpu.memref_squeeze %dma_wait3A_720 : memref<1x125xi32, #tpu.memory_space<vmem>> -> memref<125xi32, #tpu.memory_space<vmem>>
    %dma_wait3A_722 = arith.constant 0 : i32
    %dma_wait3A_723 = arith.constant 0 : i32
    %dma_wait3A_724 = tpu.memref_slice %arg2[%dma_wait3A_722, %dma_wait3A_723] : memref<10000x32xf32, #tpu.memory_space<hbm>> -> memref<10000x32xf32, #tpu.memory_space<hbm>>
    tpu.wait_indirect_dma semaphore(%arg7 : memref<!tpu.dma_semaphore, #tpu.memory_space<semaphore_mem>>) src(%dma_wait3A_724 : memref<10000x32xf32, #tpu.memory_space<hbm>>) dst(%dma_wait3A_718 : memref<125x32xf32, #tpu.memory_space<vmem>>)
    %dma_wait3A_725 = arith.constant 32 : i32
    %dma_wait3A_726 = arith.constant 1500 : i32
    %dma_wait3A_727 = arith.constant 0 : i32
    %dma_wait3A_728 = tpu.memref_slice %arg6[%dma_wait3A_726, %dma_wait3A_727] : memref<2500x32xf32, #tpu.memory_space<vmem>> -> memref<125x32xf32, #tpu.memory_space<vmem>>
    %dma_wait3A_729 = arith.constant 0 : i32
    %dma_wait3A_730 = tpu.memref_slice %arg5[%dma_wait3A_725, %dma_wait3A_729] : memref<40x125xi32, #tpu.memory_space<vmem>> -> memref<1x125xi32, #tpu.memory_space<vmem>>
    %dma_wait3A_731 = tpu.memref_squeeze %dma_wait3A_730 : memref<1x125xi32, #tpu.memory_space<vmem>> -> memref<125xi32, #tpu.memory_space<vmem>>
    %dma_wait3A_732 = arith.constant 0 : i32
    %dma_wait3A_733 = arith.constant 0 : i32
    %dma_wait3A_734 = tpu.memref_slice %arg2[%dma_wait3A_732, %dma_wait3A_733] : memref<10000x32xf32, #tpu.memory_space<hbm>> -> memref<10000x32xf32, #tpu.memory_space<hbm>>
    tpu.wait_indirect_dma semaphore(%arg7 : memref<!tpu.dma_semaphore, #tpu.memory_space<semaphore_mem>>) src(%dma_wait3A_734 : memref<10000x32xf32, #tpu.memory_space<hbm>>) dst(%dma_wait3A_728 : memref<125x32xf32, #tpu.memory_space<vmem>>)
    %dma_wait3A_735 = arith.constant 33 : i32
    %dma_wait3A_736 = arith.constant 1625 : i32
    %dma_wait3A_737 = arith.constant 0 : i32
    %dma_wait3A_738 = tpu.memref_slice %arg6[%dma_wait3A_736, %dma_wait3A_737] : memref<2500x32xf32, #tpu.memory_space<vmem>> -> memref<125x32xf32, #tpu.memory_space<vmem>>
    %dma_wait3A_739 = arith.constant 0 : i32
    %dma_wait3A_740 = tpu.memref_slice %arg5[%dma_wait3A_735, %dma_wait3A_739] : memref<40x125xi32, #tpu.memory_space<vmem>> -> memref<1x125xi32, #tpu.memory_space<vmem>>
    %dma_wait3A_741 = tpu.memref_squeeze %dma_wait3A_740 : memref<1x125xi32, #tpu.memory_space<vmem>> -> memref<125xi32, #tpu.memory_space<vmem>>
    %dma_wait3A_742 = arith.constant 0 : i32
    %dma_wait3A_743 = arith.constant 0 : i32
    %dma_wait3A_744 = tpu.memref_slice %arg2[%dma_wait3A_742, %dma_wait3A_743] : memref<10000x32xf32, #tpu.memory_space<hbm>> -> memref<10000x32xf32, #tpu.memory_space<hbm>>
    tpu.wait_indirect_dma semaphore(%arg7 : memref<!tpu.dma_semaphore, #tpu.memory_space<semaphore_mem>>) src(%dma_wait3A_744 : memref<10000x32xf32, #tpu.memory_space<hbm>>) dst(%dma_wait3A_738 : memref<125x32xf32, #tpu.memory_space<vmem>>)
    %dma_wait3A_745 = arith.constant 34 : i32
    %dma_wait3A_746 = arith.constant 1750 : i32
    %dma_wait3A_747 = arith.constant 0 : i32
    %dma_wait3A_748 = tpu.memref_slice %arg6[%dma_wait3A_746, %dma_wait3A_747] : memref<2500x32xf32, #tpu.memory_space<vmem>> -> memref<125x32xf32, #tpu.memory_space<vmem>>
    %dma_wait3A_749 = arith.constant 0 : i32
    %dma_wait3A_750 = tpu.memref_slice %arg5[%dma_wait3A_745, %dma_wait3A_749] : memref<40x125xi32, #tpu.memory_space<vmem>> -> memref<1x125xi32, #tpu.memory_space<vmem>>
    %dma_wait3A_751 = tpu.memref_squeeze %dma_wait3A_750 : memref<1x125xi32, #tpu.memory_space<vmem>> -> memref<125xi32, #tpu.memory_space<vmem>>
    %dma_wait3A_752 = arith.constant 0 : i32
    %dma_wait3A_753 = arith.constant 0 : i32
    %dma_wait3A_754 = tpu.memref_slice %arg2[%dma_wait3A_752, %dma_wait3A_753] : memref<10000x32xf32, #tpu.memory_space<hbm>> -> memref<10000x32xf32, #tpu.memory_space<hbm>>
    tpu.wait_indirect_dma semaphore(%arg7 : memref<!tpu.dma_semaphore, #tpu.memory_space<semaphore_mem>>) src(%dma_wait3A_754 : memref<10000x32xf32, #tpu.memory_space<hbm>>) dst(%dma_wait3A_748 : memref<125x32xf32, #tpu.memory_space<vmem>>)
    %dma_wait3A_755 = arith.constant 35 : i32
    %dma_wait3A_756 = arith.constant 1875 : i32
    %dma_wait3A_757 = arith.constant 0 : i32
    %dma_wait3A_758 = tpu.memref_slice %arg6[%dma_wait3A_756, %dma_wait3A_757] : memref<2500x32xf32, #tpu.memory_space<vmem>> -> memref<125x32xf32, #tpu.memory_space<vmem>>
    %dma_wait3A_759 = arith.constant 0 : i32
    %dma_wait3A_760 = tpu.memref_slice %arg5[%dma_wait3A_755, %dma_wait3A_759] : memref<40x125xi32, #tpu.memory_space<vmem>> -> memref<1x125xi32, #tpu.memory_space<vmem>>
    %dma_wait3A_761 = tpu.memref_squeeze %dma_wait3A_760 : memref<1x125xi32, #tpu.memory_space<vmem>> -> memref<125xi32, #tpu.memory_space<vmem>>
    %dma_wait3A_762 = arith.constant 0 : i32
    %dma_wait3A_763 = arith.constant 0 : i32
    %dma_wait3A_764 = tpu.memref_slice %arg2[%dma_wait3A_762, %dma_wait3A_763] : memref<10000x32xf32, #tpu.memory_space<hbm>> -> memref<10000x32xf32, #tpu.memory_space<hbm>>
    tpu.wait_indirect_dma semaphore(%arg7 : memref<!tpu.dma_semaphore, #tpu.memory_space<semaphore_mem>>) src(%dma_wait3A_764 : memref<10000x32xf32, #tpu.memory_space<hbm>>) dst(%dma_wait3A_758 : memref<125x32xf32, #tpu.memory_space<vmem>>)
    %dma_wait3A_765 = arith.constant 36 : i32
    %dma_wait3A_766 = arith.constant 2000 : i32
    %dma_wait3A_767 = arith.constant 0 : i32
    %dma_wait3A_768 = tpu.memref_slice %arg6[%dma_wait3A_766, %dma_wait3A_767] : memref<2500x32xf32, #tpu.memory_space<vmem>> -> memref<125x32xf32, #tpu.memory_space<vmem>>
    %dma_wait3A_769 = arith.constant 0 : i32
    %dma_wait3A_770 = tpu.memref_slice %arg5[%dma_wait3A_765, %dma_wait3A_769] : memref<40x125xi32, #tpu.memory_space<vmem>> -> memref<1x125xi32, #tpu.memory_space<vmem>>
    %dma_wait3A_771 = tpu.memref_squeeze %dma_wait3A_770 : memref<1x125xi32, #tpu.memory_space<vmem>> -> memref<125xi32, #tpu.memory_space<vmem>>
    %dma_wait3A_772 = arith.constant 0 : i32
    %dma_wait3A_773 = arith.constant 0 : i32
    %dma_wait3A_774 = tpu.memref_slice %arg2[%dma_wait3A_772, %dma_wait3A_773] : memref<10000x32xf32, #tpu.memory_space<hbm>> -> memref<10000x32xf32, #tpu.memory_space<hbm>>
    tpu.wait_indirect_dma semaphore(%arg7 : memref<!tpu.dma_semaphore, #tpu.memory_space<semaphore_mem>>) src(%dma_wait3A_774 : memref<10000x32xf32, #tpu.memory_space<hbm>>) dst(%dma_wait3A_768 : memref<125x32xf32, #tpu.memory_space<vmem>>)
    %dma_wait3A_775 = arith.constant 37 : i32
    %dma_wait3A_776 = arith.constant 2125 : i32
    %dma_wait3A_777 = arith.constant 0 : i32
    %dma_wait3A_778 = tpu.memref_slice %arg6[%dma_wait3A_776, %dma_wait3A_777] : memref<2500x32xf32, #tpu.memory_space<vmem>> -> memref<125x32xf32, #tpu.memory_space<vmem>>
    %dma_wait3A_779 = arith.constant 0 : i32
    %dma_wait3A_780 = tpu.memref_slice %arg5[%dma_wait3A_775, %dma_wait3A_779] : memref<40x125xi32, #tpu.memory_space<vmem>> -> memref<1x125xi32, #tpu.memory_space<vmem>>
    %dma_wait3A_781 = tpu.memref_squeeze %dma_wait3A_780 : memref<1x125xi32, #tpu.memory_space<vmem>> -> memref<125xi32, #tpu.memory_space<vmem>>
    %dma_wait3A_782 = arith.constant 0 : i32
    %dma_wait3A_783 = arith.constant 0 : i32
    %dma_wait3A_784 = tpu.memref_slice %arg2[%dma_wait3A_782, %dma_wait3A_783] : memref<10000x32xf32, #tpu.memory_space<hbm>> -> memref<10000x32xf32, #tpu.memory_space<hbm>>
    tpu.wait_indirect_dma semaphore(%arg7 : memref<!tpu.dma_semaphore, #tpu.memory_space<semaphore_mem>>) src(%dma_wait3A_784 : memref<10000x32xf32, #tpu.memory_space<hbm>>) dst(%dma_wait3A_778 : memref<125x32xf32, #tpu.memory_space<vmem>>)
    %dma_wait3A_785 = arith.constant 38 : i32
    %dma_wait3A_786 = arith.constant 2250 : i32
    %dma_wait3A_787 = arith.constant 0 : i32
    %dma_wait3A_788 = tpu.memref_slice %arg6[%dma_wait3A_786, %dma_wait3A_787] : memref<2500x32xf32, #tpu.memory_space<vmem>> -> memref<125x32xf32, #tpu.memory_space<vmem>>
    %dma_wait3A_789 = arith.constant 0 : i32
    %dma_wait3A_790 = tpu.memref_slice %arg5[%dma_wait3A_785, %dma_wait3A_789] : memref<40x125xi32, #tpu.memory_space<vmem>> -> memref<1x125xi32, #tpu.memory_space<vmem>>
    %dma_wait3A_791 = tpu.memref_squeeze %dma_wait3A_790 : memref<1x125xi32, #tpu.memory_space<vmem>> -> memref<125xi32, #tpu.memory_space<vmem>>
    %dma_wait3A_792 = arith.constant 0 : i32
    %dma_wait3A_793 = arith.constant 0 : i32
    %dma_wait3A_794 = tpu.memref_slice %arg2[%dma_wait3A_792, %dma_wait3A_793] : memref<10000x32xf32, #tpu.memory_space<hbm>> -> memref<10000x32xf32, #tpu.memory_space<hbm>>
    tpu.wait_indirect_dma semaphore(%arg7 : memref<!tpu.dma_semaphore, #tpu.memory_space<semaphore_mem>>) src(%dma_wait3A_794 : memref<10000x32xf32, #tpu.memory_space<hbm>>) dst(%dma_wait3A_788 : memref<125x32xf32, #tpu.memory_space<vmem>>)
    %dma_wait3A_795 = arith.constant 39 : i32
    %dma_wait3A_796 = arith.constant 2375 : i32
    %dma_wait3A_797 = arith.constant 0 : i32
    %dma_wait3A_798 = tpu.memref_slice %arg6[%dma_wait3A_796, %dma_wait3A_797] : memref<2500x32xf32, #tpu.memory_space<vmem>> -> memref<125x32xf32, #tpu.memory_space<vmem>>
    %dma_wait3A_799 = arith.constant 0 : i32
    %dma_wait3A_800 = tpu.memref_slice %arg5[%dma_wait3A_795, %dma_wait3A_799] : memref<40x125xi32, #tpu.memory_space<vmem>> -> memref<1x125xi32, #tpu.memory_space<vmem>>
    %dma_wait3A_801 = tpu.memref_squeeze %dma_wait3A_800 : memref<1x125xi32, #tpu.memory_space<vmem>> -> memref<125xi32, #tpu.memory_space<vmem>>
    %dma_wait3A_802 = arith.constant 0 : i32
    %dma_wait3A_803 = arith.constant 0 : i32
    %dma_wait3A_804 = tpu.memref_slice %arg2[%dma_wait3A_802, %dma_wait3A_803] : memref<10000x32xf32, #tpu.memory_space<hbm>> -> memref<10000x32xf32, #tpu.memory_space<hbm>>
    tpu.wait_indirect_dma semaphore(%arg7 : memref<!tpu.dma_semaphore, #tpu.memory_space<semaphore_mem>>) src(%dma_wait3A_804 : memref<10000x32xf32, #tpu.memory_space<hbm>>) dst(%dma_wait3A_798 : memref<125x32xf32, #tpu.memory_space<vmem>>)
    %mul3A_805 = arith.constant 5000 : i32
    %mul3A_806 = arith.muli %add3A, %mul3A_805 : i32
    %add3A_807 = arith.constant 2500 : i32
    %add3A_808 = arith.addi %mul3A_806, %add3A_807 : i32
    "tpu.region"() ({
      %run_scoped3A = tpu.sem_alloc : memref<!tpu.dma_semaphore, #tpu.memory_space<semaphore_mem>>
      %dma_start3A_809 = arith.constant 0 : i32
      %dma_start3A_810 = tpu.memref_slice %arg4[%add3A_808, %dma_start3A_809] : memref<160000x32xf32, #tpu.memory_space<hbm>> -> memref<2500x32xf32, #tpu.memory_space<hbm>>
      %dma_start3A_811 = arith.constant 0 : i32
      %dma_start3A_812 = tpu.memref_slice %arg4[%add3A_808, %dma_start3A_811] : memref<160000x32xf32, #tpu.memory_space<hbm>> -> memref<2500x32xf32, #tpu.memory_space<hbm>>
      tpu.enqueue_dma source(%arg6 : memref<2500x32xf32, #tpu.memory_space<vmem>>) target(%dma_start3A_812 : memref<2500x32xf32, #tpu.memory_space<hbm>>) target_semaphore(%run_scoped3A : memref<!tpu.dma_semaphore, #tpu.memory_space<semaphore_mem>>)
      %dma_wait3A_813 = arith.constant 0 : i32
      %dma_wait3A_814 = tpu.memref_slice %arg4[%add3A_808, %dma_wait3A_813] : memref<160000x32xf32, #tpu.memory_space<hbm>> -> memref<2500x32xf32, #tpu.memory_space<hbm>>
      %dma_wait3A_815 = arith.constant 0 : i32
      %dma_wait3A_816 = tpu.memref_slice %arg4[%add3A_808, %dma_wait3A_815] : memref<160000x32xf32, #tpu.memory_space<hbm>> -> memref<2500x32xf32, #tpu.memory_space<hbm>>
      tpu.wait_dma2 semaphore(%run_scoped3A : memref<!tpu.dma_semaphore, #tpu.memory_space<semaphore_mem>>) src(%arg6 : memref<2500x32xf32, #tpu.memory_space<vmem>>) dst(%dma_wait3A_816 : memref<2500x32xf32, #tpu.memory_space<hbm>>)
      tpu.yield
    }) : () -> ()
    return
  }
}

module attributes {stable_mosaic.version = 14 : i64} {
  func.func @_proj_body(%arg0: i32, %arg1: memref<2000x128xf32, #tpu.memory_space<vmem>>, %arg2: memref<128x32xf32, #tpu.memory_space<vmem>>, %arg3: memref<1x32xf32, #tpu.memory_space<vmem>>, %arg4: memref<32x32xf32, #tpu.memory_space<vmem>>, %arg5: memref<1x32xf32, #tpu.memory_space<vmem>>, %arg6: memref<2000x32xf32, #tpu.memory_space<vmem>>, %arg7: memref<2000x32xf32, #tpu.memory_space<vmem>>) attributes {dimension_semantics = [#tpu.dimension_semantics<arbitrary>], iteration_bounds = array<i64: 5>, scalar_prefetch = 0 : i64, scratch_operands = 0 : i64, tpu.core_type = #tpu.core_type<tc>, window_params = [{transform_indices = @transform_0, window_bounds = array<i64: 2000, 128>}, {pipeline_mode = #tpu.pipeline_mode<synchronous>, transform_indices = @transform_1, window_bounds = array<i64: 128, 32>}, {pipeline_mode = #tpu.pipeline_mode<synchronous>, transform_indices = @transform_2, window_bounds = array<i64: 1, 32>}, {pipeline_mode = #tpu.pipeline_mode<synchronous>, transform_indices = @transform_3, window_bounds = array<i64: 32, 32>}, {pipeline_mode = #tpu.pipeline_mode<synchronous>, transform_indices = @transform_4, window_bounds = array<i64: 1, 32>}, {transform_indices = @transform_5, window_bounds = array<i64: 2000, 32>}, {transform_indices = @transform_6, window_bounds = array<i64: 2000, 32>}]} {
    %get3A = arith.constant 0 : index
    %get3A_0 = arith.constant 0 : index
    %get3A_1 = vector.load %arg1[%get3A, %get3A_0] : memref<2000x128xf32, #tpu.memory_space<vmem>>, vector<2000x128xf32>
    %get3A_2 = arith.constant 0 : index
    %get3A_3 = arith.constant 0 : index
    %get3A_4 = vector.load %arg2[%get3A_2, %get3A_3] : memref<128x32xf32, #tpu.memory_space<vmem>>, vector<128x32xf32>
    %dot_general3A = arith.constant dense<0.000000e+00> : vector<2000x32xf32>
    %dot_general3A_5 = tpu.matmul %get3A_1, %get3A_4, %dot_general3A {dimension_numbers = #tpu.dot_dimension_numbers<[1], [0], [0], [1], [0, 0, 1, 1], [], []>, transpose_lhs_hint = false} : vector<2000x128xf32>, vector<128x32xf32>, vector<2000x32xf32> -> vector<2000x32xf32>
    %get3A_6 = arith.constant 0 : index
    %get3A_7 = arith.constant 0 : index
    %get3A_8 = vector.load %arg3[%get3A_6, %get3A_7] : memref<1x32xf32, #tpu.memory_space<vmem>>, vector<1x32xf32>
    %add3A = vector.broadcast %get3A_8 : vector<1x32xf32> to vector<2000x32xf32>
    %add3A_9 = arith.addf %dot_general3A_5, %add3A : vector<2000x32xf32>
    %max3A = arith.constant 0.000000e+00 : f32
    %max3A_10 = vector.broadcast %max3A : f32 to vector<2000x32xf32>
    %max3A_11 = arith.maximumf %add3A_9, %max3A_10 : vector<2000x32xf32>
    %swap3A = arith.constant 0 : index
    %swap3A_12 = arith.constant 0 : index
    %swap3A_13 = vector.load %arg6[%swap3A, %swap3A_12] : memref<2000x32xf32, #tpu.memory_space<vmem>>, vector<2000x32xf32>
    tpu.vector_store %arg6[%swap3A, %swap3A_12], %max3A_11 {strides = array<i32>} : memref<2000x32xf32, #tpu.memory_space<vmem>>, vector<2000x32xf32>,
    %get3A_14 = arith.constant 0 : index
    %get3A_15 = arith.constant 0 : index
    %get3A_16 = vector.load %arg4[%get3A_14, %get3A_15] : memref<32x32xf32, #tpu.memory_space<vmem>>, vector<32x32xf32>
    %dot_general3A_17 = arith.constant dense<0.000000e+00> : vector<2000x32xf32>
    %dot_general3A_18 = tpu.matmul %max3A_11, %get3A_16, %dot_general3A_17 {dimension_numbers = #tpu.dot_dimension_numbers<[1], [0], [0], [1], [0, 0, 1, 1], [], []>, transpose_lhs_hint = false} : vector<2000x32xf32>, vector<32x32xf32>, vector<2000x32xf32> -> vector<2000x32xf32>
    %get3A_19 = arith.constant 0 : index
    %get3A_20 = arith.constant 0 : index
    %get3A_21 = vector.load %arg5[%get3A_19, %get3A_20] : memref<1x32xf32, #tpu.memory_space<vmem>>, vector<1x32xf32>
    %add3A_22 = vector.broadcast %get3A_21 : vector<1x32xf32> to vector<2000x32xf32>
    %add3A_23 = arith.addf %dot_general3A_18, %add3A_22 : vector<2000x32xf32>
    %swap3A_24 = arith.constant 0 : index
    %swap3A_25 = arith.constant 0 : index
    %swap3A_26 = vector.load %arg7[%swap3A_24, %swap3A_25] : memref<2000x32xf32, #tpu.memory_space<vmem>>, vector<2000x32xf32>
    tpu.vector_store %arg7[%swap3A_24, %swap3A_25], %add3A_23 {strides = array<i32>} : memref<2000x32xf32, #tpu.memory_space<vmem>>, vector<2000x32xf32>,
    return
  }
  func.func @transform_0(%arg0: i32) -> (i32, i32) {
    %c0_i32 = arith.constant 0 : i32
    %c0_i32_0 = arith.constant 0 : i32
    return %arg0, %c0_i32 : i32, i32
  }
  func.func @transform_1(%arg0: i32) -> (i32, i32) {
    %c0_i32 = arith.constant 0 : i32
    %c0_i32_0 = arith.constant 0 : i32
    %c0_i32_1 = arith.constant 0 : i32
    return %c0_i32, %c0_i32_0 : i32, i32
  }
  func.func @transform_2(%arg0: i32) -> (i32, i32) {
    %c0_i32 = arith.constant 0 : i32
    %c0_i32_0 = arith.constant 0 : i32
    %c0_i32_1 = arith.constant 0 : i32
    return %c0_i32, %c0_i32_0 : i32, i32
  }
  func.func @transform_3(%arg0: i32) -> (i32, i32) {
    %c0_i32 = arith.constant 0 : i32
    %c0_i32_0 = arith.constant 0 : i32
    %c0_i32_1 = arith.constant 0 : i32
    return %c0_i32, %c0_i32_0 : i32, i32
  }
  func.func @transform_4(%arg0: i32) -> (i32, i32) {
    %c0_i32 = arith.constant 0 : i32
    %c0_i32_0 = arith.constant 0 : i32
    %c0_i32_1 = arith.constant 0 : i32
    return %c0_i32, %c0_i32_0 : i32, i32
  }
  func.func @transform_5(%arg0: i32) -> (i32, i32) {
    %c0_i32 = arith.constant 0 : i32
    %c0_i32_0 = arith.constant 0 : i32
    return %arg0, %c0_i32 : i32, i32
  }
  func.func @transform_6(%arg0: i32) -> (i32, i32) {
    %c0_i32 = arith.constant 0 : i32
    %c0_i32_0 = arith.constant 0 : i32
    return %arg0, %c0_i32 : i32, i32
  }
}

module attributes {stable_mosaic.version = 14 : i64} {
  func.func @_msg_body(%arg0: i32, %arg1: memref<400x128xf32, #tpu.memory_space<vmem>>, %arg2: memref<400x64xf32, #tpu.memory_space<vmem>>, %arg3: memref<16x32xf32, #tpu.memory_space<vmem>>, %arg4: memref<1x32xf32, #tpu.memory_space<vmem>>, %arg5: memref<32x1024xf32, #tpu.memory_space<vmem>>, %arg6: memref<32x1024xf32, #tpu.memory_space<vmem>>, %arg7: memref<1024x32xf32, #tpu.memory_space<vmem>>, %arg8: memref<32x32xf32, #tpu.memory_space<vmem>>, %arg9: memref<400x128xf32, #tpu.memory_space<vmem>>) attributes {dimension_semantics = [#tpu.dimension_semantics<arbitrary>], iteration_bounds = array<i64: 100>, scalar_prefetch = 0 : i64, scratch_operands = 0 : i64, tpu.core_type = #tpu.core_type<tc>, window_params = [{transform_indices = @transform_0, window_bounds = array<i64: 400, 128>}, {transform_indices = @transform_1, window_bounds = array<i64: 400, 64>}, {pipeline_mode = #tpu.pipeline_mode<synchronous>, transform_indices = @transform_2, window_bounds = array<i64: 16, 32>}, {pipeline_mode = #tpu.pipeline_mode<synchronous>, transform_indices = @transform_3, window_bounds = array<i64: 1, 32>}, {pipeline_mode = #tpu.pipeline_mode<synchronous>, transform_indices = @transform_4, window_bounds = array<i64: 32, 1024>}, {pipeline_mode = #tpu.pipeline_mode<synchronous>, transform_indices = @transform_5, window_bounds = array<i64: 32, 1024>}, {pipeline_mode = #tpu.pipeline_mode<synchronous>, transform_indices = @transform_6, window_bounds = array<i64: 1024, 32>}, {pipeline_mode = #tpu.pipeline_mode<synchronous>, transform_indices = @transform_7, window_bounds = array<i64: 32, 32>}, {transform_indices = @transform_8, window_bounds = array<i64: 400, 128>}]} {
    %get3A = arith.constant 0 : index
    %get3A_0 = arith.constant 0 : index
    %get3A_1 = vector.load %arg1[%get3A, %get3A_0] : memref<400x128xf32, #tpu.memory_space<vmem>>, vector<400x128xf32>
    %get3A_2 = arith.constant 0 : index
    %get3A_3 = arith.constant 0 : index
    %get3A_4 = vector.load %arg2[%get3A_2, %get3A_3] : memref<400x64xf32, #tpu.memory_space<vmem>>, vector<400x64xf32>
    %slice3A = vector.extract_strided_slice %get3A_1 {offsets = [0, 0], sizes = [400, 32], strides = [1, 1]} : vector<400x128xf32> to vector<400x32xf32>
    %slice3A_5 = vector.extract_strided_slice %get3A_1 {offsets = [0, 32], sizes = [400, 32], strides = [1, 1]} : vector<400x128xf32> to vector<400x32xf32>
    %slice3A_6 = vector.extract_strided_slice %get3A_1 {offsets = [0, 64], sizes = [400, 32], strides = [1, 1]} : vector<400x128xf32> to vector<400x32xf32>
    %slice3A_7 = vector.extract_strided_slice %get3A_1 {offsets = [0, 96], sizes = [400, 32], strides = [1, 1]} : vector<400x128xf32> to vector<400x32xf32>
    %concatenate3A = tpu.concatenate %slice3A, %slice3A_5, %slice3A_6, %slice3A_7 in 0 : vector<400x32xf32>, vector<400x32xf32>, vector<400x32xf32>, vector<400x32xf32> -> vector<1600x32xf32>
    %slice3A_8 = vector.extract_strided_slice %get3A_4 {offsets = [0, 0], sizes = [400, 16], strides = [1, 1]} : vector<400x64xf32> to vector<400x16xf32>
    %slice3A_9 = vector.extract_strided_slice %get3A_4 {offsets = [0, 16], sizes = [400, 16], strides = [1, 1]} : vector<400x64xf32> to vector<400x16xf32>
    %slice3A_10 = vector.extract_strided_slice %get3A_4 {offsets = [0, 32], sizes = [400, 16], strides = [1, 1]} : vector<400x64xf32> to vector<400x16xf32>
    %slice3A_11 = vector.extract_strided_slice %get3A_4 {offsets = [0, 48], sizes = [400, 16], strides = [1, 1]} : vector<400x64xf32> to vector<400x16xf32>
    %concatenate3A_12 = tpu.concatenate %slice3A_8, %slice3A_9, %slice3A_10, %slice3A_11 in 0 : vector<400x16xf32>, vector<400x16xf32>, vector<400x16xf32>, vector<400x16xf32> -> vector<1600x16xf32>
    %get3A_13 = arith.constant 0 : index
    %get3A_14 = arith.constant 0 : index
    %get3A_15 = vector.load %arg3[%get3A_13, %get3A_14] : memref<16x32xf32, #tpu.memory_space<vmem>>, vector<16x32xf32>
    %dot_general3A = arith.constant dense<0.000000e+00> : vector<1600x32xf32>
    %dot_general3A_16 = tpu.matmul %concatenate3A_12, %get3A_15, %dot_general3A {dimension_numbers = #tpu.dot_dimension_numbers<[1], [0], [0], [1], [0, 0, 1, 1], [], []>, transpose_lhs_hint = false} : vector<1600x16xf32>, vector<16x32xf32>, vector<1600x32xf32> -> vector<1600x32xf32>
    %get3A_17 = arith.constant 0 : index
    %get3A_18 = arith.constant 0 : index
    %get3A_19 = vector.load %arg4[%get3A_17, %get3A_18] : memref<1x32xf32, #tpu.memory_space<vmem>>, vector<1x32xf32>
    %add3A = vector.broadcast %get3A_19 : vector<1x32xf32> to vector<1600x32xf32>
    %add3A_20 = arith.addf %dot_general3A_16, %add3A : vector<1600x32xf32>
    %max3A = arith.constant 0.000000e+00 : f32
    %max3A_21 = vector.broadcast %max3A : f32 to vector<1600x32xf32>
    %max3A_22 = arith.maximumf %add3A_20, %max3A_21 : vector<1600x32xf32>
    %get3A_23 = arith.constant 0 : index
    %get3A_24 = arith.constant 0 : index
    %get3A_25 = vector.load %arg5[%get3A_23, %get3A_24] : memref<32x1024xf32, #tpu.memory_space<vmem>>, vector<32x1024xf32>
    %dot_general3A_26 = arith.constant dense<0.000000e+00> : vector<1600x1024xf32>
    %dot_general3A_27 = tpu.matmul %max3A_22, %get3A_25, %dot_general3A_26 {dimension_numbers = #tpu.dot_dimension_numbers<[1], [0], [0], [1], [0, 0, 1, 1], [], []>, transpose_lhs_hint = false} : vector<1600x32xf32>, vector<32x1024xf32>, vector<1600x1024xf32> -> vector<1600x1024xf32>
    %get3A_28 = arith.constant 0 : index
    %get3A_29 = arith.constant 0 : index
    %get3A_30 = vector.load %arg6[%get3A_28, %get3A_29] : memref<32x1024xf32, #tpu.memory_space<vmem>>, vector<32x1024xf32>
    %dot_general3A_31 = arith.constant dense<0.000000e+00> : vector<1600x1024xf32>
    %dot_general3A_32 = tpu.matmul %concatenate3A, %get3A_30, %dot_general3A_31 {dimension_numbers = #tpu.dot_dimension_numbers<[1], [0], [0], [1], [0, 0, 1, 1], [], []>, transpose_lhs_hint = false} : vector<1600x32xf32>, vector<32x1024xf32>, vector<1600x1024xf32> -> vector<1600x1024xf32>
    %mul3A = arith.mulf %dot_general3A_27, %dot_general3A_32 : vector<1600x1024xf32>
    %get3A_33 = arith.constant 0 : index
    %get3A_34 = arith.constant 0 : index
    %get3A_35 = vector.load %arg7[%get3A_33, %get3A_34] : memref<1024x32xf32, #tpu.memory_space<vmem>>, vector<1024x32xf32>
    %dot_general3A_36 = arith.constant dense<0.000000e+00> : vector<1600x32xf32>
    %dot_general3A_37 = tpu.matmul %mul3A, %get3A_35, %dot_general3A_36 {dimension_numbers = #tpu.dot_dimension_numbers<[1], [0], [0], [1], [0, 0, 1, 1], [], []>, transpose_lhs_hint = false} : vector<1600x1024xf32>, vector<1024x32xf32>, vector<1600x32xf32> -> vector<1600x32xf32>
    %get3A_38 = arith.constant 0 : index
    %get3A_39 = arith.constant 0 : index
    %get3A_40 = vector.load %arg8[%get3A_38, %get3A_39] : memref<32x32xf32, #tpu.memory_space<vmem>>, vector<32x32xf32>
    %dot_general3A_41 = arith.constant dense<0.000000e+00> : vector<1600x32xf32>
    %dot_general3A_42 = tpu.matmul %concatenate3A, %get3A_40, %dot_general3A_41 {dimension_numbers = #tpu.dot_dimension_numbers<[1], [0], [0], [1], [0, 0, 1, 1], [], []>, transpose_lhs_hint = false} : vector<1600x32xf32>, vector<32x32xf32>, vector<1600x32xf32> -> vector<1600x32xf32>
    %add3A_43 = arith.addf %dot_general3A_37, %dot_general3A_42 : vector<1600x32xf32>
    %slice3A_44 = vector.extract_strided_slice %add3A_43 {offsets = [0, 0], sizes = [400, 32], strides = [1, 1]} : vector<1600x32xf32> to vector<400x32xf32>
    %slice3A_45 = vector.extract_strided_slice %add3A_43 {offsets = [400, 0], sizes = [400, 32], strides = [1, 1]} : vector<1600x32xf32> to vector<400x32xf32>
    %slice3A_46 = vector.extract_strided_slice %add3A_43 {offsets = [800, 0], sizes = [400, 32], strides = [1, 1]} : vector<1600x32xf32> to vector<400x32xf32>
    %slice3A_47 = vector.extract_strided_slice %add3A_43 {offsets = [1200, 0], sizes = [400, 32], strides = [1, 1]} : vector<1600x32xf32> to vector<400x32xf32>
    %concatenate3A_48 = tpu.concatenate %slice3A_44, %slice3A_45, %slice3A_46, %slice3A_47 in 1 : vector<400x32xf32>, vector<400x32xf32>, vector<400x32xf32>, vector<400x32xf32> -> vector<400x128xf32>
    %swap3A = arith.constant 0 : index
    %swap3A_49 = arith.constant 0 : index
    %swap3A_50 = vector.load %arg9[%swap3A, %swap3A_49] : memref<400x128xf32, #tpu.memory_space<vmem>>, vector<400x128xf32>
    tpu.vector_store %arg9[%swap3A, %swap3A_49], %concatenate3A_48 {strides = array<i32>} : memref<400x128xf32, #tpu.memory_space<vmem>>, vector<400x128xf32>,
    return
  }
  func.func @transform_0(%arg0: i32) -> (i32, i32) {
    %c0_i32 = arith.constant 0 : i32
    %c0_i32_0 = arith.constant 0 : i32
    return %arg0, %c0_i32 : i32, i32
  }
  func.func @transform_1(%arg0: i32) -> (i32, i32) {
    %c0_i32 = arith.constant 0 : i32
    %c0_i32_0 = arith.constant 0 : i32
    return %arg0, %c0_i32 : i32, i32
  }
  func.func @transform_2(%arg0: i32) -> (i32, i32) {
    %c0_i32 = arith.constant 0 : i32
    %c0_i32_0 = arith.constant 0 : i32
    %c0_i32_1 = arith.constant 0 : i32
    return %c0_i32, %c0_i32_0 : i32, i32
  }
  func.func @transform_3(%arg0: i32) -> (i32, i32) {
    %c0_i32 = arith.constant 0 : i32
    %c0_i32_0 = arith.constant 0 : i32
    %c0_i32_1 = arith.constant 0 : i32
    return %c0_i32, %c0_i32_0 : i32, i32
  }
  func.func @transform_4(%arg0: i32) -> (i32, i32) {
    %c0_i32 = arith.constant 0 : i32
    %c0_i32_0 = arith.constant 0 : i32
    %c0_i32_1 = arith.constant 0 : i32
    return %c0_i32, %c0_i32_0 : i32, i32
  }
  func.func @transform_5(%arg0: i32) -> (i32, i32) {
    %c0_i32 = arith.constant 0 : i32
    %c0_i32_0 = arith.constant 0 : i32
    %c0_i32_1 = arith.constant 0 : i32
    return %c0_i32, %c0_i32_0 : i32, i32
  }
  func.func @transform_6(%arg0: i32) -> (i32, i32) {
    %c0_i32 = arith.constant 0 : i32
    %c0_i32_0 = arith.constant 0 : i32
    %c0_i32_1 = arith.constant 0 : i32
    return %c0_i32, %c0_i32_0 : i32, i32
  }
  func.func @transform_7(%arg0: i32) -> (i32, i32) {
    %c0_i32 = arith.constant 0 : i32
    %c0_i32_0 = arith.constant 0 : i32
    %c0_i32_1 = arith.constant 0 : i32
    return %c0_i32, %c0_i32_0 : i32, i32
  }
  func.func @transform_8(%arg0: i32) -> (i32, i32) {
    %c0_i32 = arith.constant 0 : i32
    %c0_i32_0 = arith.constant 0 : i32
    return %arg0, %c0_i32 : i32, i32
  }
}

module attributes {stable_mosaic.version = 14 : i64} {
  func.func @_gru_body(%arg0: i32, %arg1: memref<2000x32xf32, #tpu.memory_space<vmem>>, %arg2: memref<2000x32xf32, #tpu.memory_space<vmem>>, %arg3: memref<2000x32xf32, #tpu.memory_space<vmem>>, %arg4: memref<32x32xf32, #tpu.memory_space<vmem>>, %arg5: memref<32x32xf32, #tpu.memory_space<vmem>>, %arg6: memref<32x32xf32, #tpu.memory_space<vmem>>, %arg7: memref<32x32xf32, #tpu.memory_space<vmem>>, %arg8: memref<32x32xf32, #tpu.memory_space<vmem>>, %arg9: memref<32x32xf32, #tpu.memory_space<vmem>>, %arg10: memref<1x32xf32, #tpu.memory_space<vmem>>, %arg11: memref<1x32xf32, #tpu.memory_space<vmem>>, %arg12: memref<1x32xf32, #tpu.memory_space<vmem>>, %arg13: memref<1x32xf32, #tpu.memory_space<vmem>>, %arg14: memref<2000x32xf32, #tpu.memory_space<vmem>>) attributes {dimension_semantics = [#tpu.dimension_semantics<arbitrary>], iteration_bounds = array<i64: 5>, scalar_prefetch = 0 : i64, scratch_operands = 0 : i64, tpu.core_type = #tpu.core_type<tc>, window_params = [{transform_indices = @transform_0, window_bounds = array<i64: 2000, 32>}, {transform_indices = @transform_1, window_bounds = array<i64: 2000, 32>}, {transform_indices = @transform_2, window_bounds = array<i64: 2000, 32>}, {pipeline_mode = #tpu.pipeline_mode<synchronous>, transform_indices = @transform_3, window_bounds = array<i64: 32, 32>}, {pipeline_mode = #tpu.pipeline_mode<synchronous>, transform_indices = @transform_4, window_bounds = array<i64: 32, 32>}, {pipeline_mode = #tpu.pipeline_mode<synchronous>, transform_indices = @transform_5, window_bounds = array<i64: 32, 32>}, {pipeline_mode = #tpu.pipeline_mode<synchronous>, transform_indices = @transform_6, window_bounds = array<i64: 32, 32>}, {pipeline_mode = #tpu.pipeline_mode<synchronous>, transform_indices = @transform_7, window_bounds = array<i64: 32, 32>}, {pipeline_mode = #tpu.pipeline_mode<synchronous>, transform_indices = @transform_8, window_bounds = array<i64: 32, 32>}, {pipeline_mode = #tpu.pipeline_mode<synchronous>, transform_indices = @transform_9, window_bounds = array<i64: 1, 32>}, {pipeline_mode = #tpu.pipeline_mode<synchronous>, transform_indices = @transform_10, window_bounds = array<i64: 1, 32>}, {pipeline_mode = #tpu.pipeline_mode<synchronous>, transform_indices = @transform_11, window_bounds = array<i64: 1, 32>}, {pipeline_mode = #tpu.pipeline_mode<synchronous>, transform_indices = @transform_12, window_bounds = array<i64: 1, 32>}, {transform_indices = @transform_13, window_bounds = array<i64: 2000, 32>}]} {
    %get3A = arith.constant 0 : index
    %get3A_0 = arith.constant 0 : index
    %get3A_1 = vector.load %arg1[%get3A, %get3A_0] : memref<2000x32xf32, #tpu.memory_space<vmem>>, vector<2000x32xf32>
    %get3A_2 = arith.constant 0 : index
    %get3A_3 = arith.constant 0 : index
    %get3A_4 = vector.load %arg2[%get3A_2, %get3A_3] : memref<2000x32xf32, #tpu.memory_space<vmem>>, vector<2000x32xf32>
    %add3A = arith.addf %get3A_1, %get3A_4 : vector<2000x32xf32>
    %max3A = arith.constant 0.000000e+00 : f32
    %max3A_5 = vector.broadcast %max3A : f32 to vector<2000x32xf32>
    %max3A_6 = arith.maximumf %add3A, %max3A_5 : vector<2000x32xf32>
    %get3A_7 = arith.constant 0 : index
    %get3A_8 = arith.constant 0 : index
    %get3A_9 = vector.load %arg3[%get3A_7, %get3A_8] : memref<2000x32xf32, #tpu.memory_space<vmem>>, vector<2000x32xf32>
    %get3A_10 = arith.constant 0 : index
    %get3A_11 = arith.constant 0 : index
    %get3A_12 = vector.load %arg4[%get3A_10, %get3A_11] : memref<32x32xf32, #tpu.memory_space<vmem>>, vector<32x32xf32>
    %dot_general3A = arith.constant dense<0.000000e+00> : vector<2000x32xf32>
    %dot_general3A_13 = tpu.matmul %max3A_6, %get3A_12, %dot_general3A {dimension_numbers = #tpu.dot_dimension_numbers<[1], [0], [0], [1], [0, 0, 1, 1], [], []>, transpose_lhs_hint = false} : vector<2000x32xf32>, vector<32x32xf32>, vector<2000x32xf32> -> vector<2000x32xf32>
    %get3A_14 = arith.constant 0 : index
    %get3A_15 = arith.constant 0 : index
    %get3A_16 = vector.load %arg7[%get3A_14, %get3A_15] : memref<32x32xf32, #tpu.memory_space<vmem>>, vector<32x32xf32>
    %dot_general3A_17 = arith.constant dense<0.000000e+00> : vector<2000x32xf32>
    %dot_general3A_18 = tpu.matmul %get3A_9, %get3A_16, %dot_general3A_17 {dimension_numbers = #tpu.dot_dimension_numbers<[1], [0], [0], [1], [0, 0, 1, 1], [], []>, transpose_lhs_hint = false} : vector<2000x32xf32>, vector<32x32xf32>, vector<2000x32xf32> -> vector<2000x32xf32>
    %add3A_19 = arith.addf %dot_general3A_13, %dot_general3A_18 : vector<2000x32xf32>
    %get3A_20 = arith.constant 0 : index
    %get3A_21 = arith.constant 0 : index
    %get3A_22 = vector.load %arg10[%get3A_20, %get3A_21] : memref<1x32xf32, #tpu.memory_space<vmem>>, vector<1x32xf32>
    %add3A_23 = vector.broadcast %get3A_22 : vector<1x32xf32> to vector<2000x32xf32>
    %add3A_24 = arith.addf %add3A_19, %add3A_23 : vector<2000x32xf32>
    %logistic3A = arith.negf %add3A_24 : vector<2000x32xf32>
    %logistic3A_25 = math.exp %logistic3A : vector<2000x32xf32>
    %logistic3A_26 = arith.constant 1.000000e+00 : f32
    %logistic3A_27 = vector.broadcast %logistic3A_26 : f32 to vector<2000x32xf32>
    %logistic3A_28 = arith.addf %logistic3A_27, %logistic3A_25 : vector<2000x32xf32>
    %logistic3A_29 = arith.divf %logistic3A_27, %logistic3A_28 : vector<2000x32xf32>
    %get3A_30 = arith.constant 0 : index
    %get3A_31 = arith.constant 0 : index
    %get3A_32 = vector.load %arg5[%get3A_30, %get3A_31] : memref<32x32xf32, #tpu.memory_space<vmem>>, vector<32x32xf32>
    %dot_general3A_33 = arith.constant dense<0.000000e+00> : vector<2000x32xf32>
    %dot_general3A_34 = tpu.matmul %max3A_6, %get3A_32, %dot_general3A_33 {dimension_numbers = #tpu.dot_dimension_numbers<[1], [0], [0], [1], [0, 0, 1, 1], [], []>, transpose_lhs_hint = false} : vector<2000x32xf32>, vector<32x32xf32>, vector<2000x32xf32> -> vector<2000x32xf32>
    %get3A_35 = arith.constant 0 : index
    %get3A_36 = arith.constant 0 : index
    %get3A_37 = vector.load %arg8[%get3A_35, %get3A_36] : memref<32x32xf32, #tpu.memory_space<vmem>>, vector<32x32xf32>
    %dot_general3A_38 = arith.constant dense<0.000000e+00> : vector<2000x32xf32>
    %dot_general3A_39 = tpu.matmul %get3A_9, %get3A_37, %dot_general3A_38 {dimension_numbers = #tpu.dot_dimension_numbers<[1], [0], [0], [1], [0, 0, 1, 1], [], []>, transpose_lhs_hint = false} : vector<2000x32xf32>, vector<32x32xf32>, vector<2000x32xf32> -> vector<2000x32xf32>
    %add3A_40 = arith.addf %dot_general3A_34, %dot_general3A_39 : vector<2000x32xf32>
    %get3A_41 = arith.constant 0 : index
    %get3A_42 = arith.constant 0 : index
    %get3A_43 = vector.load %arg11[%get3A_41, %get3A_42] : memref<1x32xf32, #tpu.memory_space<vmem>>, vector<1x32xf32>
    %add3A_44 = vector.broadcast %get3A_43 : vector<1x32xf32> to vector<2000x32xf32>
    %add3A_45 = arith.addf %add3A_40, %add3A_44 : vector<2000x32xf32>
    %logistic3A_46 = arith.negf %add3A_45 : vector<2000x32xf32>
    %logistic3A_47 = math.exp %logistic3A_46 : vector<2000x32xf32>
    %logistic3A_48 = arith.constant 1.000000e+00 : f32
    %logistic3A_49 = vector.broadcast %logistic3A_48 : f32 to vector<2000x32xf32>
    %logistic3A_50 = arith.addf %logistic3A_49, %logistic3A_47 : vector<2000x32xf32>
    %logistic3A_51 = arith.divf %logistic3A_49, %logistic3A_50 : vector<2000x32xf32>
    %get3A_52 = arith.constant 0 : index
    %get3A_53 = arith.constant 0 : index
    %get3A_54 = vector.load %arg9[%get3A_52, %get3A_53] : memref<32x32xf32, #tpu.memory_space<vmem>>, vector<32x32xf32>
    %dot_general3A_55 = arith.constant dense<0.000000e+00> : vector<2000x32xf32>
    %dot_general3A_56 = tpu.matmul %get3A_9, %get3A_54, %dot_general3A_55 {dimension_numbers = #tpu.dot_dimension_numbers<[1], [0], [0], [1], [0, 0, 1, 1], [], []>, transpose_lhs_hint = false} : vector<2000x32xf32>, vector<32x32xf32>, vector<2000x32xf32> -> vector<2000x32xf32>
    %get3A_57 = arith.constant 0 : index
    %get3A_58 = arith.constant 0 : index
    %get3A_59 = vector.load %arg13[%get3A_57, %get3A_58] : memref<1x32xf32, #tpu.memory_space<vmem>>, vector<1x32xf32>
    %add3A_60 = vector.broadcast %get3A_59 : vector<1x32xf32> to vector<2000x32xf32>
    %add3A_61 = arith.addf %dot_general3A_56, %add3A_60 : vector<2000x32xf32>
    %get3A_62 = arith.constant 0 : index
    %get3A_63 = arith.constant 0 : index
    %get3A_64 = vector.load %arg6[%get3A_62, %get3A_63] : memref<32x32xf32, #tpu.memory_space<vmem>>, vector<32x32xf32>
    %dot_general3A_65 = arith.constant dense<0.000000e+00> : vector<2000x32xf32>
    %dot_general3A_66 = tpu.matmul %max3A_6, %get3A_64, %dot_general3A_65 {dimension_numbers = #tpu.dot_dimension_numbers<[1], [0], [0], [1], [0, 0, 1, 1], [], []>, transpose_lhs_hint = false} : vector<2000x32xf32>, vector<32x32xf32>, vector<2000x32xf32> -> vector<2000x32xf32>
    %get3A_67 = arith.constant 0 : index
    %get3A_68 = arith.constant 0 : index
    %get3A_69 = vector.load %arg12[%get3A_67, %get3A_68] : memref<1x32xf32, #tpu.memory_space<vmem>>, vector<1x32xf32>
    %add3A_70 = vector.broadcast %get3A_69 : vector<1x32xf32> to vector<2000x32xf32>
    %add3A_71 = arith.addf %dot_general3A_66, %add3A_70 : vector<2000x32xf32>
    %mul3A = arith.mulf %logistic3A_29, %add3A_61 : vector<2000x32xf32>
    %add3A_72 = arith.addf %add3A_71, %mul3A : vector<2000x32xf32>
    %tanh3A = math.tanh %add3A_72 : vector<2000x32xf32>
    %sub3A = arith.constant 1.000000e+00 : f32
    %sub3A_73 = vector.broadcast %sub3A : f32 to vector<2000x32xf32>
    %sub3A_74 = arith.subf %sub3A_73, %logistic3A_51 : vector<2000x32xf32>
    %mul3A_75 = arith.mulf %sub3A_74, %tanh3A : vector<2000x32xf32>
    %mul3A_76 = arith.mulf %logistic3A_51, %get3A_9 : vector<2000x32xf32>
    %add3A_77 = arith.addf %mul3A_75, %mul3A_76 : vector<2000x32xf32>
    %swap3A = arith.constant 0 : index
    %swap3A_78 = arith.constant 0 : index
    %swap3A_79 = vector.load %arg14[%swap3A, %swap3A_78] : memref<2000x32xf32, #tpu.memory_space<vmem>>, vector<2000x32xf32>
    tpu.vector_store %arg14[%swap3A, %swap3A_78], %add3A_77 {strides = array<i32>} : memref<2000x32xf32, #tpu.memory_space<vmem>>, vector<2000x32xf32>,
    return
  }
  func.func @transform_0(%arg0: i32) -> (i32, i32) {
    %c0_i32 = arith.constant 0 : i32
    %c0_i32_0 = arith.constant 0 : i32
    return %arg0, %c0_i32 : i32, i32
  }
  func.func @transform_1(%arg0: i32) -> (i32, i32) {
    %add3A = arith.constant 5 : i32
    %add3A_0 = arith.addi %arg0, %add3A : i32
    %c0_i32 = arith.constant 0 : i32
    %c0_i32_1 = arith.constant 0 : i32
    return %add3A_0, %c0_i32 : i32, i32
  }
  func.func @transform_2(%arg0: i32) -> (i32, i32) {
    %c0_i32 = arith.constant 0 : i32
    %c0_i32_0 = arith.constant 0 : i32
    return %arg0, %c0_i32 : i32, i32
  }
  func.func @transform_3(%arg0: i32) -> (i32, i32) {
    %c0_i32 = arith.constant 0 : i32
    %c0_i32_0 = arith.constant 0 : i32
    %c0_i32_1 = arith.constant 0 : i32
    return %c0_i32, %c0_i32_0 : i32, i32
  }
  func.func @transform_4(%arg0: i32) -> (i32, i32) {
    %c0_i32 = arith.constant 0 : i32
    %c0_i32_0 = arith.constant 0 : i32
    %c0_i32_1 = arith.constant 0 : i32
    return %c0_i32, %c0_i32_0 : i32, i32
  }
  func.func @transform_5(%arg0: i32) -> (i32, i32) {
    %c0_i32 = arith.constant 0 : i32
    %c0_i32_0 = arith.constant 0 : i32
    %c0_i32_1 = arith.constant 0 : i32
    return %c0_i32, %c0_i32_0 : i32, i32
  }
  func.func @transform_6(%arg0: i32) -> (i32, i32) {
    %c0_i32 = arith.constant 0 : i32
    %c0_i32_0 = arith.constant 0 : i32
    %c0_i32_1 = arith.constant 0 : i32
    return %c0_i32, %c0_i32_0 : i32, i32
  }
  func.func @transform_7(%arg0: i32) -> (i32, i32) {
    %c0_i32 = arith.constant 0 : i32
    %c0_i32_0 = arith.constant 0 : i32
    %c0_i32_1 = arith.constant 0 : i32
    return %c0_i32, %c0_i32_0 : i32, i32
  }
  func.func @transform_8(%arg0: i32) -> (i32, i32) {
    %c0_i32 = arith.constant 0 : i32
    %c0_i32_0 = arith.constant 0 : i32
    %c0_i32_1 = arith.constant 0 : i32
    return %c0_i32, %c0_i32_0 : i32, i32
  }
  func.func @transform_9(%arg0: i32) -> (i32, i32) {
    %c0_i32 = arith.constant 0 : i32
    %c0_i32_0 = arith.constant 0 : i32
    %c0_i32_1 = arith.constant 0 : i32
    return %c0_i32, %c0_i32_0 : i32, i32
  }
  func.func @transform_10(%arg0: i32) -> (i32, i32) {
    %c0_i32 = arith.constant 0 : i32
    %c0_i32_0 = arith.constant 0 : i32
    %c0_i32_1 = arith.constant 0 : i32
    return %c0_i32, %c0_i32_0 : i32, i32
  }
  func.func @transform_11(%arg0: i32) -> (i32, i32) {
    %c0_i32 = arith.constant 0 : i32
    %c0_i32_0 = arith.constant 0 : i32
    %c0_i32_1 = arith.constant 0 : i32
    return %c0_i32, %c0_i32_0 : i32, i32
  }
  func.func @transform_12(%arg0: i32) -> (i32, i32) {
    %c0_i32 = arith.constant 0 : i32
    %c0_i32_0 = arith.constant 0 : i32
    %c0_i32_1 = arith.constant 0 : i32
    return %c0_i32, %c0_i32_0 : i32, i32
  }
  func.func @transform_13(%arg0: i32) -> (i32, i32) {
    %c0_i32 = arith.constant 0 : i32
    %c0_i32_0 = arith.constant 0 : i32
    return %arg0, %c0_i32 : i32, i32
  }
}

</mosaic_0001>

<sc_bundles>
// kernel: kernel.10.cloned.1.call-start
scs
__scs_entry_jumppad:
0x0: {  	(pc) =	sbr.rel $0x88, $3  }
0x1: {  	(tag) =	ssettag $0x0;
	lr =	simm.s32 $0x1  }
0x2: {  	[smem:$0x3F92] =	sst lr;
	_ =	strace $0xD0000000  }
0x3: {  	_ = 	snop  }
0x4: {  	_ = 	snop  }
0x5: {  	_ = 	snop  }
0x6: {  	_ = 	snop  }
0x7: {  	_ = 	snop  }
__scs_overlays_trampoline_lowered:
0x8: {  	[smem:$0x3FA1] =	sst s0  }
0x9: {  	[smem:$0x3FA2] =	sst s1  }
0xa: {  	[smem:$0x3FA3] =	sst s2  }
0xb: {  	[smem:$0x3FA4] =	sst s3  }
0xc: {  	[smem:$0x3FA5] =	sst s4  }
0xd: {  	[smem:$0x3FA6] =	sst s5  }
0xe: {  	[smem:$0x3FA7] =	sst s6  }
0xf: {  	[smem:$0x3FA8] =	sst s7  }
0x10: {  	[smem:$0x3FA9] =	sst s8  }
0x11: {  	[smem:$0x3FAA] =	sst s9;
	s0 =	simm.s32 @!p0 $0x0  }
0x12: {  	s1 =	sld [smem:$0x3F90];
	s0 =	simm.s32 @p0 $0x1  }
0x13: {  	[smem:$0x3FAB] =	sst s0;
	s0 =	simm.s32 @!p1 $0x0  }
0x14: {  	s2 =	sld [smem:$0x3F8F];
	s0 =	simm.s32 @p1 $0x1  }
0x15: {  	[smem:$0x3FAC] =	sst s0;
	s0 =	simm.s32 @!p2 $0x0  }
0x16: {  	s3 =	sld [smem:$0x3FDB];
	s0 =	simm.s32 @p2 $0x1  }
0x17: {  	s4 =	simm.s32 $0x1BF5;
	[smem:$0x3FAE] =	sst s0  }
0x18: {  	s0 =	sld [smem:$0x3F91];
	_ =	swait.ge [sflag:s4], $0x0  }
0x19: {  	s7 =	sld [smem:$0x3F92]  }
0x1a: {  	s8 =	sadd.s32 $0xFFFFE003, lr  }
0x1b: {  	s9 =	sadd.s32 $0xFFFFFEF7, lr;
	s5 =	simm.s32 $0xFFFFFFFF;
	p2 =	slt.u32 s8, $0xFFFFF086  }
0x1c: {  	p1 =	slt.u32 s9, $0xF7A;
	s5 =	simm.s32 @!p2 $0x0  }
0x1d: {  	s5 =	simm.s32 @p1 $0x1;
	p0 =	seq.s32 s7, s2  }
0x1e: {  	s7 =	smul.u32 @!p0 $0xF7A, s2;
	p2 =	seq.s32 @!p0 s5, $0x0  }
0x1f: {  	s9 =	smul.u32 $0xF7A, s1;
	s8 =	simm.s32 @!p0 $0x1BF5;
	p2 =	por !p2, p0  }
0x20: {  	[sflag:s8] =	ssyncset.s32 @!p0 $0xFFFFF086;
	s6 =	sadd.s32 @!p0 s3, s7;
	s7 =	simm.s32 @!p0 $0x108  }
0x21: {  	s3 =	sadd.s32 s3, s9;
	s6 =	sadd.s32 @!p0 $0x88, s6;
	s7 =	simm.s32 @p2 $0x1082  }
0x22: {  	[simem:s7], [sflag:s8] =	dma.local @!p0 [hbm:s6], $0xF7A  }
0x23: {  	s9 =	sor.u32 $0xD0000000, s2;
	s6 =	simm.s32 $0x108;
	_ =	swait.ge @!p0 [sflag:s8], $0x0  }
0x24: {  	s3 =	sadd.s32 $0x88, s3;
	s6 =	simm.s32 @!p1 $0x1082;
	[sflag:s4] =	ssyncset.s32 $0xFFFFF086  }
0x25: {  	[simem:s6], [sflag:s4] =	dma.local [hbm:s3], $0xF7A  }
0x26: {  	[smem:$0x3F92] =	sst s1;
	(tag) =	ssettag s2;
	_ =	strace s9  }
0x27: {  	s1 =	sld [smem:$0x3FA2]  }
0x28: {  	s2 =	sld [smem:$0x3FA3]  }
0x29: {  	s4 =	sld [smem:$0x3FA5]  }
0x2a: {  	p0 =	seq.s32 s5, $0x0;
	s5 =	sld [smem:$0x3FA6]  }
0x2b: {  	s6 =	sld [smem:$0x3FA7]  }
0x2c: {  	s7 =	sld [smem:$0x3FA8]  }
0x2d: {  	s3 =	simm.s32 $0x108;
	s8 =	sld [smem:$0x3FA9]  }
0x2e: {  	s3 =	simm.s32 @!p0 $0x1082;
	s9 =	sld [smem:$0x3FAA]  }
0x2f: {  	lr =	sadd.s32 s0, s3;
	s0 =	sld [smem:$0x3FA1]  }
0x30: {  	s3 =	sld [smem:$0x3FA4]  }
0x31: {  	[smem:$0x3FAD] =	sst s10  }
0x32: {  	s10 =	sld [smem:$0x3FAB];
	_ =	sdelay $0x3  }
0x33: {  	p0 =	seq.s32 s10, $0x1;
	s10 =	sld [smem:$0x3FAD];
	_ =	sdelay $0x3  }
0x34: {  	[smem:$0x3FAD] =	sst s10  }
0x35: {  	s10 =	sld [smem:$0x3FAC];
	_ =	sdelay $0x3  }
0x36: {  	p1 =	seq.s32 s10, $0x1;
	s10 =	sld [smem:$0x3FAD];
	_ =	sdelay $0x3  }
0x37: {  	[smem:$0x3FAD] =	sst s10  }
0x38: {  	s10 =	sld [smem:$0x3FAE]  }
0x39: {  	_ = 	snop;
	(pc) =	sbr.ind lr, $3  }
0x3a: {  	_ = 	snop  }
0x3b: {  	_ = 	snop  }
0x3c: {  	p2 =	seq.s32 s10, $0x1;
	s10 =	sld [smem:$0x3FAD]  }
0x3d: {  	_ =	shalt  }
0x3e: {  	_ =	shalt  }
0x3f: {  	_ =	shalt  }
0x40: {  	_ =	shalt  }
0x41: {  	_ =	shalt  }
0x42: {  	_ =	shalt  }
0x43: {  	_ =	shalt  }
0x44: {  	_ =	shalt  }
0x45: {  	_ =	shalt  }
0x46: {  	_ =	shalt  }
0x47: {  	_ =	shalt  }
0x48: {  	_ =	shalt  }
0x49: {  	_ =	shalt  }
0x4a: {  	_ =	shalt  }
0x4b: {  	_ =	shalt  }
0x4c: {  	_ =	shalt  }
0x4d: {  	_ =	shalt  }
0x4e: {  	_ =	shalt  }
0x4f: {  	_ =	shalt  }
0x50: {  	_ =	shalt  }
0x51: {  	_ =	shalt  }
0x52: {  	_ =	shalt  }
0x53: {  	_ =	shalt  }
0x54: {  	_ =	shalt  }
0x55: {  	_ =	shalt  }
0x56: {  	_ =	shalt  }
0x57: {  	_ =	shalt  }
0x58: {  	_ =	shalt  }
0x59: {  	_ =	shalt  }
0x5a: {  	_ =	shalt  }
0x5b: {  	_ =	shalt  }
0x5c: {  	_ =	shalt  }
0x5d: {  	_ =	shalt  }
0x5e: {  	_ =	shalt  }
0x5f: {  	_ =	shalt  }
0x60: {  	_ =	shalt  }
0x61: {  	_ =	shalt  }
0x62: {  	_ =	shalt  }
0x63: {  	_ =	shalt  }
0x64: {  	_ =	shalt  }
0x65: {  	_ =	shalt  }
0x66: {  	_ =	shalt  }
0x67: {  	_ =	shalt  }
0x68: {  	_ =	shalt  }
0x69: {  	_ =	shalt  }
0x6a: {  	_ =	shalt  }
0x6b: {  	_ =	shalt  }
0x6c: {  	_ =	shalt  }
0x6d: {  	_ =	shalt  }
0x6e: {  	_ =	shalt  }
0x6f: {  	_ =	shalt  }
0x70: {  	_ =	shalt  }
0x71: {  	_ =	shalt  }
0x72: {  	_ =	shalt  }
0x73: {  	_ =	shalt  }
0x74: {  	_ =	shalt  }
0x75: {  	_ =	shalt  }
0x76: {  	_ =	shalt  }
0x77: {  	_ =	shalt  }
0x78: {  	_ =	shalt  }
0x79: {  	_ =	shalt  }
0x7a: {  	_ =	shalt  }
0x7b: {  	_ =	shalt  }
0x7c: {  	_ =	shalt  }
0x7d: {  	_ =	shalt  }
0x7e: {  	_ =	shalt  }
0x7f: {  	_ =	shalt  }
0x80: {  	_ =	shalt  }
0x81: {  	_ =	shalt  }
0x82: {  	_ =	shalt  }
0x83: {  	_ =	shalt  }
0x84: {  	_ =	shalt  }
0x85: {  	_ =	shalt  }
0x86: {  	_ =	shalt  }
0x87: {  	_ =	shalt  }
.Lfunc_end0:
.L_simem_size_0:
called_computation.1_lowered:
.L_overlay_start_0:
0x88: {  	s2 =	sld [smem:$0x3FD9]  }
0x89: {  	s3 =	sld [smem:$0x3FFE];
	_ =	sdelay $0x1  }
0x8a: {  	s1 =	srdreg.scid  }
0x8b: {  	s0 =	sand.u32 $0x1, s1  }
0x8c: {  	s16 =	sshll.u32 s0, $0xA;
	s2 =	sadd.s32 s3, s2  }
0x8d: {  	s2 =	sadd.s32 s2, s16  }
0x8e: {  	[smem:$0x3FB9] =	sst s2  }
0x8f: {  	_ = 	snop  }
0x90: {  	(tm) =	ssettm $0x1  }
0x91: {  	s17 =	sld [smem:$0x3FFB];
	_ =	sdelay $0x3  }
0x92: {  	_ =	strace s17  }
0x93: {  	s2 =	sld [smem:$0x3FFC];
	_ =	sdelay $0x3  }
0x94: {  	_ =	strace s2  }
0x95: {  	s2 =	sld [smem:$0x3FFD];
	_ =	sdelay $0x3  }
0x96: {  	_ =	strace s2  }
0x97: {  	_ =	strace $0x8FFFFFFF  }
0x98: {  	s18 =	sld [smem:$0x3FDB];
	_ =	sdelay $0x1  }
0x99: {  	s19 =	simm.s32 $_scs_section_size  }
0x9a: {  	s4 =	simm.s32 $_size__tile_overlayer_lowered;
	s5 =	simm.s32 $_tile_overlayer_lowered  }
0x9b: {  	s22 =	simm.s32 $0x1BFF;
	s21 =	sshll.u32 s5, $0x1;
	s2 =	sadd.s32 s19, s18  }
0x9c: {  	s6 =	simm.s32 $0x0;
	s20 =	sshll.u32 s4, $0x1;
	s4 =	sadd.s32 s21, s2  }
0x9d: {  	[timem:s6], [sflag:s22] =	dma.local [hbm:s4], s20  }
0x9e: {  	_ =	swait.ge [sflag:s22], s20  }
0x9f: {  	s3 =	ssub.s32 $0x0, s20;
	[sflag:s22] =	ssyncset.done $0x0  }
0xa0: {  	[sflag:s22] =	ssyncadd.s32 s3;
	_ =	sdelay $0x1  }
0xa1: {  	s23 =	simm.s32 $0x1B8B  }
0xa2: {  	_ =	swait.ge [sflag:s23], $0x1  }
0xa3: {  	[sflag:s23] =	ssyncset.done $0x0  }
0xa4: {  	s25 =	simm.s32 $0x1B8E;
	s24 =	sld [smem:$0x3FFE];
	[sflag:s23] =	ssyncadd.s32 $0xFFFFFFFF  }
0xa5: {  	s26 =	simm.s32 $execute0_lowered;
	[smem:$0x3FD2] =	sst s25  }
0xa6: {  	s4 =	sshll.u32 s26, $0x1;
	_ =	strace $0x80000049;
	[dreg:$0x1] =	wrdreg $0xFFFFFFFF  }
0xa7: {  	s28 =	simm.s32 $_size_execute0_lowered;
	s2 =	sadd.s32 s2, s4;
	[dreg:$0x0] =	wrdreg $0x0  }
0xa8: {  	s4 =	sshll.u32 s28, $0x1;
	[dreg:$0x2] =	wrdreg s2  }
0xa9: {  	[dreg:$0x3] =	wrdreg s4  }
0xaa: {  	[dreg:$0x4] =	wrdreg $0xC0  }
0xab: {  	_ =	task [dreg:s6], $0x5FFFF  }
0xac: {  	[dreg:$0x1] =	wrdreg $0xFFFFFFFF  }
0xad: {  	[dreg:$0x0] =	wrdreg $0x60  }
0xae: {  	[dreg:$0x2] =	wrdreg s24  }
0xaf: {  	[dreg:$0x3] =	wrdreg $0x14C800  }
0xb0: {  	[dreg:$0x4] =	wrdreg $0x9  }
0xb1: {  	_ =	task.clear_ibuf [dreg:s6], $0x5FFFF;
	_ =	strace $0x90000049  }
0xb2: {  	s29 =	simm.s32 $0x9;
	_ =	strace $0x8000004B  }
0xb3: {  	_ =	swait.ge [sflag:s29], $0x1  }
0xb4: {  	[sflag:s29] =	ssyncadd.s32 $0xFFFFFFFF  }
0xb5: {  	_ =	strace $0x9000004B  }
0xb6: {  	_ =	sfence  }
0xb7: {  	s30 =	sld [smem:$0x0];
	_ =	sdelay $0x2  }
0xb8: {  	s31 =	sshll.u32 s1, $0xD;
	s1 =	sshrl.u32 s1, $0x2  }
0xb9: {  	s3 =	sand.u32 $0x4000, s31;
	s1 =	sadd.s32 s1, s30  }
0xba: {  	s0 =	sor.u32 s3, s0;
	s1 =	sshll.u32 s1, $0x11  }
0xbb: {  	s0 =	sor.u32 s1, s0  }
0xbc: {  	s0 =	sadd.s32 $0x8F2B, s0  }
0xbd: {  	[sflag:s0] =	ssyncadd.remote.s32 $0x1  }
0xbe: {  	_ =	sfence.sel $0xFFFF  }
0xbf: {  	[dreg:$0x0] =	wrdreg $0xFFFFFFFF;
	(pc) =	sbr.abs _section_cstart, $3  }
0xc0: {  	[dreg:$0x1] =	wrdreg $0xFFFFFFFF  }
0xc1: {  	_ =	task.clear_ibuf [dreg:s6], $0x2FFFF;
	_ =	strace $0x9FFFFFFF  }
0xc2: {  	(tm) =	ssettm $0x7FFFFFFF  }
0xc3: {  	_ =	shalt  }
tec
execute0_lowered:
.L_overlay_start_1:
0x0: {  	(tag) =	ssettag $0x1  }
0x1: {  	s1 =	rddreg [dreg:$0x0]  }
0x2: {  	s2 =	rddreg [dreg:$0x1];
	s7 =	simm.s32 $0x0  }
0x3: {  	s10 =	simm.s32 $0x100;
	[smem:$0x7FF] =	sst s7  }
0x4: {  	s11 =	simm.s32 $0x180;
	_ =	strace $0x8000004A;
	[dreg:$0x9] =	wrdreg s10  }
0x5: {  	s12 =	simm.s32 $0x200;
	[dreg:$0xa] =	wrdreg s11  }
0x6: {  	s13 =	simm.s32 $0x280;
	[dreg:$0xb] =	wrdreg s12  }
0x7: {  	s0 =	srdreg.scid;
	s14 =	simm.s32 $0x300;
	[dreg:$0xc] =	wrdreg s13  }
0x8: {  	s9 =	stileid.u32;
	s15 =	simm.s32 $0x380;
	[dreg:$0xd] =	wrdreg s14  }
0x9: {  	s16 =	simm.s32 $0x400;
	s17 =	simm.s32 $0x480;
	[dreg:$0xe] =	wrdreg s15  }
0xa: {  	s19 =	simm.s32 $0x500;
	s21 =	simm.s32 $0x580;
	[dreg:$0xf] =	wrdreg s16  }
0xb: {  	s22 =	simm.s32 $0x600;
	s30 =	simm.s32 $0x1400;
	[dreg:$0x10] =	wrdreg s17  }
0xc: {  	s31 =	simm.s32 $0x23A0;
	s29 =	simm.s32 $0x3340;
	[dreg:$0x11] =	wrdreg s19  }
0xd: {  	s28 =	simm.s32 $0x42E0;
	p0 =	por $0x0, $0x0;
	[dreg:$0x12] =	wrdreg s21  }
0xe: {  	s0 =	sand.u32 $0x1, s0;
	[dreg:$0x13] =	wrdreg s22;
	s10 =	simm.s32 $0x980  }
0xf: {  	s4 =	smul.u32 $0x271, s9;
	s11 =	simm.s32 $0xA00;
	[dreg:$0x1a] =	wrdreg s10  }
0x10: {  	s6 =	sadd.s32 $0x2A00, s1;
	s12 =	simm.s32 $0xA80;
	[dreg:$0x1b] =	wrdreg s11  }
0x11: {  	s20 =	smul.u32 $0x13880, s9;
	s13 =	simm.s32 $0xB00;
	[dreg:$0x1c] =	wrdreg s12  }
0x12: {  	s3 =	smul.u32 $0x2710, s0;
	s14 =	simm.s32 $0xB80;
	[dreg:$0x1d] =	wrdreg s13  }
0x13: {  	s5 =	sshll.u32 s0, $0x4;
	s15 =	simm.s32 $0xC00;
	[dreg:$0x1e] =	wrdreg s14  }
0x14: {  	s0 =	ssub.s32 $0x2, s0;
	s16 =	simm.s32 $0xC80;
	[dreg:$0x1f] =	wrdreg s15  }
0x15: {  	s17 =	simm.s32 $0xD00;
	s19 =	simm.s32 $0xE00;
	[smem:$0x7F2] =	sst s16  }
0x16: {  	s22 =	simm.s32 $0x9100;
	s21 =	simm.s32 $0xA0A0;
	[smem:$0x7F3] =	sst s17  }
0x17: {  	s5 =	sor.u32 s9, s5;
	s18 =	sshrl.u32 s0, $0x1;
	[smem:$0x7F5] =	sst s19  }
0x18: {  	s19 =	simm.s32 $0xBFE0;
	s10 =	simm.s32 $0x1000;
	s11 =	simm.s32 $0x1080  }
0x19: {  	s17 =	simm.s32 $0xDF20;
	s12 =	simm.s32 $0x1100;
	s15 =	simm.s32 $0xEEC0  }
0x1a: {  	s13 =	simm.s32 $0x1180;
	s14 =	simm.s32 $0xFE60;
	[smem:$0x7F9] =	sst s10  }
0x1b: {  	s16 =	simm.s32 $0x1200;
	s23 =	smul.u32 $0x280, s5;
	[smem:$0x7FA] =	sst s11  }
0x1c: {  	s3 =	sadd.s32 s4, s3;
	s8 =	smul.u32 $0x27100, s5;
	[smem:$0x7FB] =	sst s12  }
0x1d: {  	s5 =	smul.u32 $0x4E20, s5;
	s0 =	ssub.s32 s0, s18;
	[smem:$0x7FC] =	sst s13  }
0x1e: {  	s18 =	simm.s32 $0xD80;
	[smem:$0x7FD] =	sst s16;
	s11 =	simm.s32 $0x10E00  }
0x1f: {  	s12 =	simm.s32 $0x11DA0;
	s16 =	simm.s32 $0x1280;
	s13 =	simm.s32 $0x1300  }
0x20: {  	s10 =	simm.s32 $0x1380;
	s3 =	sshll.u32 s3, $0x2;
	[smem:$0x7F4] =	sst s18  }
0x21: {  	s18 =	simm.s32 $0xCF80;
	s3 =	sadd.s32 s3, s1;
	s1 =	sadd.s32 s23, s1  }
0x22: {  	s25 =	sshrl.u32 s8, $0x3;
	s26 =	sadd.s32 s6, s5;
	s8 =	simm.s32 $0x80  }
0x23: {  	s23 =	sshrl.u32 s20, $0x2;
	s20 =	simm.s32 $0xE80;
	[dreg:$0x5] =	wrdreg s26  }
0x24: {  	s24 =	sadd.s32 $0xA8E00, s3;
	s1 =	sadd.s32 $0xA3E00, s1;
	[dreg:$0x8] =	wrdreg s8  }
0x25: {  	s4 =	sadd.s32 s6, s25;
	s6 =	sadd.s32 $0xBC800, s3;
	[smem:$0x7F6] =	sst s20  }
0x26: {  	s25 =	simm.s32 $0x700;
	s26 =	sshll.u32 s9, $0x6;
	[dreg:$0x3] =	wrdreg s24  }
0x27: {  	s8 =	simm.s32 $0x880;
	s9 =	simm.s32 $0x900;
	[dreg:$0x4] =	wrdreg s1  }
0x28: {  	s20 =	simm.s32 $0xB040;
	s5 =	sadd.s32 $0x2710, s4;
	[dreg:$0x7] =	wrdreg s6  }
0x29: {  	s24 =	simm.s32 $0x680;
	s4 =	sadd.s32 s23, s2;
	[dreg:$0x15] =	wrdreg s25  }
0x2a: {  	s3 =	sor.u32 $0x1C01, s26;
	s6 =	simm.s32 $0x800;
	[dreg:$0x18] =	wrdreg s8  }
0x2b: {  	s1 =	smax.u32 s0, $0x1;
	[dreg:$0x19] =	wrdreg s9;
	s26 =	simm.s32 $0x5280  }
0x2c: {  	s25 =	simm.s32 $0x6220;
	s23 =	simm.s32 $0x8160;
	[dreg:$0x6] =	wrdreg s5  }
0x2d: {  	s8 =	simm.s32 $0xF00;
	[dreg:$0x14] =	wrdreg s24;
	p1 =	sne.s32 s1, $0x1  }
.Ltmp0:
0x2e: {  	s9 =	simm.s32 $0xF80;
	[dreg:$0x17] =	wrdreg s6;
	(pc) =	sbr.rel @!p1 .LBB2_3-.Ltmp0, $4  }
0x2f: {  	s5 =	simm.s32 $0x780;
	s4 =	sshrl.u32 s4, $0x3;
	[smem:$0x7F7] =	sst s8  }
0x30: {  	s6 =	simm.s32 $0x7D;
	s24 =	simm.s32 $0x71C0;
	[smem:$0x7F8] =	sst s9  }
0x31: {  	s1 =	sadd.s32 $0xFFFFFFFF, s1;
	s9 =	simm.s32 $0x12D40;
	s0 =	rddreg [dreg:$0x3]  }
0x32: {  	s8 =	simm.s32 $0x13CE0;
	[dreg:$0x16] =	wrdreg s5;
	s5 =	simm.s32 $0x1  }
0x33: {  	[spmem:s4], [sflag:s3] =	dma.local [hbm:s0], $0x9C4  }
0x34: {  	_ =	swait.ge [sflag:s5], $0x9C4  }
0x35: {  	[sflag:s5] =	ssyncset.done $0x0  }
0x36: {  	[sflag:s5] =	ssyncadd.s32 $0xFFFFF63C  }
0x37: {  	[bflag:$0x0] =	sbarrier.arrive $0xFFFF  }
0x38: {  	s0 =	rddreg [dreg:$0x4]  }
0x39: {  	[tilespmem:s7], [sflag:$0x1] =	stream.linear.gather [hbm4b:s0+s7], $0x1400, $0x38;
	[tilespmem:$0x19AA0] =	vst v63  }
0x3a: {  	_ =	swait.ge [sflag:s5], $0x1400  }
0x3b: {  	[sflag:s5] =	ssyncset.done $0x0  }
0x3c: {  	s0 =	rddreg [dreg:$0x5];
	[sflag:s5] =	ssyncadd.s32 $0xFFFFEC00  }
0x3d: {  	[tilespmem:s30], [sflag:$0x1] =	stream.linear.gather [hbm4b:s0+s7], $0x13880, $0x38;
	[tilespmem:$0x19AA0] =	vst v63  }
0x3e: {  	_ =	swait.ge [sflag:s5], $0x13880  }
0x3f: {  	[sflag:s5] =	ssyncset.done $0x0  }
0x40: {  	[sflag:s5] =	ssyncadd.s32 $0xFFFEC780  }
0x41: {  	[spmem:s2] =	stream.indirect.scatter.add.f32 [tilespmem:s30], [sflag:$0x1], $0x20, s7, s6, $0xb8;
	[tilespmem:$0x19AA0] =	vst v63  }
0x42: {  	_ =	swait.ge [sflag:s5], $0xFA0  }
0x43: {  	[sflag:s5] =	ssyncset.done $0x0  }
0x44: {  	s0 =	rddreg [dreg:$0x8];
	[sflag:s5] =	ssyncadd.s32 $0xFFFFF060  }
0x45: {  	[spmem:s2] =	stream.indirect.scatter.add.f32 [tilespmem:s31], [sflag:$0x1], $0x20, s0, s6, $0xb8;
	[tilespmem:$0x19AA0] =	vst v63  }
0x46: {  	_ =	swait.ge [sflag:s5], $0xFA0  }
0x47: {  	[sflag:s5] =	ssyncset.done $0x0  }
0x48: {  	s0 =	rddreg [dreg:$0x9];
	[sflag:s5] =	ssyncadd.s32 $0xFFFFF060  }
0x49: {  	[spmem:s2] =	stream.indirect.scatter.add.f32 [tilespmem:s29], [sflag:$0x1], $0x20, s0, s6, $0xb8;
	[tilespmem:$0x19AA0] =	vst v63  }
0x4a: {  	_ =	swait.ge [sflag:s5], $0xFA0  }
0x4b: {  	[sflag:s5] =	ssyncset.done $0x0  }
0x4c: {  	s0 =	rddreg [dreg:$0xa];
	[sflag:s5] =	ssyncadd.s32 $0xFFFFF060  }
0x4d: {  	[spmem:s2] =	stream.indirect.scatter.add.f32 [tilespmem:s28], [sflag:$0x1], $0x20, s0, s6, $0xb8;
	[tilespmem:$0x19AA0] =	vst v63  }
0x4e: {  	_ =	swait.ge [sflag:s5], $0xFA0  }
0x4f: {  	[sflag:s5] =	ssyncset.done $0x0  }
0x50: {  	s0 =	rddreg [dreg:$0xb];
	[sflag:s5] =	ssyncadd.s32 $0xFFFFF060  }
0x51: {  	[spmem:s2] =	stream.indirect.scatter.add.f32 [tilespmem:s26], [sflag:$0x1], $0x20, s0, s6, $0xb8;
	[tilespmem:$0x19AA0] =	vst v63  }
0x52: {  	_ =	swait.ge [sflag:s5], $0xFA0  }
0x53: {  	[sflag:s5] =	ssyncset.done $0x0  }
0x54: {  	s0 =	rddreg [dreg:$0xc];
	[sflag:s5] =	ssyncadd.s32 $0xFFFFF060  }
0x55: {  	[spmem:s2] =	stream.indirect.scatter.add.f32 [tilespmem:s25], [sflag:$0x1], $0x20, s0, s6, $0xb8;
	[tilespmem:$0x19AA0] =	vst v63  }
0x56: {  	_ =	swait.ge [sflag:s5], $0xFA0  }
0x57: {  	[sflag:s5] =	ssyncset.done $0x0  }
0x58: {  	s0 =	rddreg [dreg:$0xd];
	[sflag:s5] =	ssyncadd.s32 $0xFFFFF060  }
0x59: {  	[spmem:s2] =	stream.indirect.scatter.add.f32 [tilespmem:s24], [sflag:$0x1], $0x20, s0, s6, $0xb8;
	[tilespmem:$0x19AA0] =	vst v63  }
0x5a: {  	_ =	swait.ge [sflag:s5], $0xFA0  }
0x5b: {  	[sflag:s5] =	ssyncset.done $0x0  }
0x5c: {  	s0 =	rddreg [dreg:$0xe];
	[sflag:s5] =	ssyncadd.s32 $0xFFFFF060  }
0x5d: {  	[spmem:s2] =	stream.indirect.scatter.add.f32 [tilespmem:s23], [sflag:$0x1], $0x20, s0, s6, $0xb8;
	[tilespmem:$0x19AA0] =	vst v63  }
0x5e: {  	_ =	swait.ge [sflag:s5], $0xFA0  }
0x5f: {  	[sflag:s5] =	ssyncset.done $0x0  }
0x60: {  	s0 =	rddreg [dreg:$0xf];
	[sflag:s5] =	ssyncadd.s32 $0xFFFFF060  }
0x61: {  	[spmem:s2] =	stream.indirect.scatter.add.f32 [tilespmem:s22], [sflag:$0x1], $0x20, s0, s6, $0xb8;
	[tilespmem:$0x19AA0] =	vst v63  }
0x62: {  	_ =	swait.ge [sflag:s5], $0xFA0  }
0x63: {  	[sflag:s5] =	ssyncset.done $0x0  }
0x64: {  	s0 =	rddreg [dreg:$0x10];
	[sflag:s5] =	ssyncadd.s32 $0xFFFFF060  }
0x65: {  	[spmem:s2] =	stream.indirect.scatter.add.f32 [tilespmem:s21], [sflag:$0x1], $0x20, s0, s6, $0xb8;
	[tilespmem:$0x19AA0] =	vst v63  }
0x66: {  	_ =	swait.ge [sflag:s5], $0xFA0  }
0x67: {  	[sflag:s5] =	ssyncset.done $0x0  }
0x68: {  	s0 =	rddreg [dreg:$0x11];
	[sflag:s5] =	ssyncadd.s32 $0xFFFFF060  }
0x69: {  	[spmem:s2] =	stream.indirect.scatter.add.f32 [tilespmem:s20], [sflag:$0x1], $0x20, s0, s6, $0xb8;
	[tilespmem:$0x19AA0] =	vst v63  }
0x6a: {  	_ =	swait.ge [sflag:s5], $0xFA0  }
0x6b: {  	[sflag:s5] =	ssyncset.done $0x0  }
0x6c: {  	s0 =	rddreg [dreg:$0x12];
	[sflag:s5] =	ssyncadd.s32 $0xFFFFF060  }
0x6d: {  	[spmem:s2] =	stream.indirect.scatter.add.f32 [tilespmem:s19], [sflag:$0x1], $0x20, s0, s6, $0xb8;
	[tilespmem:$0x19AA0] =	vst v63  }
0x6e: {  	_ =	swait.ge [sflag:s5], $0xFA0  }
0x6f: {  	[sflag:s5] =	ssyncset.done $0x0  }
0x70: {  	s0 =	rddreg [dreg:$0x13];
	[sflag:s5] =	ssyncadd.s32 $0xFFFFF060  }
0x71: {  	[spmem:s2] =	stream.indirect.scatter.add.f32 [tilespmem:s18], [sflag:$0x1], $0x20, s0, s6, $0xb8;
	[tilespmem:$0x19AA0] =	vst v63  }
0x72: {  	_ =	swait.ge [sflag:s5], $0xFA0  }
0x73: {  	[sflag:s5] =	ssyncset.done $0x0  }
0x74: {  	s0 =	rddreg [dreg:$0x14];
	[sflag:s5] =	ssyncadd.s32 $0xFFFFF060  }
0x75: {  	[spmem:s2] =	stream.indirect.scatter.add.f32 [tilespmem:s17], [sflag:$0x1], $0x20, s0, s6, $0xb8;
	[tilespmem:$0x19AA0] =	vst v63  }
0x76: {  	_ =	swait.ge [sflag:s5], $0xFA0  }
0x77: {  	[sflag:s5] =	ssyncset.done $0x0  }
0x78: {  	s0 =	rddreg [dreg:$0x15];
	[sflag:s5] =	ssyncadd.s32 $0xFFFFF060  }
0x79: {  	[spmem:s2] =	stream.indirect.scatter.add.f32 [tilespmem:s15], [sflag:$0x1], $0x20, s0, s6, $0xb8;
	[tilespmem:$0x19AA0] =	vst v63  }
0x7a: {  	_ =	swait.ge [sflag:s5], $0xFA0  }
0x7b: {  	[sflag:s5] =	ssyncset.done $0x0  }
0x7c: {  	s0 =	rddreg [dreg:$0x16];
	[sflag:s5] =	ssyncadd.s32 $0xFFFFF060  }
0x7d: {  	[spmem:s2] =	stream.indirect.scatter.add.f32 [tilespmem:s14], [sflag:$0x1], $0x20, s0, s6, $0xb8;
	[tilespmem:$0x19AA0] =	vst v63  }
0x7e: {  	_ =	swait.ge [sflag:s5], $0xFA0  }
0x7f: {  	[sflag:s5] =	ssyncset.done $0x0  }
0x80: {  	s0 =	rddreg [dreg:$0x17];
	[sflag:s5] =	ssyncadd.s32 $0xFFFFF060  }
0x81: {  	[spmem:s2] =	stream.indirect.scatter.add.f32 [tilespmem:s11], [sflag:$0x1], $0x20, s0, s6, $0xb8;
	[tilespmem:$0x19AA0] =	vst v63  }
0x82: {  	_ =	swait.ge [sflag:s5], $0xFA0  }
0x83: {  	[sflag:s5] =	ssyncset.done $0x0  }
0x84: {  	s0 =	rddreg [dreg:$0x18];
	[sflag:s5] =	ssyncadd.s32 $0xFFFFF060  }
0x85: {  	[spmem:s2] =	stream.indirect.scatter.add.f32 [tilespmem:s12], [sflag:$0x1], $0x20, s0, s6, $0xb8;
	[tilespmem:$0x19AA0] =	vst v63  }
0x86: {  	_ =	swait.ge [sflag:s5], $0xFA0  }
0x87: {  	[sflag:s5] =	ssyncset.done $0x0  }
0x88: {  	s0 =	rddreg [dreg:$0x19];
	[sflag:s5] =	ssyncadd.s32 $0xFFFFF060  }
0x89: {  	[spmem:s2] =	stream.indirect.scatter.add.f32 [tilespmem:s9], [sflag:$0x1], $0x20, s0, s6, $0xb8;
	[tilespmem:$0x19AA0] =	vst v63  }
0x8a: {  	_ =	swait.ge [sflag:s5], $0xFA0  }
0x8b: {  	[sflag:s5] =	ssyncset.done $0x0  }
0x8c: {  	s0 =	rddreg [dreg:$0x1a];
	[sflag:s5] =	ssyncadd.s32 $0xFFFFF060  }
0x8d: {  	[spmem:s2] =	stream.indirect.scatter.add.f32 [tilespmem:s8], [sflag:$0x1], $0x20, s0, s6, $0xb8;
	[tilespmem:$0x19AA0] =	vst v63  }
0x8e: {  	_ =	swait.ge [sflag:s5], $0xFA0  }
0x8f: {  	[sflag:s5] =	ssyncset.done $0x0  }
0x90: {  	s0 =	rddreg [dreg:$0x6];
	[sflag:s5] =	ssyncadd.s32 $0xFFFFF060  }
0x91: {  	[tilespmem:s30], [sflag:$0x1] =	stream.linear.gather [hbm4b:s0+s7], $0x13880, $0x38;
	[tilespmem:$0x19AA0] =	vst v63  }
0x92: {  	_ =	swait.ge [sflag:s5], $0x13880  }
0x93: {  	[sflag:s5] =	ssyncset.done $0x0  }
0x94: {  	s0 =	rddreg [dreg:$0x1b];
	[sflag:s5] =	ssyncadd.s32 $0xFFFEC780  }
0x95: {  	[spmem:s2] =	stream.indirect.scatter.add.f32 [tilespmem:s30], [sflag:$0x1], $0x20, s0, s6, $0xb8;
	[tilespmem:$0x19AA0] =	vst v63  }
0x96: {  	_ =	swait.ge [sflag:s5], $0xFA0  }
0x97: {  	[sflag:s5] =	ssyncset.done $0x0  }
0x98: {  	s0 =	rddreg [dreg:$0x1c];
	[sflag:s5] =	ssyncadd.s32 $0xFFFFF060  }
0x99: {  	[spmem:s2] =	stream.indirect.scatter.add.f32 [tilespmem:s31], [sflag:$0x1], $0x20, s0, s6, $0xb8;
	[tilespmem:$0x19AA0] =	vst v63  }
0x9a: {  	_ =	swait.ge [sflag:s5], $0xFA0  }
0x9b: {  	[sflag:s5] =	ssyncset.done $0x0  }
0x9c: {  	s0 =	rddreg [dreg:$0x1d];
	[sflag:s5] =	ssyncadd.s32 $0xFFFFF060  }
0x9d: {  	[spmem:s2] =	stream.indirect.scatter.add.f32 [tilespmem:s29], [sflag:$0x1], $0x20, s0, s6, $0xb8;
	[tilespmem:$0x19AA0] =	vst v63  }
0x9e: {  	_ =	swait.ge [sflag:s5], $0xFA0  }
0x9f: {  	[sflag:s5] =	ssyncset.done $0x0  }
0xa0: {  	s0 =	rddreg [dreg:$0x1e];
	[sflag:s5] =	ssyncadd.s32 $0xFFFFF060  }
0xa1: {  	[spmem:s2] =	stream.indirect.scatter.add.f32 [tilespmem:s28], [sflag:$0x1], $0x20, s0, s6, $0xb8;
	[tilespmem:$0x19AA0] =	vst v63  }
0xa2: {  	_ =	swait.ge [sflag:s5], $0xFA0  }
0xa3: {  	[sflag:s5] =	ssyncset.done $0x0  }
0xa4: {  	s0 =	rddreg [dreg:$0x1f];
	[sflag:s5] =	ssyncadd.s32 $0xFFFFF060  }
0xa5: {  	[spmem:s2] =	stream.indirect.scatter.add.f32 [tilespmem:s26], [sflag:$0x1], $0x20, s0, s6, $0xb8;
	[tilespmem:$0x19AA0] =	vst v63  }
0xa6: {  	_ =	swait.ge [sflag:s5], $0xFA0  }
0xa7: {  	s0 =	sld [smem:$0x7F2]  }
0xa8: {  	[sflag:s5] =	ssyncset.done $0x0  }
0xa9: {  	[sflag:s5] =	ssyncadd.s32 $0xFFFFF060  }
0xaa: {  	[spmem:s2] =	stream.indirect.scatter.add.f32 [tilespmem:s25], [sflag:$0x1], $0x20, s0, s6, $0xb8;
	[tilespmem:$0x19AA0] =	vst v63  }
0xab: {  	_ =	swait.ge [sflag:s5], $0xFA0  }
0xac: {  	s0 =	sld [smem:$0x7F3]  }
0xad: {  	[sflag:s5] =	ssyncset.done $0x0  }
0xae: {  	[sflag:s5] =	ssyncadd.s32 $0xFFFFF060  }
0xaf: {  	[spmem:s2] =	stream.indirect.scatter.add.f32 [tilespmem:s24], [sflag:$0x1], $0x20, s0, s6, $0xb8;
	[tilespmem:$0x19AA0] =	vst v63  }
0xb0: {  	_ =	swait.ge [sflag:s5], $0xFA0  }
0xb1: {  	s0 =	sld [smem:$0x7F4]  }
0xb2: {  	[sflag:s5] =	ssyncset.done $0x0  }
0xb3: {  	[sflag:s5] =	ssyncadd.s32 $0xFFFFF060  }
0xb4: {  	[spmem:s2] =	stream.indirect.scatter.add.f32 [tilespmem:s23], [sflag:$0x1], $0x20, s0, s6, $0xb8;
	[tilespmem:$0x19AA0] =	vst v63  }
0xb5: {  	_ =	swait.ge [sflag:s5], $0xFA0  }
0xb6: {  	s0 =	sld [smem:$0x7F5]  }
0xb7: {  	[sflag:s5] =	ssyncset.done $0x0  }
0xb8: {  	[sflag:s5] =	ssyncadd.s32 $0xFFFFF060  }
0xb9: {  	[spmem:s2] =	stream.indirect.scatter.add.f32 [tilespmem:s22], [sflag:$0x1], $0x20, s0, s6, $0xb8;
	[tilespmem:$0x19AA0] =	vst v63  }
0xba: {  	_ =	swait.ge [sflag:s5], $0xFA0  }
0xbb: {  	s0 =	sld [smem:$0x7F6]  }
0xbc: {  	[sflag:s5] =	ssyncset.done $0x0  }
0xbd: {  	[sflag:s5] =	ssyncadd.s32 $0xFFFFF060  }
0xbe: {  	[spmem:s2] =	stream.indirect.scatter.add.f32 [tilespmem:s21], [sflag:$0x1], $0x20, s0, s6, $0xb8;
	[tilespmem:$0x19AA0] =	vst v63  }
0xbf: {  	_ =	swait.ge [sflag:s5], $0xFA0  }
0xc0: {  	s0 =	sld [smem:$0x7F7]  }
0xc1: {  	[sflag:s5] =	ssyncset.done $0x0  }
0xc2: {  	[sflag:s5] =	ssyncadd.s32 $0xFFFFF060  }
0xc3: {  	[spmem:s2] =	stream.indirect.scatter.add.f32 [tilespmem:s20], [sflag:$0x1], $0x20, s0, s6, $0xb8;
	[tilespmem:$0x19AA0] =	vst v63  }
0xc4: {  	_ =	swait.ge [sflag:s5], $0xFA0  }
0xc5: {  	s0 =	sld [smem:$0x7F8]  }
0xc6: {  	[sflag:s5] =	ssyncset.done $0x0  }
0xc7: {  	[sflag:s5] =	ssyncadd.s32 $0xFFFFF060  }
0xc8: {  	[spmem:s2] =	stream.indirect.scatter.add.f32 [tilespmem:s19], [sflag:$0x1], $0x20, s0, s6, $0xb8;
	[tilespmem:$0x19AA0] =	vst v63  }
0xc9: {  	_ =	swait.ge [sflag:s5], $0xFA0  }
0xca: {  	s0 =	sld [smem:$0x7F9]  }
0xcb: {  	[sflag:s5] =	ssyncset.done $0x0  }
0xcc: {  	[sflag:s5] =	ssyncadd.s32 $0xFFFFF060  }
0xcd: {  	[spmem:s2] =	stream.indirect.scatter.add.f32 [tilespmem:s18], [sflag:$0x1], $0x20, s0, s6, $0xb8;
	[tilespmem:$0x19AA0] =	vst v63  }
0xce: {  	_ =	swait.ge [sflag:s5], $0xFA0  }
0xcf: {  	s0 =	sld [smem:$0x7FA]  }
0xd0: {  	[sflag:s5] =	ssyncset.done $0x0  }
0xd1: {  	[sflag:s5] =	ssyncadd.s32 $0xFFFFF060  }
0xd2: {  	[spmem:s2] =	stream.indirect.scatter.add.f32 [tilespmem:s17], [sflag:$0x1], $0x20, s0, s6, $0xb8;
	[tilespmem:$0x19AA0] =	vst v63  }
0xd3: {  	_ =	swait.ge [sflag:s5], $0xFA0  }
0xd4: {  	s0 =	sld [smem:$0x7FB]  }
0xd5: {  	[sflag:s5] =	ssyncset.done $0x0  }
0xd6: {  	[sflag:s5] =	ssyncadd.s32 $0xFFFFF060  }
0xd7: {  	[spmem:s2] =	stream.indirect.scatter.add.f32 [tilespmem:s15], [sflag:$0x1], $0x20, s0, s6, $0xb8;
	[tilespmem:$0x19AA0] =	vst v63  }
0xd8: {  	_ =	swait.ge [sflag:s5], $0xFA0  }
0xd9: {  	s0 =	sld [smem:$0x7FC]  }
0xda: {  	[sflag:s5] =	ssyncset.done $0x0  }
0xdb: {  	[sflag:s5] =	ssyncadd.s32 $0xFFFFF060  }
0xdc: {  	[spmem:s2] =	stream.indirect.scatter.add.f32 [tilespmem:s14], [sflag:$0x1], $0x20, s0, s6, $0xb8;
	[tilespmem:$0x19AA0] =	vst v63  }
0xdd: {  	_ =	swait.ge [sflag:s5], $0xFA0  }
0xde: {  	s0 =	sld [smem:$0x7FD]  }
0xdf: {  	[sflag:s5] =	ssyncset.done $0x0  }
0xe0: {  	[sflag:s5] =	ssyncadd.s32 $0xFFFFF060  }
0xe1: {  	[spmem:s2] =	stream.indirect.scatter.add.f32 [tilespmem:s11], [sflag:$0x1], $0x20, s0, s6, $0xb8;
	[tilespmem:$0x19AA0] =	vst v63  }
0xe2: {  	_ =	swait.ge [sflag:s5], $0xFA0  }
0xe3: {  	[sflag:s5] =	ssyncset.done $0x0  }
0xe4: {  	[sflag:s5] =	ssyncadd.s32 $0xFFFFF060  }
0xe5: {  	[spmem:s2] =	stream.indirect.scatter.add.f32 [tilespmem:s12], [sflag:$0x1], $0x20, s16, s6, $0xb8;
	[tilespmem:$0x19AA0] =	vst v63  }
0xe6: {  	_ =	swait.ge [sflag:s5], $0xFA0  }
0xe7: {  	[sflag:s5] =	ssyncset.done $0x0  }
0xe8: {  	[sflag:s5] =	ssyncadd.s32 $0xFFFFF060  }
0xe9: {  	[spmem:s2] =	stream.indirect.scatter.add.f32 [tilespmem:s9], [sflag:$0x1], $0x20, s13, s6, $0xb8;
	[tilespmem:$0x19AA0] =	vst v63  }
0xea: {  	_ =	swait.ge [sflag:s5], $0xFA0  }
0xeb: {  	[sflag:s5] =	ssyncset.done $0x0  }
0xec: {  	[sflag:s5] =	ssyncadd.s32 $0xFFFFF060  }
0xed: {  	[spmem:s2] =	stream.indirect.scatter.add.f32 [tilespmem:s8], [sflag:$0x1], $0x20, s10, s6, $0xb8;
	[tilespmem:$0x19AA0] =	vst v63  }
0xee: {  	_ =	swait.ge [sflag:s5], $0xFA0  }
0xef: {  	[sflag:s5] =	ssyncset.done $0x0  }
0xf0: {  	p1 =	sne.s32 s1, $0x1;
	[sflag:s5] =	ssyncadd.s32 $0xFFFFF060  }
.Ltmp1:
0xf1: {  	[bflag:$0x0] =	sbarrier.arrive $0xFFFF;
	(pc) =	sbr.rel @!p1 .LBB2_3-.Ltmp1, $4  }
0xf2: {  	s0 =	rddreg [dreg:$0x7]  }
0xf3: {  	[hbm:s0], [sflag:s3] =	dma.local [spmem:s4], $0x9C4  }
0xf4: {  	s1 =	sadd.s32 $0xFFFFFFFF, s1;
	_ =	swait.ge [sflag:s5], $0x9C4  }
0xf5: {  	p0 =	por $0x1, $0x1;
	s0 =	rddreg [dreg:$0x3];
	[sflag:s5] =	ssyncset.done $0x0  }
.LBB2_2:
0xf6: {  	[sflag:s5] =	ssyncadd.s32 $0xFFFFF63C  }
0xf7: {  	[spmem:s4], [sflag:s3] =	dma.local [hbm:s0], $0x9C4  }
0xf8: {  	_ =	swait.ge [sflag:s5], $0x9C4  }
0xf9: {  	[sflag:s5] =	ssyncset.done $0x0  }
0xfa: {  	[sflag:s5] =	ssyncadd.s32 $0xFFFFF63C  }
0xfb: {  	[bflag:$0x0] =	sbarrier.arrive $0xFFFF  }
0xfc: {  	s0 =	rddreg [dreg:$0x4]  }
0xfd: {  	[tilespmem:s7], [sflag:$0x1] =	stream.linear.gather [hbm4b:s0+s7], $0x1400, $0x38;
	[tilespmem:$0x19AA0] =	vst v63  }
0xfe: {  	_ =	swait.ge [sflag:s5], $0x1400  }
0xff: {  	[sflag:s5] =	ssyncset.done $0x0  }
0x100: {  	s0 =	rddreg [dreg:$0x5];
	[sflag:s5] =	ssyncadd.s32 $0xFFFFEC00  }
0x101: {  	[tilespmem:s30], [sflag:$0x1] =	stream.linear.gather [hbm4b:s0+s7], $0x13880, $0x38;
	[tilespmem:$0x19AA0] =	vst v63  }
0x102: {  	_ =	swait.ge [sflag:s5], $0x13880  }
0x103: {  	[sflag:s5] =	ssyncset.done $0x0  }
0x104: {  	[sflag:s5] =	ssyncadd.s32 $0xFFFEC780  }
0x105: {  	[spmem:s2] =	stream.indirect.scatter.add.f32 [tilespmem:s30], [sflag:$0x1], $0x20, s7, s6, $0xb8;
	[tilespmem:$0x19AA0] =	vst v63  }
0x106: {  	_ =	swait.ge [sflag:s5], $0xFA0  }
0x107: {  	[sflag:s5] =	ssyncset.done $0x0  }
0x108: {  	s0 =	rddreg [dreg:$0x8];
	[sflag:s5] =	ssyncadd.s32 $0xFFFFF060  }
0x109: {  	[spmem:s2] =	stream.indirect.scatter.add.f32 [tilespmem:s31], [sflag:$0x1], $0x20, s0, s6, $0xb8;
	[tilespmem:$0x19AA0] =	vst v63  }
0x10a: {  	_ =	swait.ge [sflag:s5], $0xFA0  }
0x10b: {  	[sflag:s5] =	ssyncset.done $0x0  }
0x10c: {  	s0 =	rddreg [dreg:$0x9];
	[sflag:s5] =	ssyncadd.s32 $0xFFFFF060  }
0x10d: {  	[spmem:s2] =	stream.indirect.scatter.add.f32 [tilespmem:s29], [sflag:$0x1], $0x20, s0, s6, $0xb8;
	[tilespmem:$0x19AA0] =	vst v63  }
0x10e: {  	_ =	swait.ge [sflag:s5], $0xFA0  }
0x10f: {  	[sflag:s5] =	ssyncset.done $0x0  }
0x110: {  	s0 =	rddreg [dreg:$0xa];
	[sflag:s5] =	ssyncadd.s32 $0xFFFFF060  }
0x111: {  	[spmem:s2] =	stream.indirect.scatter.add.f32 [tilespmem:s28], [sflag:$0x1], $0x20, s0, s6, $0xb8;
	[tilespmem:$0x19AA0] =	vst v63  }
0x112: {  	_ =	swait.ge [sflag:s5], $0xFA0  }
0x113: {  	[sflag:s5] =	ssyncset.done $0x0  }
0x114: {  	s0 =	rddreg [dreg:$0xb];
	[sflag:s5] =	ssyncadd.s32 $0xFFFFF060  }
0x115: {  	[spmem:s2] =	stream.indirect.scatter.add.f32 [tilespmem:s26], [sflag:$0x1], $0x20, s0, s6, $0xb8;
	[tilespmem:$0x19AA0] =	vst v63  }
0x116: {  	_ =	swait.ge [sflag:s5], $0xFA0  }
0x117: {  	[sflag:s5] =	ssyncset.done $0x0  }
0x118: {  	s0 =	rddreg [dreg:$0xc];
	[sflag:s5] =	ssyncadd.s32 $0xFFFFF060  }
0x119: {  	[spmem:s2] =	stream.indirect.scatter.add.f32 [tilespmem:s25], [sflag:$0x1], $0x20, s0, s6, $0xb8;
	[tilespmem:$0x19AA0] =	vst v63  }
0x11a: {  	_ =	swait.ge [sflag:s5], $0xFA0  }
0x11b: {  	[sflag:s5] =	ssyncset.done $0x0  }
0x11c: {  	s0 =	rddreg [dreg:$0xd];
	[sflag:s5] =	ssyncadd.s32 $0xFFFFF060  }
0x11d: {  	[spmem:s2] =	stream.indirect.scatter.add.f32 [tilespmem:s24], [sflag:$0x1], $0x20, s0, s6, $0xb8;
	[tilespmem:$0x19AA0] =	vst v63  }
0x11e: {  	_ =	swait.ge [sflag:s5], $0xFA0  }
0x11f: {  	[sflag:s5] =	ssyncset.done $0x0  }
0x120: {  	s0 =	rddreg [dreg:$0xe];
	[sflag:s5] =	ssyncadd.s32 $0xFFFFF060  }
0x121: {  	[spmem:s2] =	stream.indirect.scatter.add.f32 [tilespmem:s23], [sflag:$0x1], $0x20, s0, s6, $0xb8;
	[tilespmem:$0x19AA0] =	vst v63  }
0x122: {  	_ =	swait.ge [sflag:s5], $0xFA0  }
0x123: {  	[sflag:s5] =	ssyncset.done $0x0  }
0x124: {  	s0 =	rddreg [dreg:$0xf];
	[sflag:s5] =	ssyncadd.s32 $0xFFFFF060  }
0x125: {  	[spmem:s2] =	stream.indirect.scatter.add.f32 [tilespmem:s22], [sflag:$0x1], $0x20, s0, s6, $0xb8;
	[tilespmem:$0x19AA0] =	vst v63  }
0x126: {  	_ =	swait.ge [sflag:s5], $0xFA0  }
0x127: {  	[sflag:s5] =	ssyncset.done $0x0  }
0x128: {  	s0 =	rddreg [dreg:$0x10];
	[sflag:s5] =	ssyncadd.s32 $0xFFFFF060  }
0x129: {  	[spmem:s2] =	stream.indirect.scatter.add.f32 [tilespmem:s21], [sflag:$0x1], $0x20, s0, s6, $0xb8;
	[tilespmem:$0x19AA0] =	vst v63  }
0x12a: {  	_ =	swait.ge [sflag:s5], $0xFA0  }
0x12b: {  	[sflag:s5] =	ssyncset.done $0x0  }
0x12c: {  	s0 =	rddreg [dreg:$0x11];
	[sflag:s5] =	ssyncadd.s32 $0xFFFFF060  }
0x12d: {  	[spmem:s2] =	stream.indirect.scatter.add.f32 [tilespmem:s20], [sflag:$0x1], $0x20, s0, s6, $0xb8;
	[tilespmem:$0x19AA0] =	vst v63  }
0x12e: {  	_ =	swait.ge [sflag:s5], $0xFA0  }
0x12f: {  	[sflag:s5] =	ssyncset.done $0x0  }
0x130: {  	s0 =	rddreg [dreg:$0x12];
	[sflag:s5] =	ssyncadd.s32 $0xFFFFF060  }
0x131: {  	[spmem:s2] =	stream.indirect.scatter.add.f32 [tilespmem:s19], [sflag:$0x1], $0x20, s0, s6, $0xb8;
	[tilespmem:$0x19AA0] =	vst v63  }
0x132: {  	_ =	swait.ge [sflag:s5], $0xFA0  }
0x133: {  	[sflag:s5] =	ssyncset.done $0x0  }
0x134: {  	s0 =	rddreg [dreg:$0x13];
	[sflag:s5] =	ssyncadd.s32 $0xFFFFF060  }
0x135: {  	[spmem:s2] =	stream.indirect.scatter.add.f32 [tilespmem:s18], [sflag:$0x1], $0x20, s0, s6, $0xb8;
	[tilespmem:$0x19AA0] =	vst v63  }
0x136: {  	_ =	swait.ge [sflag:s5], $0xFA0  }
0x137: {  	[sflag:s5] =	ssyncset.done $0x0  }
0x138: {  	s0 =	rddreg [dreg:$0x14];
	[sflag:s5] =	ssyncadd.s32 $0xFFFFF060  }
0x139: {  	[spmem:s2] =	stream.indirect.scatter.add.f32 [tilespmem:s17], [sflag:$0x1], $0x20, s0, s6, $0xb8;
	[tilespmem:$0x19AA0] =	vst v63  }
0x13a: {  	_ =	swait.ge [sflag:s5], $0xFA0  }
0x13b: {  	[sflag:s5] =	ssyncset.done $0x0  }
0x13c: {  	s0 =	rddreg [dreg:$0x15];
	[sflag:s5] =	ssyncadd.s32 $0xFFFFF060  }
0x13d: {  	[spmem:s2] =	stream.indirect.scatter.add.f32 [tilespmem:s15], [sflag:$0x1], $0x20, s0, s6, $0xb8;
	[tilespmem:$0x19AA0] =	vst v63  }
0x13e: {  	_ =	swait.ge [sflag:s5], $0xFA0  }
0x13f: {  	[sflag:s5] =	ssyncset.done $0x0  }
0x140: {  	s0 =	rddreg [dreg:$0x16];
	[sflag:s5] =	ssyncadd.s32 $0xFFFFF060  }
0x141: {  	[spmem:s2] =	stream.indirect.scatter.add.f32 [tilespmem:s14], [sflag:$0x1], $0x20, s0, s6, $0xb8;
	[tilespmem:$0x19AA0] =	vst v63  }
0x142: {  	_ =	swait.ge [sflag:s5], $0xFA0  }
0x143: {  	[sflag:s5] =	ssyncset.done $0x0  }
0x144: {  	s0 =	rddreg [dreg:$0x17];
	[sflag:s5] =	ssyncadd.s32 $0xFFFFF060  }
0x145: {  	[spmem:s2] =	stream.indirect.scatter.add.f32 [tilespmem:s11], [sflag:$0x1], $0x20, s0, s6, $0xb8;
	[tilespmem:$0x19AA0] =	vst v63  }
0x146: {  	_ =	swait.ge [sflag:s5], $0xFA0  }
0x147: {  	[sflag:s5] =	ssyncset.done $0x0  }
0x148: {  	s0 =	rddreg [dreg:$0x18];
	[sflag:s5] =	ssyncadd.s32 $0xFFFFF060  }
0x149: {  	[spmem:s2] =	stream.indirect.scatter.add.f32 [tilespmem:s12], [sflag:$0x1], $0x20, s0, s6, $0xb8;
	[tilespmem:$0x19AA0] =	vst v63  }
0x14a: {  	_ =	swait.ge [sflag:s5], $0xFA0  }
0x14b: {  	[sflag:s5] =	ssyncset.done $0x0  }
0x14c: {  	s0 =	rddreg [dreg:$0x19];
	[sflag:s5] =	ssyncadd.s32 $0xFFFFF060  }
0x14d: {  	[spmem:s2] =	stream.indirect.scatter.add.f32 [tilespmem:s9], [sflag:$0x1], $0x20, s0, s6, $0xb8;
	[tilespmem:$0x19AA0] =	vst v63  }
0x14e: {  	_ =	swait.ge [sflag:s5], $0xFA0  }
0x14f: {  	[sflag:s5] =	ssyncset.done $0x0  }
0x150: {  	s0 =	rddreg [dreg:$0x1a];
	[sflag:s5] =	ssyncadd.s32 $0xFFFFF060  }
0x151: {  	[spmem:s2] =	stream.indirect.scatter.add.f32 [tilespmem:s8], [sflag:$0x1], $0x20, s0, s6, $0xb8;
	[tilespmem:$0x19AA0] =	vst v63  }
0x152: {  	_ =	swait.ge [sflag:s5], $0xFA0  }
0x153: {  	[sflag:s5] =	ssyncset.done $0x0  }
0x154: {  	s0 =	rddreg [dreg:$0x6];
	[sflag:s5] =	ssyncadd.s32 $0xFFFFF060  }
0x155: {  	[tilespmem:s30], [sflag:$0x1] =	stream.linear.gather [hbm4b:s0+s7], $0x13880, $0x38;
	[tilespmem:$0x19AA0] =	vst v63  }
0x156: {  	_ =	swait.ge [sflag:s5], $0x13880  }
0x157: {  	[sflag:s5] =	ssyncset.done $0x0  }
0x158: {  	s0 =	rddreg [dreg:$0x1b];
	[sflag:s5] =	ssyncadd.s32 $0xFFFEC780  }
0x159: {  	[spmem:s2] =	stream.indirect.scatter.add.f32 [tilespmem:s30], [sflag:$0x1], $0x20, s0, s6, $0xb8;
	[tilespmem:$0x19AA0] =	vst v63  }
0x15a: {  	_ =	swait.ge [sflag:s5], $0xFA0  }
0x15b: {  	[sflag:s5] =	ssyncset.done $0x0  }
0x15c: {  	s0 =	rddreg [dreg:$0x1c];
	[sflag:s5] =	ssyncadd.s32 $0xFFFFF060  }
0x15d: {  	[spmem:s2] =	stream.indirect.scatter.add.f32 [tilespmem:s31], [sflag:$0x1], $0x20, s0, s6, $0xb8;
	[tilespmem:$0x19AA0] =	vst v63  }
0x15e: {  	_ =	swait.ge [sflag:s5], $0xFA0  }
0x15f: {  	[sflag:s5] =	ssyncset.done $0x0  }
0x160: {  	s0 =	rddreg [dreg:$0x1d];
	[sflag:s5] =	ssyncadd.s32 $0xFFFFF060  }
0x161: {  	[spmem:s2] =	stream.indirect.scatter.add.f32 [tilespmem:s29], [sflag:$0x1], $0x20, s0, s6, $0xb8;
	[tilespmem:$0x19AA0] =	vst v63  }
0x162: {  	_ =	swait.ge [sflag:s5], $0xFA0  }
0x163: {  	[sflag:s5] =	ssyncset.done $0x0  }
0x164: {  	s0 =	rddreg [dreg:$0x1e];
	[sflag:s5] =	ssyncadd.s32 $0xFFFFF060  }
0x165: {  	[spmem:s2] =	stream.indirect.scatter.add.f32 [tilespmem:s28], [sflag:$0x1], $0x20, s0, s6, $0xb8;
	[tilespmem:$0x19AA0] =	vst v63  }
0x166: {  	_ =	swait.ge [sflag:s5], $0xFA0  }
0x167: {  	[sflag:s5] =	ssyncset.done $0x0  }
0x168: {  	s0 =	rddreg [dreg:$0x1f];
	[sflag:s5] =	ssyncadd.s32 $0xFFFFF060  }
0x169: {  	[spmem:s2] =	stream.indirect.scatter.add.f32 [tilespmem:s26], [sflag:$0x1], $0x20, s0, s6, $0xb8;
	[tilespmem:$0x19AA0] =	vst v63  }
0x16a: {  	_ =	swait.ge [sflag:s5], $0xFA0  }
0x16b: {  	s0 =	sld [smem:$0x7F2]  }
0x16c: {  	[sflag:s5] =	ssyncset.done $0x0  }
0x16d: {  	[sflag:s5] =	ssyncadd.s32 $0xFFFFF060  }
0x16e: {  	[spmem:s2] =	stream.indirect.scatter.add.f32 [tilespmem:s25], [sflag:$0x1], $0x20, s0, s6, $0xb8;
	[tilespmem:$0x19AA0] =	vst v63  }
0x16f: {  	_ =	swait.ge [sflag:s5], $0xFA0  }
0x170: {  	s0 =	sld [smem:$0x7F3]  }
0x171: {  	[sflag:s5] =	ssyncset.done $0x0  }
0x172: {  	[sflag:s5] =	ssyncadd.s32 $0xFFFFF060  }
0x173: {  	[spmem:s2] =	stream.indirect.scatter.add.f32 [tilespmem:s24], [sflag:$0x1], $0x20, s0, s6, $0xb8;
	[tilespmem:$0x19AA0] =	vst v63  }
0x174: {  	_ =	swait.ge [sflag:s5], $0xFA0  }
0x175: {  	s0 =	sld [smem:$0x7F4]  }
0x176: {  	[sflag:s5] =	ssyncset.done $0x0  }
0x177: {  	[sflag:s5] =	ssyncadd.s32 $0xFFFFF060  }
0x178: {  	[spmem:s2] =	stream.indirect.scatter.add.f32 [tilespmem:s23], [sflag:$0x1], $0x20, s0, s6, $0xb8;
	[tilespmem:$0x19AA0] =	vst v63  }
0x179: {  	_ =	swait.ge [sflag:s5], $0xFA0  }
0x17a: {  	s0 =	sld [smem:$0x7F5]  }
0x17b: {  	[sflag:s5] =	ssyncset.done $0x0  }
0x17c: {  	[sflag:s5] =	ssyncadd.s32 $0xFFFFF060  }
0x17d: {  	[spmem:s2] =	stream.indirect.scatter.add.f32 [tilespmem:s22], [sflag:$0x1], $0x20, s0, s6, $0xb8;
	[tilespmem:$0x19AA0] =	vst v63  }
0x17e: {  	_ =	swait.ge [sflag:s5], $0xFA0  }
0x17f: {  	s0 =	sld [smem:$0x7F6]  }
0x180: {  	[sflag:s5] =	ssyncset.done $0x0  }
0x181: {  	[sflag:s5] =	ssyncadd.s32 $0xFFFFF060  }
0x182: {  	[spmem:s2] =	stream.indirect.scatter.add.f32 [tilespmem:s21], [sflag:$0x1], $0x20, s0, s6, $0xb8;
	[tilespmem:$0x19AA0] =	vst v63  }
0x183: {  	_ =	swait.ge [sflag:s5], $0xFA0  }
0x184: {  	s0 =	sld [smem:$0x7F7]  }
0x185: {  	[sflag:s5] =	ssyncset.done $0x0  }
0x186: {  	[sflag:s5] =	ssyncadd.s32 $0xFFFFF060  }
0x187: {  	[spmem:s2] =	stream.indirect.scatter.add.f32 [tilespmem:s20], [sflag:$0x1], $0x20, s0, s6, $0xb8;
	[tilespmem:$0x19AA0] =	vst v63  }
0x188: {  	_ =	swait.ge [sflag:s5], $0xFA0  }
0x189: {  	s0 =	sld [smem:$0x7F8]  }
0x18a: {  	[sflag:s5] =	ssyncset.done $0x0  }
0x18b: {  	[sflag:s5] =	ssyncadd.s32 $0xFFFFF060  }
0x18c: {  	[spmem:s2] =	stream.indirect.scatter.add.f32 [tilespmem:s19], [sflag:$0x1], $0x20, s0, s6, $0xb8;
	[tilespmem:$0x19AA0] =	vst v63  }
0x18d: {  	_ =	swait.ge [sflag:s5], $0xFA0  }
0x18e: {  	s0 =	sld [smem:$0x7F9]  }
0x18f: {  	[sflag:s5] =	ssyncset.done $0x0  }
0x190: {  	[sflag:s5] =	ssyncadd.s32 $0xFFFFF060  }
0x191: {  	[spmem:s2] =	stream.indirect.scatter.add.f32 [tilespmem:s18], [sflag:$0x1], $0x20, s0, s6, $0xb8;
	[tilespmem:$0x19AA0] =	vst v63  }
0x192: {  	_ =	swait.ge [sflag:s5], $0xFA0  }
0x193: {  	s0 =	sld [smem:$0x7FA]  }
0x194: {  	[sflag:s5] =	ssyncset.done $0x0  }
0x195: {  	[sflag:s5] =	ssyncadd.s32 $0xFFFFF060  }
0x196: {  	[spmem:s2] =	stream.indirect.scatter.add.f32 [tilespmem:s17], [sflag:$0x1], $0x20, s0, s6, $0xb8;
	[tilespmem:$0x19AA0] =	vst v63  }
0x197: {  	_ =	swait.ge [sflag:s5], $0xFA0  }
0x198: {  	s0 =	sld [smem:$0x7FB]  }
0x199: {  	[sflag:s5] =	ssyncset.done $0x0  }
0x19a: {  	[sflag:s5] =	ssyncadd.s32 $0xFFFFF060  }
0x19b: {  	[spmem:s2] =	stream.indirect.scatter.add.f32 [tilespmem:s15], [sflag:$0x1], $0x20, s0, s6, $0xb8;
	[tilespmem:$0x19AA0] =	vst v63  }
0x19c: {  	_ =	swait.ge [sflag:s5], $0xFA0  }
0x19d: {  	s0 =	sld [smem:$0x7FC]  }
0x19e: {  	[sflag:s5] =	ssyncset.done $0x0  }
0x19f: {  	[sflag:s5] =	ssyncadd.s32 $0xFFFFF060  }
0x1a0: {  	[spmem:s2] =	stream.indirect.scatter.add.f32 [tilespmem:s14], [sflag:$0x1], $0x20, s0, s6, $0xb8;
	[tilespmem:$0x19AA0] =	vst v63  }
0x1a1: {  	_ =	swait.ge [sflag:s5], $0xFA0  }
0x1a2: {  	s0 =	sld [smem:$0x7FD]  }
0x1a3: {  	[sflag:s5] =	ssyncset.done $0x0  }
0x1a4: {  	[sflag:s5] =	ssyncadd.s32 $0xFFFFF060  }
0x1a5: {  	[spmem:s2] =	stream.indirect.scatter.add.f32 [tilespmem:s11], [sflag:$0x1], $0x20, s0, s6, $0xb8;
	[tilespmem:$0x19AA0] =	vst v63  }
0x1a6: {  	_ =	swait.ge [sflag:s5], $0xFA0  }
0x1a7: {  	[sflag:s5] =	ssyncset.done $0x0  }
0x1a8: {  	[sflag:s5] =	ssyncadd.s32 $0xFFFFF060  }
0x1a9: {  	[spmem:s2] =	stream.indirect.scatter.add.f32 [tilespmem:s12], [sflag:$0x1], $0x20, s16, s6, $0xb8;
	[tilespmem:$0x19AA0] =	vst v63  }
0x1aa: {  	_ =	swait.ge [sflag:s5], $0xFA0  }
0x1ab: {  	[sflag:s5] =	ssyncset.done $0x0  }
0x1ac: {  	[sflag:s5] =	ssyncadd.s32 $0xFFFFF060  }
0x1ad: {  	[spmem:s2] =	stream.indirect.scatter.add.f32 [tilespmem:s9], [sflag:$0x1], $0x20, s13, s6, $0xb8;
	[tilespmem:$0x19AA0] =	vst v63  }
0x1ae: {  	_ =	swait.ge [sflag:s5], $0xFA0  }
0x1af: {  	[sflag:s5] =	ssyncset.done $0x0  }
0x1b0: {  	[sflag:s5] =	ssyncadd.s32 $0xFFFFF060  }
0x1b1: {  	[spmem:s2] =	stream.indirect.scatter.add.f32 [tilespmem:s8], [sflag:$0x1], $0x20, s10, s6, $0xb8;
	[tilespmem:$0x19AA0] =	vst v63  }
0x1b2: {  	_ =	swait.ge [sflag:s5], $0xFA0  }
0x1b3: {  	[sflag:s5] =	ssyncset.done $0x0  }
0x1b4: {  	p1 =	sne.s32 s1, $0x1;
	[sflag:s5] =	ssyncadd.s32 $0xFFFFF060  }
.Ltmp2:
0x1b5: {  	[bflag:$0x0] =	sbarrier.arrive $0xFFFF;
	(pc) =	sbr.rel @p1 .LBB2_2-.Ltmp2, $4  }
0x1b6: {  	s0 =	rddreg [dreg:$0x7]  }
0x1b7: {  	[hbm:s0], [sflag:s3] =	dma.local [spmem:s4], $0x9C4  }
0x1b8: {  	_ =	swait.ge [sflag:s5], $0x9C4  }
0x1b9: {  	s1 =	sadd.s32 $0xFFFFFFFF, s1;
	s0 =	rddreg [dreg:$0x3];
	[sflag:s5] =	ssyncset.done $0x0  }
.LBB2_3:
0x1ba: {  	[sflag:s5] =	ssyncadd.s32 @p0 $0xFFFFF63C  }
0x1bb: {  	[spmem:s4], [sflag:s3] =	dma.local [hbm:s0], $0x9C4  }
0x1bc: {  	_ =	swait.ge [sflag:s5], $0x9C4  }
0x1bd: {  	[sflag:s5] =	ssyncset.done $0x0  }
0x1be: {  	[sflag:s5] =	ssyncadd.s32 $0xFFFFF63C  }
0x1bf: {  	[bflag:$0x0] =	sbarrier.arrive $0xFFFF  }
0x1c0: {  	s1 =	rddreg [dreg:$0x4]  }
0x1c1: {  	[tilespmem:s7], [sflag:$0x1] =	stream.linear.gather [hbm4b:s1+s7], $0x1400, $0x38;
	[tilespmem:$0x19AA0] =	vst v63  }
0x1c2: {  	_ =	swait.ge [sflag:s5], $0x1400  }
0x1c3: {  	[sflag:s5] =	ssyncset.done $0x0  }
0x1c4: {  	s1 =	rddreg [dreg:$0x5];
	[sflag:s5] =	ssyncadd.s32 $0xFFFFEC00  }
0x1c5: {  	[tilespmem:s30], [sflag:$0x1] =	stream.linear.gather [hbm4b:s1+s7], $0x13880, $0x38;
	[tilespmem:$0x19AA0] =	vst v63  }
0x1c6: {  	_ =	swait.ge [sflag:s5], $0x13880  }
0x1c7: {  	[sflag:s5] =	ssyncset.done $0x0  }
0x1c8: {  	[sflag:s5] =	ssyncadd.s32 $0xFFFEC780  }
0x1c9: {  	[spmem:s2] =	stream.indirect.scatter.add.f32 [tilespmem:s30], [sflag:$0x1], $0x20, s7, s6, $0xb8;
	[tilespmem:$0x19AA0] =	vst v63  }
0x1ca: {  	_ =	swait.ge [sflag:s5], $0xFA0  }
0x1cb: {  	[sflag:s5] =	ssyncset.done $0x0  }
0x1cc: {  	s1 =	rddreg [dreg:$0x8];
	[sflag:s5] =	ssyncadd.s32 $0xFFFFF060  }
0x1cd: {  	[spmem:s2] =	stream.indirect.scatter.add.f32 [tilespmem:s31], [sflag:$0x1], $0x20, s1, s6, $0xb8;
	[tilespmem:$0x19AA0] =	vst v63  }
0x1ce: {  	_ =	swait.ge [sflag:s5], $0xFA0  }
0x1cf: {  	[sflag:s5] =	ssyncset.done $0x0  }
0x1d0: {  	s1 =	rddreg [dreg:$0x9];
	[sflag:s5] =	ssyncadd.s32 $0xFFFFF060  }
0x1d1: {  	[spmem:s2] =	stream.indirect.scatter.add.f32 [tilespmem:s29], [sflag:$0x1], $0x20, s1, s6, $0xb8;
	[tilespmem:$0x19AA0] =	vst v63  }
0x1d2: {  	_ =	swait.ge [sflag:s5], $0xFA0  }
0x1d3: {  	[sflag:s5] =	ssyncset.done $0x0  }
0x1d4: {  	s1 =	rddreg [dreg:$0xa];
	[sflag:s5] =	ssyncadd.s32 $0xFFFFF060  }
0x1d5: {  	[spmem:s2] =	stream.indirect.scatter.add.f32 [tilespmem:s28], [sflag:$0x1], $0x20, s1, s6, $0xb8;
	[tilespmem:$0x19AA0] =	vst v63  }
0x1d6: {  	_ =	swait.ge [sflag:s5], $0xFA0  }
0x1d7: {  	[sflag:s5] =	ssyncset.done $0x0  }
0x1d8: {  	s1 =	rddreg [dreg:$0xb];
	[sflag:s5] =	ssyncadd.s32 $0xFFFFF060  }
0x1d9: {  	[spmem:s2] =	stream.indirect.scatter.add.f32 [tilespmem:s26], [sflag:$0x1], $0x20, s1, s6, $0xb8;
	[tilespmem:$0x19AA0] =	vst v63  }
0x1da: {  	_ =	swait.ge [sflag:s5], $0xFA0  }
0x1db: {  	[sflag:s5] =	ssyncset.done $0x0  }
0x1dc: {  	s1 =	rddreg [dreg:$0xc];
	[sflag:s5] =	ssyncadd.s32 $0xFFFFF060  }
0x1dd: {  	[spmem:s2] =	stream.indirect.scatter.add.f32 [tilespmem:s25], [sflag:$0x1], $0x20, s1, s6, $0xb8;
	[tilespmem:$0x19AA0] =	vst v63  }
0x1de: {  	_ =	swait.ge [sflag:s5], $0xFA0  }
0x1df: {  	[sflag:s5] =	ssyncset.done $0x0  }
0x1e0: {  	s1 =	rddreg [dreg:$0xd];
	[sflag:s5] =	ssyncadd.s32 $0xFFFFF060  }
0x1e1: {  	[spmem:s2] =	stream.indirect.scatter.add.f32 [tilespmem:s24], [sflag:$0x1], $0x20, s1, s6, $0xb8;
	[tilespmem:$0x19AA0] =	vst v63  }
0x1e2: {  	_ =	swait.ge [sflag:s5], $0xFA0  }
0x1e3: {  	[sflag:s5] =	ssyncset.done $0x0  }
0x1e4: {  	s1 =	rddreg [dreg:$0xe];
	[sflag:s5] =	ssyncadd.s32 $0xFFFFF060  }
0x1e5: {  	[spmem:s2] =	stream.indirect.scatter.add.f32 [tilespmem:s23], [sflag:$0x1], $0x20, s1, s6, $0xb8;
	[tilespmem:$0x19AA0] =	vst v63  }
0x1e6: {  	_ =	swait.ge [sflag:s5], $0xFA0  }
0x1e7: {  	[sflag:s5] =	ssyncset.done $0x0  }
0x1e8: {  	s1 =	rddreg [dreg:$0xf];
	[sflag:s5] =	ssyncadd.s32 $0xFFFFF060  }
0x1e9: {  	[spmem:s2] =	stream.indirect.scatter.add.f32 [tilespmem:s22], [sflag:$0x1], $0x20, s1, s6, $0xb8;
	[tilespmem:$0x19AA0] =	vst v63  }
0x1ea: {  	_ =	swait.ge [sflag:s5], $0xFA0  }
0x1eb: {  	[sflag:s5] =	ssyncset.done $0x0  }
0x1ec: {  	s1 =	rddreg [dreg:$0x10];
	[sflag:s5] =	ssyncadd.s32 $0xFFFFF060  }
0x1ed: {  	[spmem:s2] =	stream.indirect.scatter.add.f32 [tilespmem:s21], [sflag:$0x1], $0x20, s1, s6, $0xb8;
	[tilespmem:$0x19AA0] =	vst v63  }
0x1ee: {  	_ =	swait.ge [sflag:s5], $0xFA0  }
0x1ef: {  	[sflag:s5] =	ssyncset.done $0x0  }
0x1f0: {  	s1 =	rddreg [dreg:$0x11];
	[sflag:s5] =	ssyncadd.s32 $0xFFFFF060  }
0x1f1: {  	[spmem:s2] =	stream.indirect.scatter.add.f32 [tilespmem:s20], [sflag:$0x1], $0x20, s1, s6, $0xb8;
	[tilespmem:$0x19AA0] =	vst v63  }
0x1f2: {  	_ =	swait.ge [sflag:s5], $0xFA0  }
0x1f3: {  	[sflag:s5] =	ssyncset.done $0x0  }
0x1f4: {  	s1 =	rddreg [dreg:$0x12];
	[sflag:s5] =	ssyncadd.s32 $0xFFFFF060  }
0x1f5: {  	[spmem:s2] =	stream.indirect.scatter.add.f32 [tilespmem:s19], [sflag:$0x1], $0x20, s1, s6, $0xb8;
	[tilespmem:$0x19AA0] =	vst v63  }
0x1f6: {  	_ =	swait.ge [sflag:s5], $0xFA0  }
0x1f7: {  	[sflag:s5] =	ssyncset.done $0x0  }
0x1f8: {  	s1 =	rddreg [dreg:$0x13];
	[sflag:s5] =	ssyncadd.s32 $0xFFFFF060  }
0x1f9: {  	[spmem:s2] =	stream.indirect.scatter.add.f32 [tilespmem:s18], [sflag:$0x1], $0x20, s1, s6, $0xb8;
	[tilespmem:$0x19AA0] =	vst v63  }
0x1fa: {  	_ =	swait.ge [sflag:s5], $0xFA0  }
0x1fb: {  	[sflag:s5] =	ssyncset.done $0x0  }
0x1fc: {  	s1 =	rddreg [dreg:$0x14];
	[sflag:s5] =	ssyncadd.s32 $0xFFFFF060  }
0x1fd: {  	[spmem:s2] =	stream.indirect.scatter.add.f32 [tilespmem:s17], [sflag:$0x1], $0x20, s1, s6, $0xb8;
	[tilespmem:$0x19AA0] =	vst v63  }
0x1fe: {  	_ =	swait.ge [sflag:s5], $0xFA0  }
0x1ff: {  	[sflag:s5] =	ssyncset.done $0x0  }
0x200: {  	s1 =	rddreg [dreg:$0x15];
	[sflag:s5] =	ssyncadd.s32 $0xFFFFF060  }
0x201: {  	[spmem:s2] =	stream.indirect.scatter.add.f32 [tilespmem:s15], [sflag:$0x1], $0x20, s1, s6, $0xb8;
	[tilespmem:$0x19AA0] =	vst v63  }
0x202: {  	_ =	swait.ge [sflag:s5], $0xFA0  }
0x203: {  	[sflag:s5] =	ssyncset.done $0x0  }
0x204: {  	s1 =	rddreg [dreg:$0x16];
	[sflag:s5] =	ssyncadd.s32 $0xFFFFF060  }
0x205: {  	[spmem:s2] =	stream.indirect.scatter.add.f32 [tilespmem:s14], [sflag:$0x1], $0x20, s1, s6, $0xb8;
	[tilespmem:$0x19AA0] =	vst v63  }
0x206: {  	_ =	swait.ge [sflag:s5], $0xFA0  }
0x207: {  	[sflag:s5] =	ssyncset.done $0x0  }
0x208: {  	s1 =	rddreg [dreg:$0x17];
	[sflag:s5] =	ssyncadd.s32 $0xFFFFF060  }
0x209: {  	[spmem:s2] =	stream.indirect.scatter.add.f32 [tilespmem:s11], [sflag:$0x1], $0x20, s1, s6, $0xb8;
	[tilespmem:$0x19AA0] =	vst v63  }
0x20a: {  	_ =	swait.ge [sflag:s5], $0xFA0  }
0x20b: {  	[sflag:s5] =	ssyncset.done $0x0  }
0x20c: {  	s1 =	rddreg [dreg:$0x18];
	[sflag:s5] =	ssyncadd.s32 $0xFFFFF060  }
0x20d: {  	[spmem:s2] =	stream.indirect.scatter.add.f32 [tilespmem:s12], [sflag:$0x1], $0x20, s1, s6, $0xb8;
	[tilespmem:$0x19AA0] =	vst v63  }
0x20e: {  	_ =	swait.ge [sflag:s5], $0xFA0  }
0x20f: {  	[sflag:s5] =	ssyncset.done $0x0  }
0x210: {  	s1 =	rddreg [dreg:$0x19];
	[sflag:s5] =	ssyncadd.s32 $0xFFFFF060  }
0x211: {  	[spmem:s2] =	stream.indirect.scatter.add.f32 [tilespmem:s9], [sflag:$0x1], $0x20, s1, s6, $0xb8;
	[tilespmem:$0x19AA0] =	vst v63  }
0x212: {  	_ =	swait.ge [sflag:s5], $0xFA0  }
0x213: {  	[sflag:s5] =	ssyncset.done $0x0  }
0x214: {  	s1 =	rddreg [dreg:$0x1a];
	[sflag:s5] =	ssyncadd.s32 $0xFFFFF060  }
0x215: {  	[spmem:s2] =	stream.indirect.scatter.add.f32 [tilespmem:s8], [sflag:$0x1], $0x20, s1, s6, $0xb8;
	[tilespmem:$0x19AA0] =	vst v63  }
0x216: {  	_ =	swait.ge [sflag:s5], $0xFA0  }
0x217: {  	[sflag:s5] =	ssyncset.done $0x0  }
0x218: {  	s1 =	rddreg [dreg:$0x6];
	[sflag:s5] =	ssyncadd.s32 $0xFFFFF060  }
0x219: {  	[tilespmem:s30], [sflag:$0x1] =	stream.linear.gather [hbm4b:s1+s7], $0x13880, $0x38;
	[tilespmem:$0x19AA0] =	vst v63  }
0x21a: {  	_ =	swait.ge [sflag:s5], $0x13880  }
0x21b: {  	[sflag:s5] =	ssyncset.done $0x0  }
0x21c: {  	s7 =	rddreg [dreg:$0x1b];
	[sflag:s5] =	ssyncadd.s32 $0xFFFEC780  }
0x21d: {  	[spmem:s2] =	stream.indirect.scatter.add.f32 [tilespmem:s30], [sflag:$0x1], $0x20, s7, s6, $0xb8;
	[tilespmem:$0x19AA0] =	vst v63  }
0x21e: {  	_ =	swait.ge [sflag:s5], $0xFA0  }
0x21f: {  	[sflag:s5] =	ssyncset.done $0x0  }
0x220: {  	s30 =	rddreg [dreg:$0x1c];
	[sflag:s5] =	ssyncadd.s32 $0xFFFFF060  }
0x221: {  	[spmem:s2] =	stream.indirect.scatter.add.f32 [tilespmem:s31], [sflag:$0x1], $0x20, s30, s6, $0xb8;
	[tilespmem:$0x19AA0] =	vst v63  }
0x222: {  	_ =	swait.ge [sflag:s5], $0xFA0  }
0x223: {  	[sflag:s5] =	ssyncset.done $0x0  }
0x224: {  	s1 =	rddreg [dreg:$0x1d];
	[sflag:s5] =	ssyncadd.s32 $0xFFFFF060  }
0x225: {  	[spmem:s2] =	stream.indirect.scatter.add.f32 [tilespmem:s29], [sflag:$0x1], $0x20, s1, s6, $0xb8;
	[tilespmem:$0x19AA0] =	vst v63  }
0x226: {  	_ =	swait.ge [sflag:s5], $0xFA0  }
0x227: {  	[sflag:s5] =	ssyncset.done $0x0  }
0x228: {  	s7 =	rddreg [dreg:$0x1e];
	[sflag:s5] =	ssyncadd.s32 $0xFFFFF060  }
0x229: {  	[spmem:s2] =	stream.indirect.scatter.add.f32 [tilespmem:s28], [sflag:$0x1], $0x20, s7, s6, $0xb8;
	[tilespmem:$0x19AA0] =	vst v63  }
0x22a: {  	_ =	swait.ge [sflag:s5], $0xFA0  }
0x22b: {  	[sflag:s5] =	ssyncset.done $0x0  }
0x22c: {  	s28 =	rddreg [dreg:$0x1f];
	[sflag:s5] =	ssyncadd.s32 $0xFFFFF060  }
0x22d: {  	[spmem:s2] =	stream.indirect.scatter.add.f32 [tilespmem:s26], [sflag:$0x1], $0x20, s28, s6, $0xb8;
	[tilespmem:$0x19AA0] =	vst v63  }
0x22e: {  	_ =	swait.ge [sflag:s5], $0xFA0  }
0x22f: {  	s29 =	sld [smem:$0x7F2]  }
0x230: {  	[sflag:s5] =	ssyncset.done $0x0  }
0x231: {  	[sflag:s5] =	ssyncadd.s32 $0xFFFFF060  }
0x232: {  	[spmem:s2] =	stream.indirect.scatter.add.f32 [tilespmem:s25], [sflag:$0x1], $0x20, s29, s6, $0xb8;
	[tilespmem:$0x19AA0] =	vst v63  }
0x233: {  	_ =	swait.ge [sflag:s5], $0xFA0  }
0x234: {  	s30 =	sld [smem:$0x7F3]  }
0x235: {  	[sflag:s5] =	ssyncset.done $0x0  }
0x236: {  	[sflag:s5] =	ssyncadd.s32 $0xFFFFF060  }
0x237: {  	[spmem:s2] =	stream.indirect.scatter.add.f32 [tilespmem:s24], [sflag:$0x1], $0x20, s30, s6, $0xb8;
	[tilespmem:$0x19AA0] =	vst v63  }
0x238: {  	_ =	swait.ge [sflag:s5], $0xFA0  }
0x239: {  	s31 =	sld [smem:$0x7F4]  }
0x23a: {  	[sflag:s5] =	ssyncset.done $0x0  }
0x23b: {  	[sflag:s5] =	ssyncadd.s32 $0xFFFFF060  }
0x23c: {  	[spmem:s2] =	stream.indirect.scatter.add.f32 [tilespmem:s23], [sflag:$0x1], $0x20, s31, s6, $0xb8;
	[tilespmem:$0x19AA0] =	vst v63  }
0x23d: {  	_ =	swait.ge [sflag:s5], $0xFA0  }
0x23e: {  	s1 =	sld [smem:$0x7F5]  }
0x23f: {  	[sflag:s5] =	ssyncset.done $0x0  }
0x240: {  	[sflag:s5] =	ssyncadd.s32 $0xFFFFF060  }
0x241: {  	[spmem:s2] =	stream.indirect.scatter.add.f32 [tilespmem:s22], [sflag:$0x1], $0x20, s1, s6, $0xb8;
	[tilespmem:$0x19AA0] =	vst v63  }
0x242: {  	_ =	swait.ge [sflag:s5], $0xFA0  }
0x243: {  	s7 =	sld [smem:$0x7F6]  }
0x244: {  	[sflag:s5] =	ssyncset.done $0x0  }
0x245: {  	[sflag:s5] =	ssyncadd.s32 $0xFFFFF060  }
0x246: {  	[spmem:s2] =	stream.indirect.scatter.add.f32 [tilespmem:s21], [sflag:$0x1], $0x20, s7, s6, $0xb8;
	[tilespmem:$0x19AA0] =	vst v63  }
0x247: {  	_ =	swait.ge [sflag:s5], $0xFA0  }
0x248: {  	s22 =	sld [smem:$0x7F7]  }
0x249: {  	[sflag:s5] =	ssyncset.done $0x0  }
0x24a: {  	[sflag:s5] =	ssyncadd.s32 $0xFFFFF060  }
0x24b: {  	[spmem:s2] =	stream.indirect.scatter.add.f32 [tilespmem:s20], [sflag:$0x1], $0x20, s22, s6, $0xb8;
	[tilespmem:$0x19AA0] =	vst v63  }
0x24c: {  	_ =	swait.ge [sflag:s5], $0xFA0  }
0x24d: {  	s23 =	sld [smem:$0x7F8]  }
0x24e: {  	[sflag:s5] =	ssyncset.done $0x0  }
0x24f: {  	[sflag:s5] =	ssyncadd.s32 $0xFFFFF060  }
0x250: {  	[spmem:s2] =	stream.indirect.scatter.add.f32 [tilespmem:s19], [sflag:$0x1], $0x20, s23, s6, $0xb8;
	[tilespmem:$0x19AA0] =	vst v63  }
0x251: {  	_ =	swait.ge [sflag:s5], $0xFA0  }
0x252: {  	s24 =	sld [smem:$0x7F9]  }
0x253: {  	[sflag:s5] =	ssyncset.done $0x0  }
0x254: {  	[sflag:s5] =	ssyncadd.s32 $0xFFFFF060  }
0x255: {  	[spmem:s2] =	stream.indirect.scatter.add.f32 [tilespmem:s18], [sflag:$0x1], $0x20, s24, s6, $0xb8;
	[tilespmem:$0x19AA0] =	vst v63  }
0x256: {  	_ =	swait.ge [sflag:s5], $0xFA0  }
0x257: {  	s25 =	sld [smem:$0x7FA]  }
0x258: {  	[sflag:s5] =	ssyncset.done $0x0  }
0x259: {  	[sflag:s5] =	ssyncadd.s32 $0xFFFFF060  }
0x25a: {  	[spmem:s2] =	stream.indirect.scatter.add.f32 [tilespmem:s17], [sflag:$0x1], $0x20, s25, s6, $0xb8;
	[tilespmem:$0x19AA0] =	vst v63  }
0x25b: {  	_ =	swait.ge [sflag:s5], $0xFA0  }
0x25c: {  	s26 =	sld [smem:$0x7FB]  }
0x25d: {  	[sflag:s5] =	ssyncset.done $0x0  }
0x25e: {  	[sflag:s5] =	ssyncadd.s32 $0xFFFFF060  }
0x25f: {  	[spmem:s2] =	stream.indirect.scatter.add.f32 [tilespmem:s15], [sflag:$0x1], $0x20, s26, s6, $0xb8;
	[tilespmem:$0x19AA0] =	vst v63  }
0x260: {  	_ =	swait.ge [sflag:s5], $0xFA0  }
0x261: {  	s28 =	sld [smem:$0x7FC]  }
0x262: {  	[sflag:s5] =	ssyncset.done $0x0  }
0x263: {  	[sflag:s5] =	ssyncadd.s32 $0xFFFFF060  }
0x264: {  	[spmem:s2] =	stream.indirect.scatter.add.f32 [tilespmem:s14], [sflag:$0x1], $0x20, s28, s6, $0xb8;
	[tilespmem:$0x19AA0] =	vst v63  }
0x265: {  	_ =	swait.ge [sflag:s5], $0xFA0  }
0x266: {  	s29 =	sld [smem:$0x7FD]  }
0x267: {  	[sflag:s5] =	ssyncset.done $0x0  }
0x268: {  	[sflag:s5] =	ssyncadd.s32 $0xFFFFF060  }
0x269: {  	[spmem:s2] =	stream.indirect.scatter.add.f32 [tilespmem:s11], [sflag:$0x1], $0x20, s29, s6, $0xb8;
	[tilespmem:$0x19AA0] =	vst v63  }
0x26a: {  	_ =	swait.ge [sflag:s5], $0xFA0  }
0x26b: {  	[sflag:s5] =	ssyncset.done $0x0  }
0x26c: {  	[sflag:s5] =	ssyncadd.s32 $0xFFFFF060  }
0x26d: {  	[spmem:s2] =	stream.indirect.scatter.add.f32 [tilespmem:s12], [sflag:$0x1], $0x20, s16, s6, $0xb8;
	[tilespmem:$0x19AA0] =	vst v63  }
0x26e: {  	_ =	swait.ge [sflag:s5], $0xFA0  }
0x26f: {  	[sflag:s5] =	ssyncset.done $0x0  }
0x270: {  	[sflag:s5] =	ssyncadd.s32 $0xFFFFF060  }
0x271: {  	[spmem:s2] =	stream.indirect.scatter.add.f32 [tilespmem:s9], [sflag:$0x1], $0x20, s13, s6, $0xb8;
	[tilespmem:$0x19AA0] =	vst v63  }
0x272: {  	_ =	swait.ge [sflag:s5], $0xFA0  }
0x273: {  	[sflag:s5] =	ssyncset.done $0x0  }
0x274: {  	[sflag:s5] =	ssyncadd.s32 $0xFFFFF060  }
0x275: {  	[spmem:s2] =	stream.indirect.scatter.add.f32 [tilespmem:s8], [sflag:$0x1], $0x20, s10, s6, $0xb8;
	[tilespmem:$0x19AA0] =	vst v63  }
0x276: {  	_ =	swait.ge [sflag:s5], $0xFA0  }
0x277: {  	[sflag:s5] =	ssyncset.done $0x0  }
0x278: {  	[sflag:s5] =	ssyncadd.s32 $0xFFFFF060  }
0x279: {  	[bflag:$0x0] =	sbarrier.arrive $0xFFFF  }
0x27a: {  	s30 =	rddreg [dreg:$0x7]  }
0x27b: {  	[hbm:s30], [sflag:s3] =	dma.local [spmem:s4], $0x9C4  }
0x27c: {  	_ =	swait.ge [sflag:s5], $0x9C4  }
0x27d: {  	[sflag:s5] =	ssyncset.done $0x0  }
0x27e: {  	[sflag:s5] =	ssyncadd.s32 $0xFFFFF63C  }
0x27f: {  	_ =	sfence.sel $0x180000  }
0x280: {  	[bflag:$0x0] =	sbarrier.arrive $0xFFFF  }
0x281: {  	_ =	strace $0x9000004A  }
0x282: {  	s31 =	stileid.u32;
	[bflag:$0x2] =	sbarrier.arrive $0xFFFF  }
0x283: {  	p0 =	sne.s32 s31, $0x0;
	s0 =	rddreg [dreg:$0x2]  }
0x284: {  	s0 =	sadd.s32 @!p0 $0x100000, s0  }
0x285: {  	[sflag:s0] =	ssyncadd.tile.s32 @!p0 $0x1;
	_ =	shalt  }
.Lfunc_end2:
_tile_overlayer_lowered:
.L_overlay_start_2:
0x286: {  	(tag) =	ssettag $0x2  }
0x287: {  	s0 =	rddreg [dreg:$0x0];
	s2 =	stileid.u32  }
0x288: {  	s1 =	rddreg [dreg:$0x1];
	p0 =	sne.s32 s2, $0x0  }
0x289: {  	s3 =	rddreg [dreg:$0x2];
	[bflag:$0x3] =	sbarrier.arrive $0xFFFF;
	s2 =	simm.s32 @!p0 $0x1C01  }
0x28a: {  	[timem:s3], [sflag:s2] =	dma.local @!p0 [hbm:s0], s1  }
0x28b: {  	s0 =	simm.s32 @!p0 $0x1  }
0x28c: {  	_ =	swait.ge @!p0 [sflag:s0], s1  }
0x28d: {  	s1 =	ssub.s32 @!p0 $0x0, s1;
	[sflag:s0] =	ssyncset.done @!p0 $0x0  }
0x28e: {  	[sflag:s0] =	ssyncadd.s32 @!p0 s1  }
0x28f: {  	[bflag:$0x3] =	sbarrier.arrive $0xFFFF  }
0x290: {  	_ =	shalt  }

// kernel: kernel.7.cloned.1.call-start
scs
__scs_entry_jumppad:
0x0: {  	(pc) =	sbr.rel $0x88, $3  }
0x1: {  	(tag) =	ssettag $0x0;
	lr =	simm.s32 $0x1  }
0x2: {  	[smem:$0x3F92] =	sst lr;
	_ =	strace $0xD0000000  }
0x3: {  	_ = 	snop  }
0x4: {  	_ = 	snop  }
0x5: {  	_ = 	snop  }
0x6: {  	_ = 	snop  }
0x7: {  	_ = 	snop  }
__scs_overlays_trampoline_lowered:
0x8: {  	[smem:$0x3FA1] =	sst s0  }
0x9: {  	[smem:$0x3FA2] =	sst s1  }
0xa: {  	[smem:$0x3FA3] =	sst s2  }
0xb: {  	[smem:$0x3FA4] =	sst s3  }
0xc: {  	[smem:$0x3FA5] =	sst s4  }
0xd: {  	[smem:$0x3FA6] =	sst s5  }
0xe: {  	[smem:$0x3FA7] =	sst s6  }
0xf: {  	[smem:$0x3FA8] =	sst s7  }
0x10: {  	[smem:$0x3FA9] =	sst s8  }
0x11: {  	[smem:$0x3FAA] =	sst s9;
	s0 =	simm.s32 @!p0 $0x0  }
0x12: {  	s1 =	sld [smem:$0x3F90];
	s0 =	simm.s32 @p0 $0x1  }
0x13: {  	[smem:$0x3FAB] =	sst s0;
	s0 =	simm.s32 @!p1 $0x0  }
0x14: {  	s2 =	sld [smem:$0x3F8F];
	s0 =	simm.s32 @p1 $0x1  }
0x15: {  	[smem:$0x3FAC] =	sst s0;
	s0 =	simm.s32 @!p2 $0x0  }
0x16: {  	s3 =	sld [smem:$0x3FDB];
	s0 =	simm.s32 @p2 $0x1  }
0x17: {  	s4 =	simm.s32 $0x1BF5;
	[smem:$0x3FAE] =	sst s0  }
0x18: {  	s0 =	sld [smem:$0x3F91];
	_ =	swait.ge [sflag:s4], $0x0  }
0x19: {  	s7 =	sld [smem:$0x3F92]  }
0x1a: {  	s8 =	sadd.s32 $0xFFFFE003, lr  }
0x1b: {  	s9 =	sadd.s32 $0xFFFFFEF7, lr;
	s5 =	simm.s32 $0xFFFFFFFF;
	p2 =	slt.u32 s8, $0xFFFFF086  }
0x1c: {  	p1 =	slt.u32 s9, $0xF7A;
	s5 =	simm.s32 @!p2 $0x0  }
0x1d: {  	s5 =	simm.s32 @p1 $0x1;
	p0 =	seq.s32 s7, s2  }
0x1e: {  	s7 =	smul.u32 @!p0 $0xF7A, s2;
	p2 =	seq.s32 @!p0 s5, $0x0  }
0x1f: {  	s9 =	smul.u32 $0xF7A, s1;
	s8 =	simm.s32 @!p0 $0x1BF5;
	p2 =	por !p2, p0  }
0x20: {  	[sflag:s8] =	ssyncset.s32 @!p0 $0xFFFFF086;
	s6 =	sadd.s32 @!p0 s3, s7;
	s7 =	simm.s32 @!p0 $0x108  }
0x21: {  	s3 =	sadd.s32 s3, s9;
	s6 =	sadd.s32 @!p0 $0x88, s6;
	s7 =	simm.s32 @p2 $0x1082  }
0x22: {  	[simem:s7], [sflag:s8] =	dma.local @!p0 [hbm:s6], $0xF7A  }
0x23: {  	s9 =	sor.u32 $0xD0000000, s2;
	s6 =	simm.s32 $0x108;
	_ =	swait.ge @!p0 [sflag:s8], $0x0  }
0x24: {  	s3 =	sadd.s32 $0x88, s3;
	s6 =	simm.s32 @!p1 $0x1082;
	[sflag:s4] =	ssyncset.s32 $0xFFFFF086  }
0x25: {  	[simem:s6], [sflag:s4] =	dma.local [hbm:s3], $0xF7A  }
0x26: {  	[smem:$0x3F92] =	sst s1;
	(tag) =	ssettag s2;
	_ =	strace s9  }
0x27: {  	s1 =	sld [smem:$0x3FA2]  }
0x28: {  	s2 =	sld [smem:$0x3FA3]  }
0x29: {  	s4 =	sld [smem:$0x3FA5]  }
0x2a: {  	p0 =	seq.s32 s5, $0x0;
	s5 =	sld [smem:$0x3FA6]  }
0x2b: {  	s6 =	sld [smem:$0x3FA7]  }
0x2c: {  	s7 =	sld [smem:$0x3FA8]  }
0x2d: {  	s3 =	simm.s32 $0x108;
	s8 =	sld [smem:$0x3FA9]  }
0x2e: {  	s3 =	simm.s32 @!p0 $0x1082;
	s9 =	sld [smem:$0x3FAA]  }
0x2f: {  	lr =	sadd.s32 s0, s3;
	s0 =	sld [smem:$0x3FA1]  }
0x30: {  	s3 =	sld [smem:$0x3FA4]  }
0x31: {  	[smem:$0x3FAD] =	sst s10  }
0x32: {  	s10 =	sld [smem:$0x3FAB];
	_ =	sdelay $0x3  }
0x33: {  	p0 =	seq.s32 s10, $0x1;
	s10 =	sld [smem:$0x3FAD];
	_ =	sdelay $0x3  }
0x34: {  	[smem:$0x3FAD] =	sst s10  }
0x35: {  	s10 =	sld [smem:$0x3FAC];
	_ =	sdelay $0x3  }
0x36: {  	p1 =	seq.s32 s10, $0x1;
	s10 =	sld [smem:$0x3FAD];
	_ =	sdelay $0x3  }
0x37: {  	[smem:$0x3FAD] =	sst s10  }
0x38: {  	s10 =	sld [smem:$0x3FAE]  }
0x39: {  	_ = 	snop;
	(pc) =	sbr.ind lr, $3  }
0x3a: {  	_ = 	snop  }
0x3b: {  	_ = 	snop  }
0x3c: {  	p2 =	seq.s32 s10, $0x1;
	s10 =	sld [smem:$0x3FAD]  }
0x3d: {  	_ =	shalt  }
0x3e: {  	_ =	shalt  }
0x3f: {  	_ =	shalt  }
0x40: {  	_ =	shalt  }
0x41: {  	_ =	shalt  }
0x42: {  	_ =	shalt  }
0x43: {  	_ =	shalt  }
0x44: {  	_ =	shalt  }
0x45: {  	_ =	shalt  }
0x46: {  	_ =	shalt  }
0x47: {  	_ =	shalt  }
0x48: {  	_ =	shalt  }
0x49: {  	_ =	shalt  }
0x4a: {  	_ =	shalt  }
0x4b: {  	_ =	shalt  }
0x4c: {  	_ =	shalt  }
0x4d: {  	_ =	shalt  }
0x4e: {  	_ =	shalt  }
0x4f: {  	_ =	shalt  }
0x50: {  	_ =	shalt  }
0x51: {  	_ =	shalt  }
0x52: {  	_ =	shalt  }
0x53: {  	_ =	shalt  }
0x54: {  	_ =	shalt  }
0x55: {  	_ =	shalt  }
0x56: {  	_ =	shalt  }
0x57: {  	_ =	shalt  }
0x58: {  	_ =	shalt  }
0x59: {  	_ =	shalt  }
0x5a: {  	_ =	shalt  }
0x5b: {  	_ =	shalt  }
0x5c: {  	_ =	shalt  }
0x5d: {  	_ =	shalt  }
0x5e: {  	_ =	shalt  }
0x5f: {  	_ =	shalt  }
0x60: {  	_ =	shalt  }
0x61: {  	_ =	shalt  }
0x62: {  	_ =	shalt  }
0x63: {  	_ =	shalt  }
0x64: {  	_ =	shalt  }
0x65: {  	_ =	shalt  }
0x66: {  	_ =	shalt  }
0x67: {  	_ =	shalt  }
0x68: {  	_ =	shalt  }
0x69: {  	_ =	shalt  }
0x6a: {  	_ =	shalt  }
0x6b: {  	_ =	shalt  }
0x6c: {  	_ =	shalt  }
0x6d: {  	_ =	shalt  }
0x6e: {  	_ =	shalt  }
0x6f: {  	_ =	shalt  }
0x70: {  	_ =	shalt  }
0x71: {  	_ =	shalt  }
0x72: {  	_ =	shalt  }
0x73: {  	_ =	shalt  }
0x74: {  	_ =	shalt  }
0x75: {  	_ =	shalt  }
0x76: {  	_ =	shalt  }
0x77: {  	_ =	shalt  }
0x78: {  	_ =	shalt  }
0x79: {  	_ =	shalt  }
0x7a: {  	_ =	shalt  }
0x7b: {  	_ =	shalt  }
0x7c: {  	_ =	shalt  }
0x7d: {  	_ =	shalt  }
0x7e: {  	_ =	shalt  }
0x7f: {  	_ =	shalt  }
0x80: {  	_ =	shalt  }
0x81: {  	_ =	shalt  }
0x82: {  	_ =	shalt  }
0x83: {  	_ =	shalt  }
0x84: {  	_ =	shalt  }
0x85: {  	_ =	shalt  }
0x86: {  	_ =	shalt  }
0x87: {  	_ =	shalt  }
.Lfunc_end0:
.L_simem_size_0:
called_computation_lowered:
.L_overlay_start_0:
0x88: {  	s2 =	sld [smem:$0x3FD9]  }
0x89: {  	s3 =	sld [smem:$0x3FFE];
	_ =	sdelay $0x1  }
0x8a: {  	s1 =	srdreg.scid  }
0x8b: {  	s0 =	sand.u32 $0x1, s1  }
0x8c: {  	s17 =	sshll.u32 s0, $0xA;
	s2 =	sadd.s32 s3, s2  }
0x8d: {  	s2 =	sadd.s32 s2, s17  }
0x8e: {  	[smem:$0x3FB9] =	sst s2  }
0x8f: {  	_ = 	snop  }
0x90: {  	s2 =	sld [smem:$0x3FD0];
	(tm) =	ssettm $0x1  }
0x91: {  	s18 =	sld [smem:$0x3FFB];
	_ =	sdelay $0x3  }
0x92: {  	_ =	strace s18  }
0x93: {  	s3 =	sld [smem:$0x3FFC];
	_ =	sdelay $0x3  }
0x94: {  	_ =	strace s3  }
0x95: {  	s3 =	sld [smem:$0x3FFD];
	_ =	sdelay $0x3  }
0x96: {  	_ =	strace s3  }
0x97: {  	_ =	strace $0x8FFFFFFF  }
0x98: {  	s19 =	sld [smem:$0x3FDB];
	_ =	sdelay $0x1  }
0x99: {  	s4 =	simm.s32 $_scs_section_size  }
0x9a: {  	s5 =	simm.s32 $_size__tile_overlayer_lowered;
	s6 =	simm.s32 $_tile_overlayer_lowered  }
0x9b: {  	s22 =	simm.s32 $0x1BFF;
	s21 =	sshll.u32 s6, $0x1;
	s3 =	sadd.s32 s4, s19  }
0x9c: {  	s7 =	simm.s32 $0x0;
	s20 =	sshll.u32 s5, $0x1;
	s5 =	sadd.s32 s21, s3  }
0x9d: {  	[timem:s7], [sflag:s22] =	dma.local [hbm:s5], s20  }
0x9e: {  	_ =	swait.ge [sflag:s22], s20  }
0x9f: {  	s4 =	ssub.s32 $0x0, s20;
	[sflag:s22] =	ssyncset.done $0x0  }
0xa0: {  	[sflag:s22] =	ssyncadd.s32 s4;
	_ =	sdelay $0x1  }
0xa1: {  	s23 =	simm.s32 $0x1B8B  }
0xa2: {  	_ =	swait.ge [sflag:s23], $0x1  }
0xa3: {  	[sflag:s23] =	ssyncset.done $0x0  }
0xa4: {  	s25 =	simm.s32 $0x1B8E;
	s24 =	sld [smem:$0x3FFE];
	[sflag:s23] =	ssyncadd.s32 $0xFFFFFFFF  }
0xa5: {  	s26 =	simm.s32 $execute0_lowered;
	[smem:$0x3FD2] =	sst s25  }
0xa6: {  	s5 =	sshll.u32 s26, $0x1;
	_ =	strace $0x80000046;
	[dreg:$0x1] =	wrdreg $0xFFFFFFFF  }
0xa7: {  	s28 =	simm.s32 $_size_execute0_lowered;
	s3 =	sadd.s32 s3, s5;
	[dreg:$0x0] =	wrdreg $0x0  }
0xa8: {  	s5 =	sshll.u32 s28, $0x1;
	[dreg:$0x2] =	wrdreg s3  }
0xa9: {  	[dreg:$0x3] =	wrdreg s5  }
0xaa: {  	[dreg:$0x4] =	wrdreg $0xC0  }
0xab: {  	_ =	task [dreg:s7], $0x5FFFF  }
0xac: {  	[dreg:$0x1] =	wrdreg $0xFFFFFFFF  }
0xad: {  	[dreg:$0x0] =	wrdreg $0x60  }
0xae: {  	[dreg:$0x2] =	wrdreg s2  }
0xaf: {  	[dreg:$0x3] =	wrdreg s24  }
0xb0: {  	[dreg:$0x4] =	wrdreg $0x9  }
0xb1: {  	_ =	task.clear_ibuf [dreg:s7], $0x5FFFF;
	_ =	strace $0x90000046  }
0xb2: {  	s29 =	simm.s32 $0x9;
	_ =	strace $0x80000048  }
0xb3: {  	_ =	swait.ge [sflag:s29], $0x1  }
0xb4: {  	[sflag:s29] =	ssyncadd.s32 $0xFFFFFFFF  }
0xb5: {  	_ =	strace $0x90000048  }
0xb6: {  	_ =	sfence  }
0xb7: {  	s30 =	sld [smem:$0x0];
	_ =	sdelay $0x2  }
0xb8: {  	s31 =	sshll.u32 s1, $0xD;
	s1 =	sshrl.u32 s1, $0x2  }
0xb9: {  	s3 =	sand.u32 $0x4000, s31;
	s1 =	sadd.s32 s1, s30  }
0xba: {  	s0 =	sor.u32 s3, s0;
	s1 =	sshll.u32 s1, $0x11  }
0xbb: {  	s0 =	sor.u32 s1, s0  }
0xbc: {  	s0 =	sadd.s32 $0x8F2B, s0  }
0xbd: {  	[sflag:s0] =	ssyncadd.remote.s32 $0x1  }
0xbe: {  	_ =	sfence.sel $0xFFFF  }
0xbf: {  	[dreg:$0x0] =	wrdreg $0xFFFFFFFF;
	(pc) =	sbr.abs _section_cstart, $3  }
0xc0: {  	[dreg:$0x1] =	wrdreg $0xFFFFFFFF  }
0xc1: {  	_ =	task.clear_ibuf [dreg:s7], $0x2FFFF;
	_ =	strace $0x9FFFFFFF  }
0xc2: {  	(tm) =	ssettm $0x7FFFFFFF  }
0xc3: {  	_ =	shalt  }
tec
execute0_lowered:
.L_overlay_start_1:
0x0: {  	(tag) =	ssettag $0x1  }
0x1: {  	s0 =	srdreg.scid  }
0x2: {  	s0 =	sand.u32 $0x1, s0  }
0x3: {  	s5 =	rddreg [dreg:$0x0];
	s2 =	stileid.u32;
	s1 =	sshll.u32 s0, $0x4  }
0x4: {  	s3 =	rddreg [dreg:$0x1];
	s1 =	sor.u32 s2, s1;
	s2 =	simm.s32 $0x0  }
0x5: {  	s13 =	simm.s32 $0x80;
	[smem:$0x7FF] =	sst s2  }
0x6: {  	s14 =	simm.s32 $0x100;
	_ =	strace $0x80000047;
	[dreg:$0x6] =	wrdreg s13  }
0x7: {  	s15 =	simm.s32 $0x180;
	[dreg:$0x7] =	wrdreg s14  }
0x8: {  	s16 =	simm.s32 $0x200;
	[dreg:$0x8] =	wrdreg s15  }
0x9: {  	s17 =	simm.s32 $0x280;
	s18 =	simm.s32 $0x300;
	[dreg:$0x9] =	wrdreg s16  }
0xa: {  	s19 =	simm.s32 $0x380;
	s20 =	simm.s32 $0x400;
	[dreg:$0xa] =	wrdreg s17  }
0xb: {  	s21 =	simm.s32 $0x480;
	s22 =	simm.s32 $0x500;
	[dreg:$0xb] =	wrdreg s18  }
0xc: {  	s23 =	simm.s32 $0x580;
	s24 =	simm.s32 $0x600;
	[dreg:$0xc] =	wrdreg s19  }
0xd: {  	s26 =	simm.s32 $0x680;
	s7 =	simm.s32 $0x800;
	[dreg:$0xd] =	wrdreg s20  }
0xe: {  	s8 =	simm.s32 $0x880;
	s9 =	simm.s32 $0x900;
	[dreg:$0xe] =	wrdreg s21  }
0xf: {  	s10 =	simm.s32 $0x980;
	s11 =	simm.s32 $0xA00;
	[dreg:$0xf] =	wrdreg s22  }
0x10: {  	p0 =	por $0x0, $0x0;
	s30 =	simm.s32 $0x1280;
	[dreg:$0x10] =	wrdreg s23  }
0x11: {  	s31 =	simm.s32 $0x1300;
	s29 =	simm.s32 $0x1380;
	[dreg:$0x11] =	wrdreg s24  }
0x12: {  	s0 =	ssub.s32 $0x2, s0;
	s4 =	smul.u32 $0x280, s1;
	[dreg:$0x12] =	wrdreg s26  }
0x13: {  	s25 =	sshrl.u32 s0, $0x1;
	s6 =	smul.u32 $0x27100, s1;
	[dreg:$0x15] =	wrdreg s7  }
0x14: {  	s1 =	smul.u32 $0x4E20, s1;
	s0 =	ssub.s32 s0, s25;
	[dreg:$0x16] =	wrdreg s8  }
0x15: {  	s25 =	simm.s32 $0x1100;
	s8 =	simm.s32 $0x23A0;
	[dreg:$0x17] =	wrdreg s9  }
0x16: {  	s9 =	simm.s32 $0x3340;
	[dreg:$0x18] =	wrdreg s10;
	s10 =	simm.s32 $0x42E0  }
0x17: {  	[dreg:$0x19] =	wrdreg s11;
	s11 =	simm.s32 $0x5280;
	s13 =	simm.s32 $0xB00  }
0x18: {  	s14 =	simm.s32 $0xB80;
	s15 =	simm.s32 $0xC00;
	s16 =	simm.s32 $0xC80  }
0x19: {  	s17 =	simm.s32 $0xD00;
	s18 =	simm.s32 $0xD80;
	[smem:$0x7FC] =	sst s25  }
0x1a: {  	s19 =	simm.s32 $0xE00;
	s20 =	simm.s32 $0xE80;
	[dreg:$0x1b] =	wrdreg s13  }
0x1b: {  	s21 =	simm.s32 $0xF00;
	s22 =	simm.s32 $0xF80;
	[dreg:$0x1c] =	wrdreg s14  }
0x1c: {  	s23 =	simm.s32 $0x1000;
	s24 =	simm.s32 $0x1080;
	[dreg:$0x1d] =	wrdreg s15  }
0x1d: {  	s26 =	simm.s32 $0x1180;
	s25 =	simm.s32 $0x12D40;
	[dreg:$0x1e] =	wrdreg s16  }
0x1e: {  	s7 =	simm.s32 $0x1;
	s4 =	sadd.s32 s4, s3;
	[dreg:$0x1f] =	wrdreg s17  }
0x1f: {  	s3 =	sadd.s32 $0x7A00, s3;
	s6 =	sshrl.u32 s6, $0x3;
	[smem:$0x7F5] =	sst s18  }
0x20: {  	s13 =	simm.s32 $0x71C0;
	s14 =	simm.s32 $0x8160;
	[smem:$0x7F6] =	sst s19  }
0x21: {  	s15 =	simm.s32 $0x9100;
	s16 =	simm.s32 $0xA0A0;
	[smem:$0x7F7] =	sst s20  }
0x22: {  	s17 =	simm.s32 $0xB040;
	s18 =	simm.s32 $0xBFE0;
	[smem:$0x7F8] =	sst s21  }
0x23: {  	s19 =	simm.s32 $0xCF80;
	s20 =	simm.s32 $0xDF20;
	[smem:$0x7F9] =	sst s22  }
0x24: {  	s21 =	simm.s32 $0xEEC0;
	s22 =	simm.s32 $0xFE60;
	[smem:$0x7FA] =	sst s23  }
0x25: {  	s23 =	simm.s32 $0x10E00;
	[smem:$0x7FB] =	sst s24;
	s24 =	simm.s32 $0x11DA0  }
0x26: {  	[smem:$0x7FD] =	sst s26;
	s4 =	sadd.s32 $0x2A00, s4;
	s1 =	sadd.s32 s3, s1  }
0x27: {  	s3 =	sadd.s32 s3, s6;
	[dreg:$0x4] =	wrdreg s1;
	s1 =	smax.u32 s0, $0x1  }
0x28: {  	s6 =	simm.s32 $0x780;
	[dreg:$0x3] =	wrdreg s4;
	p1 =	sne.s32 s1, $0x1  }
.Ltmp0:
0x29: {  	s12 =	sadd.s32 $0x2710, s3;
	[dreg:$0x14] =	wrdreg s6;
	(pc) =	sbr.rel @!p1 .LBB2_1-.Ltmp0, $4  }
0x2a: {  	s26 =	simm.s32 $0x13CE0;
	s4 =	simm.s32 $0x700;
	[dreg:$0x5] =	wrdreg s12  }
0x2b: {  	s3 =	simm.s32 $0x2;
	s6 =	simm.s32 $0x7D;
	[dreg:$0x13] =	wrdreg s4  }
0x2c: {  	s4 =	simm.s32 $0x1400;
	s12 =	simm.s32 $0xA80;
	s0 =	rddreg [dreg:$0x3]  }
0x2d: {  	s28 =	sadd.s32 $0xFFFFFFFF, s1;
	[dreg:$0x1a] =	wrdreg s12;
	s12 =	simm.s32 $0x6220  }
0x2e: {  	[tilespmem:s2], [sflag:$0x2] =	stream.linear.gather [hbm4b:s0+s2], $0x1400, $0x38;
	[tilespmem:$0x14C80] =	vst v63  }
0x2f: {  	_ =	swait.ge [sflag:s3], $0x1400  }
0x30: {  	[sflag:s3] =	ssyncset.done $0x0  }
0x31: {  	[sflag:s3] =	ssyncadd.s32 $0xFFFFEC00  }
0x32: {  	[tilespmem:s4], [sflag:$0x1] =	stream.indirect.gather [hbm4b:s5+s6], $0x20, s2, s6, $0xb8;
	[tilespmem:$0x14C80] =	vst v63  }
0x33: {  	s0 =	rddreg [dreg:$0x6]  }
0x34: {  	[tilespmem:s8], [sflag:$0x1] =	stream.indirect.gather [hbm4b:s5+s6], $0x20, s0, s6, $0xb8;
	[tilespmem:$0x14C80] =	vst v63  }
0x35: {  	s1 =	rddreg [dreg:$0x7]  }
0x36: {  	[tilespmem:s9], [sflag:$0x1] =	stream.indirect.gather [hbm4b:s5+s6], $0x20, s1, s6, $0xb8;
	[tilespmem:$0x14C80] =	vst v63  }
0x37: {  	s0 =	rddreg [dreg:$0x8]  }
0x38: {  	[tilespmem:s10], [sflag:$0x1] =	stream.indirect.gather [hbm4b:s5+s6], $0x20, s0, s6, $0xb8;
	[tilespmem:$0x14C80] =	vst v63  }
0x39: {  	s1 =	rddreg [dreg:$0x9]  }
0x3a: {  	[tilespmem:s11], [sflag:$0x1] =	stream.indirect.gather [hbm4b:s5+s6], $0x20, s1, s6, $0xb8;
	[tilespmem:$0x14C80] =	vst v63  }
0x3b: {  	s0 =	rddreg [dreg:$0xa]  }
0x3c: {  	[tilespmem:s12], [sflag:$0x1] =	stream.indirect.gather [hbm4b:s5+s6], $0x20, s0, s6, $0xb8;
	[tilespmem:$0x14C80] =	vst v63  }
0x3d: {  	s1 =	rddreg [dreg:$0xb]  }
0x3e: {  	[tilespmem:s13], [sflag:$0x1] =	stream.indirect.gather [hbm4b:s5+s6], $0x20, s1, s6, $0xb8;
	[tilespmem:$0x14C80] =	vst v63  }
0x3f: {  	s0 =	rddreg [dreg:$0xc]  }
0x40: {  	[tilespmem:s14], [sflag:$0x1] =	stream.indirect.gather [hbm4b:s5+s6], $0x20, s0, s6, $0xb8;
	[tilespmem:$0x14C80] =	vst v63  }
0x41: {  	s1 =	rddreg [dreg:$0xd]  }
0x42: {  	[tilespmem:s15], [sflag:$0x1] =	stream.indirect.gather [hbm4b:s5+s6], $0x20, s1, s6, $0xb8;
	[tilespmem:$0x14C80] =	vst v63  }
0x43: {  	s0 =	rddreg [dreg:$0xe]  }
0x44: {  	[tilespmem:s16], [sflag:$0x1] =	stream.indirect.gather [hbm4b:s5+s6], $0x20, s0, s6, $0xb8;
	[tilespmem:$0x14C80] =	vst v63  }
0x45: {  	s1 =	rddreg [dreg:$0xf]  }
0x46: {  	[tilespmem:s17], [sflag:$0x1] =	stream.indirect.gather [hbm4b:s5+s6], $0x20, s1, s6, $0xb8;
	[tilespmem:$0x14C80] =	vst v63  }
0x47: {  	s0 =	rddreg [dreg:$0x10]  }
0x48: {  	[tilespmem:s18], [sflag:$0x1] =	stream.indirect.gather [hbm4b:s5+s6], $0x20, s0, s6, $0xb8;
	[tilespmem:$0x14C80] =	vst v63  }
0x49: {  	s1 =	rddreg [dreg:$0x11]  }
0x4a: {  	[tilespmem:s19], [sflag:$0x1] =	stream.indirect.gather [hbm4b:s5+s6], $0x20, s1, s6, $0xb8;
	[tilespmem:$0x14C80] =	vst v63  }
0x4b: {  	s0 =	rddreg [dreg:$0x12]  }
0x4c: {  	[tilespmem:s20], [sflag:$0x1] =	stream.indirect.gather [hbm4b:s5+s6], $0x20, s0, s6, $0xb8;
	[tilespmem:$0x14C80] =	vst v63  }
0x4d: {  	s1 =	rddreg [dreg:$0x13]  }
0x4e: {  	[tilespmem:s21], [sflag:$0x1] =	stream.indirect.gather [hbm4b:s5+s6], $0x20, s1, s6, $0xb8;
	[tilespmem:$0x14C80] =	vst v63  }
0x4f: {  	s0 =	rddreg [dreg:$0x14]  }
0x50: {  	[tilespmem:s22], [sflag:$0x1] =	stream.indirect.gather [hbm4b:s5+s6], $0x20, s0, s6, $0xb8;
	[tilespmem:$0x14C80] =	vst v63  }
0x51: {  	s1 =	rddreg [dreg:$0x15]  }
0x52: {  	[tilespmem:s23], [sflag:$0x1] =	stream.indirect.gather [hbm4b:s5+s6], $0x20, s1, s6, $0xb8;
	[tilespmem:$0x14C80] =	vst v63  }
0x53: {  	s0 =	rddreg [dreg:$0x16]  }
0x54: {  	[tilespmem:s24], [sflag:$0x1] =	stream.indirect.gather [hbm4b:s5+s6], $0x20, s0, s6, $0xb8;
	[tilespmem:$0x14C80] =	vst v63  }
0x55: {  	s1 =	rddreg [dreg:$0x17]  }
0x56: {  	[tilespmem:s25], [sflag:$0x1] =	stream.indirect.gather [hbm4b:s5+s6], $0x20, s1, s6, $0xb8;
	[tilespmem:$0x14C80] =	vst v63  }
0x57: {  	s0 =	rddreg [dreg:$0x18]  }
0x58: {  	[tilespmem:s26], [sflag:$0x1] =	stream.indirect.gather [hbm4b:s5+s6], $0x20, s0, s6, $0xb8;
	[tilespmem:$0x14C80] =	vst v63  }
0x59: {  	_ =	swait.ge [sflag:s7], $0xFA0  }
0x5a: {  	[sflag:s7] =	ssyncset.done $0x0  }
0x5b: {  	[sflag:s7] =	ssyncadd.s32 $0xFFFFF060  }
0x5c: {  	_ =	swait.ge [sflag:s7], $0xFA0  }
0x5d: {  	[sflag:s7] =	ssyncset.done $0x0  }
0x5e: {  	[sflag:s7] =	ssyncadd.s32 $0xFFFFF060  }
0x5f: {  	_ =	swait.ge [sflag:s7], $0xFA0  }
0x60: {  	[sflag:s7] =	ssyncset.done $0x0  }
0x61: {  	[sflag:s7] =	ssyncadd.s32 $0xFFFFF060  }
0x62: {  	_ =	swait.ge [sflag:s7], $0xFA0  }
0x63: {  	[sflag:s7] =	ssyncset.done $0x0  }
0x64: {  	[sflag:s7] =	ssyncadd.s32 $0xFFFFF060  }
0x65: {  	_ =	swait.ge [sflag:s7], $0xFA0  }
0x66: {  	[sflag:s7] =	ssyncset.done $0x0  }
0x67: {  	[sflag:s7] =	ssyncadd.s32 $0xFFFFF060  }
0x68: {  	_ =	swait.ge [sflag:s7], $0xFA0  }
0x69: {  	[sflag:s7] =	ssyncset.done $0x0  }
0x6a: {  	[sflag:s7] =	ssyncadd.s32 $0xFFFFF060  }
0x6b: {  	_ =	swait.ge [sflag:s7], $0xFA0  }
0x6c: {  	[sflag:s7] =	ssyncset.done $0x0  }
0x6d: {  	[sflag:s7] =	ssyncadd.s32 $0xFFFFF060  }
0x6e: {  	_ =	swait.ge [sflag:s7], $0xFA0  }
0x6f: {  	[sflag:s7] =	ssyncset.done $0x0  }
0x70: {  	[sflag:s7] =	ssyncadd.s32 $0xFFFFF060  }
0x71: {  	_ =	swait.ge [sflag:s7], $0xFA0  }
0x72: {  	[sflag:s7] =	ssyncset.done $0x0  }
0x73: {  	[sflag:s7] =	ssyncadd.s32 $0xFFFFF060  }
0x74: {  	_ =	swait.ge [sflag:s7], $0xFA0  }
0x75: {  	[sflag:s7] =	ssyncset.done $0x0  }
0x76: {  	[sflag:s7] =	ssyncadd.s32 $0xFFFFF060  }
0x77: {  	_ =	swait.ge [sflag:s7], $0xFA0  }
0x78: {  	[sflag:s7] =	ssyncset.done $0x0  }
0x79: {  	[sflag:s7] =	ssyncadd.s32 $0xFFFFF060  }
0x7a: {  	_ =	swait.ge [sflag:s7], $0xFA0  }
0x7b: {  	[sflag:s7] =	ssyncset.done $0x0  }
0x7c: {  	[sflag:s7] =	ssyncadd.s32 $0xFFFFF060  }
0x7d: {  	_ =	swait.ge [sflag:s7], $0xFA0  }
0x7e: {  	[sflag:s7] =	ssyncset.done $0x0  }
0x7f: {  	[sflag:s7] =	ssyncadd.s32 $0xFFFFF060  }
0x80: {  	_ =	swait.ge [sflag:s7], $0xFA0  }
0x81: {  	[sflag:s7] =	ssyncset.done $0x0  }
0x82: {  	[sflag:s7] =	ssyncadd.s32 $0xFFFFF060  }
0x83: {  	_ =	swait.ge [sflag:s7], $0xFA0  }
0x84: {  	[sflag:s7] =	ssyncset.done $0x0  }
0x85: {  	[sflag:s7] =	ssyncadd.s32 $0xFFFFF060  }
0x86: {  	_ =	swait.ge [sflag:s7], $0xFA0  }
0x87: {  	[sflag:s7] =	ssyncset.done $0x0  }
0x88: {  	[sflag:s7] =	ssyncadd.s32 $0xFFFFF060  }
0x89: {  	_ =	swait.ge [sflag:s7], $0xFA0  }
0x8a: {  	[sflag:s7] =	ssyncset.done $0x0  }
0x8b: {  	[sflag:s7] =	ssyncadd.s32 $0xFFFFF060  }
0x8c: {  	_ =	swait.ge [sflag:s7], $0xFA0  }
0x8d: {  	[sflag:s7] =	ssyncset.done $0x0  }
0x8e: {  	[sflag:s7] =	ssyncadd.s32 $0xFFFFF060  }
0x8f: {  	_ =	swait.ge [sflag:s7], $0xFA0  }
0x90: {  	[sflag:s7] =	ssyncset.done $0x0  }
0x91: {  	[sflag:s7] =	ssyncadd.s32 $0xFFFFF060  }
0x92: {  	_ =	swait.ge [sflag:s7], $0xFA0  }
0x93: {  	[sflag:s7] =	ssyncset.done $0x0  }
0x94: {  	s1 =	rddreg [dreg:$0x4];
	[sflag:s7] =	ssyncadd.s32 $0xFFFFF060  }
0x95: {  	[hbm4b:s1+s2] =	stream.linear.scatter [tilespmem:s4], [sflag:$0x2], $0x13880, $0x38;
	[tilespmem:$0x14C80] =	vst v63  }
0x96: {  	_ =	swait.ge [sflag:s3], $0x13880  }
0x97: {  	s0 =	rddreg [dreg:$0x19];
	[sflag:s3] =	ssyncset.done $0x0  }
0x98: {  	s1 =	rddreg [dreg:$0x1a];
	[sflag:s3] =	ssyncadd.s32 $0xFFFEC780  }
0x99: {  	[tilespmem:s4], [sflag:$0x1] =	stream.indirect.gather [hbm4b:s5+s6], $0x20, s0, s6, $0xb8;
	[tilespmem:$0x14C80] =	vst v63  }
0x9a: {  	s0 =	rddreg [dreg:$0x1b]  }
0x9b: {  	[tilespmem:s8], [sflag:$0x1] =	stream.indirect.gather [hbm4b:s5+s6], $0x20, s1, s6, $0xb8;
	[tilespmem:$0x14C80] =	vst v63  }
0x9c: {  	s1 =	rddreg [dreg:$0x1c]  }
0x9d: {  	[tilespmem:s9], [sflag:$0x1] =	stream.indirect.gather [hbm4b:s5+s6], $0x20, s0, s6, $0xb8;
	[tilespmem:$0x14C80] =	vst v63  }
0x9e: {  	s0 =	rddreg [dreg:$0x1d]  }
0x9f: {  	[tilespmem:s10], [sflag:$0x1] =	stream.indirect.gather [hbm4b:s5+s6], $0x20, s1, s6, $0xb8;
	[tilespmem:$0x14C80] =	vst v63  }
0xa0: {  	s1 =	rddreg [dreg:$0x1e]  }
0xa1: {  	[tilespmem:s11], [sflag:$0x1] =	stream.indirect.gather [hbm4b:s5+s6], $0x20, s0, s6, $0xb8;
	[tilespmem:$0x14C80] =	vst v63  }
0xa2: {  	s0 =	rddreg [dreg:$0x1f]  }
0xa3: {  	[tilespmem:s12], [sflag:$0x1] =	stream.indirect.gather [hbm4b:s5+s6], $0x20, s1, s6, $0xb8;
	[tilespmem:$0x14C80] =	vst v63  }
0xa4: {  	s1 =	sld [smem:$0x7F5]  }
0xa5: {  	[tilespmem:s13], [sflag:$0x1] =	stream.indirect.gather [hbm4b:s5+s6], $0x20, s0, s6, $0xb8;
	[tilespmem:$0x14C80] =	vst v63  }
0xa6: {  	s0 =	sld [smem:$0x7F6]  }
0xa7: {  	[tilespmem:s14], [sflag:$0x1] =	stream.indirect.gather [hbm4b:s5+s6], $0x20, s1, s6, $0xb8;
	[tilespmem:$0x14C80] =	vst v63  }
0xa8: {  	s1 =	sld [smem:$0x7F7]  }
0xa9: {  	[tilespmem:s15], [sflag:$0x1] =	stream.indirect.gather [hbm4b:s5+s6], $0x20, s0, s6, $0xb8;
	[tilespmem:$0x14C80] =	vst v63  }
0xaa: {  	s0 =	sld [smem:$0x7F8]  }
0xab: {  	[tilespmem:s16], [sflag:$0x1] =	stream.indirect.gather [hbm4b:s5+s6], $0x20, s1, s6, $0xb8;
	[tilespmem:$0x14C80] =	vst v63  }
0xac: {  	s1 =	sld [smem:$0x7F9]  }
0xad: {  	[tilespmem:s17], [sflag:$0x1] =	stream.indirect.gather [hbm4b:s5+s6], $0x20, s0, s6, $0xb8;
	[tilespmem:$0x14C80] =	vst v63  }
0xae: {  	s0 =	sld [smem:$0x7FA]  }
0xaf: {  	[tilespmem:s18], [sflag:$0x1] =	stream.indirect.gather [hbm4b:s5+s6], $0x20, s1, s6, $0xb8;
	[tilespmem:$0x14C80] =	vst v63  }
0xb0: {  	s1 =	sld [smem:$0x7FB]  }
0xb1: {  	[tilespmem:s19], [sflag:$0x1] =	stream.indirect.gather [hbm4b:s5+s6], $0x20, s0, s6, $0xb8;
	[tilespmem:$0x14C80] =	vst v63  }
0xb2: {  	s0 =	sld [smem:$0x7FC]  }
0xb3: {  	[tilespmem:s20], [sflag:$0x1] =	stream.indirect.gather [hbm4b:s5+s6], $0x20, s1, s6, $0xb8;
	[tilespmem:$0x14C80] =	vst v63  }
0xb4: {  	s1 =	sld [smem:$0x7FD]  }
0xb5: {  	[tilespmem:s21], [sflag:$0x1] =	stream.indirect.gather [hbm4b:s5+s6], $0x20, s0, s6, $0xb8;
	[tilespmem:$0x14C80] =	vst v63  }
0xb6: {  	_ = 	snop  }
0xb7: {  	[tilespmem:s22], [sflag:$0x1] =	stream.indirect.gather [hbm4b:s5+s6], $0x20, s1, s6, $0xb8;
	[tilespmem:$0x14C80] =	vst v63  }
0xb8: {  	s1 =	simm.s32 $0x1200  }
0xb9: {  	[tilespmem:s23], [sflag:$0x1] =	stream.indirect.gather [hbm4b:s5+s6], $0x20, s1, s6, $0xb8;
	[tilespmem:$0x14C80] =	vst v63  }
0xba: {  	_ = 	snop  }
0xbb: {  	[tilespmem:s24], [sflag:$0x1] =	stream.indirect.gather [hbm4b:s5+s6], $0x20, s30, s6, $0xb8;
	[tilespmem:$0x14C80] =	vst v63  }
0xbc: {  	_ = 	snop  }
0xbd: {  	[tilespmem:s25], [sflag:$0x1] =	stream.indirect.gather [hbm4b:s5+s6], $0x20, s31, s6, $0xb8;
	[tilespmem:$0x14C80] =	vst v63  }
0xbe: {  	_ = 	snop  }
0xbf: {  	[tilespmem:s26], [sflag:$0x1] =	stream.indirect.gather [hbm4b:s5+s6], $0x20, s29, s6, $0xb8;
	[tilespmem:$0x14C80] =	vst v63  }
0xc0: {  	_ =	swait.ge [sflag:s7], $0xFA0  }
0xc1: {  	[sflag:s7] =	ssyncset.done $0x0  }
0xc2: {  	[sflag:s7] =	ssyncadd.s32 $0xFFFFF060  }
0xc3: {  	_ =	swait.ge [sflag:s7], $0xFA0  }
0xc4: {  	[sflag:s7] =	ssyncset.done $0x0  }
0xc5: {  	[sflag:s7] =	ssyncadd.s32 $0xFFFFF060  }
0xc6: {  	_ =	swait.ge [sflag:s7], $0xFA0  }
0xc7: {  	[sflag:s7] =	ssyncset.done $0x0  }
0xc8: {  	[sflag:s7] =	ssyncadd.s32 $0xFFFFF060  }
0xc9: {  	_ =	swait.ge [sflag:s7], $0xFA0  }
0xca: {  	[sflag:s7] =	ssyncset.done $0x0  }
0xcb: {  	[sflag:s7] =	ssyncadd.s32 $0xFFFFF060  }
0xcc: {  	_ =	swait.ge [sflag:s7], $0xFA0  }
0xcd: {  	[sflag:s7] =	ssyncset.done $0x0  }
0xce: {  	[sflag:s7] =	ssyncadd.s32 $0xFFFFF060  }
0xcf: {  	_ =	swait.ge [sflag:s7], $0xFA0  }
0xd0: {  	[sflag:s7] =	ssyncset.done $0x0  }
0xd1: {  	[sflag:s7] =	ssyncadd.s32 $0xFFFFF060  }
0xd2: {  	_ =	swait.ge [sflag:s7], $0xFA0  }
0xd3: {  	[sflag:s7] =	ssyncset.done $0x0  }
0xd4: {  	[sflag:s7] =	ssyncadd.s32 $0xFFFFF060  }
0xd5: {  	_ =	swait.ge [sflag:s7], $0xFA0  }
0xd6: {  	[sflag:s7] =	ssyncset.done $0x0  }
0xd7: {  	[sflag:s7] =	ssyncadd.s32 $0xFFFFF060  }
0xd8: {  	_ =	swait.ge [sflag:s7], $0xFA0  }
0xd9: {  	[sflag:s7] =	ssyncset.done $0x0  }
0xda: {  	[sflag:s7] =	ssyncadd.s32 $0xFFFFF060  }
0xdb: {  	_ =	swait.ge [sflag:s7], $0xFA0  }
0xdc: {  	[sflag:s7] =	ssyncset.done $0x0  }
0xdd: {  	[sflag:s7] =	ssyncadd.s32 $0xFFFFF060  }
0xde: {  	_ =	swait.ge [sflag:s7], $0xFA0  }
0xdf: {  	[sflag:s7] =	ssyncset.done $0x0  }
0xe0: {  	[sflag:s7] =	ssyncadd.s32 $0xFFFFF060  }
0xe1: {  	_ =	swait.ge [sflag:s7], $0xFA0  }
0xe2: {  	[sflag:s7] =	ssyncset.done $0x0  }
0xe3: {  	[sflag:s7] =	ssyncadd.s32 $0xFFFFF060  }
0xe4: {  	_ =	swait.ge [sflag:s7], $0xFA0  }
0xe5: {  	[sflag:s7] =	ssyncset.done $0x0  }
0xe6: {  	[sflag:s7] =	ssyncadd.s32 $0xFFFFF060  }
0xe7: {  	_ =	swait.ge [sflag:s7], $0xFA0  }
0xe8: {  	[sflag:s7] =	ssyncset.done $0x0  }
0xe9: {  	[sflag:s7] =	ssyncadd.s32 $0xFFFFF060  }
0xea: {  	_ =	swait.ge [sflag:s7], $0xFA0  }
0xeb: {  	[sflag:s7] =	ssyncset.done $0x0  }
0xec: {  	[sflag:s7] =	ssyncadd.s32 $0xFFFFF060  }
0xed: {  	_ =	swait.ge [sflag:s7], $0xFA0  }
0xee: {  	[sflag:s7] =	ssyncset.done $0x0  }
0xef: {  	[sflag:s7] =	ssyncadd.s32 $0xFFFFF060  }
0xf0: {  	_ =	swait.ge [sflag:s7], $0xFA0  }
0xf1: {  	[sflag:s7] =	ssyncset.done $0x0  }
0xf2: {  	[sflag:s7] =	ssyncadd.s32 $0xFFFFF060  }
0xf3: {  	_ =	swait.ge [sflag:s7], $0xFA0  }
0xf4: {  	[sflag:s7] =	ssyncset.done $0x0  }
0xf5: {  	[sflag:s7] =	ssyncadd.s32 $0xFFFFF060  }
0xf6: {  	_ =	swait.ge [sflag:s7], $0xFA0  }
0xf7: {  	[sflag:s7] =	ssyncset.done $0x0  }
0xf8: {  	[sflag:s7] =	ssyncadd.s32 $0xFFFFF060  }
0xf9: {  	p1 =	sne.s32 s28, $0x1;
	_ =	swait.ge [sflag:s7], $0xFA0  }
.Ltmp1:
0xfa: {  	[sflag:s7] =	ssyncset.done $0x0;
	(pc) =	sbr.rel @!p1 .LBB2_3-.Ltmp1, $4  }
0xfb: {  	s1 =	rddreg [dreg:$0x5];
	[sflag:s7] =	ssyncadd.s32 $0xFFFFF060  }
0xfc: {  	[hbm4b:s1+s2] =	stream.linear.scatter [tilespmem:s4], [sflag:$0x2], $0x13880, $0x38;
	[tilespmem:$0x14C80] =	vst v63  }
0xfd: {  	p0 =	por $0x1, $0x1;
	_ =	swait.ge [sflag:s3], $0x13880  }
0xfe: {  	s1 =	sadd.s32 $0xFFFFFFFF, s28;
	s0 =	rddreg [dreg:$0x3];
	[sflag:s3] =	ssyncset.done $0x0  }
.LBB2_4:
0xff: {  	[sflag:s3] =	ssyncadd.s32 $0xFFFEC780  }
0x100: {  	[tilespmem:s2], [sflag:$0x2] =	stream.linear.gather [hbm4b:s0+s2], $0x1400, $0x38;
	[tilespmem:$0x14C80] =	vst v63  }
0x101: {  	_ =	swait.ge [sflag:s3], $0x1400  }
0x102: {  	[sflag:s3] =	ssyncset.done $0x0  }
0x103: {  	[sflag:s3] =	ssyncadd.s32 $0xFFFFEC00  }
0x104: {  	[tilespmem:s4], [sflag:$0x1] =	stream.indirect.gather [hbm4b:s5+s6], $0x20, s2, s6, $0xb8;
	[tilespmem:$0x14C80] =	vst v63  }
0x105: {  	s0 =	rddreg [dreg:$0x6]  }
0x106: {  	[tilespmem:s8], [sflag:$0x1] =	stream.indirect.gather [hbm4b:s5+s6], $0x20, s0, s6, $0xb8;
	[tilespmem:$0x14C80] =	vst v63  }
0x107: {  	s28 =	rddreg [dreg:$0x7]  }
0x108: {  	[tilespmem:s9], [sflag:$0x1] =	stream.indirect.gather [hbm4b:s5+s6], $0x20, s28, s6, $0xb8;
	[tilespmem:$0x14C80] =	vst v63  }
0x109: {  	s0 =	rddreg [dreg:$0x8]  }
0x10a: {  	[tilespmem:s10], [sflag:$0x1] =	stream.indirect.gather [hbm4b:s5+s6], $0x20, s0, s6, $0xb8;
	[tilespmem:$0x14C80] =	vst v63  }
0x10b: {  	s28 =	rddreg [dreg:$0x9]  }
0x10c: {  	[tilespmem:s11], [sflag:$0x1] =	stream.indirect.gather [hbm4b:s5+s6], $0x20, s28, s6, $0xb8;
	[tilespmem:$0x14C80] =	vst v63  }
0x10d: {  	s0 =	rddreg [dreg:$0xa]  }
0x10e: {  	[tilespmem:s12], [sflag:$0x1] =	stream.indirect.gather [hbm4b:s5+s6], $0x20, s0, s6, $0xb8;
	[tilespmem:$0x14C80] =	vst v63  }
0x10f: {  	s28 =	rddreg [dreg:$0xb]  }
0x110: {  	[tilespmem:s13], [sflag:$0x1] =	stream.indirect.gather [hbm4b:s5+s6], $0x20, s28, s6, $0xb8;
	[tilespmem:$0x14C80] =	vst v63  }
0x111: {  	s0 =	rddreg [dreg:$0xc]  }
0x112: {  	[tilespmem:s14], [sflag:$0x1] =	stream.indirect.gather [hbm4b:s5+s6], $0x20, s0, s6, $0xb8;
	[tilespmem:$0x14C80] =	vst v63  }
0x113: {  	s28 =	rddreg [dreg:$0xd]  }
0x114: {  	[tilespmem:s15], [sflag:$0x1] =	stream.indirect.gather [hbm4b:s5+s6], $0x20, s28, s6, $0xb8;
	[tilespmem:$0x14C80] =	vst v63  }
0x115: {  	s0 =	rddreg [dreg:$0xe]  }
0x116: {  	[tilespmem:s16], [sflag:$0x1] =	stream.indirect.gather [hbm4b:s5+s6], $0x20, s0, s6, $0xb8;
	[tilespmem:$0x14C80] =	vst v63  }
0x117: {  	s28 =	rddreg [dreg:$0xf]  }
0x118: {  	[tilespmem:s17], [sflag:$0x1] =	stream.indirect.gather [hbm4b:s5+s6], $0x20, s28, s6, $0xb8;
	[tilespmem:$0x14C80] =	vst v63  }
0x119: {  	s0 =	rddreg [dreg:$0x10]  }
0x11a: {  	[tilespmem:s18], [sflag:$0x1] =	stream.indirect.gather [hbm4b:s5+s6], $0x20, s0, s6, $0xb8;
	[tilespmem:$0x14C80] =	vst v63  }
0x11b: {  	s28 =	rddreg [dreg:$0x11]  }
0x11c: {  	[tilespmem:s19], [sflag:$0x1] =	stream.indirect.gather [hbm4b:s5+s6], $0x20, s28, s6, $0xb8;
	[tilespmem:$0x14C80] =	vst v63  }
0x11d: {  	s0 =	rddreg [dreg:$0x12]  }
0x11e: {  	[tilespmem:s20], [sflag:$0x1] =	stream.indirect.gather [hbm4b:s5+s6], $0x20, s0, s6, $0xb8;
	[tilespmem:$0x14C80] =	vst v63  }
0x11f: {  	s28 =	rddreg [dreg:$0x13]  }
0x120: {  	[tilespmem:s21], [sflag:$0x1] =	stream.indirect.gather [hbm4b:s5+s6], $0x20, s28, s6, $0xb8;
	[tilespmem:$0x14C80] =	vst v63  }
0x121: {  	s0 =	rddreg [dreg:$0x14]  }
0x122: {  	[tilespmem:s22], [sflag:$0x1] =	stream.indirect.gather [hbm4b:s5+s6], $0x20, s0, s6, $0xb8;
	[tilespmem:$0x14C80] =	vst v63  }
0x123: {  	s28 =	rddreg [dreg:$0x15]  }
0x124: {  	[tilespmem:s23], [sflag:$0x1] =	stream.indirect.gather [hbm4b:s5+s6], $0x20, s28, s6, $0xb8;
	[tilespmem:$0x14C80] =	vst v63  }
0x125: {  	s0 =	rddreg [dreg:$0x16]  }
0x126: {  	[tilespmem:s24], [sflag:$0x1] =	stream.indirect.gather [hbm4b:s5+s6], $0x20, s0, s6, $0xb8;
	[tilespmem:$0x14C80] =	vst v63  }
0x127: {  	s28 =	rddreg [dreg:$0x17]  }
0x128: {  	[tilespmem:s25], [sflag:$0x1] =	stream.indirect.gather [hbm4b:s5+s6], $0x20, s28, s6, $0xb8;
	[tilespmem:$0x14C80] =	vst v63  }
0x129: {  	s0 =	rddreg [dreg:$0x18]  }
0x12a: {  	[tilespmem:s26], [sflag:$0x1] =	stream.indirect.gather [hbm4b:s5+s6], $0x20, s0, s6, $0xb8;
	[tilespmem:$0x14C80] =	vst v63  }
0x12b: {  	_ =	swait.ge [sflag:s7], $0xFA0  }
0x12c: {  	[sflag:s7] =	ssyncset.done $0x0  }
0x12d: {  	[sflag:s7] =	ssyncadd.s32 $0xFFFFF060  }
0x12e: {  	_ =	swait.ge [sflag:s7], $0xFA0  }
0x12f: {  	[sflag:s7] =	ssyncset.done $0x0  }
0x130: {  	[sflag:s7] =	ssyncadd.s32 $0xFFFFF060  }
0x131: {  	_ =	swait.ge [sflag:s7], $0xFA0  }
0x132: {  	[sflag:s7] =	ssyncset.done $0x0  }
0x133: {  	[sflag:s7] =	ssyncadd.s32 $0xFFFFF060  }
0x134: {  	_ =	swait.ge [sflag:s7], $0xFA0  }
0x135: {  	[sflag:s7] =	ssyncset.done $0x0  }
0x136: {  	[sflag:s7] =	ssyncadd.s32 $0xFFFFF060  }
0x137: {  	_ =	swait.ge [sflag:s7], $0xFA0  }
0x138: {  	[sflag:s7] =	ssyncset.done $0x0  }
0x139: {  	[sflag:s7] =	ssyncadd.s32 $0xFFFFF060  }
0x13a: {  	_ =	swait.ge [sflag:s7], $0xFA0  }
0x13b: {  	[sflag:s7] =	ssyncset.done $0x0  }
0x13c: {  	[sflag:s7] =	ssyncadd.s32 $0xFFFFF060  }
0x13d: {  	_ =	swait.ge [sflag:s7], $0xFA0  }
0x13e: {  	[sflag:s7] =	ssyncset.done $0x0  }
0x13f: {  	[sflag:s7] =	ssyncadd.s32 $0xFFFFF060  }
0x140: {  	_ =	swait.ge [sflag:s7], $0xFA0  }
0x141: {  	[sflag:s7] =	ssyncset.done $0x0  }
0x142: {  	[sflag:s7] =	ssyncadd.s32 $0xFFFFF060  }
0x143: {  	_ =	swait.ge [sflag:s7], $0xFA0  }
0x144: {  	[sflag:s7] =	ssyncset.done $0x0  }
0x145: {  	[sflag:s7] =	ssyncadd.s32 $0xFFFFF060  }
0x146: {  	_ =	swait.ge [sflag:s7], $0xFA0  }
0x147: {  	[sflag:s7] =	ssyncset.done $0x0  }
0x148: {  	[sflag:s7] =	ssyncadd.s32 $0xFFFFF060  }
0x149: {  	_ =	swait.ge [sflag:s7], $0xFA0  }
0x14a: {  	[sflag:s7] =	ssyncset.done $0x0  }
0x14b: {  	[sflag:s7] =	ssyncadd.s32 $0xFFFFF060  }
0x14c: {  	_ =	swait.ge [sflag:s7], $0xFA0  }
0x14d: {  	[sflag:s7] =	ssyncset.done $0x0  }
0x14e: {  	[sflag:s7] =	ssyncadd.s32 $0xFFFFF060  }
0x14f: {  	_ =	swait.ge [sflag:s7], $0xFA0  }
0x150: {  	[sflag:s7] =	ssyncset.done $0x0  }
0x151: {  	[sflag:s7] =	ssyncadd.s32 $0xFFFFF060  }
0x152: {  	_ =	swait.ge [sflag:s7], $0xFA0  }
0x153: {  	[sflag:s7] =	ssyncset.done $0x0  }
0x154: {  	[sflag:s7] =	ssyncadd.s32 $0xFFFFF060  }
0x155: {  	_ =	swait.ge [sflag:s7], $0xFA0  }
0x156: {  	[sflag:s7] =	ssyncset.done $0x0  }
0x157: {  	[sflag:s7] =	ssyncadd.s32 $0xFFFFF060  }
0x158: {  	_ =	swait.ge [sflag:s7], $0xFA0  }
0x159: {  	[sflag:s7] =	ssyncset.done $0x0  }
0x15a: {  	[sflag:s7] =	ssyncadd.s32 $0xFFFFF060  }
0x15b: {  	_ =	swait.ge [sflag:s7], $0xFA0  }
0x15c: {  	[sflag:s7] =	ssyncset.done $0x0  }
0x15d: {  	[sflag:s7] =	ssyncadd.s32 $0xFFFFF060  }
0x15e: {  	_ =	swait.ge [sflag:s7], $0xFA0  }
0x15f: {  	[sflag:s7] =	ssyncset.done $0x0  }
0x160: {  	[sflag:s7] =	ssyncadd.s32 $0xFFFFF060  }
0x161: {  	_ =	swait.ge [sflag:s7], $0xFA0  }
0x162: {  	[sflag:s7] =	ssyncset.done $0x0  }
0x163: {  	[sflag:s7] =	ssyncadd.s32 $0xFFFFF060  }
0x164: {  	_ =	swait.ge [sflag:s7], $0xFA0  }
0x165: {  	[sflag:s7] =	ssyncset.done $0x0  }
0x166: {  	s28 =	rddreg [dreg:$0x4];
	[sflag:s7] =	ssyncadd.s32 $0xFFFFF060  }
0x167: {  	[hbm4b:s28+s2] =	stream.linear.scatter [tilespmem:s4], [sflag:$0x2], $0x13880, $0x38;
	[tilespmem:$0x14C80] =	vst v63  }
0x168: {  	_ =	swait.ge [sflag:s3], $0x13880  }
0x169: {  	s0 =	rddreg [dreg:$0x19];
	[sflag:s3] =	ssyncset.done $0x0  }
0x16a: {  	s28 =	rddreg [dreg:$0x1a];
	[sflag:s3] =	ssyncadd.s32 $0xFFFEC780  }
0x16b: {  	[tilespmem:s4], [sflag:$0x1] =	stream.indirect.gather [hbm4b:s5+s6], $0x20, s0, s6, $0xb8;
	[tilespmem:$0x14C80] =	vst v63  }
0x16c: {  	s0 =	rddreg [dreg:$0x1b]  }
0x16d: {  	[tilespmem:s8], [sflag:$0x1] =	stream.indirect.gather [hbm4b:s5+s6], $0x20, s28, s6, $0xb8;
	[tilespmem:$0x14C80] =	vst v63  }
0x16e: {  	s28 =	rddreg [dreg:$0x1c]  }
0x16f: {  	[tilespmem:s9], [sflag:$0x1] =	stream.indirect.gather [hbm4b:s5+s6], $0x20, s0, s6, $0xb8;
	[tilespmem:$0x14C80] =	vst v63  }
0x170: {  	s0 =	rddreg [dreg:$0x1d]  }
0x171: {  	[tilespmem:s10], [sflag:$0x1] =	stream.indirect.gather [hbm4b:s5+s6], $0x20, s28, s6, $0xb8;
	[tilespmem:$0x14C80] =	vst v63  }
0x172: {  	s28 =	rddreg [dreg:$0x1e]  }
0x173: {  	[tilespmem:s11], [sflag:$0x1] =	stream.indirect.gather [hbm4b:s5+s6], $0x20, s0, s6, $0xb8;
	[tilespmem:$0x14C80] =	vst v63  }
0x174: {  	s0 =	rddreg [dreg:$0x1f]  }
0x175: {  	[tilespmem:s12], [sflag:$0x1] =	stream.indirect.gather [hbm4b:s5+s6], $0x20, s28, s6, $0xb8;
	[tilespmem:$0x14C80] =	vst v63  }
0x176: {  	s28 =	sld [smem:$0x7F5]  }
0x177: {  	[tilespmem:s13], [sflag:$0x1] =	stream.indirect.gather [hbm4b:s5+s6], $0x20, s0, s6, $0xb8;
	[tilespmem:$0x14C80] =	vst v63  }
0x178: {  	s0 =	sld [smem:$0x7F6]  }
0x179: {  	[tilespmem:s14], [sflag:$0x1] =	stream.indirect.gather [hbm4b:s5+s6], $0x20, s28, s6, $0xb8;
	[tilespmem:$0x14C80] =	vst v63  }
0x17a: {  	s28 =	sld [smem:$0x7F7]  }
0x17b: {  	[tilespmem:s15], [sflag:$0x1] =	stream.indirect.gather [hbm4b:s5+s6], $0x20, s0, s6, $0xb8;
	[tilespmem:$0x14C80] =	vst v63  }
0x17c: {  	s0 =	sld [smem:$0x7F8]  }
0x17d: {  	[tilespmem:s16], [sflag:$0x1] =	stream.indirect.gather [hbm4b:s5+s6], $0x20, s28, s6, $0xb8;
	[tilespmem:$0x14C80] =	vst v63  }
0x17e: {  	s28 =	sld [smem:$0x7F9]  }
0x17f: {  	[tilespmem:s17], [sflag:$0x1] =	stream.indirect.gather [hbm4b:s5+s6], $0x20, s0, s6, $0xb8;
	[tilespmem:$0x14C80] =	vst v63  }
0x180: {  	s0 =	sld [smem:$0x7FA]  }
0x181: {  	[tilespmem:s18], [sflag:$0x1] =	stream.indirect.gather [hbm4b:s5+s6], $0x20, s28, s6, $0xb8;
	[tilespmem:$0x14C80] =	vst v63  }
0x182: {  	s28 =	sld [smem:$0x7FB]  }
0x183: {  	[tilespmem:s19], [sflag:$0x1] =	stream.indirect.gather [hbm4b:s5+s6], $0x20, s0, s6, $0xb8;
	[tilespmem:$0x14C80] =	vst v63  }
0x184: {  	s0 =	sld [smem:$0x7FC]  }
0x185: {  	[tilespmem:s20], [sflag:$0x1] =	stream.indirect.gather [hbm4b:s5+s6], $0x20, s28, s6, $0xb8;
	[tilespmem:$0x14C80] =	vst v63  }
0x186: {  	s28 =	sld [smem:$0x7FD]  }
0x187: {  	[tilespmem:s21], [sflag:$0x1] =	stream.indirect.gather [hbm4b:s5+s6], $0x20, s0, s6, $0xb8;
	[tilespmem:$0x14C80] =	vst v63  }
0x188: {  	_ = 	snop  }
0x189: {  	[tilespmem:s22], [sflag:$0x1] =	stream.indirect.gather [hbm4b:s5+s6], $0x20, s28, s6, $0xb8;
	[tilespmem:$0x14C80] =	vst v63  }
0x18a: {  	s28 =	simm.s32 $0x1200  }
0x18b: {  	[tilespmem:s23], [sflag:$0x1] =	stream.indirect.gather [hbm4b:s5+s6], $0x20, s28, s6, $0xb8;
	[tilespmem:$0x14C80] =	vst v63  }
0x18c: {  	_ = 	snop  }
0x18d: {  	[tilespmem:s24], [sflag:$0x1] =	stream.indirect.gather [hbm4b:s5+s6], $0x20, s30, s6, $0xb8;
	[tilespmem:$0x14C80] =	vst v63  }
0x18e: {  	_ = 	snop  }
0x18f: {  	[tilespmem:s25], [sflag:$0x1] =	stream.indirect.gather [hbm4b:s5+s6], $0x20, s31, s6, $0xb8;
	[tilespmem:$0x14C80] =	vst v63  }
0x190: {  	_ = 	snop  }
0x191: {  	[tilespmem:s26], [sflag:$0x1] =	stream.indirect.gather [hbm4b:s5+s6], $0x20, s29, s6, $0xb8;
	[tilespmem:$0x14C80] =	vst v63  }
0x192: {  	_ =	swait.ge [sflag:s7], $0xFA0  }
0x193: {  	[sflag:s7] =	ssyncset.done $0x0  }
0x194: {  	[sflag:s7] =	ssyncadd.s32 $0xFFFFF060  }
0x195: {  	_ =	swait.ge [sflag:s7], $0xFA0  }
0x196: {  	[sflag:s7] =	ssyncset.done $0x0  }
0x197: {  	[sflag:s7] =	ssyncadd.s32 $0xFFFFF060  }
0x198: {  	_ =	swait.ge [sflag:s7], $0xFA0  }
0x199: {  	[sflag:s7] =	ssyncset.done $0x0  }
0x19a: {  	[sflag:s7] =	ssyncadd.s32 $0xFFFFF060  }
0x19b: {  	_ =	swait.ge [sflag:s7], $0xFA0  }
0x19c: {  	[sflag:s7] =	ssyncset.done $0x0  }
0x19d: {  	[sflag:s7] =	ssyncadd.s32 $0xFFFFF060  }
0x19e: {  	_ =	swait.ge [sflag:s7], $0xFA0  }
0x19f: {  	[sflag:s7] =	ssyncset.done $0x0  }
0x1a0: {  	[sflag:s7] =	ssyncadd.s32 $0xFFFFF060  }
0x1a1: {  	_ =	swait.ge [sflag:s7], $0xFA0  }
0x1a2: {  	[sflag:s7] =	ssyncset.done $0x0  }
0x1a3: {  	[sflag:s7] =	ssyncadd.s32 $0xFFFFF060  }
0x1a4: {  	_ =	swait.ge [sflag:s7], $0xFA0  }
0x1a5: {  	[sflag:s7] =	ssyncset.done $0x0  }
0x1a6: {  	[sflag:s7] =	ssyncadd.s32 $0xFFFFF060  }
0x1a7: {  	_ =	swait.ge [sflag:s7], $0xFA0  }
0x1a8: {  	[sflag:s7] =	ssyncset.done $0x0  }
0x1a9: {  	[sflag:s7] =	ssyncadd.s32 $0xFFFFF060  }
0x1aa: {  	_ =	swait.ge [sflag:s7], $0xFA0  }
0x1ab: {  	[sflag:s7] =	ssyncset.done $0x0  }
0x1ac: {  	[sflag:s7] =	ssyncadd.s32 $0xFFFFF060  }
0x1ad: {  	_ =	swait.ge [sflag:s7], $0xFA0  }
0x1ae: {  	[sflag:s7] =	ssyncset.done $0x0  }
0x1af: {  	[sflag:s7] =	ssyncadd.s32 $0xFFFFF060  }
0x1b0: {  	_ =	swait.ge [sflag:s7], $0xFA0  }
0x1b1: {  	[sflag:s7] =	ssyncset.done $0x0  }
0x1b2: {  	[sflag:s7] =	ssyncadd.s32 $0xFFFFF060  }
0x1b3: {  	_ =	swait.ge [sflag:s7], $0xFA0  }
0x1b4: {  	[sflag:s7] =	ssyncset.done $0x0  }
0x1b5: {  	[sflag:s7] =	ssyncadd.s32 $0xFFFFF060  }
0x1b6: {  	_ =	swait.ge [sflag:s7], $0xFA0  }
0x1b7: {  	[sflag:s7] =	ssyncset.done $0x0  }
0x1b8: {  	[sflag:s7] =	ssyncadd.s32 $0xFFFFF060  }
0x1b9: {  	_ =	swait.ge [sflag:s7], $0xFA0  }
0x1ba: {  	[sflag:s7] =	ssyncset.done $0x0  }
0x1bb: {  	[sflag:s7] =	ssyncadd.s32 $0xFFFFF060  }
0x1bc: {  	_ =	swait.ge [sflag:s7], $0xFA0  }
0x1bd: {  	[sflag:s7] =	ssyncset.done $0x0  }
0x1be: {  	[sflag:s7] =	ssyncadd.s32 $0xFFFFF060  }
0x1bf: {  	_ =	swait.ge [sflag:s7], $0xFA0  }
0x1c0: {  	[sflag:s7] =	ssyncset.done $0x0  }
0x1c1: {  	[sflag:s7] =	ssyncadd.s32 $0xFFFFF060  }
0x1c2: {  	_ =	swait.ge [sflag:s7], $0xFA0  }
0x1c3: {  	[sflag:s7] =	ssyncset.done $0x0  }
0x1c4: {  	[sflag:s7] =	ssyncadd.s32 $0xFFFFF060  }
0x1c5: {  	_ =	swait.ge [sflag:s7], $0xFA0  }
0x1c6: {  	[sflag:s7] =	ssyncset.done $0x0  }
0x1c7: {  	[sflag:s7] =	ssyncadd.s32 $0xFFFFF060  }
0x1c8: {  	_ =	swait.ge [sflag:s7], $0xFA0  }
0x1c9: {  	[sflag:s7] =	ssyncset.done $0x0  }
0x1ca: {  	[sflag:s7] =	ssyncadd.s32 $0xFFFFF060  }
0x1cb: {  	p1 =	sne.s32 s1, $0x1;
	_ =	swait.ge [sflag:s7], $0xFA0  }
.Ltmp2:
0x1cc: {  	[sflag:s7] =	ssyncset.done $0x0;
	(pc) =	sbr.rel @p1 .LBB2_4-.Ltmp2, $4  }
0x1cd: {  	s28 =	rddreg [dreg:$0x5];
	[sflag:s7] =	ssyncadd.s32 $0xFFFFF060  }
0x1ce: {  	[hbm4b:s28+s2] =	stream.linear.scatter [tilespmem:s4], [sflag:$0x2], $0x13880, $0x38;
	[tilespmem:$0x14C80] =	vst v63  }
0x1cf: {  	_ =	swait.ge [sflag:s3], $0x13880  }
0x1d0: {  	s1 =	sadd.s32 $0xFFFFFFFF, s1;
	s0 =	rddreg [dreg:$0x3];
	[sflag:s3] =	ssyncset.done $0x0  }
0x1d1: {  	s28 =	simm.s32 $0x1380  }
0x1d2: {  	s31 =	simm.s32 $0x1300;
	s30 =	simm.s32 $0x1280;
	s29 =	simm.s32 $0x1200  }
.LBB2_6:
0x1d3: {  	[sflag:s3] =	ssyncadd.s32 @p0 $0xFFFEC780  }
0x1d4: {  	[tilespmem:s2], [sflag:$0x2] =	stream.linear.gather [hbm4b:s0+s2], $0x1400, $0x38;
	[tilespmem:$0x14C80] =	vst v63  }
0x1d5: {  	_ =	swait.ge [sflag:s3], $0x1400  }
0x1d6: {  	[sflag:s3] =	ssyncset.done $0x0  }
0x1d7: {  	[sflag:s3] =	ssyncadd.s32 $0xFFFFEC00  }
0x1d8: {  	[tilespmem:s4], [sflag:$0x1] =	stream.indirect.gather [hbm4b:s5+s6], $0x20, s2, s6, $0xb8;
	[tilespmem:$0x14C80] =	vst v63  }
0x1d9: {  	s0 =	rddreg [dreg:$0x6]  }
0x1da: {  	[tilespmem:s8], [sflag:$0x1] =	stream.indirect.gather [hbm4b:s5+s6], $0x20, s0, s6, $0xb8;
	[tilespmem:$0x14C80] =	vst v63  }
0x1db: {  	s1 =	rddreg [dreg:$0x7]  }
0x1dc: {  	[tilespmem:s9], [sflag:$0x1] =	stream.indirect.gather [hbm4b:s5+s6], $0x20, s1, s6, $0xb8;
	[tilespmem:$0x14C80] =	vst v63  }
0x1dd: {  	s0 =	rddreg [dreg:$0x8]  }
0x1de: {  	[tilespmem:s10], [sflag:$0x1] =	stream.indirect.gather [hbm4b:s5+s6], $0x20, s0, s6, $0xb8;
	[tilespmem:$0x14C80] =	vst v63  }
0x1df: {  	s1 =	rddreg [dreg:$0x9]  }
0x1e0: {  	[tilespmem:s11], [sflag:$0x1] =	stream.indirect.gather [hbm4b:s5+s6], $0x20, s1, s6, $0xb8;
	[tilespmem:$0x14C80] =	vst v63  }
0x1e1: {  	s0 =	rddreg [dreg:$0xa]  }
0x1e2: {  	[tilespmem:s12], [sflag:$0x1] =	stream.indirect.gather [hbm4b:s5+s6], $0x20, s0, s6, $0xb8;
	[tilespmem:$0x14C80] =	vst v63  }
0x1e3: {  	s1 =	rddreg [dreg:$0xb]  }
0x1e4: {  	[tilespmem:s13], [sflag:$0x1] =	stream.indirect.gather [hbm4b:s5+s6], $0x20, s1, s6, $0xb8;
	[tilespmem:$0x14C80] =	vst v63  }
0x1e5: {  	s0 =	rddreg [dreg:$0xc]  }
0x1e6: {  	[tilespmem:s14], [sflag:$0x1] =	stream.indirect.gather [hbm4b:s5+s6], $0x20, s0, s6, $0xb8;
	[tilespmem:$0x14C80] =	vst v63  }
0x1e7: {  	s1 =	rddreg [dreg:$0xd]  }
0x1e8: {  	[tilespmem:s15], [sflag:$0x1] =	stream.indirect.gather [hbm4b:s5+s6], $0x20, s1, s6, $0xb8;
	[tilespmem:$0x14C80] =	vst v63  }
0x1e9: {  	s0 =	rddreg [dreg:$0xe]  }
0x1ea: {  	[tilespmem:s16], [sflag:$0x1] =	stream.indirect.gather [hbm4b:s5+s6], $0x20, s0, s6, $0xb8;
	[tilespmem:$0x14C80] =	vst v63  }
0x1eb: {  	s1 =	rddreg [dreg:$0xf]  }
0x1ec: {  	[tilespmem:s17], [sflag:$0x1] =	stream.indirect.gather [hbm4b:s5+s6], $0x20, s1, s6, $0xb8;
	[tilespmem:$0x14C80] =	vst v63  }
0x1ed: {  	s0 =	rddreg [dreg:$0x10]  }
0x1ee: {  	[tilespmem:s18], [sflag:$0x1] =	stream.indirect.gather [hbm4b:s5+s6], $0x20, s0, s6, $0xb8;
	[tilespmem:$0x14C80] =	vst v63  }
0x1ef: {  	s1 =	rddreg [dreg:$0x11]  }
0x1f0: {  	[tilespmem:s19], [sflag:$0x1] =	stream.indirect.gather [hbm4b:s5+s6], $0x20, s1, s6, $0xb8;
	[tilespmem:$0x14C80] =	vst v63  }
0x1f1: {  	s0 =	rddreg [dreg:$0x12]  }
0x1f2: {  	[tilespmem:s20], [sflag:$0x1] =	stream.indirect.gather [hbm4b:s5+s6], $0x20, s0, s6, $0xb8;
	[tilespmem:$0x14C80] =	vst v63  }
0x1f3: {  	s1 =	rddreg [dreg:$0x13]  }
0x1f4: {  	[tilespmem:s21], [sflag:$0x1] =	stream.indirect.gather [hbm4b:s5+s6], $0x20, s1, s6, $0xb8;
	[tilespmem:$0x14C80] =	vst v63  }
0x1f5: {  	s0 =	rddreg [dreg:$0x14]  }
0x1f6: {  	[tilespmem:s22], [sflag:$0x1] =	stream.indirect.gather [hbm4b:s5+s6], $0x20, s0, s6, $0xb8;
	[tilespmem:$0x14C80] =	vst v63  }
0x1f7: {  	s1 =	rddreg [dreg:$0x15]  }
0x1f8: {  	[tilespmem:s23], [sflag:$0x1] =	stream.indirect.gather [hbm4b:s5+s6], $0x20, s1, s6, $0xb8;
	[tilespmem:$0x14C80] =	vst v63  }
0x1f9: {  	s0 =	rddreg [dreg:$0x16]  }
0x1fa: {  	[tilespmem:s24], [sflag:$0x1] =	stream.indirect.gather [hbm4b:s5+s6], $0x20, s0, s6, $0xb8;
	[tilespmem:$0x14C80] =	vst v63  }
0x1fb: {  	s1 =	rddreg [dreg:$0x17]  }
0x1fc: {  	[tilespmem:s25], [sflag:$0x1] =	stream.indirect.gather [hbm4b:s5+s6], $0x20, s1, s6, $0xb8;
	[tilespmem:$0x14C80] =	vst v63  }
0x1fd: {  	s0 =	rddreg [dreg:$0x18]  }
0x1fe: {  	[tilespmem:s26], [sflag:$0x1] =	stream.indirect.gather [hbm4b:s5+s6], $0x20, s0, s6, $0xb8;
	[tilespmem:$0x14C80] =	vst v63  }
0x1ff: {  	_ =	swait.ge [sflag:s7], $0xFA0  }
0x200: {  	[sflag:s7] =	ssyncset.done $0x0  }
0x201: {  	[sflag:s7] =	ssyncadd.s32 $0xFFFFF060  }
0x202: {  	_ =	swait.ge [sflag:s7], $0xFA0  }
0x203: {  	[sflag:s7] =	ssyncset.done $0x0  }
0x204: {  	[sflag:s7] =	ssyncadd.s32 $0xFFFFF060  }
0x205: {  	_ =	swait.ge [sflag:s7], $0xFA0  }
0x206: {  	[sflag:s7] =	ssyncset.done $0x0  }
0x207: {  	[sflag:s7] =	ssyncadd.s32 $0xFFFFF060  }
0x208: {  	_ =	swait.ge [sflag:s7], $0xFA0  }
0x209: {  	[sflag:s7] =	ssyncset.done $0x0  }
0x20a: {  	[sflag:s7] =	ssyncadd.s32 $0xFFFFF060  }
0x20b: {  	_ =	swait.ge [sflag:s7], $0xFA0  }
0x20c: {  	[sflag:s7] =	ssyncset.done $0x0  }
0x20d: {  	[sflag:s7] =	ssyncadd.s32 $0xFFFFF060  }
0x20e: {  	_ =	swait.ge [sflag:s7], $0xFA0  }
0x20f: {  	[sflag:s7] =	ssyncset.done $0x0  }
0x210: {  	[sflag:s7] =	ssyncadd.s32 $0xFFFFF060  }
0x211: {  	_ =	swait.ge [sflag:s7], $0xFA0  }
0x212: {  	[sflag:s7] =	ssyncset.done $0x0  }
0x213: {  	[sflag:s7] =	ssyncadd.s32 $0xFFFFF060  }
0x214: {  	_ =	swait.ge [sflag:s7], $0xFA0  }
0x215: {  	[sflag:s7] =	ssyncset.done $0x0  }
0x216: {  	[sflag:s7] =	ssyncadd.s32 $0xFFFFF060  }
0x217: {  	_ =	swait.ge [sflag:s7], $0xFA0  }
0x218: {  	[sflag:s7] =	ssyncset.done $0x0  }
0x219: {  	[sflag:s7] =	ssyncadd.s32 $0xFFFFF060  }
0x21a: {  	_ =	swait.ge [sflag:s7], $0xFA0  }
0x21b: {  	[sflag:s7] =	ssyncset.done $0x0  }
0x21c: {  	[sflag:s7] =	ssyncadd.s32 $0xFFFFF060  }
0x21d: {  	_ =	swait.ge [sflag:s7], $0xFA0  }
0x21e: {  	[sflag:s7] =	ssyncset.done $0x0  }
0x21f: {  	[sflag:s7] =	ssyncadd.s32 $0xFFFFF060  }
0x220: {  	_ =	swait.ge [sflag:s7], $0xFA0  }
0x221: {  	[sflag:s7] =	ssyncset.done $0x0  }
0x222: {  	[sflag:s7] =	ssyncadd.s32 $0xFFFFF060  }
0x223: {  	_ =	swait.ge [sflag:s7], $0xFA0  }
0x224: {  	[sflag:s7] =	ssyncset.done $0x0  }
0x225: {  	[sflag:s7] =	ssyncadd.s32 $0xFFFFF060  }
0x226: {  	_ =	swait.ge [sflag:s7], $0xFA0  }
0x227: {  	[sflag:s7] =	ssyncset.done $0x0  }
0x228: {  	[sflag:s7] =	ssyncadd.s32 $0xFFFFF060  }
0x229: {  	_ =	swait.ge [sflag:s7], $0xFA0  }
0x22a: {  	[sflag:s7] =	ssyncset.done $0x0  }
0x22b: {  	[sflag:s7] =	ssyncadd.s32 $0xFFFFF060  }
0x22c: {  	_ =	swait.ge [sflag:s7], $0xFA0  }
0x22d: {  	[sflag:s7] =	ssyncset.done $0x0  }
0x22e: {  	[sflag:s7] =	ssyncadd.s32 $0xFFFFF060  }
0x22f: {  	_ =	swait.ge [sflag:s7], $0xFA0  }
0x230: {  	[sflag:s7] =	ssyncset.done $0x0  }
0x231: {  	[sflag:s7] =	ssyncadd.s32 $0xFFFFF060  }
0x232: {  	_ =	swait.ge [sflag:s7], $0xFA0  }
0x233: {  	[sflag:s7] =	ssyncset.done $0x0  }
0x234: {  	[sflag:s7] =	ssyncadd.s32 $0xFFFFF060  }
0x235: {  	_ =	swait.ge [sflag:s7], $0xFA0  }
0x236: {  	[sflag:s7] =	ssyncset.done $0x0  }
0x237: {  	[sflag:s7] =	ssyncadd.s32 $0xFFFFF060  }
0x238: {  	_ =	swait.ge [sflag:s7], $0xFA0  }
0x239: {  	[sflag:s7] =	ssyncset.done $0x0  }
0x23a: {  	s1 =	rddreg [dreg:$0x4];
	[sflag:s7] =	ssyncadd.s32 $0xFFFFF060  }
0x23b: {  	[hbm4b:s1+s2] =	stream.linear.scatter [tilespmem:s4], [sflag:$0x2], $0x13880, $0x38;
	[tilespmem:$0x14C80] =	vst v63  }
0x23c: {  	_ =	swait.ge [sflag:s3], $0x13880  }
0x23d: {  	s0 =	rddreg [dreg:$0x19];
	[sflag:s3] =	ssyncset.done $0x0  }
0x23e: {  	s1 =	rddreg [dreg:$0x1a];
	[sflag:s3] =	ssyncadd.s32 $0xFFFEC780  }
0x23f: {  	[tilespmem:s4], [sflag:$0x1] =	stream.indirect.gather [hbm4b:s5+s6], $0x20, s0, s6, $0xb8;
	[tilespmem:$0x14C80] =	vst v63  }
0x240: {  	s0 =	rddreg [dreg:$0x1b]  }
0x241: {  	[tilespmem:s8], [sflag:$0x1] =	stream.indirect.gather [hbm4b:s5+s6], $0x20, s1, s6, $0xb8;
	[tilespmem:$0x14C80] =	vst v63  }
0x242: {  	s8 =	rddreg [dreg:$0x1c]  }
0x243: {  	[tilespmem:s9], [sflag:$0x1] =	stream.indirect.gather [hbm4b:s5+s6], $0x20, s0, s6, $0xb8;
	[tilespmem:$0x14C80] =	vst v63  }
0x244: {  	s9 =	rddreg [dreg:$0x1d]  }
0x245: {  	[tilespmem:s10], [sflag:$0x1] =	stream.indirect.gather [hbm4b:s5+s6], $0x20, s8, s6, $0xb8;
	[tilespmem:$0x14C80] =	vst v63  }
0x246: {  	s10 =	rddreg [dreg:$0x1e]  }
0x247: {  	[tilespmem:s11], [sflag:$0x1] =	stream.indirect.gather [hbm4b:s5+s6], $0x20, s9, s6, $0xb8;
	[tilespmem:$0x14C80] =	vst v63  }
0x248: {  	s11 =	rddreg [dreg:$0x1f]  }
0x249: {  	[tilespmem:s12], [sflag:$0x1] =	stream.indirect.gather [hbm4b:s5+s6], $0x20, s10, s6, $0xb8;
	[tilespmem:$0x14C80] =	vst v63  }
0x24a: {  	s12 =	sld [smem:$0x7F5]  }
0x24b: {  	[tilespmem:s13], [sflag:$0x1] =	stream.indirect.gather [hbm4b:s5+s6], $0x20, s11, s6, $0xb8;
	[tilespmem:$0x14C80] =	vst v63  }
0x24c: {  	s13 =	sld [smem:$0x7F6]  }
0x24d: {  	[tilespmem:s14], [sflag:$0x1] =	stream.indirect.gather [hbm4b:s5+s6], $0x20, s12, s6, $0xb8;
	[tilespmem:$0x14C80] =	vst v63  }
0x24e: {  	s14 =	sld [smem:$0x7F7]  }
0x24f: {  	[tilespmem:s15], [sflag:$0x1] =	stream.indirect.gather [hbm4b:s5+s6], $0x20, s13, s6, $0xb8;
	[tilespmem:$0x14C80] =	vst v63  }
0x250: {  	s15 =	sld [smem:$0x7F8]  }
0x251: {  	[tilespmem:s16], [sflag:$0x1] =	stream.indirect.gather [hbm4b:s5+s6], $0x20, s14, s6, $0xb8;
	[tilespmem:$0x14C80] =	vst v63  }
0x252: {  	s16 =	sld [smem:$0x7F9]  }
0x253: {  	[tilespmem:s17], [sflag:$0x1] =	stream.indirect.gather [hbm4b:s5+s6], $0x20, s15, s6, $0xb8;
	[tilespmem:$0x14C80] =	vst v63  }
0x254: {  	s17 =	sld [smem:$0x7FA]  }
0x255: {  	[tilespmem:s18], [sflag:$0x1] =	stream.indirect.gather [hbm4b:s5+s6], $0x20, s16, s6, $0xb8;
	[tilespmem:$0x14C80] =	vst v63  }
0x256: {  	s18 =	sld [smem:$0x7FB]  }
0x257: {  	[tilespmem:s19], [sflag:$0x1] =	stream.indirect.gather [hbm4b:s5+s6], $0x20, s17, s6, $0xb8;
	[tilespmem:$0x14C80] =	vst v63  }
0x258: {  	s19 =	sld [smem:$0x7FC]  }
0x259: {  	[tilespmem:s20], [sflag:$0x1] =	stream.indirect.gather [hbm4b:s5+s6], $0x20, s18, s6, $0xb8;
	[tilespmem:$0x14C80] =	vst v63  }
0x25a: {  	s20 =	sld [smem:$0x7FD]  }
0x25b: {  	[tilespmem:s21], [sflag:$0x1] =	stream.indirect.gather [hbm4b:s5+s6], $0x20, s19, s6, $0xb8;
	[tilespmem:$0x14C80] =	vst v63  }
0x25c: {  	_ = 	snop  }
0x25d: {  	[tilespmem:s22], [sflag:$0x1] =	stream.indirect.gather [hbm4b:s5+s6], $0x20, s20, s6, $0xb8;
	[tilespmem:$0x14C80] =	vst v63  }
0x25e: {  	_ = 	snop  }
0x25f: {  	[tilespmem:s23], [sflag:$0x1] =	stream.indirect.gather [hbm4b:s5+s6], $0x20, s29, s6, $0xb8;
	[tilespmem:$0x14C80] =	vst v63  }
0x260: {  	_ = 	snop  }
0x261: {  	[tilespmem:s24], [sflag:$0x1] =	stream.indirect.gather [hbm4b:s5+s6], $0x20, s30, s6, $0xb8;
	[tilespmem:$0x14C80] =	vst v63  }
0x262: {  	_ = 	snop  }
0x263: {  	[tilespmem:s25], [sflag:$0x1] =	stream.indirect.gather [hbm4b:s5+s6], $0x20, s31, s6, $0xb8;
	[tilespmem:$0x14C80] =	vst v63  }
0x264: {  	_ = 	snop  }
0x265: {  	[tilespmem:s26], [sflag:$0x1] =	stream.indirect.gather [hbm4b:s5+s6], $0x20, s28, s6, $0xb8;
	[tilespmem:$0x14C80] =	vst v63  }
0x266: {  	_ =	swait.ge [sflag:s7], $0xFA0  }
0x267: {  	[sflag:s7] =	ssyncset.done $0x0  }
0x268: {  	[sflag:s7] =	ssyncadd.s32 $0xFFFFF060  }
0x269: {  	_ =	swait.ge [sflag:s7], $0xFA0  }
0x26a: {  	[sflag:s7] =	ssyncset.done $0x0  }
0x26b: {  	[sflag:s7] =	ssyncadd.s32 $0xFFFFF060  }
0x26c: {  	_ =	swait.ge [sflag:s7], $0xFA0  }
0x26d: {  	[sflag:s7] =	ssyncset.done $0x0  }
0x26e: {  	[sflag:s7] =	ssyncadd.s32 $0xFFFFF060  }
0x26f: {  	_ =	swait.ge [sflag:s7], $0xFA0  }
0x270: {  	[sflag:s7] =	ssyncset.done $0x0  }
0x271: {  	[sflag:s7] =	ssyncadd.s32 $0xFFFFF060  }
0x272: {  	_ =	swait.ge [sflag:s7], $0xFA0  }
0x273: {  	[sflag:s7] =	ssyncset.done $0x0  }
0x274: {  	[sflag:s7] =	ssyncadd.s32 $0xFFFFF060  }
0x275: {  	_ =	swait.ge [sflag:s7], $0xFA0  }
0x276: {  	[sflag:s7] =	ssyncset.done $0x0  }
0x277: {  	[sflag:s7] =	ssyncadd.s32 $0xFFFFF060  }
0x278: {  	_ =	swait.ge [sflag:s7], $0xFA0  }
0x279: {  	[sflag:s7] =	ssyncset.done $0x0  }
0x27a: {  	[sflag:s7] =	ssyncadd.s32 $0xFFFFF060  }
0x27b: {  	_ =	swait.ge [sflag:s7], $0xFA0  }
0x27c: {  	[sflag:s7] =	ssyncset.done $0x0  }
0x27d: {  	[sflag:s7] =	ssyncadd.s32 $0xFFFFF060  }
0x27e: {  	_ =	swait.ge [sflag:s7], $0xFA0  }
0x27f: {  	[sflag:s7] =	ssyncset.done $0x0  }
0x280: {  	[sflag:s7] =	ssyncadd.s32 $0xFFFFF060  }
0x281: {  	_ =	swait.ge [sflag:s7], $0xFA0  }
0x282: {  	[sflag:s7] =	ssyncset.done $0x0  }
0x283: {  	[sflag:s7] =	ssyncadd.s32 $0xFFFFF060  }
0x284: {  	_ =	swait.ge [sflag:s7], $0xFA0  }
0x285: {  	[sflag:s7] =	ssyncset.done $0x0  }
0x286: {  	[sflag:s7] =	ssyncadd.s32 $0xFFFFF060  }
0x287: {  	_ =	swait.ge [sflag:s7], $0xFA0  }
0x288: {  	[sflag:s7] =	ssyncset.done $0x0  }
0x289: {  	[sflag:s7] =	ssyncadd.s32 $0xFFFFF060  }
0x28a: {  	_ =	swait.ge [sflag:s7], $0xFA0  }
0x28b: {  	[sflag:s7] =	ssyncset.done $0x0  }
0x28c: {  	[sflag:s7] =	ssyncadd.s32 $0xFFFFF060  }
0x28d: {  	_ =	swait.ge [sflag:s7], $0xFA0  }
0x28e: {  	[sflag:s7] =	ssyncset.done $0x0  }
0x28f: {  	[sflag:s7] =	ssyncadd.s32 $0xFFFFF060  }
0x290: {  	_ =	swait.ge [sflag:s7], $0xFA0  }
0x291: {  	[sflag:s7] =	ssyncset.done $0x0  }
0x292: {  	[sflag:s7] =	ssyncadd.s32 $0xFFFFF060  }
0x293: {  	_ =	swait.ge [sflag:s7], $0xFA0  }
0x294: {  	[sflag:s7] =	ssyncset.done $0x0  }
0x295: {  	[sflag:s7] =	ssyncadd.s32 $0xFFFFF060  }
0x296: {  	_ =	swait.ge [sflag:s7], $0xFA0  }
0x297: {  	[sflag:s7] =	ssyncset.done $0x0  }
0x298: {  	[sflag:s7] =	ssyncadd.s32 $0xFFFFF060  }
0x299: {  	_ =	swait.ge [sflag:s7], $0xFA0  }
0x29a: {  	[sflag:s7] =	ssyncset.done $0x0  }
0x29b: {  	[sflag:s7] =	ssyncadd.s32 $0xFFFFF060  }
0x29c: {  	_ =	swait.ge [sflag:s7], $0xFA0  }
0x29d: {  	[sflag:s7] =	ssyncset.done $0x0  }
0x29e: {  	[sflag:s7] =	ssyncadd.s32 $0xFFFFF060  }
0x29f: {  	_ =	swait.ge [sflag:s7], $0xFA0  }
0x2a0: {  	[sflag:s7] =	ssyncset.done $0x0  }
0x2a1: {  	s30 =	rddreg [dreg:$0x5];
	[sflag:s7] =	ssyncadd.s32 $0xFFFFF060  }
0x2a2: {  	[hbm4b:s30+s2] =	stream.linear.scatter [tilespmem:s4], [sflag:$0x2], $0x13880, $0x38;
	[tilespmem:$0x14C80] =	vst v63  }
0x2a3: {  	_ =	swait.ge [sflag:s3], $0x13880  }
0x2a4: {  	[sflag:s3] =	ssyncset.done $0x0  }
0x2a5: {  	[sflag:s3] =	ssyncadd.s32 $0xFFFEC780  }
0x2a6: {  	_ =	sfence.sel $0x180000  }
0x2a7: {  	[bflag:$0x0] =	sbarrier.arrive $0xFFFF  }
0x2a8: {  	_ =	strace $0x90000047  }
0x2a9: {  	s31 =	stileid.u32;
	[bflag:$0x2] =	sbarrier.arrive $0xFFFF  }
0x2aa: {  	p0 =	sne.s32 s31, $0x0;
	s0 =	rddreg [dreg:$0x2]  }
0x2ab: {  	s0 =	sadd.s32 @!p0 $0x100000, s0  }
0x2ac: {  	[sflag:s0] =	ssyncadd.tile.s32 @!p0 $0x1;
	_ =	shalt  }
.LBB2_1:
.Ltmp3:
0x2ad: {  	(pc) =	sbr.rel .LBB2_6-.Ltmp3, $3  }
0x2ae: {  	_ =	sdelay $0x1  }
0x2af: {  	s28 =	simm.s32 $0x1380  }
0x2b0: {  	s31 =	simm.s32 $0x1300;
	s30 =	simm.s32 $0x1280;
	s29 =	simm.s32 $0x1200  }
.LBB2_3:
.Ltmp4:
0x2b1: {  	(pc) =	sbr.rel .LBB2_6-.Ltmp4, $3  }
0x2b2: {  	_ =	sdelay $0x1  }
0x2b3: {  	s28 =	simm.s32 $0x1380  }
0x2b4: {  	s31 =	simm.s32 $0x1300;
	s30 =	simm.s32 $0x1280;
	s29 =	simm.s32 $0x1200  }
.Lfunc_end2:
_tile_overlayer_lowered:
.L_overlay_start_2:
0x2b5: {  	(tag) =	ssettag $0x2  }
0x2b6: {  	s0 =	rddreg [dreg:$0x0];
	s2 =	stileid.u32  }
0x2b7: {  	s1 =	rddreg [dreg:$0x1];
	p0 =	sne.s32 s2, $0x0  }
0x2b8: {  	s3 =	rddreg [dreg:$0x2];
	[bflag:$0x3] =	sbarrier.arrive $0xFFFF;
	s2 =	simm.s32 @!p0 $0x1C02  }
0x2b9: {  	[timem:s3], [sflag:s2] =	dma.local @!p0 [hbm:s0], s1  }
0x2ba: {  	s0 =	simm.s32 @!p0 $0x2  }
0x2bb: {  	_ =	swait.ge @!p0 [sflag:s0], s1  }
0x2bc: {  	s1 =	ssub.s32 @!p0 $0x0, s1;
	[sflag:s0] =	ssyncset.done @!p0 $0x0  }
0x2bd: {  	[sflag:s0] =	ssyncadd.s32 @!p0 s1  }
0x2be: {  	[bflag:$0x3] =	sbarrier.arrive $0xFFFF  }
0x2bf: {  	_ =	shalt  }

</sc_bundles>
